<compile_context>
chip_gen: v7x
topology: tpu7x:2x2x1
jax: 0.10.2.dev20260603
libtpu: 0.0.44.dev20260713+nightly
codegen_flags: <defaults>
</compile_context>

<pallas_src>
import functools

import jax
import jax.numpy as jnp
from jax import lax
from jax.experimental import pallas as pl
from jax.experimental.pallas import tpu as pltpu
from jax.experimental.pallas import tpu_sc as plsc

N = 10000
E = 320000
H = 128
N_PAD = 10240
NC = 2
NS = 16
NW = NC * NS
EPW = E // NW
CH = 80
NCHUNK = EPW // CH
RPS = N_PAD // NS

_mesh = plsc.VectorSubcoreMesh(core_axis_name="c", subcore_axis_name="s")


@functools.partial(
    pl.kernel,
    out_type=jax.ShapeDtypeStruct((NW, 2, N_PAD // 128, 128), jnp.float32),
    mesh=_mesh,
    scratch_types=[
        pltpu.VMEM((EPW,), jnp.int32),
        pltpu.VMEM((EPW,), jnp.int32),
        pltpu.VMEM((N_PAD // 128, 128), jnp.float32),
        pltpu.VMEM((N_PAD // 128, 128), jnp.float32),
    ],
    compiler_params=pltpu.CompilerParams(needs_layout_passes=False),
)
def _degree_kernel(src_hbm, dst_hbm, out_hbm, sidx_v, didx_v, hs_v, hd_v):
    cid = lax.axis_index("c")
    sid = lax.axis_index("s")
    wid = cid * NS + sid
    ones = jnp.ones((16,), jnp.float32)
    zeros = jnp.zeros((16,), jnp.float32)
    pltpu.sync_copy(src_hbm.at[pl.ds(wid * EPW, EPW)], sidx_v)
    pltpu.sync_copy(dst_hbm.at[pl.ds(wid * EPW, EPW)], didx_v)

    def zero_body(i, _):
        hs_v[i // 8, pl.ds((i % 8) * 16, 16)] = zeros
        hd_v[i // 8, pl.ds((i % 8) * 16, 16)] = zeros
        return 0
    lax.fori_loop(0, N_PAD // 16, zero_body, 0)

    def acc_body(i, _):
        si = sidx_v[pl.ds(i * 16, 16)]
        di = didx_v[pl.ds(i * 16, 16)]
        plsc.addupdate_scatter(hs_v, [si >> 7, si & 127], ones)
        plsc.addupdate_scatter(hd_v, [di >> 7, di & 127], ones)
        return 0
    lax.fori_loop(0, EPW // 16, acc_body, 0)
    pltpu.sync_copy(hs_v, out_hbm.at[wid, 0])
    pltpu.sync_copy(hd_v, out_hbm.at[wid, 1])


AGG_R = 10112
RPA = AGG_R // NS
_HALF_A = 64


@functools.partial(
    pl.kernel,
    out_type=jax.ShapeDtypeStruct((NC, N_PAD, H), jnp.float32),
    mesh=_mesh,
    scratch_types=[
        pltpu.VMEM((EPW,), jnp.int32),
        pltpu.VMEM((_HALF_A, CH), jnp.int32),
        pltpu.VMEM((CH, H), jnp.float32),
        pltpu.VMEM((CH, H), jnp.float32),
        pltpu.VMEM((CH, H), jnp.float32),
        pltpu.MemorySpace.VMEM_SHARED((AGG_R, H), jnp.float32),
        pltpu.SemaphoreType.DMA,
        pltpu.SemaphoreType.DMA,
        pltpu.SemaphoreType.DMA,
        pltpu.SemaphoreType.DMA,
        pltpu.SemaphoreType.DMA,
        pltpu.SemaphoreType.DMA,
    ],
    compiler_params=pltpu.CompilerParams(needs_layout_passes=False),
)
def _spmm_kernel(y_hbm, src_hbm, dst_hbm, out_hbm, src_v, dst_v,
                 rows0_v, rows1_v, rows2_v, agg_sh,
                 gsem0, gsem1, gsem2, ssem0, ssem1, ssem2):
    cid = lax.axis_index("c")
    sid = lax.axis_index("s")
    wid = cid * NS + sid
    zeros = jnp.zeros((16,), jnp.float32)
    rows = (rows0_v, rows1_v, rows2_v)
    gsem = (gsem0, gsem1, gsem2)
    ssem = (ssem0, ssem1, ssem2)

    pltpu.sync_copy(src_hbm.at[pl.ds(wid * EPW, EPW)], src_v)

    def start_gather(t, k):
        pltpu.async_copy(y_hbm.at[src_v.at[pl.ds(t * CH, CH)]],
                         rows[k], gsem[k])

    start_gather(0, 0)
    start_gather(1, 1)
    pltpu.sync_copy(dst_hbm.at[wid, pl.ds(0, _HALF_A)], dst_v)

    def zrow(i, _):
        rows2_v[i // (H // 16), pl.ds((i % (H // 16)) * 16, 16)] = zeros
        return 0
    lax.fori_loop(0, CH * (H // 16), zrow, 0)
    base_row = sid * RPA
    for k in range(RPA // CH):
        pltpu.sync_copy(rows2_v, agg_sh.at[pl.ds(base_row + k * CH, CH)])
    pltpu.sync_copy(rows2_v.at[pl.ds(0, RPA % CH)],
                    agg_sh.at[pl.ds(base_row + (RPA // CH) * CH,
                                    RPA % CH)])
    plsc.subcore_barrier()

    def wait_gather(k):
        pltpu.make_async_copy(y_hbm.at[pl.ds(0, CH)], rows[k],
                              gsem[k]).wait()

    def start_scatter(row, k):
        pltpu.async_copy(rows[k], agg_sh.at[dst_v.at[row]], ssem[k],
                         add=True)

    def wait_scatter(k):
        pltpu.make_async_copy(rows[k], agg_sh.at[dst_v.at[0]],
                              ssem[k]).wait()

    def slot(t, k, row, swait, gissue):
        wait_gather(k)
        start_scatter(row, k)
        if swait is not None:
            swait(lambda: wait_scatter((k + 2) % 3))
        if gissue:
            start_gather(t + 2, (k + 2) % 3)

    def body_a(u, _):
        t0 = 3 * u
        slot(t0, 0, t0, lambda f: pl.when(t0 >= 1)(f), True)
        slot(t0 + 1, 1, t0 + 1, lambda f: f(), True)
        slot(t0 + 2, 2, t0 + 2, lambda f: f(), True)
        return 0
    lax.fori_loop(0, 21, body_a, 0)
    slot(63, 0, 63, lambda f: f(), True)

    wait_scatter(0)
    pltpu.sync_copy(dst_hbm.at[wid, pl.ds(_HALF_A, _HALF_A)], dst_v)

    def body_b(u, _):
        t0 = _HALF_A + 3 * u
        slot(t0, 1, t0 - _HALF_A, lambda f: pl.when(t0 >= _HALF_A + 1)(f),
             True)
        slot(t0 + 1, 2, t0 + 1 - _HALF_A, lambda f: f(), True)
        slot(t0 + 2, 0, t0 + 2 - _HALF_A, lambda f: f(), True)
        return 0
    lax.fori_loop(0, 19, body_b, 0)
    slot(121, 1, 121 - _HALF_A, lambda f: f(), True)
    slot(122, 2, 122 - _HALF_A, lambda f: f(), True)
    slot(123, 0, 123 - _HALF_A, lambda f: f(), False)
    slot(124, 1, 124 - _HALF_A, lambda f: f(), False)
    wait_scatter(1)

    plsc.subcore_barrier()
    pltpu.sync_copy(agg_sh.at[pl.ds(base_row, RPA)],
                    out_hbm.at[cid, pl.ds(base_row, RPA)])


_RB = 1280


def _prep_body(parts_ref, feat_ref, ncol_ref, h_ref):
    deg = jnp.sum(parts_ref[...], axis=0)
    norms = lax.rsqrt(jnp.maximum(deg, 1.0))
    ncol = jnp.transpose(norms)
    ncol_ref[...] = ncol
    h_ref[...] = feat_ref[...] * ncol[:, 0:1]


def _tc_prep(parts, feat_pad):
    return pl.pallas_call(
        _prep_body,
        grid=(N_PAD // _RB,),
        in_specs=[
            pl.BlockSpec((NW, 2, _RB), lambda i: (0, 0, i)),
            pl.BlockSpec((_RB, H), lambda i: (i, 0)),
        ],
        out_specs=[
            pl.BlockSpec((_RB, 2), lambda i: (i, 0)),
            pl.BlockSpec((_RB, H), lambda i: (i, 0)),
        ],
        out_shape=[
            jax.ShapeDtypeStruct((N_PAD, 2), jnp.float32),
            jax.ShapeDtypeStruct((N_PAD, H), jnp.float32),
        ],
    )(parts, feat_pad)


def _layer_body(scale_out, p_ref, ncol_ref, w_ref, b_ref, o_ref):
    agg = p_ref[0] + p_ref[1]
    z = agg * ncol_ref[:, 1:2]
    y = jnp.dot(z, w_ref[...], preferred_element_type=jnp.float32) + b_ref[...]
    out = jax.nn.softplus(y)
    if scale_out:
        out = out * ncol_ref[:, 0:1]
    o_ref[...] = out


def _tc_layer(p, ncol, w, b2d, scale_out):
    return pl.pallas_call(
        functools.partial(_layer_body, scale_out),
        grid=(N_PAD // _RB,),
        in_specs=[
            pl.BlockSpec((NC, _RB, H), lambda i: (0, i, 0)),
            pl.BlockSpec((_RB, 2), lambda i: (i, 0)),
            pl.BlockSpec((H, H), lambda i: (0, 0)),
            pl.BlockSpec((1, H), lambda i: (0, 0)),
        ],
        out_specs=pl.BlockSpec((_RB, H), lambda i: (i, 0)),
        out_shape=jax.ShapeDtypeStruct((N_PAD, H), jnp.float32),
    )(p, ncol, w, b2d)


def kernel(atom_pos, dist_adj, atom_emb, W1, b1, W2, b2, W3, b3):
    feat = jnp.concatenate([atom_pos, atom_emb], axis=-1)
    feat_pad = jnp.pad(feat, ((0, N_PAD - N), (0, 0)))
    src = dist_adj[0]
    dst = dist_adj[1]
    dst3 = jnp.pad(dst.reshape(NW, NCHUNK, CH), ((0, 0), (0, 3), (0, 0)))
    parts = _degree_kernel(src, dst).reshape(NW, 2, N_PAD)
    ncol, h = _tc_prep(parts, feat_pad)
    for W, b, last in ((W1, b1, False), (W2, b2, False), (W3, b3, True)):
        p = _spmm_kernel(h, src, dst3)
        h = _tc_layer(p, ncol, W, b.reshape(1, H), scale_out=not last)
    return h[:N]

# --- scband reference (transcript-rebuilt; emitter-appended) ---
"""Pipeline reference for scband-atom-pos-gnn-18262200943315 (READ-ONLY COPY).

The authoritative reference and input builder live on the scoring server;
editing this copy changes nothing except your own understanding.
"""

import jax, jax.numpy as jnp
import numpy as np

N = 10000
E = 320000
D_EMB = 125
D_POS = 3
D_IN = D_EMB + D_POS
H = 128


def setup_inputs(seed: int = 0) -> dict:
    key = jax.random.key(seed)
    ks = jax.random.split(key, 10)
    atom_pos = jax.random.normal(ks[0], (N, D_POS), dtype=jnp.float32)
    dist_adj = jax.random.randint(ks[1], (2, E), 0, N, dtype=jnp.int32)
    atom_emb = jax.random.normal(ks[2], (N, D_EMB), dtype=jnp.float32)
    W1 = jax.random.normal(ks[3], (D_IN, H), dtype=jnp.float32) * 0.05
    b1 = jnp.zeros((H,), dtype=jnp.float32)
    W2 = jax.random.normal(ks[4], (H, H), dtype=jnp.float32) * 0.05
    b2 = jnp.zeros((H,), dtype=jnp.float32)
    W3 = jax.random.normal(ks[5], (H, H), dtype=jnp.float32) * 0.05
    b3 = jnp.zeros((H,), dtype=jnp.float32)
    return {"atom_pos": atom_pos, "dist_adj": dist_adj, "atom_emb": atom_emb,
            "W1": W1, "b1": b1, "W2": W2, "b2": b2, "W3": W3, "b3": b3}


def _graph_conv(feat, src, dst, norm_src, norm_dst, W, b):
    # DGL GraphConv with norm='both': D^-1/2 A D^-1/2 X W + b, softplus activation
    h = feat * norm_src[:, None]
    msg = jnp.take(h, src, axis=0)
    agg = jnp.zeros((N, h.shape[1]), dtype=h.dtype).at[dst].add(msg)
    agg = agg * norm_dst[:, None]
    out = agg @ W + b
    return jax.nn.softplus(out)


def reference(atom_pos, dist_adj, atom_emb, W1, b1, W2, b2, W3, b3):
    src = dist_adj[0]
    dst = dist_adj[1]
    deg_out = jnp.clip(jnp.zeros((N,), jnp.float32).at[src].add(1.0), 1.0, None)
    deg_in = jnp.clip(jnp.zeros((N,), jnp.float32).at[dst].add(1.0), 1.0, None)
    norm_src = deg_out ** -0.5
    norm_dst = deg_in ** -0.5
    feat = jnp.concatenate([atom_pos, atom_emb], axis=-1)
    feat = _graph_conv(feat, src, dst, norm_src, norm_dst, W1, b1)
    feat = _graph_conv(feat, src, dst, norm_src, norm_dst, W2, b2)
    feat = _graph_conv(feat, src, dst, norm_src, norm_dst, W3, b3)
    return feat

if __name__ == "__main__":
    import jax
    _d = setup_inputs()
    print(jax.jit(kernel)(*tuple(_d.values())))

</pallas_src>

<mosaic_0001>
#map = affine_map<(d0, d1) -> (0, 0)>
#map1 = affine_map<(d0, d1) -> (0)>
#map2 = affine_map<(d0, d1) -> (0, 0, 0)>
module attributes {stable_mosaic.version = 14 : i64} {
  func.func @_spmm_kernel(%arg0: i32, %arg1: i32, %arg2: memref<10240x128xf32, #tpu.memory_space<hbm>>, %arg3: memref<320000xi32, #tpu.memory_space<hbm>>, %arg4: memref<32x128x80xi32, #tpu.memory_space<hbm>>, %arg5: memref<2x10240x128xf32, #tpu.memory_space<hbm>>, %arg6: memref<10000xi32, #tpu.memory_space<vmem>>, %arg7: memref<64x80xi32, #tpu.memory_space<vmem>>, %arg8: memref<80x128xf32, #tpu.memory_space<vmem>>, %arg9: memref<80x128xf32, #tpu.memory_space<vmem>>, %arg10: memref<80x128xf32, #tpu.memory_space<vmem>>, %arg11: memref<10112x128xf32, #tpu.memory_space<vmem_shared>>, %arg12: memref<!tpu.dma_semaphore, #tpu.memory_space<semaphore_mem>>, %arg13: memref<!tpu.dma_semaphore, #tpu.memory_space<semaphore_mem>>, %arg14: memref<!tpu.dma_semaphore, #tpu.memory_space<semaphore_mem>>, %arg15: memref<!tpu.dma_semaphore, #tpu.memory_space<semaphore_mem>>, %arg16: memref<!tpu.dma_semaphore, #tpu.memory_space<semaphore_mem>>, %arg17: memref<!tpu.dma_semaphore, #tpu.memory_space<semaphore_mem>>) attributes {dimension_semantics = [#tpu.dimension_semantics<core_parallel>, #tpu.dimension_semantics<subcore_parallel>], iteration_bounds = array<i64: 2, 16>, scalar_prefetch = 0 : i64, scratch_operands = 12 : i64, tpu.core_type = #tpu.core_type<sc_vector_subcore>, window_params = [{transform_indices = #map}, {transform_indices = #map1}, {transform_indices = #map2}, {transform_indices = #map2}]} {
    %mul3A = arith.constant 16 : i32
    %mul3A_0 = arith.muli %arg0, %mul3A : i32
    %add3A = arith.addi %mul3A_0, %arg1 : i32
    %broadcast_in_dim3A = arith.constant 0.000000e+00 : f32
    %broadcast_in_dim3A_1 = vector.broadcast %broadcast_in_dim3A : f32 to vector<16xf32>
    %mul3A_2 = arith.constant 10000 : i32
    %mul3A_3 = arith.muli %add3A, %mul3A_2 : i32
    "tpu.region"() ({
      %run_scoped3A = tpu.sem_alloc : memref<!tpu.dma_semaphore, #tpu.memory_space<semaphore_mem>>
      %dma_start3A_180 = tpu.memref_slice %arg3[%mul3A_3] : memref<320000xi32, #tpu.memory_space<hbm>> -> memref<10000xi32, #tpu.memory_space<hbm>>
      %dma_start3A_181 = tpu.memref_slice %arg3[%mul3A_3] : memref<320000xi32, #tpu.memory_space<hbm>> -> memref<10000xi32, #tpu.memory_space<hbm>>
      tpu.enqueue_dma source(%dma_start3A_181 : memref<10000xi32, #tpu.memory_space<hbm>>) target(%arg6 : memref<10000xi32, #tpu.memory_space<vmem>>) target_semaphore(%run_scoped3A : memref<!tpu.dma_semaphore, #tpu.memory_space<semaphore_mem>>)
      %dma_wait3A_182 = tpu.memref_slice %arg3[%mul3A_3] : memref<320000xi32, #tpu.memory_space<hbm>> -> memref<10000xi32, #tpu.memory_space<hbm>>
      %dma_wait3A_183 = tpu.memref_slice %arg3[%mul3A_3] : memref<320000xi32, #tpu.memory_space<hbm>> -> memref<10000xi32, #tpu.memory_space<hbm>>
      tpu.wait_dma2 semaphore(%run_scoped3A : memref<!tpu.dma_semaphore, #tpu.memory_space<semaphore_mem>>) src(%dma_wait3A_183 : memref<10000xi32, #tpu.memory_space<hbm>>) dst(%arg6 : memref<10000xi32, #tpu.memory_space<vmem>>)
      tpu.yield
    }) : () -> ()
    %dma_start3A = arith.constant 0 : i32
    %dma_start3A_4 = tpu.memref_slice %arg6[%dma_start3A] : memref<10000xi32, #tpu.memory_space<vmem>> -> memref<80xi32, #tpu.memory_space<vmem>>
    %dma_start3A_5 = arith.constant 0 : i32
    %dma_start3A_6 = arith.constant 0 : i32
    %dma_start3A_7 = tpu.memref_slice %arg2[%dma_start3A_5, %dma_start3A_6] : memref<10240x128xf32, #tpu.memory_space<hbm>> -> memref<10240x128xf32, #tpu.memory_space<hbm>>
    tpu.enqueue_indirect_dma source(%dma_start3A_7 : memref<10240x128xf32, #tpu.memory_space<hbm>>) target(%arg8 : memref<80x128xf32, #tpu.memory_space<vmem>>) offsets(%dma_start3A_4 : memref<80xi32, #tpu.memory_space<vmem>>) semaphore(%arg12 : memref<!tpu.dma_semaphore, #tpu.memory_space<semaphore_mem>>)
    %dma_start3A_8 = arith.constant 80 : i32
    %dma_start3A_9 = tpu.memref_slice %arg6[%dma_start3A_8] : memref<10000xi32, #tpu.memory_space<vmem>> -> memref<80xi32, #tpu.memory_space<vmem>>
    %dma_start3A_10 = arith.constant 0 : i32
    %dma_start3A_11 = arith.constant 0 : i32
    %dma_start3A_12 = tpu.memref_slice %arg2[%dma_start3A_10, %dma_start3A_11] : memref<10240x128xf32, #tpu.memory_space<hbm>> -> memref<10240x128xf32, #tpu.memory_space<hbm>>
    tpu.enqueue_indirect_dma source(%dma_start3A_12 : memref<10240x128xf32, #tpu.memory_space<hbm>>) target(%arg9 : memref<80x128xf32, #tpu.memory_space<vmem>>) offsets(%dma_start3A_9 : memref<80xi32, #tpu.memory_space<vmem>>) semaphore(%arg13 : memref<!tpu.dma_semaphore, #tpu.memory_space<semaphore_mem>>)
    "tpu.region"() ({
      %run_scoped3A = tpu.sem_alloc : memref<!tpu.dma_semaphore, #tpu.memory_space<semaphore_mem>>
      %dma_start3A_180 = arith.constant 0 : i32
      %dma_start3A_181 = arith.constant 0 : i32
      %dma_start3A_182 = tpu.memref_slice %arg4[%add3A, %dma_start3A_180, %dma_start3A_181] : memref<32x128x80xi32, #tpu.memory_space<hbm>> -> memref<1x64x80xi32, #tpu.memory_space<hbm>>
      %dma_start3A_183 = tpu.memref_squeeze %dma_start3A_182 : memref<1x64x80xi32, #tpu.memory_space<hbm>> -> memref<64x80xi32, #tpu.memory_space<hbm>>
      %dma_start3A_184 = arith.constant 0 : i32
      %dma_start3A_185 = arith.constant 0 : i32
      %dma_start3A_186 = tpu.memref_slice %arg4[%add3A, %dma_start3A_184, %dma_start3A_185] : memref<32x128x80xi32, #tpu.memory_space<hbm>> -> memref<1x64x80xi32, #tpu.memory_space<hbm>>
      %dma_start3A_187 = tpu.memref_squeeze %dma_start3A_186 : memref<1x64x80xi32, #tpu.memory_space<hbm>> -> memref<64x80xi32, #tpu.memory_space<hbm>>
      tpu.enqueue_dma source(%dma_start3A_187 : memref<64x80xi32, #tpu.memory_space<hbm>>) target(%arg7 : memref<64x80xi32, #tpu.memory_space<vmem>>) target_semaphore(%run_scoped3A : memref<!tpu.dma_semaphore, #tpu.memory_space<semaphore_mem>>)
      %dma_wait3A_188 = arith.constant 0 : i32
      %dma_wait3A_189 = arith.constant 0 : i32
      %dma_wait3A_190 = tpu.memref_slice %arg4[%add3A, %dma_wait3A_188, %dma_wait3A_189] : memref<32x128x80xi32, #tpu.memory_space<hbm>> -> memref<1x64x80xi32, #tpu.memory_space<hbm>>
      %dma_wait3A_191 = tpu.memref_squeeze %dma_wait3A_190 : memref<1x64x80xi32, #tpu.memory_space<hbm>> -> memref<64x80xi32, #tpu.memory_space<hbm>>
      %dma_wait3A_192 = arith.constant 0 : i32
      %dma_wait3A_193 = arith.constant 0 : i32
      %dma_wait3A_194 = tpu.memref_slice %arg4[%add3A, %dma_wait3A_192, %dma_wait3A_193] : memref<32x128x80xi32, #tpu.memory_space<hbm>> -> memref<1x64x80xi32, #tpu.memory_space<hbm>>
      %dma_wait3A_195 = tpu.memref_squeeze %dma_wait3A_194 : memref<1x64x80xi32, #tpu.memory_space<hbm>> -> memref<64x80xi32, #tpu.memory_space<hbm>>
      tpu.wait_dma2 semaphore(%run_scoped3A : memref<!tpu.dma_semaphore, #tpu.memory_space<semaphore_mem>>) src(%dma_wait3A_195 : memref<64x80xi32, #tpu.memory_space<hbm>>) dst(%arg7 : memref<64x80xi32, #tpu.memory_space<vmem>>)
      tpu.yield
    }) : () -> ()
    %scan3A = arith.constant 0 : i32
    %scan3A_13 = arith.constant 0 : i32
    %scan3A_14 = arith.constant 640 : i32
    %scan3A_15 = arith.addi %scan3A_13, %scan3A_14 : i32
    %scan3A_16 = arith.constant 1 : i32
    %scan3A_17 = scf.for %scan3A_180 = %scan3A_13 to %scan3A_15 step %scan3A_16 iter_args(%scan3A_181 = %scan3A) -> (i32)  : i32 {
      %jit3A = arith.constant 8 : i32
      %div3A = arith.divsi %scan3A_180, %jit3A : i32
      %sign3A = arith.constant 0 : i32
      %sign3A_182 = arith.cmpi sgt, %scan3A_180, %sign3A : i32
      %sign3A_183 = arith.extui %sign3A_182 : i1 to i32
      %sign3A_184 = arith.constant 0 : i32
      %sign3A_185 = arith.cmpi slt, %scan3A_180, %sign3A_184 : i32
      %sign3A_186 = arith.extui %sign3A_185 : i1 to i32
      %sign3A_187 = arith.subi %sign3A_183, %sign3A_186 : i32
      %sign3A_188 = arith.constant 0 : i32
      %sign3A_189 = arith.cmpi sgt, %jit3A, %sign3A_188 : i32
      %sign3A_190 = arith.extui %sign3A_189 : i1 to i32
      %sign3A_191 = arith.constant 0 : i32
      %sign3A_192 = arith.cmpi slt, %jit3A, %sign3A_191 : i32
      %sign3A_193 = arith.extui %sign3A_192 : i1 to i32
      %sign3A_194 = arith.subi %sign3A_190, %sign3A_193 : i32
      %ne3A = arith.cmpi ne, %sign3A_187, %sign3A_194 : i32
      %rem3A = arith.remsi %scan3A_180, %jit3A : i32
      %ne3A_195 = arith.constant 0 : i32
      %ne3A_196 = arith.cmpi ne, %rem3A, %ne3A_195 : i32
      %and3A = arith.andi %ne3A, %ne3A_196 : i1
      %sub3A = arith.constant 1 : i32
      %sub3A_197 = arith.subi %div3A, %sub3A : i32
      %select_n3A = arith.select %and3A, %sub3A_197, %div3A : i32
      %jit3A_198 = arith.constant 8 : i32
      %eq3A = arith.constant 0 : i32
      %eq3A_199 = arith.cmpi eq, %jit3A_198, %eq3A : i32
      %jit3A_200 = arith.constant 1 : i32
      %select_n3A_201 = arith.select %eq3A_199, %jit3A_200, %jit3A_198 : i32
      %rem3A_202 = arith.remsi %scan3A_180, %select_n3A_201 : i32
      %ne3A_203 = arith.constant 0 : i32
      %ne3A_204 = arith.cmpi ne, %rem3A_202, %ne3A_203 : i32
      %lt3A = arith.constant 0 : i32
      %lt3A_205 = arith.cmpi slt, %rem3A_202, %lt3A : i32
      %lt3A_206 = arith.constant 0 : i32
      %lt3A_207 = arith.cmpi slt, %select_n3A_201, %lt3A_206 : i32
      %ne3A_208 = arith.xori %lt3A_205, %lt3A_207 : i1
      %and3A_209 = arith.andi %ne3A_208, %ne3A_204 : i1
      %add3A_210 = arith.addi %rem3A_202, %select_n3A_201 : i32
      %select_n3A_211 = arith.select %and3A_209, %add3A_210, %rem3A_202 : i32
      %mul3A_212 = arith.constant 16 : i32
      %mul3A_213 = arith.muli %select_n3A_211, %mul3A_212 : i32
      %swap3A = arith.index_cast %select_n3A : i32 to index
      %swap3A_214 = arith.index_cast %mul3A_213 : i32 to index
      %swap3A_215 = tpu.vector_load %arg10[%swap3A, %swap3A_214] {strides = array<i32>} : memref<80x128xf32, #tpu.memory_space<vmem>>, vector<16xf32>,
      tpu.vector_store %arg10[%swap3A, %swap3A_214], %broadcast_in_dim3A_1 {strides = array<i32>} : memref<80x128xf32, #tpu.memory_space<vmem>>, vector<16xf32>,
      %scan3A_216 = arith.constant 0 : i32
      scf.yield %scan3A_216 : i32
    }
    %scan3A_18 = arith.constant 640 : i32
    %mul3A_19 = arith.constant 632 : i32
    %mul3A_20 = arith.muli %arg1, %mul3A_19 : i32
    %add3A_21 = arith.constant 0 : i32
    %add3A_22 = arith.addi %mul3A_20, %add3A_21 : i32
    "tpu.region"() ({
      %run_scoped3A = tpu.sem_alloc : memref<!tpu.dma_semaphore, #tpu.memory_space<semaphore_mem>>
      %dma_start3A_180 = arith.constant 0 : i32
      %dma_start3A_181 = tpu.memref_slice %arg11[%add3A_22, %dma_start3A_180] : memref<10112x128xf32, #tpu.memory_space<vmem_shared>> -> memref<80x128xf32, #tpu.memory_space<vmem_shared>>
      %dma_start3A_182 = arith.constant 0 : i32
      %dma_start3A_183 = tpu.memref_slice %arg11[%add3A_22, %dma_start3A_182] : memref<10112x128xf32, #tpu.memory_space<vmem_shared>> -> memref<80x128xf32, #tpu.memory_space<vmem_shared>>
      tpu.enqueue_dma source(%arg10 : memref<80x128xf32, #tpu.memory_space<vmem>>) target(%dma_start3A_183 : memref<80x128xf32, #tpu.memory_space<vmem_shared>>) target_semaphore(%run_scoped3A : memref<!tpu.dma_semaphore, #tpu.memory_space<semaphore_mem>>)
      %dma_wait3A_184 = arith.constant 0 : i32
      %dma_wait3A_185 = tpu.memref_slice %arg11[%add3A_22, %dma_wait3A_184] : memref<10112x128xf32, #tpu.memory_space<vmem_shared>> -> memref<80x128xf32, #tpu.memory_space<vmem_shared>>
      %dma_wait3A_186 = arith.constant 0 : i32
      %dma_wait3A_187 = tpu.memref_slice %arg11[%add3A_22, %dma_wait3A_186] : memref<10112x128xf32, #tpu.memory_space<vmem_shared>> -> memref<80x128xf32, #tpu.memory_space<vmem_shared>>
      tpu.wait_dma2 semaphore(%run_scoped3A : memref<!tpu.dma_semaphore, #tpu.memory_space<semaphore_mem>>) src(%arg10 : memref<80x128xf32, #tpu.memory_space<vmem>>) dst(%dma_wait3A_187 : memref<80x128xf32, #tpu.memory_space<vmem_shared>>)
      tpu.yield
    }) : () -> ()
    %add3A_23 = arith.constant 80 : i32
    %add3A_24 = arith.addi %mul3A_20, %add3A_23 : i32
    "tpu.region"() ({
      %run_scoped3A = tpu.sem_alloc : memref<!tpu.dma_semaphore, #tpu.memory_space<semaphore_mem>>
      %dma_start3A_180 = arith.constant 0 : i32
      %dma_start3A_181 = tpu.memref_slice %arg11[%add3A_24, %dma_start3A_180] : memref<10112x128xf32, #tpu.memory_space<vmem_shared>> -> memref<80x128xf32, #tpu.memory_space<vmem_shared>>
      %dma_start3A_182 = arith.constant 0 : i32
      %dma_start3A_183 = tpu.memref_slice %arg11[%add3A_24, %dma_start3A_182] : memref<10112x128xf32, #tpu.memory_space<vmem_shared>> -> memref<80x128xf32, #tpu.memory_space<vmem_shared>>
      tpu.enqueue_dma source(%arg10 : memref<80x128xf32, #tpu.memory_space<vmem>>) target(%dma_start3A_183 : memref<80x128xf32, #tpu.memory_space<vmem_shared>>) target_semaphore(%run_scoped3A : memref<!tpu.dma_semaphore, #tpu.memory_space<semaphore_mem>>)
      %dma_wait3A_184 = arith.constant 0 : i32
      %dma_wait3A_185 = tpu.memref_slice %arg11[%add3A_24, %dma_wait3A_184] : memref<10112x128xf32, #tpu.memory_space<vmem_shared>> -> memref<80x128xf32, #tpu.memory_space<vmem_shared>>
      %dma_wait3A_186 = arith.constant 0 : i32
      %dma_wait3A_187 = tpu.memref_slice %arg11[%add3A_24, %dma_wait3A_186] : memref<10112x128xf32, #tpu.memory_space<vmem_shared>> -> memref<80x128xf32, #tpu.memory_space<vmem_shared>>
      tpu.wait_dma2 semaphore(%run_scoped3A : memref<!tpu.dma_semaphore, #tpu.memory_space<semaphore_mem>>) src(%arg10 : memref<80x128xf32, #tpu.memory_space<vmem>>) dst(%dma_wait3A_187 : memref<80x128xf32, #tpu.memory_space<vmem_shared>>)
      tpu.yield
    }) : () -> ()
    %add3A_25 = arith.constant 160 : i32
    %add3A_26 = arith.addi %mul3A_20, %add3A_25 : i32
    "tpu.region"() ({
      %run_scoped3A = tpu.sem_alloc : memref<!tpu.dma_semaphore, #tpu.memory_space<semaphore_mem>>
      %dma_start3A_180 = arith.constant 0 : i32
      %dma_start3A_181 = tpu.memref_slice %arg11[%add3A_26, %dma_start3A_180] : memref<10112x128xf32, #tpu.memory_space<vmem_shared>> -> memref<80x128xf32, #tpu.memory_space<vmem_shared>>
      %dma_start3A_182 = arith.constant 0 : i32
      %dma_start3A_183 = tpu.memref_slice %arg11[%add3A_26, %dma_start3A_182] : memref<10112x128xf32, #tpu.memory_space<vmem_shared>> -> memref<80x128xf32, #tpu.memory_space<vmem_shared>>
      tpu.enqueue_dma source(%arg10 : memref<80x128xf32, #tpu.memory_space<vmem>>) target(%dma_start3A_183 : memref<80x128xf32, #tpu.memory_space<vmem_shared>>) target_semaphore(%run_scoped3A : memref<!tpu.dma_semaphore, #tpu.memory_space<semaphore_mem>>)
      %dma_wait3A_184 = arith.constant 0 : i32
      %dma_wait3A_185 = tpu.memref_slice %arg11[%add3A_26, %dma_wait3A_184] : memref<10112x128xf32, #tpu.memory_space<vmem_shared>> -> memref<80x128xf32, #tpu.memory_space<vmem_shared>>
      %dma_wait3A_186 = arith.constant 0 : i32
      %dma_wait3A_187 = tpu.memref_slice %arg11[%add3A_26, %dma_wait3A_186] : memref<10112x128xf32, #tpu.memory_space<vmem_shared>> -> memref<80x128xf32, #tpu.memory_space<vmem_shared>>
      tpu.wait_dma2 semaphore(%run_scoped3A : memref<!tpu.dma_semaphore, #tpu.memory_space<semaphore_mem>>) src(%arg10 : memref<80x128xf32, #tpu.memory_space<vmem>>) dst(%dma_wait3A_187 : memref<80x128xf32, #tpu.memory_space<vmem_shared>>)
      tpu.yield
    }) : () -> ()
    %add3A_27 = arith.constant 240 : i32
    %add3A_28 = arith.addi %mul3A_20, %add3A_27 : i32
    "tpu.region"() ({
      %run_scoped3A = tpu.sem_alloc : memref<!tpu.dma_semaphore, #tpu.memory_space<semaphore_mem>>
      %dma_start3A_180 = arith.constant 0 : i32
      %dma_start3A_181 = tpu.memref_slice %arg11[%add3A_28, %dma_start3A_180] : memref<10112x128xf32, #tpu.memory_space<vmem_shared>> -> memref<80x128xf32, #tpu.memory_space<vmem_shared>>
      %dma_start3A_182 = arith.constant 0 : i32
      %dma_start3A_183 = tpu.memref_slice %arg11[%add3A_28, %dma_start3A_182] : memref<10112x128xf32, #tpu.memory_space<vmem_shared>> -> memref<80x128xf32, #tpu.memory_space<vmem_shared>>
      tpu.enqueue_dma source(%arg10 : memref<80x128xf32, #tpu.memory_space<vmem>>) target(%dma_start3A_183 : memref<80x128xf32, #tpu.memory_space<vmem_shared>>) target_semaphore(%run_scoped3A : memref<!tpu.dma_semaphore, #tpu.memory_space<semaphore_mem>>)
      %dma_wait3A_184 = arith.constant 0 : i32
      %dma_wait3A_185 = tpu.memref_slice %arg11[%add3A_28, %dma_wait3A_184] : memref<10112x128xf32, #tpu.memory_space<vmem_shared>> -> memref<80x128xf32, #tpu.memory_space<vmem_shared>>
      %dma_wait3A_186 = arith.constant 0 : i32
      %dma_wait3A_187 = tpu.memref_slice %arg11[%add3A_28, %dma_wait3A_186] : memref<10112x128xf32, #tpu.memory_space<vmem_shared>> -> memref<80x128xf32, #tpu.memory_space<vmem_shared>>
      tpu.wait_dma2 semaphore(%run_scoped3A : memref<!tpu.dma_semaphore, #tpu.memory_space<semaphore_mem>>) src(%arg10 : memref<80x128xf32, #tpu.memory_space<vmem>>) dst(%dma_wait3A_187 : memref<80x128xf32, #tpu.memory_space<vmem_shared>>)
      tpu.yield
    }) : () -> ()
    %add3A_29 = arith.constant 320 : i32
    %add3A_30 = arith.addi %mul3A_20, %add3A_29 : i32
    "tpu.region"() ({
      %run_scoped3A = tpu.sem_alloc : memref<!tpu.dma_semaphore, #tpu.memory_space<semaphore_mem>>
      %dma_start3A_180 = arith.constant 0 : i32
      %dma_start3A_181 = tpu.memref_slice %arg11[%add3A_30, %dma_start3A_180] : memref<10112x128xf32, #tpu.memory_space<vmem_shared>> -> memref<80x128xf32, #tpu.memory_space<vmem_shared>>
      %dma_start3A_182 = arith.constant 0 : i32
      %dma_start3A_183 = tpu.memref_slice %arg11[%add3A_30, %dma_start3A_182] : memref<10112x128xf32, #tpu.memory_space<vmem_shared>> -> memref<80x128xf32, #tpu.memory_space<vmem_shared>>
      tpu.enqueue_dma source(%arg10 : memref<80x128xf32, #tpu.memory_space<vmem>>) target(%dma_start3A_183 : memref<80x128xf32, #tpu.memory_space<vmem_shared>>) target_semaphore(%run_scoped3A : memref<!tpu.dma_semaphore, #tpu.memory_space<semaphore_mem>>)
      %dma_wait3A_184 = arith.constant 0 : i32
      %dma_wait3A_185 = tpu.memref_slice %arg11[%add3A_30, %dma_wait3A_184] : memref<10112x128xf32, #tpu.memory_space<vmem_shared>> -> memref<80x128xf32, #tpu.memory_space<vmem_shared>>
      %dma_wait3A_186 = arith.constant 0 : i32
      %dma_wait3A_187 = tpu.memref_slice %arg11[%add3A_30, %dma_wait3A_186] : memref<10112x128xf32, #tpu.memory_space<vmem_shared>> -> memref<80x128xf32, #tpu.memory_space<vmem_shared>>
      tpu.wait_dma2 semaphore(%run_scoped3A : memref<!tpu.dma_semaphore, #tpu.memory_space<semaphore_mem>>) src(%arg10 : memref<80x128xf32, #tpu.memory_space<vmem>>) dst(%dma_wait3A_187 : memref<80x128xf32, #tpu.memory_space<vmem_shared>>)
      tpu.yield
    }) : () -> ()
    %add3A_31 = arith.constant 400 : i32
    %add3A_32 = arith.addi %mul3A_20, %add3A_31 : i32
    "tpu.region"() ({
      %run_scoped3A = tpu.sem_alloc : memref<!tpu.dma_semaphore, #tpu.memory_space<semaphore_mem>>
      %dma_start3A_180 = arith.constant 0 : i32
      %dma_start3A_181 = tpu.memref_slice %arg11[%add3A_32, %dma_start3A_180] : memref<10112x128xf32, #tpu.memory_space<vmem_shared>> -> memref<80x128xf32, #tpu.memory_space<vmem_shared>>
      %dma_start3A_182 = arith.constant 0 : i32
      %dma_start3A_183 = tpu.memref_slice %arg11[%add3A_32, %dma_start3A_182] : memref<10112x128xf32, #tpu.memory_space<vmem_shared>> -> memref<80x128xf32, #tpu.memory_space<vmem_shared>>
      tpu.enqueue_dma source(%arg10 : memref<80x128xf32, #tpu.memory_space<vmem>>) target(%dma_start3A_183 : memref<80x128xf32, #tpu.memory_space<vmem_shared>>) target_semaphore(%run_scoped3A : memref<!tpu.dma_semaphore, #tpu.memory_space<semaphore_mem>>)
      %dma_wait3A_184 = arith.constant 0 : i32
      %dma_wait3A_185 = tpu.memref_slice %arg11[%add3A_32, %dma_wait3A_184] : memref<10112x128xf32, #tpu.memory_space<vmem_shared>> -> memref<80x128xf32, #tpu.memory_space<vmem_shared>>
      %dma_wait3A_186 = arith.constant 0 : i32
      %dma_wait3A_187 = tpu.memref_slice %arg11[%add3A_32, %dma_wait3A_186] : memref<10112x128xf32, #tpu.memory_space<vmem_shared>> -> memref<80x128xf32, #tpu.memory_space<vmem_shared>>
      tpu.wait_dma2 semaphore(%run_scoped3A : memref<!tpu.dma_semaphore, #tpu.memory_space<semaphore_mem>>) src(%arg10 : memref<80x128xf32, #tpu.memory_space<vmem>>) dst(%dma_wait3A_187 : memref<80x128xf32, #tpu.memory_space<vmem_shared>>)
      tpu.yield
    }) : () -> ()
    %add3A_33 = arith.constant 480 : i32
    %add3A_34 = arith.addi %mul3A_20, %add3A_33 : i32
    "tpu.region"() ({
      %run_scoped3A = tpu.sem_alloc : memref<!tpu.dma_semaphore, #tpu.memory_space<semaphore_mem>>
      %dma_start3A_180 = arith.constant 0 : i32
      %dma_start3A_181 = tpu.memref_slice %arg11[%add3A_34, %dma_start3A_180] : memref<10112x128xf32, #tpu.memory_space<vmem_shared>> -> memref<80x128xf32, #tpu.memory_space<vmem_shared>>
      %dma_start3A_182 = arith.constant 0 : i32
      %dma_start3A_183 = tpu.memref_slice %arg11[%add3A_34, %dma_start3A_182] : memref<10112x128xf32, #tpu.memory_space<vmem_shared>> -> memref<80x128xf32, #tpu.memory_space<vmem_shared>>
      tpu.enqueue_dma source(%arg10 : memref<80x128xf32, #tpu.memory_space<vmem>>) target(%dma_start3A_183 : memref<80x128xf32, #tpu.memory_space<vmem_shared>>) target_semaphore(%run_scoped3A : memref<!tpu.dma_semaphore, #tpu.memory_space<semaphore_mem>>)
      %dma_wait3A_184 = arith.constant 0 : i32
      %dma_wait3A_185 = tpu.memref_slice %arg11[%add3A_34, %dma_wait3A_184] : memref<10112x128xf32, #tpu.memory_space<vmem_shared>> -> memref<80x128xf32, #tpu.memory_space<vmem_shared>>
      %dma_wait3A_186 = arith.constant 0 : i32
      %dma_wait3A_187 = tpu.memref_slice %arg11[%add3A_34, %dma_wait3A_186] : memref<10112x128xf32, #tpu.memory_space<vmem_shared>> -> memref<80x128xf32, #tpu.memory_space<vmem_shared>>
      tpu.wait_dma2 semaphore(%run_scoped3A : memref<!tpu.dma_semaphore, #tpu.memory_space<semaphore_mem>>) src(%arg10 : memref<80x128xf32, #tpu.memory_space<vmem>>) dst(%dma_wait3A_187 : memref<80x128xf32, #tpu.memory_space<vmem_shared>>)
      tpu.yield
    }) : () -> ()
    %add3A_35 = arith.constant 560 : i32
    %add3A_36 = arith.addi %mul3A_20, %add3A_35 : i32
    "tpu.region"() ({
      %run_scoped3A = tpu.sem_alloc : memref<!tpu.dma_semaphore, #tpu.memory_space<semaphore_mem>>
      %dma_start3A_180 = arith.constant 0 : i32
      %dma_start3A_181 = arith.constant 0 : i32
      %dma_start3A_182 = tpu.memref_slice %arg10[%dma_start3A_180, %dma_start3A_181] : memref<80x128xf32, #tpu.memory_space<vmem>> -> memref<72x128xf32, #tpu.memory_space<vmem>>
      %dma_start3A_183 = arith.constant 0 : i32
      %dma_start3A_184 = tpu.memref_slice %arg11[%add3A_36, %dma_start3A_183] : memref<10112x128xf32, #tpu.memory_space<vmem_shared>> -> memref<72x128xf32, #tpu.memory_space<vmem_shared>>
      %dma_start3A_185 = arith.constant 0 : i32
      %dma_start3A_186 = tpu.memref_slice %arg11[%add3A_36, %dma_start3A_185] : memref<10112x128xf32, #tpu.memory_space<vmem_shared>> -> memref<72x128xf32, #tpu.memory_space<vmem_shared>>
      %dma_start3A_187 = arith.constant 0 : i32
      %dma_start3A_188 = arith.constant 0 : i32
      %dma_start3A_189 = tpu.memref_slice %arg10[%dma_start3A_187, %dma_start3A_188] : memref<80x128xf32, #tpu.memory_space<vmem>> -> memref<72x128xf32, #tpu.memory_space<vmem>>
      tpu.enqueue_dma source(%dma_start3A_189 : memref<72x128xf32, #tpu.memory_space<vmem>>) target(%dma_start3A_186 : memref<72x128xf32, #tpu.memory_space<vmem_shared>>) target_semaphore(%run_scoped3A : memref<!tpu.dma_semaphore, #tpu.memory_space<semaphore_mem>>)
      %dma_wait3A_190 = arith.constant 0 : i32
      %dma_wait3A_191 = arith.constant 0 : i32
      %dma_wait3A_192 = tpu.memref_slice %arg10[%dma_wait3A_190, %dma_wait3A_191] : memref<80x128xf32, #tpu.memory_space<vmem>> -> memref<72x128xf32, #tpu.memory_space<vmem>>
      %dma_wait3A_193 = arith.constant 0 : i32
      %dma_wait3A_194 = tpu.memref_slice %arg11[%add3A_36, %dma_wait3A_193] : memref<10112x128xf32, #tpu.memory_space<vmem_shared>> -> memref<72x128xf32, #tpu.memory_space<vmem_shared>>
      %dma_wait3A_195 = arith.constant 0 : i32
      %dma_wait3A_196 = tpu.memref_slice %arg11[%add3A_36, %dma_wait3A_195] : memref<10112x128xf32, #tpu.memory_space<vmem_shared>> -> memref<72x128xf32, #tpu.memory_space<vmem_shared>>
      %dma_wait3A_197 = arith.constant 0 : i32
      %dma_wait3A_198 = arith.constant 0 : i32
      %dma_wait3A_199 = tpu.memref_slice %arg10[%dma_wait3A_197, %dma_wait3A_198] : memref<80x128xf32, #tpu.memory_space<vmem>> -> memref<72x128xf32, #tpu.memory_space<vmem>>
      tpu.wait_dma2 semaphore(%run_scoped3A : memref<!tpu.dma_semaphore, #tpu.memory_space<semaphore_mem>>) src(%dma_wait3A_199 : memref<72x128xf32, #tpu.memory_space<vmem>>) dst(%dma_wait3A_196 : memref<72x128xf32, #tpu.memory_space<vmem_shared>>)
      tpu.yield
    }) : () -> ()
    %barrier3A = arith.constant 0 : index
    tpu.barrier barrier_id(%barrier3A)
    %scan3A_37 = arith.constant 0 : i32
    %scan3A_38 = arith.constant 0 : i32
    %scan3A_39 = arith.constant 21 : i32
    %scan3A_40 = arith.addi %scan3A_38, %scan3A_39 : i32
    %scan3A_41 = arith.constant 1 : i32
    %scan3A_42 = scf.for %scan3A_180 = %scan3A_38 to %scan3A_40 step %scan3A_41 iter_args(%scan3A_181 = %scan3A_37) -> (i32)  : i32 {
      %mul3A_182 = arith.constant 3 : i32
      %mul3A_183 = arith.muli %mul3A_182, %scan3A_180 : i32
      %dma_wait3A_184 = arith.constant 0 : i32
      %dma_wait3A_185 = arith.constant 0 : i32
      %dma_wait3A_186 = tpu.memref_slice %arg2[%dma_wait3A_184, %dma_wait3A_185] : memref<10240x128xf32, #tpu.memory_space<hbm>> -> memref<80x128xf32, #tpu.memory_space<hbm>>
      %dma_wait3A_187 = arith.constant 0 : i32
      %dma_wait3A_188 = arith.constant 0 : i32
      %dma_wait3A_189 = tpu.memref_slice %arg2[%dma_wait3A_187, %dma_wait3A_188] : memref<10240x128xf32, #tpu.memory_space<hbm>> -> memref<80x128xf32, #tpu.memory_space<hbm>>
      tpu.wait_dma2 semaphore(%arg12 : memref<!tpu.dma_semaphore, #tpu.memory_space<semaphore_mem>>) src(%dma_wait3A_189 : memref<80x128xf32, #tpu.memory_space<hbm>>) dst(%arg8 : memref<80x128xf32, #tpu.memory_space<vmem>>)
      %dma_start3A_190 = arith.constant 0 : i32
      %dma_start3A_191 = tpu.memref_slice %arg7[%mul3A_183, %dma_start3A_190] : memref<64x80xi32, #tpu.memory_space<vmem>> -> memref<1x80xi32, #tpu.memory_space<vmem>>
      %dma_start3A_192 = tpu.memref_squeeze %dma_start3A_191 : memref<1x80xi32, #tpu.memory_space<vmem>> -> memref<80xi32, #tpu.memory_space<vmem>>
      %dma_start3A_193 = arith.constant 0 : i32
      %dma_start3A_194 = arith.constant 0 : i32
      %dma_start3A_195 = tpu.memref_slice %arg11[%dma_start3A_193, %dma_start3A_194] : memref<10112x128xf32, #tpu.memory_space<vmem_shared>> -> memref<10112x128xf32, #tpu.memory_space<vmem_shared>>
      tpu.enqueue_indirect_dma source(%arg8 : memref<80x128xf32, #tpu.memory_space<vmem>>) target(%dma_start3A_195 : memref<10112x128xf32, #tpu.memory_space<vmem_shared>>) offsets(%dma_start3A_192 : memref<80xi32, #tpu.memory_space<vmem>>) semaphore(%arg15 : memref<!tpu.dma_semaphore, #tpu.memory_space<semaphore_mem>>) {add = true}
      %ge3A = arith.constant 1 : i32
      %ge3A_196 = arith.cmpi sge, %mul3A_183, %ge3A : i32
      %convert_element_type3A = arith.extui %ge3A_196 : i1 to i32
      %cond3A = arith.constant 0 : i32
      %cond3A_197 = arith.cmpi ne, %convert_element_type3A, %cond3A : i32
      scf.if %cond3A_197 {
        %dma_wait3A_269 = arith.constant 0 : i32
        %dma_wait3A_270 = arith.constant 0 : i32
        %dma_wait3A_271 = tpu.memref_slice %arg7[%dma_wait3A_269, %dma_wait3A_270] : memref<64x80xi32, #tpu.memory_space<vmem>> -> memref<1x80xi32, #tpu.memory_space<vmem>>
        %dma_wait3A_272 = tpu.memref_squeeze %dma_wait3A_271 : memref<1x80xi32, #tpu.memory_space<vmem>> -> memref<80xi32, #tpu.memory_space<vmem>>
        %dma_wait3A_273 = arith.constant 0 : i32
        %dma_wait3A_274 = arith.constant 0 : i32
        %dma_wait3A_275 = tpu.memref_slice %arg11[%dma_wait3A_273, %dma_wait3A_274] : memref<10112x128xf32, #tpu.memory_space<vmem_shared>> -> memref<10112x128xf32, #tpu.memory_space<vmem_shared>>
        tpu.wait_indirect_dma semaphore(%arg17 : memref<!tpu.dma_semaphore, #tpu.memory_space<semaphore_mem>>) src(%arg10 : memref<80x128xf32, #tpu.memory_space<vmem>>) dst(%dma_wait3A_275 : memref<10112x128xf32, #tpu.memory_space<vmem_shared>>)
      } else {
      }
      %add3A_198 = arith.constant 2 : i32
      %add3A_199 = arith.addi %mul3A_183, %add3A_198 : i32
      %mul3A_200 = arith.constant 80 : i32
      %mul3A_201 = arith.muli %add3A_199, %mul3A_200 : i32
      %dma_start3A_202 = tpu.memref_slice %arg6[%mul3A_201] : memref<10000xi32, #tpu.memory_space<vmem>> -> memref<80xi32, #tpu.memory_space<vmem>>
      %dma_start3A_203 = arith.constant 0 : i32
      %dma_start3A_204 = arith.constant 0 : i32
      %dma_start3A_205 = tpu.memref_slice %arg2[%dma_start3A_203, %dma_start3A_204] : memref<10240x128xf32, #tpu.memory_space<hbm>> -> memref<10240x128xf32, #tpu.memory_space<hbm>>
      tpu.enqueue_indirect_dma source(%dma_start3A_205 : memref<10240x128xf32, #tpu.memory_space<hbm>>) target(%arg10 : memref<80x128xf32, #tpu.memory_space<vmem>>) offsets(%dma_start3A_202 : memref<80xi32, #tpu.memory_space<vmem>>) semaphore(%arg14 : memref<!tpu.dma_semaphore, #tpu.memory_space<semaphore_mem>>)
      %add3A_206 = arith.constant 1 : i32
      %add3A_207 = arith.addi %mul3A_183, %add3A_206 : i32
      %add3A_208 = arith.constant 1 : i32
      %add3A_209 = arith.addi %mul3A_183, %add3A_208 : i32
      %dma_wait3A_210 = arith.constant 0 : i32
      %dma_wait3A_211 = arith.constant 0 : i32
      %dma_wait3A_212 = tpu.memref_slice %arg2[%dma_wait3A_210, %dma_wait3A_211] : memref<10240x128xf32, #tpu.memory_space<hbm>> -> memref<80x128xf32, #tpu.memory_space<hbm>>
      %dma_wait3A_213 = arith.constant 0 : i32
      %dma_wait3A_214 = arith.constant 0 : i32
      %dma_wait3A_215 = tpu.memref_slice %arg2[%dma_wait3A_213, %dma_wait3A_214] : memref<10240x128xf32, #tpu.memory_space<hbm>> -> memref<80x128xf32, #tpu.memory_space<hbm>>
      tpu.wait_dma2 semaphore(%arg13 : memref<!tpu.dma_semaphore, #tpu.memory_space<semaphore_mem>>) src(%dma_wait3A_215 : memref<80x128xf32, #tpu.memory_space<hbm>>) dst(%arg9 : memref<80x128xf32, #tpu.memory_space<vmem>>)
      %dma_start3A_216 = arith.constant 0 : i32
      %dma_start3A_217 = tpu.memref_slice %arg7[%add3A_209, %dma_start3A_216] : memref<64x80xi32, #tpu.memory_space<vmem>> -> memref<1x80xi32, #tpu.memory_space<vmem>>
      %dma_start3A_218 = tpu.memref_squeeze %dma_start3A_217 : memref<1x80xi32, #tpu.memory_space<vmem>> -> memref<80xi32, #tpu.memory_space<vmem>>
      %dma_start3A_219 = arith.constant 0 : i32
      %dma_start3A_220 = arith.constant 0 : i32
      %dma_start3A_221 = tpu.memref_slice %arg11[%dma_start3A_219, %dma_start3A_220] : memref<10112x128xf32, #tpu.memory_space<vmem_shared>> -> memref<10112x128xf32, #tpu.memory_space<vmem_shared>>
      tpu.enqueue_indirect_dma source(%arg9 : memref<80x128xf32, #tpu.memory_space<vmem>>) target(%dma_start3A_221 : memref<10112x128xf32, #tpu.memory_space<vmem_shared>>) offsets(%dma_start3A_218 : memref<80xi32, #tpu.memory_space<vmem>>) semaphore(%arg16 : memref<!tpu.dma_semaphore, #tpu.memory_space<semaphore_mem>>) {add = true}
      %dma_wait3A_222 = arith.constant 0 : i32
      %dma_wait3A_223 = arith.constant 0 : i32
      %dma_wait3A_224 = tpu.memref_slice %arg7[%dma_wait3A_222, %dma_wait3A_223] : memref<64x80xi32, #tpu.memory_space<vmem>> -> memref<1x80xi32, #tpu.memory_space<vmem>>
      %dma_wait3A_225 = tpu.memref_squeeze %dma_wait3A_224 : memref<1x80xi32, #tpu.memory_space<vmem>> -> memref<80xi32, #tpu.memory_space<vmem>>
      %dma_wait3A_226 = arith.constant 0 : i32
      %dma_wait3A_227 = arith.constant 0 : i32
      %dma_wait3A_228 = tpu.memref_slice %arg11[%dma_wait3A_226, %dma_wait3A_227] : memref<10112x128xf32, #tpu.memory_space<vmem_shared>> -> memref<10112x128xf32, #tpu.memory_space<vmem_shared>>
      tpu.wait_indirect_dma semaphore(%arg15 : memref<!tpu.dma_semaphore, #tpu.memory_space<semaphore_mem>>) src(%arg8 : memref<80x128xf32, #tpu.memory_space<vmem>>) dst(%dma_wait3A_228 : memref<10112x128xf32, #tpu.memory_space<vmem_shared>>)
      %add3A_229 = arith.constant 2 : i32
      %add3A_230 = arith.addi %add3A_207, %add3A_229 : i32
      %mul3A_231 = arith.constant 80 : i32
      %mul3A_232 = arith.muli %add3A_230, %mul3A_231 : i32
      %dma_start3A_233 = tpu.memref_slice %arg6[%mul3A_232] : memref<10000xi32, #tpu.memory_space<vmem>> -> memref<80xi32, #tpu.memory_space<vmem>>
      %dma_start3A_234 = arith.constant 0 : i32
      %dma_start3A_235 = arith.constant 0 : i32
      %dma_start3A_236 = tpu.memref_slice %arg2[%dma_start3A_234, %dma_start3A_235] : memref<10240x128xf32, #tpu.memory_space<hbm>> -> memref<10240x128xf32, #tpu.memory_space<hbm>>
      tpu.enqueue_indirect_dma source(%dma_start3A_236 : memref<10240x128xf32, #tpu.memory_space<hbm>>) target(%arg8 : memref<80x128xf32, #tpu.memory_space<vmem>>) offsets(%dma_start3A_233 : memref<80xi32, #tpu.memory_space<vmem>>) semaphore(%arg12 : memref<!tpu.dma_semaphore, #tpu.memory_space<semaphore_mem>>)
      %add3A_237 = arith.constant 2 : i32
      %add3A_238 = arith.addi %mul3A_183, %add3A_237 : i32
      %add3A_239 = arith.constant 2 : i32
      %add3A_240 = arith.addi %mul3A_183, %add3A_239 : i32
      %dma_wait3A_241 = arith.constant 0 : i32
      %dma_wait3A_242 = arith.constant 0 : i32
      %dma_wait3A_243 = tpu.memref_slice %arg2[%dma_wait3A_241, %dma_wait3A_242] : memref<10240x128xf32, #tpu.memory_space<hbm>> -> memref<80x128xf32, #tpu.memory_space<hbm>>
      %dma_wait3A_244 = arith.constant 0 : i32
      %dma_wait3A_245 = arith.constant 0 : i32
      %dma_wait3A_246 = tpu.memref_slice %arg2[%dma_wait3A_244, %dma_wait3A_245] : memref<10240x128xf32, #tpu.memory_space<hbm>> -> memref<80x128xf32, #tpu.memory_space<hbm>>
      tpu.wait_dma2 semaphore(%arg14 : memref<!tpu.dma_semaphore, #tpu.memory_space<semaphore_mem>>) src(%dma_wait3A_246 : memref<80x128xf32, #tpu.memory_space<hbm>>) dst(%arg10 : memref<80x128xf32, #tpu.memory_space<vmem>>)
      %dma_start3A_247 = arith.constant 0 : i32
      %dma_start3A_248 = tpu.memref_slice %arg7[%add3A_240, %dma_start3A_247] : memref<64x80xi32, #tpu.memory_space<vmem>> -> memref<1x80xi32, #tpu.memory_space<vmem>>
      %dma_start3A_249 = tpu.memref_squeeze %dma_start3A_248 : memref<1x80xi32, #tpu.memory_space<vmem>> -> memref<80xi32, #tpu.memory_space<vmem>>
      %dma_start3A_250 = arith.constant 0 : i32
      %dma_start3A_251 = arith.constant 0 : i32
      %dma_start3A_252 = tpu.memref_slice %arg11[%dma_start3A_250, %dma_start3A_251] : memref<10112x128xf32, #tpu.memory_space<vmem_shared>> -> memref<10112x128xf32, #tpu.memory_space<vmem_shared>>
      tpu.enqueue_indirect_dma source(%arg10 : memref<80x128xf32, #tpu.memory_space<vmem>>) target(%dma_start3A_252 : memref<10112x128xf32, #tpu.memory_space<vmem_shared>>) offsets(%dma_start3A_249 : memref<80xi32, #tpu.memory_space<vmem>>) semaphore(%arg17 : memref<!tpu.dma_semaphore, #tpu.memory_space<semaphore_mem>>) {add = true}
      %dma_wait3A_253 = arith.constant 0 : i32
      %dma_wait3A_254 = arith.constant 0 : i32
      %dma_wait3A_255 = tpu.memref_slice %arg7[%dma_wait3A_253, %dma_wait3A_254] : memref<64x80xi32, #tpu.memory_space<vmem>> -> memref<1x80xi32, #tpu.memory_space<vmem>>
      %dma_wait3A_256 = tpu.memref_squeeze %dma_wait3A_255 : memref<1x80xi32, #tpu.memory_space<vmem>> -> memref<80xi32, #tpu.memory_space<vmem>>
      %dma_wait3A_257 = arith.constant 0 : i32
      %dma_wait3A_258 = arith.constant 0 : i32
      %dma_wait3A_259 = tpu.memref_slice %arg11[%dma_wait3A_257, %dma_wait3A_258] : memref<10112x128xf32, #tpu.memory_space<vmem_shared>> -> memref<10112x128xf32, #tpu.memory_space<vmem_shared>>
      tpu.wait_indirect_dma semaphore(%arg16 : memref<!tpu.dma_semaphore, #tpu.memory_space<semaphore_mem>>) src(%arg9 : memref<80x128xf32, #tpu.memory_space<vmem>>) dst(%dma_wait3A_259 : memref<10112x128xf32, #tpu.memory_space<vmem_shared>>)
      %add3A_260 = arith.constant 2 : i32
      %add3A_261 = arith.addi %add3A_238, %add3A_260 : i32
      %mul3A_262 = arith.constant 80 : i32
      %mul3A_263 = arith.muli %add3A_261, %mul3A_262 : i32
      %dma_start3A_264 = tpu.memref_slice %arg6[%mul3A_263] : memref<10000xi32, #tpu.memory_space<vmem>> -> memref<80xi32, #tpu.memory_space<vmem>>
      %dma_start3A_265 = arith.constant 0 : i32
      %dma_start3A_266 = arith.constant 0 : i32
      %dma_start3A_267 = tpu.memref_slice %arg2[%dma_start3A_265, %dma_start3A_266] : memref<10240x128xf32, #tpu.memory_space<hbm>> -> memref<10240x128xf32, #tpu.memory_space<hbm>>
      tpu.enqueue_indirect_dma source(%dma_start3A_267 : memref<10240x128xf32, #tpu.memory_space<hbm>>) target(%arg9 : memref<80x128xf32, #tpu.memory_space<vmem>>) offsets(%dma_start3A_264 : memref<80xi32, #tpu.memory_space<vmem>>) semaphore(%arg13 : memref<!tpu.dma_semaphore, #tpu.memory_space<semaphore_mem>>)
      %scan3A_268 = arith.constant 0 : i32
      scf.yield %scan3A_268 : i32
    }
    %scan3A_43 = arith.constant 21 : i32
    %dma_wait3A = arith.constant 0 : i32
    %dma_wait3A_44 = arith.constant 0 : i32
    %dma_wait3A_45 = tpu.memref_slice %arg2[%dma_wait3A, %dma_wait3A_44] : memref<10240x128xf32, #tpu.memory_space<hbm>> -> memref<80x128xf32, #tpu.memory_space<hbm>>
    %dma_wait3A_46 = arith.constant 0 : i32
    %dma_wait3A_47 = arith.constant 0 : i32
    %dma_wait3A_48 = tpu.memref_slice %arg2[%dma_wait3A_46, %dma_wait3A_47] : memref<10240x128xf32, #tpu.memory_space<hbm>> -> memref<80x128xf32, #tpu.memory_space<hbm>>
    tpu.wait_dma2 semaphore(%arg12 : memref<!tpu.dma_semaphore, #tpu.memory_space<semaphore_mem>>) src(%dma_wait3A_48 : memref<80x128xf32, #tpu.memory_space<hbm>>) dst(%arg8 : memref<80x128xf32, #tpu.memory_space<vmem>>)
    %dma_start3A_49 = arith.constant 63 : i32
    %dma_start3A_50 = arith.constant 0 : i32
    %dma_start3A_51 = tpu.memref_slice %arg7[%dma_start3A_49, %dma_start3A_50] : memref<64x80xi32, #tpu.memory_space<vmem>> -> memref<1x80xi32, #tpu.memory_space<vmem>>
    %dma_start3A_52 = tpu.memref_squeeze %dma_start3A_51 : memref<1x80xi32, #tpu.memory_space<vmem>> -> memref<80xi32, #tpu.memory_space<vmem>>
    %dma_start3A_53 = arith.constant 0 : i32
    %dma_start3A_54 = arith.constant 0 : i32
    %dma_start3A_55 = tpu.memref_slice %arg11[%dma_start3A_53, %dma_start3A_54] : memref<10112x128xf32, #tpu.memory_space<vmem_shared>> -> memref<10112x128xf32, #tpu.memory_space<vmem_shared>>
    tpu.enqueue_indirect_dma source(%arg8 : memref<80x128xf32, #tpu.memory_space<vmem>>) target(%dma_start3A_55 : memref<10112x128xf32, #tpu.memory_space<vmem_shared>>) offsets(%dma_start3A_52 : memref<80xi32, #tpu.memory_space<vmem>>) semaphore(%arg15 : memref<!tpu.dma_semaphore, #tpu.memory_space<semaphore_mem>>) {add = true}
    %dma_wait3A_56 = arith.constant 0 : i32
    %dma_wait3A_57 = arith.constant 0 : i32
    %dma_wait3A_58 = tpu.memref_slice %arg7[%dma_wait3A_56, %dma_wait3A_57] : memref<64x80xi32, #tpu.memory_space<vmem>> -> memref<1x80xi32, #tpu.memory_space<vmem>>
    %dma_wait3A_59 = tpu.memref_squeeze %dma_wait3A_58 : memref<1x80xi32, #tpu.memory_space<vmem>> -> memref<80xi32, #tpu.memory_space<vmem>>
    %dma_wait3A_60 = arith.constant 0 : i32
    %dma_wait3A_61 = arith.constant 0 : i32
    %dma_wait3A_62 = tpu.memref_slice %arg11[%dma_wait3A_60, %dma_wait3A_61] : memref<10112x128xf32, #tpu.memory_space<vmem_shared>> -> memref<10112x128xf32, #tpu.memory_space<vmem_shared>>
    tpu.wait_indirect_dma semaphore(%arg17 : memref<!tpu.dma_semaphore, #tpu.memory_space<semaphore_mem>>) src(%arg10 : memref<80x128xf32, #tpu.memory_space<vmem>>) dst(%dma_wait3A_62 : memref<10112x128xf32, #tpu.memory_space<vmem_shared>>)
    %dma_start3A_63 = arith.constant 5200 : i32
    %dma_start3A_64 = tpu.memref_slice %arg6[%dma_start3A_63] : memref<10000xi32, #tpu.memory_space<vmem>> -> memref<80xi32, #tpu.memory_space<vmem>>
    %dma_start3A_65 = arith.constant 0 : i32
    %dma_start3A_66 = arith.constant 0 : i32
    %dma_start3A_67 = tpu.memref_slice %arg2[%dma_start3A_65, %dma_start3A_66] : memref<10240x128xf32, #tpu.memory_space<hbm>> -> memref<10240x128xf32, #tpu.memory_space<hbm>>
    tpu.enqueue_indirect_dma source(%dma_start3A_67 : memref<10240x128xf32, #tpu.memory_space<hbm>>) target(%arg10 : memref<80x128xf32, #tpu.memory_space<vmem>>) offsets(%dma_start3A_64 : memref<80xi32, #tpu.memory_space<vmem>>) semaphore(%arg14 : memref<!tpu.dma_semaphore, #tpu.memory_space<semaphore_mem>>)
    %dma_wait3A_68 = arith.constant 0 : i32
    %dma_wait3A_69 = arith.constant 0 : i32
    %dma_wait3A_70 = tpu.memref_slice %arg7[%dma_wait3A_68, %dma_wait3A_69] : memref<64x80xi32, #tpu.memory_space<vmem>> -> memref<1x80xi32, #tpu.memory_space<vmem>>
    %dma_wait3A_71 = tpu.memref_squeeze %dma_wait3A_70 : memref<1x80xi32, #tpu.memory_space<vmem>> -> memref<80xi32, #tpu.memory_space<vmem>>
    %dma_wait3A_72 = arith.constant 0 : i32
    %dma_wait3A_73 = arith.constant 0 : i32
    %dma_wait3A_74 = tpu.memref_slice %arg11[%dma_wait3A_72, %dma_wait3A_73] : memref<10112x128xf32, #tpu.memory_space<vmem_shared>> -> memref<10112x128xf32, #tpu.memory_space<vmem_shared>>
    tpu.wait_indirect_dma semaphore(%arg15 : memref<!tpu.dma_semaphore, #tpu.memory_space<semaphore_mem>>) src(%arg8 : memref<80x128xf32, #tpu.memory_space<vmem>>) dst(%dma_wait3A_74 : memref<10112x128xf32, #tpu.memory_space<vmem_shared>>)
    "tpu.region"() ({
      %run_scoped3A = tpu.sem_alloc : memref<!tpu.dma_semaphore, #tpu.memory_space<semaphore_mem>>
      %dma_start3A_180 = arith.constant 64 : i32
      %dma_start3A_181 = arith.constant 0 : i32
      %dma_start3A_182 = tpu.memref_slice %arg4[%add3A, %dma_start3A_180, %dma_start3A_181] : memref<32x128x80xi32, #tpu.memory_space<hbm>> -> memref<1x64x80xi32, #tpu.memory_space<hbm>>
      %dma_start3A_183 = tpu.memref_squeeze %dma_start3A_182 : memref<1x64x80xi32, #tpu.memory_space<hbm>> -> memref<64x80xi32, #tpu.memory_space<hbm>>
      %dma_start3A_184 = arith.constant 64 : i32
      %dma_start3A_185 = arith.constant 0 : i32
      %dma_start3A_186 = tpu.memref_slice %arg4[%add3A, %dma_start3A_184, %dma_start3A_185] : memref<32x128x80xi32, #tpu.memory_space<hbm>> -> memref<1x64x80xi32, #tpu.memory_space<hbm>>
      %dma_start3A_187 = tpu.memref_squeeze %dma_start3A_186 : memref<1x64x80xi32, #tpu.memory_space<hbm>> -> memref<64x80xi32, #tpu.memory_space<hbm>>
      tpu.enqueue_dma source(%dma_start3A_187 : memref<64x80xi32, #tpu.memory_space<hbm>>) target(%arg7 : memref<64x80xi32, #tpu.memory_space<vmem>>) target_semaphore(%run_scoped3A : memref<!tpu.dma_semaphore, #tpu.memory_space<semaphore_mem>>)
      %dma_wait3A_188 = arith.constant 64 : i32
      %dma_wait3A_189 = arith.constant 0 : i32
      %dma_wait3A_190 = tpu.memref_slice %arg4[%add3A, %dma_wait3A_188, %dma_wait3A_189] : memref<32x128x80xi32, #tpu.memory_space<hbm>> -> memref<1x64x80xi32, #tpu.memory_space<hbm>>
      %dma_wait3A_191 = tpu.memref_squeeze %dma_wait3A_190 : memref<1x64x80xi32, #tpu.memory_space<hbm>> -> memref<64x80xi32, #tpu.memory_space<hbm>>
      %dma_wait3A_192 = arith.constant 64 : i32
      %dma_wait3A_193 = arith.constant 0 : i32
      %dma_wait3A_194 = tpu.memref_slice %arg4[%add3A, %dma_wait3A_192, %dma_wait3A_193] : memref<32x128x80xi32, #tpu.memory_space<hbm>> -> memref<1x64x80xi32, #tpu.memory_space<hbm>>
      %dma_wait3A_195 = tpu.memref_squeeze %dma_wait3A_194 : memref<1x64x80xi32, #tpu.memory_space<hbm>> -> memref<64x80xi32, #tpu.memory_space<hbm>>
      tpu.wait_dma2 semaphore(%run_scoped3A : memref<!tpu.dma_semaphore, #tpu.memory_space<semaphore_mem>>) src(%dma_wait3A_195 : memref<64x80xi32, #tpu.memory_space<hbm>>) dst(%arg7 : memref<64x80xi32, #tpu.memory_space<vmem>>)
      tpu.yield
    }) : () -> ()
    %scan3A_75 = arith.constant 0 : i32
    %scan3A_76 = arith.constant 0 : i32
    %scan3A_77 = arith.constant 19 : i32
    %scan3A_78 = arith.addi %scan3A_76, %scan3A_77 : i32
    %scan3A_79 = arith.constant 1 : i32
    %scan3A_80 = scf.for %scan3A_180 = %scan3A_76 to %scan3A_78 step %scan3A_79 iter_args(%scan3A_181 = %scan3A_75) -> (i32)  : i32 {
      %mul3A_182 = arith.constant 3 : i32
      %mul3A_183 = arith.muli %mul3A_182, %scan3A_180 : i32
      %add3A_184 = arith.constant 64 : i32
      %add3A_185 = arith.addi %add3A_184, %mul3A_183 : i32
      %sub3A = arith.constant 64 : i32
      %sub3A_186 = arith.subi %add3A_185, %sub3A : i32
      %dma_wait3A_187 = arith.constant 0 : i32
      %dma_wait3A_188 = arith.constant 0 : i32
      %dma_wait3A_189 = tpu.memref_slice %arg2[%dma_wait3A_187, %dma_wait3A_188] : memref<10240x128xf32, #tpu.memory_space<hbm>> -> memref<80x128xf32, #tpu.memory_space<hbm>>
      %dma_wait3A_190 = arith.constant 0 : i32
      %dma_wait3A_191 = arith.constant 0 : i32
      %dma_wait3A_192 = tpu.memref_slice %arg2[%dma_wait3A_190, %dma_wait3A_191] : memref<10240x128xf32, #tpu.memory_space<hbm>> -> memref<80x128xf32, #tpu.memory_space<hbm>>
      tpu.wait_dma2 semaphore(%arg13 : memref<!tpu.dma_semaphore, #tpu.memory_space<semaphore_mem>>) src(%dma_wait3A_192 : memref<80x128xf32, #tpu.memory_space<hbm>>) dst(%arg9 : memref<80x128xf32, #tpu.memory_space<vmem>>)
      %dma_start3A_193 = arith.constant 0 : i32
      %dma_start3A_194 = tpu.memref_slice %arg7[%sub3A_186, %dma_start3A_193] : memref<64x80xi32, #tpu.memory_space<vmem>> -> memref<1x80xi32, #tpu.memory_space<vmem>>
      %dma_start3A_195 = tpu.memref_squeeze %dma_start3A_194 : memref<1x80xi32, #tpu.memory_space<vmem>> -> memref<80xi32, #tpu.memory_space<vmem>>
      %dma_start3A_196 = arith.constant 0 : i32
      %dma_start3A_197 = arith.constant 0 : i32
      %dma_start3A_198 = tpu.memref_slice %arg11[%dma_start3A_196, %dma_start3A_197] : memref<10112x128xf32, #tpu.memory_space<vmem_shared>> -> memref<10112x128xf32, #tpu.memory_space<vmem_shared>>
      tpu.enqueue_indirect_dma source(%arg9 : memref<80x128xf32, #tpu.memory_space<vmem>>) target(%dma_start3A_198 : memref<10112x128xf32, #tpu.memory_space<vmem_shared>>) offsets(%dma_start3A_195 : memref<80xi32, #tpu.memory_space<vmem>>) semaphore(%arg16 : memref<!tpu.dma_semaphore, #tpu.memory_space<semaphore_mem>>) {add = true}
      %ge3A = arith.constant 65 : i32
      %ge3A_199 = arith.cmpi sge, %add3A_185, %ge3A : i32
      %convert_element_type3A = arith.extui %ge3A_199 : i1 to i32
      %cond3A = arith.constant 0 : i32
      %cond3A_200 = arith.cmpi ne, %convert_element_type3A, %cond3A : i32
      scf.if %cond3A_200 {
        %dma_wait3A_276 = arith.constant 0 : i32
        %dma_wait3A_277 = arith.constant 0 : i32
        %dma_wait3A_278 = tpu.memref_slice %arg7[%dma_wait3A_276, %dma_wait3A_277] : memref<64x80xi32, #tpu.memory_space<vmem>> -> memref<1x80xi32, #tpu.memory_space<vmem>>
        %dma_wait3A_279 = tpu.memref_squeeze %dma_wait3A_278 : memref<1x80xi32, #tpu.memory_space<vmem>> -> memref<80xi32, #tpu.memory_space<vmem>>
        %dma_wait3A_280 = arith.constant 0 : i32
        %dma_wait3A_281 = arith.constant 0 : i32
        %dma_wait3A_282 = tpu.memref_slice %arg11[%dma_wait3A_280, %dma_wait3A_281] : memref<10112x128xf32, #tpu.memory_space<vmem_shared>> -> memref<10112x128xf32, #tpu.memory_space<vmem_shared>>
        tpu.wait_indirect_dma semaphore(%arg15 : memref<!tpu.dma_semaphore, #tpu.memory_space<semaphore_mem>>) src(%arg8 : memref<80x128xf32, #tpu.memory_space<vmem>>) dst(%dma_wait3A_282 : memref<10112x128xf32, #tpu.memory_space<vmem_shared>>)
      } else {
      }
      %add3A_201 = arith.constant 2 : i32
      %add3A_202 = arith.addi %add3A_185, %add3A_201 : i32
      %mul3A_203 = arith.constant 80 : i32
      %mul3A_204 = arith.muli %add3A_202, %mul3A_203 : i32
      %dma_start3A_205 = tpu.memref_slice %arg6[%mul3A_204] : memref<10000xi32, #tpu.memory_space<vmem>> -> memref<80xi32, #tpu.memory_space<vmem>>
      %dma_start3A_206 = arith.constant 0 : i32
      %dma_start3A_207 = arith.constant 0 : i32
      %dma_start3A_208 = tpu.memref_slice %arg2[%dma_start3A_206, %dma_start3A_207] : memref<10240x128xf32, #tpu.memory_space<hbm>> -> memref<10240x128xf32, #tpu.memory_space<hbm>>
      tpu.enqueue_indirect_dma source(%dma_start3A_208 : memref<10240x128xf32, #tpu.memory_space<hbm>>) target(%arg8 : memref<80x128xf32, #tpu.memory_space<vmem>>) offsets(%dma_start3A_205 : memref<80xi32, #tpu.memory_space<vmem>>) semaphore(%arg12 : memref<!tpu.dma_semaphore, #tpu.memory_space<semaphore_mem>>)
      %add3A_209 = arith.constant 1 : i32
      %add3A_210 = arith.addi %add3A_185, %add3A_209 : i32
      %add3A_211 = arith.constant 1 : i32
      %add3A_212 = arith.addi %add3A_185, %add3A_211 : i32
      %sub3A_213 = arith.constant 64 : i32
      %sub3A_214 = arith.subi %add3A_212, %sub3A_213 : i32
      %dma_wait3A_215 = arith.constant 0 : i32
      %dma_wait3A_216 = arith.constant 0 : i32
      %dma_wait3A_217 = tpu.memref_slice %arg2[%dma_wait3A_215, %dma_wait3A_216] : memref<10240x128xf32, #tpu.memory_space<hbm>> -> memref<80x128xf32, #tpu.memory_space<hbm>>
      %dma_wait3A_218 = arith.constant 0 : i32
      %dma_wait3A_219 = arith.constant 0 : i32
      %dma_wait3A_220 = tpu.memref_slice %arg2[%dma_wait3A_218, %dma_wait3A_219] : memref<10240x128xf32, #tpu.memory_space<hbm>> -> memref<80x128xf32, #tpu.memory_space<hbm>>
      tpu.wait_dma2 semaphore(%arg14 : memref<!tpu.dma_semaphore, #tpu.memory_space<semaphore_mem>>) src(%dma_wait3A_220 : memref<80x128xf32, #tpu.memory_space<hbm>>) dst(%arg10 : memref<80x128xf32, #tpu.memory_space<vmem>>)
      %dma_start3A_221 = arith.constant 0 : i32
      %dma_start3A_222 = tpu.memref_slice %arg7[%sub3A_214, %dma_start3A_221] : memref<64x80xi32, #tpu.memory_space<vmem>> -> memref<1x80xi32, #tpu.memory_space<vmem>>
      %dma_start3A_223 = tpu.memref_squeeze %dma_start3A_222 : memref<1x80xi32, #tpu.memory_space<vmem>> -> memref<80xi32, #tpu.memory_space<vmem>>
      %dma_start3A_224 = arith.constant 0 : i32
      %dma_start3A_225 = arith.constant 0 : i32
      %dma_start3A_226 = tpu.memref_slice %arg11[%dma_start3A_224, %dma_start3A_225] : memref<10112x128xf32, #tpu.memory_space<vmem_shared>> -> memref<10112x128xf32, #tpu.memory_space<vmem_shared>>
      tpu.enqueue_indirect_dma source(%arg10 : memref<80x128xf32, #tpu.memory_space<vmem>>) target(%dma_start3A_226 : memref<10112x128xf32, #tpu.memory_space<vmem_shared>>) offsets(%dma_start3A_223 : memref<80xi32, #tpu.memory_space<vmem>>) semaphore(%arg17 : memref<!tpu.dma_semaphore, #tpu.memory_space<semaphore_mem>>) {add = true}
      %dma_wait3A_227 = arith.constant 0 : i32
      %dma_wait3A_228 = arith.constant 0 : i32
      %dma_wait3A_229 = tpu.memref_slice %arg7[%dma_wait3A_227, %dma_wait3A_228] : memref<64x80xi32, #tpu.memory_space<vmem>> -> memref<1x80xi32, #tpu.memory_space<vmem>>
      %dma_wait3A_230 = tpu.memref_squeeze %dma_wait3A_229 : memref<1x80xi32, #tpu.memory_space<vmem>> -> memref<80xi32, #tpu.memory_space<vmem>>
      %dma_wait3A_231 = arith.constant 0 : i32
      %dma_wait3A_232 = arith.constant 0 : i32
      %dma_wait3A_233 = tpu.memref_slice %arg11[%dma_wait3A_231, %dma_wait3A_232] : memref<10112x128xf32, #tpu.memory_space<vmem_shared>> -> memref<10112x128xf32, #tpu.memory_space<vmem_shared>>
      tpu.wait_indirect_dma semaphore(%arg16 : memref<!tpu.dma_semaphore, #tpu.memory_space<semaphore_mem>>) src(%arg9 : memref<80x128xf32, #tpu.memory_space<vmem>>) dst(%dma_wait3A_233 : memref<10112x128xf32, #tpu.memory_space<vmem_shared>>)
      %add3A_234 = arith.constant 2 : i32
      %add3A_235 = arith.addi %add3A_210, %add3A_234 : i32
      %mul3A_236 = arith.constant 80 : i32
      %mul3A_237 = arith.muli %add3A_235, %mul3A_236 : i32
      %dma_start3A_238 = tpu.memref_slice %arg6[%mul3A_237] : memref<10000xi32, #tpu.memory_space<vmem>> -> memref<80xi32, #tpu.memory_space<vmem>>
      %dma_start3A_239 = arith.constant 0 : i32
      %dma_start3A_240 = arith.constant 0 : i32
      %dma_start3A_241 = tpu.memref_slice %arg2[%dma_start3A_239, %dma_start3A_240] : memref<10240x128xf32, #tpu.memory_space<hbm>> -> memref<10240x128xf32, #tpu.memory_space<hbm>>
      tpu.enqueue_indirect_dma source(%dma_start3A_241 : memref<10240x128xf32, #tpu.memory_space<hbm>>) target(%arg9 : memref<80x128xf32, #tpu.memory_space<vmem>>) offsets(%dma_start3A_238 : memref<80xi32, #tpu.memory_space<vmem>>) semaphore(%arg13 : memref<!tpu.dma_semaphore, #tpu.memory_space<semaphore_mem>>)
      %add3A_242 = arith.constant 2 : i32
      %add3A_243 = arith.addi %add3A_185, %add3A_242 : i32
      %add3A_244 = arith.constant 2 : i32
      %add3A_245 = arith.addi %add3A_185, %add3A_244 : i32
      %sub3A_246 = arith.constant 64 : i32
      %sub3A_247 = arith.subi %add3A_245, %sub3A_246 : i32
      %dma_wait3A_248 = arith.constant 0 : i32
      %dma_wait3A_249 = arith.constant 0 : i32
      %dma_wait3A_250 = tpu.memref_slice %arg2[%dma_wait3A_248, %dma_wait3A_249] : memref<10240x128xf32, #tpu.memory_space<hbm>> -> memref<80x128xf32, #tpu.memory_space<hbm>>
      %dma_wait3A_251 = arith.constant 0 : i32
      %dma_wait3A_252 = arith.constant 0 : i32
      %dma_wait3A_253 = tpu.memref_slice %arg2[%dma_wait3A_251, %dma_wait3A_252] : memref<10240x128xf32, #tpu.memory_space<hbm>> -> memref<80x128xf32, #tpu.memory_space<hbm>>
      tpu.wait_dma2 semaphore(%arg12 : memref<!tpu.dma_semaphore, #tpu.memory_space<semaphore_mem>>) src(%dma_wait3A_253 : memref<80x128xf32, #tpu.memory_space<hbm>>) dst(%arg8 : memref<80x128xf32, #tpu.memory_space<vmem>>)
      %dma_start3A_254 = arith.constant 0 : i32
      %dma_start3A_255 = tpu.memref_slice %arg7[%sub3A_247, %dma_start3A_254] : memref<64x80xi32, #tpu.memory_space<vmem>> -> memref<1x80xi32, #tpu.memory_space<vmem>>
      %dma_start3A_256 = tpu.memref_squeeze %dma_start3A_255 : memref<1x80xi32, #tpu.memory_space<vmem>> -> memref<80xi32, #tpu.memory_space<vmem>>
      %dma_start3A_257 = arith.constant 0 : i32
      %dma_start3A_258 = arith.constant 0 : i32
      %dma_start3A_259 = tpu.memref_slice %arg11[%dma_start3A_257, %dma_start3A_258] : memref<10112x128xf32, #tpu.memory_space<vmem_shared>> -> memref<10112x128xf32, #tpu.memory_space<vmem_shared>>
      tpu.enqueue_indirect_dma source(%arg8 : memref<80x128xf32, #tpu.memory_space<vmem>>) target(%dma_start3A_259 : memref<10112x128xf32, #tpu.memory_space<vmem_shared>>) offsets(%dma_start3A_256 : memref<80xi32, #tpu.memory_space<vmem>>) semaphore(%arg15 : memref<!tpu.dma_semaphore, #tpu.memory_space<semaphore_mem>>) {add = true}
      %dma_wait3A_260 = arith.constant 0 : i32
      %dma_wait3A_261 = arith.constant 0 : i32
      %dma_wait3A_262 = tpu.memref_slice %arg7[%dma_wait3A_260, %dma_wait3A_261] : memref<64x80xi32, #tpu.memory_space<vmem>> -> memref<1x80xi32, #tpu.memory_space<vmem>>
      %dma_wait3A_263 = tpu.memref_squeeze %dma_wait3A_262 : memref<1x80xi32, #tpu.memory_space<vmem>> -> memref<80xi32, #tpu.memory_space<vmem>>
      %dma_wait3A_264 = arith.constant 0 : i32
      %dma_wait3A_265 = arith.constant 0 : i32
      %dma_wait3A_266 = tpu.memref_slice %arg11[%dma_wait3A_264, %dma_wait3A_265] : memref<10112x128xf32, #tpu.memory_space<vmem_shared>> -> memref<10112x128xf32, #tpu.memory_space<vmem_shared>>
      tpu.wait_indirect_dma semaphore(%arg17 : memref<!tpu.dma_semaphore, #tpu.memory_space<semaphore_mem>>) src(%arg10 : memref<80x128xf32, #tpu.memory_space<vmem>>) dst(%dma_wait3A_266 : memref<10112x128xf32, #tpu.memory_space<vmem_shared>>)
      %add3A_267 = arith.constant 2 : i32
      %add3A_268 = arith.addi %add3A_243, %add3A_267 : i32
      %mul3A_269 = arith.constant 80 : i32
      %mul3A_270 = arith.muli %add3A_268, %mul3A_269 : i32
      %dma_start3A_271 = tpu.memref_slice %arg6[%mul3A_270] : memref<10000xi32, #tpu.memory_space<vmem>> -> memref<80xi32, #tpu.memory_space<vmem>>
      %dma_start3A_272 = arith.constant 0 : i32
      %dma_start3A_273 = arith.constant 0 : i32
      %dma_start3A_274 = tpu.memref_slice %arg2[%dma_start3A_272, %dma_start3A_273] : memref<10240x128xf32, #tpu.memory_space<hbm>> -> memref<10240x128xf32, #tpu.memory_space<hbm>>
      tpu.enqueue_indirect_dma source(%dma_start3A_274 : memref<10240x128xf32, #tpu.memory_space<hbm>>) target(%arg10 : memref<80x128xf32, #tpu.memory_space<vmem>>) offsets(%dma_start3A_271 : memref<80xi32, #tpu.memory_space<vmem>>) semaphore(%arg14 : memref<!tpu.dma_semaphore, #tpu.memory_space<semaphore_mem>>)
      %scan3A_275 = arith.constant 0 : i32
      scf.yield %scan3A_275 : i32
    }
    %scan3A_81 = arith.constant 19 : i32
    %dma_wait3A_82 = arith.constant 0 : i32
    %dma_wait3A_83 = arith.constant 0 : i32
    %dma_wait3A_84 = tpu.memref_slice %arg2[%dma_wait3A_82, %dma_wait3A_83] : memref<10240x128xf32, #tpu.memory_space<hbm>> -> memref<80x128xf32, #tpu.memory_space<hbm>>
    %dma_wait3A_85 = arith.constant 0 : i32
    %dma_wait3A_86 = arith.constant 0 : i32
    %dma_wait3A_87 = tpu.memref_slice %arg2[%dma_wait3A_85, %dma_wait3A_86] : memref<10240x128xf32, #tpu.memory_space<hbm>> -> memref<80x128xf32, #tpu.memory_space<hbm>>
    tpu.wait_dma2 semaphore(%arg13 : memref<!tpu.dma_semaphore, #tpu.memory_space<semaphore_mem>>) src(%dma_wait3A_87 : memref<80x128xf32, #tpu.memory_space<hbm>>) dst(%arg9 : memref<80x128xf32, #tpu.memory_space<vmem>>)
    %dma_start3A_88 = arith.constant 57 : i32
    %dma_start3A_89 = arith.constant 0 : i32
    %dma_start3A_90 = tpu.memref_slice %arg7[%dma_start3A_88, %dma_start3A_89] : memref<64x80xi32, #tpu.memory_space<vmem>> -> memref<1x80xi32, #tpu.memory_space<vmem>>
    %dma_start3A_91 = tpu.memref_squeeze %dma_start3A_90 : memref<1x80xi32, #tpu.memory_space<vmem>> -> memref<80xi32, #tpu.memory_space<vmem>>
    %dma_start3A_92 = arith.constant 0 : i32
    %dma_start3A_93 = arith.constant 0 : i32
    %dma_start3A_94 = tpu.memref_slice %arg11[%dma_start3A_92, %dma_start3A_93] : memref<10112x128xf32, #tpu.memory_space<vmem_shared>> -> memref<10112x128xf32, #tpu.memory_space<vmem_shared>>
    tpu.enqueue_indirect_dma source(%arg9 : memref<80x128xf32, #tpu.memory_space<vmem>>) target(%dma_start3A_94 : memref<10112x128xf32, #tpu.memory_space<vmem_shared>>) offsets(%dma_start3A_91 : memref<80xi32, #tpu.memory_space<vmem>>) semaphore(%arg16 : memref<!tpu.dma_semaphore, #tpu.memory_space<semaphore_mem>>) {add = true}
    %dma_wait3A_95 = arith.constant 0 : i32
    %dma_wait3A_96 = arith.constant 0 : i32
    %dma_wait3A_97 = tpu.memref_slice %arg7[%dma_wait3A_95, %dma_wait3A_96] : memref<64x80xi32, #tpu.memory_space<vmem>> -> memref<1x80xi32, #tpu.memory_space<vmem>>
    %dma_wait3A_98 = tpu.memref_squeeze %dma_wait3A_97 : memref<1x80xi32, #tpu.memory_space<vmem>> -> memref<80xi32, #tpu.memory_space<vmem>>
    %dma_wait3A_99 = arith.constant 0 : i32
    %dma_wait3A_100 = arith.constant 0 : i32
    %dma_wait3A_101 = tpu.memref_slice %arg11[%dma_wait3A_99, %dma_wait3A_100] : memref<10112x128xf32, #tpu.memory_space<vmem_shared>> -> memref<10112x128xf32, #tpu.memory_space<vmem_shared>>
    tpu.wait_indirect_dma semaphore(%arg15 : memref<!tpu.dma_semaphore, #tpu.memory_space<semaphore_mem>>) src(%arg8 : memref<80x128xf32, #tpu.memory_space<vmem>>) dst(%dma_wait3A_101 : memref<10112x128xf32, #tpu.memory_space<vmem_shared>>)
    %dma_start3A_102 = arith.constant 9840 : i32
    %dma_start3A_103 = tpu.memref_slice %arg6[%dma_start3A_102] : memref<10000xi32, #tpu.memory_space<vmem>> -> memref<80xi32, #tpu.memory_space<vmem>>
    %dma_start3A_104 = arith.constant 0 : i32
    %dma_start3A_105 = arith.constant 0 : i32
    %dma_start3A_106 = tpu.memref_slice %arg2[%dma_start3A_104, %dma_start3A_105] : memref<10240x128xf32, #tpu.memory_space<hbm>> -> memref<10240x128xf32, #tpu.memory_space<hbm>>
    tpu.enqueue_indirect_dma source(%dma_start3A_106 : memref<10240x128xf32, #tpu.memory_space<hbm>>) target(%arg8 : memref<80x128xf32, #tpu.memory_space<vmem>>) offsets(%dma_start3A_103 : memref<80xi32, #tpu.memory_space<vmem>>) semaphore(%arg12 : memref<!tpu.dma_semaphore, #tpu.memory_space<semaphore_mem>>)
    %dma_wait3A_107 = arith.constant 0 : i32
    %dma_wait3A_108 = arith.constant 0 : i32
    %dma_wait3A_109 = tpu.memref_slice %arg2[%dma_wait3A_107, %dma_wait3A_108] : memref<10240x128xf32, #tpu.memory_space<hbm>> -> memref<80x128xf32, #tpu.memory_space<hbm>>
    %dma_wait3A_110 = arith.constant 0 : i32
    %dma_wait3A_111 = arith.constant 0 : i32
    %dma_wait3A_112 = tpu.memref_slice %arg2[%dma_wait3A_110, %dma_wait3A_111] : memref<10240x128xf32, #tpu.memory_space<hbm>> -> memref<80x128xf32, #tpu.memory_space<hbm>>
    tpu.wait_dma2 semaphore(%arg14 : memref<!tpu.dma_semaphore, #tpu.memory_space<semaphore_mem>>) src(%dma_wait3A_112 : memref<80x128xf32, #tpu.memory_space<hbm>>) dst(%arg10 : memref<80x128xf32, #tpu.memory_space<vmem>>)
    %dma_start3A_113 = arith.constant 58 : i32
    %dma_start3A_114 = arith.constant 0 : i32
    %dma_start3A_115 = tpu.memref_slice %arg7[%dma_start3A_113, %dma_start3A_114] : memref<64x80xi32, #tpu.memory_space<vmem>> -> memref<1x80xi32, #tpu.memory_space<vmem>>
    %dma_start3A_116 = tpu.memref_squeeze %dma_start3A_115 : memref<1x80xi32, #tpu.memory_space<vmem>> -> memref<80xi32, #tpu.memory_space<vmem>>
    %dma_start3A_117 = arith.constant 0 : i32
    %dma_start3A_118 = arith.constant 0 : i32
    %dma_start3A_119 = tpu.memref_slice %arg11[%dma_start3A_117, %dma_start3A_118] : memref<10112x128xf32, #tpu.memory_space<vmem_shared>> -> memref<10112x128xf32, #tpu.memory_space<vmem_shared>>
    tpu.enqueue_indirect_dma source(%arg10 : memref<80x128xf32, #tpu.memory_space<vmem>>) target(%dma_start3A_119 : memref<10112x128xf32, #tpu.memory_space<vmem_shared>>) offsets(%dma_start3A_116 : memref<80xi32, #tpu.memory_space<vmem>>) semaphore(%arg17 : memref<!tpu.dma_semaphore, #tpu.memory_space<semaphore_mem>>) {add = true}
    %dma_wait3A_120 = arith.constant 0 : i32
    %dma_wait3A_121 = arith.constant 0 : i32
    %dma_wait3A_122 = tpu.memref_slice %arg7[%dma_wait3A_120, %dma_wait3A_121] : memref<64x80xi32, #tpu.memory_space<vmem>> -> memref<1x80xi32, #tpu.memory_space<vmem>>
    %dma_wait3A_123 = tpu.memref_squeeze %dma_wait3A_122 : memref<1x80xi32, #tpu.memory_space<vmem>> -> memref<80xi32, #tpu.memory_space<vmem>>
    %dma_wait3A_124 = arith.constant 0 : i32
    %dma_wait3A_125 = arith.constant 0 : i32
    %dma_wait3A_126 = tpu.memref_slice %arg11[%dma_wait3A_124, %dma_wait3A_125] : memref<10112x128xf32, #tpu.memory_space<vmem_shared>> -> memref<10112x128xf32, #tpu.memory_space<vmem_shared>>
    tpu.wait_indirect_dma semaphore(%arg16 : memref<!tpu.dma_semaphore, #tpu.memory_space<semaphore_mem>>) src(%arg9 : memref<80x128xf32, #tpu.memory_space<vmem>>) dst(%dma_wait3A_126 : memref<10112x128xf32, #tpu.memory_space<vmem_shared>>)
    %dma_start3A_127 = arith.constant 9920 : i32
    %dma_start3A_128 = tpu.memref_slice %arg6[%dma_start3A_127] : memref<10000xi32, #tpu.memory_space<vmem>> -> memref<80xi32, #tpu.memory_space<vmem>>
    %dma_start3A_129 = arith.constant 0 : i32
    %dma_start3A_130 = arith.constant 0 : i32
    %dma_start3A_131 = tpu.memref_slice %arg2[%dma_start3A_129, %dma_start3A_130] : memref<10240x128xf32, #tpu.memory_space<hbm>> -> memref<10240x128xf32, #tpu.memory_space<hbm>>
    tpu.enqueue_indirect_dma source(%dma_start3A_131 : memref<10240x128xf32, #tpu.memory_space<hbm>>) target(%arg9 : memref<80x128xf32, #tpu.memory_space<vmem>>) offsets(%dma_start3A_128 : memref<80xi32, #tpu.memory_space<vmem>>) semaphore(%arg13 : memref<!tpu.dma_semaphore, #tpu.memory_space<semaphore_mem>>)
    %dma_wait3A_132 = arith.constant 0 : i32
    %dma_wait3A_133 = arith.constant 0 : i32
    %dma_wait3A_134 = tpu.memref_slice %arg2[%dma_wait3A_132, %dma_wait3A_133] : memref<10240x128xf32, #tpu.memory_space<hbm>> -> memref<80x128xf32, #tpu.memory_space<hbm>>
    %dma_wait3A_135 = arith.constant 0 : i32
    %dma_wait3A_136 = arith.constant 0 : i32
    %dma_wait3A_137 = tpu.memref_slice %arg2[%dma_wait3A_135, %dma_wait3A_136] : memref<10240x128xf32, #tpu.memory_space<hbm>> -> memref<80x128xf32, #tpu.memory_space<hbm>>
    tpu.wait_dma2 semaphore(%arg12 : memref<!tpu.dma_semaphore, #tpu.memory_space<semaphore_mem>>) src(%dma_wait3A_137 : memref<80x128xf32, #tpu.memory_space<hbm>>) dst(%arg8 : memref<80x128xf32, #tpu.memory_space<vmem>>)
    %dma_start3A_138 = arith.constant 59 : i32
    %dma_start3A_139 = arith.constant 0 : i32
    %dma_start3A_140 = tpu.memref_slice %arg7[%dma_start3A_138, %dma_start3A_139] : memref<64x80xi32, #tpu.memory_space<vmem>> -> memref<1x80xi32, #tpu.memory_space<vmem>>
    %dma_start3A_141 = tpu.memref_squeeze %dma_start3A_140 : memref<1x80xi32, #tpu.memory_space<vmem>> -> memref<80xi32, #tpu.memory_space<vmem>>
    %dma_start3A_142 = arith.constant 0 : i32
    %dma_start3A_143 = arith.constant 0 : i32
    %dma_start3A_144 = tpu.memref_slice %arg11[%dma_start3A_142, %dma_start3A_143] : memref<10112x128xf32, #tpu.memory_space<vmem_shared>> -> memref<10112x128xf32, #tpu.memory_space<vmem_shared>>
    tpu.enqueue_indirect_dma source(%arg8 : memref<80x128xf32, #tpu.memory_space<vmem>>) target(%dma_start3A_144 : memref<10112x128xf32, #tpu.memory_space<vmem_shared>>) offsets(%dma_start3A_141 : memref<80xi32, #tpu.memory_space<vmem>>) semaphore(%arg15 : memref<!tpu.dma_semaphore, #tpu.memory_space<semaphore_mem>>) {add = true}
    %dma_wait3A_145 = arith.constant 0 : i32
    %dma_wait3A_146 = arith.constant 0 : i32
    %dma_wait3A_147 = tpu.memref_slice %arg7[%dma_wait3A_145, %dma_wait3A_146] : memref<64x80xi32, #tpu.memory_space<vmem>> -> memref<1x80xi32, #tpu.memory_space<vmem>>
    %dma_wait3A_148 = tpu.memref_squeeze %dma_wait3A_147 : memref<1x80xi32, #tpu.memory_space<vmem>> -> memref<80xi32, #tpu.memory_space<vmem>>
    %dma_wait3A_149 = arith.constant 0 : i32
    %dma_wait3A_150 = arith.constant 0 : i32
    %dma_wait3A_151 = tpu.memref_slice %arg11[%dma_wait3A_149, %dma_wait3A_150] : memref<10112x128xf32, #tpu.memory_space<vmem_shared>> -> memref<10112x128xf32, #tpu.memory_space<vmem_shared>>
    tpu.wait_indirect_dma semaphore(%arg17 : memref<!tpu.dma_semaphore, #tpu.memory_space<semaphore_mem>>) src(%arg10 : memref<80x128xf32, #tpu.memory_space<vmem>>) dst(%dma_wait3A_151 : memref<10112x128xf32, #tpu.memory_space<vmem_shared>>)
    %dma_wait3A_152 = arith.constant 0 : i32
    %dma_wait3A_153 = arith.constant 0 : i32
    %dma_wait3A_154 = tpu.memref_slice %arg2[%dma_wait3A_152, %dma_wait3A_153] : memref<10240x128xf32, #tpu.memory_space<hbm>> -> memref<80x128xf32, #tpu.memory_space<hbm>>
    %dma_wait3A_155 = arith.constant 0 : i32
    %dma_wait3A_156 = arith.constant 0 : i32
    %dma_wait3A_157 = tpu.memref_slice %arg2[%dma_wait3A_155, %dma_wait3A_156] : memref<10240x128xf32, #tpu.memory_space<hbm>> -> memref<80x128xf32, #tpu.memory_space<hbm>>
    tpu.wait_dma2 semaphore(%arg13 : memref<!tpu.dma_semaphore, #tpu.memory_space<semaphore_mem>>) src(%dma_wait3A_157 : memref<80x128xf32, #tpu.memory_space<hbm>>) dst(%arg9 : memref<80x128xf32, #tpu.memory_space<vmem>>)
    %dma_start3A_158 = arith.constant 60 : i32
    %dma_start3A_159 = arith.constant 0 : i32
    %dma_start3A_160 = tpu.memref_slice %arg7[%dma_start3A_158, %dma_start3A_159] : memref<64x80xi32, #tpu.memory_space<vmem>> -> memref<1x80xi32, #tpu.memory_space<vmem>>
    %dma_start3A_161 = tpu.memref_squeeze %dma_start3A_160 : memref<1x80xi32, #tpu.memory_space<vmem>> -> memref<80xi32, #tpu.memory_space<vmem>>
    %dma_start3A_162 = arith.constant 0 : i32
    %dma_start3A_163 = arith.constant 0 : i32
    %dma_start3A_164 = tpu.memref_slice %arg11[%dma_start3A_162, %dma_start3A_163] : memref<10112x128xf32, #tpu.memory_space<vmem_shared>> -> memref<10112x128xf32, #tpu.memory_space<vmem_shared>>
    tpu.enqueue_indirect_dma source(%arg9 : memref<80x128xf32, #tpu.memory_space<vmem>>) target(%dma_start3A_164 : memref<10112x128xf32, #tpu.memory_space<vmem_shared>>) offsets(%dma_start3A_161 : memref<80xi32, #tpu.memory_space<vmem>>) semaphore(%arg16 : memref<!tpu.dma_semaphore, #tpu.memory_space<semaphore_mem>>) {add = true}
    %dma_wait3A_165 = arith.constant 0 : i32
    %dma_wait3A_166 = arith.constant 0 : i32
    %dma_wait3A_167 = tpu.memref_slice %arg7[%dma_wait3A_165, %dma_wait3A_166] : memref<64x80xi32, #tpu.memory_space<vmem>> -> memref<1x80xi32, #tpu.memory_space<vmem>>
    %dma_wait3A_168 = tpu.memref_squeeze %dma_wait3A_167 : memref<1x80xi32, #tpu.memory_space<vmem>> -> memref<80xi32, #tpu.memory_space<vmem>>
    %dma_wait3A_169 = arith.constant 0 : i32
    %dma_wait3A_170 = arith.constant 0 : i32
    %dma_wait3A_171 = tpu.memref_slice %arg11[%dma_wait3A_169, %dma_wait3A_170] : memref<10112x128xf32, #tpu.memory_space<vmem_shared>> -> memref<10112x128xf32, #tpu.memory_space<vmem_shared>>
    tpu.wait_indirect_dma semaphore(%arg15 : memref<!tpu.dma_semaphore, #tpu.memory_space<semaphore_mem>>) src(%arg8 : memref<80x128xf32, #tpu.memory_space<vmem>>) dst(%dma_wait3A_171 : memref<10112x128xf32, #tpu.memory_space<vmem_shared>>)
    %dma_wait3A_172 = arith.constant 0 : i32
    %dma_wait3A_173 = arith.constant 0 : i32
    %dma_wait3A_174 = tpu.memref_slice %arg7[%dma_wait3A_172, %dma_wait3A_173] : memref<64x80xi32, #tpu.memory_space<vmem>> -> memref<1x80xi32, #tpu.memory_space<vmem>>
    %dma_wait3A_175 = tpu.memref_squeeze %dma_wait3A_174 : memref<1x80xi32, #tpu.memory_space<vmem>> -> memref<80xi32, #tpu.memory_space<vmem>>
    %dma_wait3A_176 = arith.constant 0 : i32
    %dma_wait3A_177 = arith.constant 0 : i32
    %dma_wait3A_178 = tpu.memref_slice %arg11[%dma_wait3A_176, %dma_wait3A_177] : memref<10112x128xf32, #tpu.memory_space<vmem_shared>> -> memref<10112x128xf32, #tpu.memory_space<vmem_shared>>
    tpu.wait_indirect_dma semaphore(%arg16 : memref<!tpu.dma_semaphore, #tpu.memory_space<semaphore_mem>>) src(%arg9 : memref<80x128xf32, #tpu.memory_space<vmem>>) dst(%dma_wait3A_178 : memref<10112x128xf32, #tpu.memory_space<vmem_shared>>)
    %barrier3A_179 = arith.constant 0 : index
    tpu.barrier barrier_id(%barrier3A_179)
    "tpu.region"() ({
      %run_scoped3A = tpu.sem_alloc : memref<!tpu.dma_semaphore, #tpu.memory_space<semaphore_mem>>
      %dma_start3A_180 = arith.constant 0 : i32
      %dma_start3A_181 = tpu.memref_slice %arg5[%arg0, %mul3A_20, %dma_start3A_180] : memref<2x10240x128xf32, #tpu.memory_space<hbm>> -> memref<1x632x128xf32, #tpu.memory_space<hbm>>
      %dma_start3A_182 = tpu.memref_squeeze %dma_start3A_181 : memref<1x632x128xf32, #tpu.memory_space<hbm>> -> memref<632x128xf32, #tpu.memory_space<hbm>>
      %dma_start3A_183 = arith.constant 0 : i32
      %dma_start3A_184 = tpu.memref_slice %arg11[%mul3A_20, %dma_start3A_183] : memref<10112x128xf32, #tpu.memory_space<vmem_shared>> -> memref<632x128xf32, #tpu.memory_space<vmem_shared>>
      tpu.enqueue_dma source(%dma_start3A_184 : memref<632x128xf32, #tpu.memory_space<vmem_shared>>) target(%dma_start3A_182 : memref<632x128xf32, #tpu.memory_space<hbm>>) target_semaphore(%run_scoped3A : memref<!tpu.dma_semaphore, #tpu.memory_space<semaphore_mem>>)
      %dma_wait3A_185 = arith.constant 0 : i32
      %dma_wait3A_186 = tpu.memref_slice %arg5[%arg0, %mul3A_20, %dma_wait3A_185] : memref<2x10240x128xf32, #tpu.memory_space<hbm>> -> memref<1x632x128xf32, #tpu.memory_space<hbm>>
      %dma_wait3A_187 = tpu.memref_squeeze %dma_wait3A_186 : memref<1x632x128xf32, #tpu.memory_space<hbm>> -> memref<632x128xf32, #tpu.memory_space<hbm>>
      %dma_wait3A_188 = arith.constant 0 : i32
      %dma_wait3A_189 = tpu.memref_slice %arg11[%mul3A_20, %dma_wait3A_188] : memref<10112x128xf32, #tpu.memory_space<vmem_shared>> -> memref<632x128xf32, #tpu.memory_space<vmem_shared>>
      tpu.wait_dma2 semaphore(%run_scoped3A : memref<!tpu.dma_semaphore, #tpu.memory_space<semaphore_mem>>) src(%dma_wait3A_189 : memref<632x128xf32, #tpu.memory_space<vmem_shared>>) dst(%dma_wait3A_187 : memref<632x128xf32, #tpu.memory_space<hbm>>)
      tpu.yield
    }) : () -> ()
    return
  }
}

#map = affine_map<(d0, d1) -> (0)>
#map1 = affine_map<(d0, d1) -> (0, 0, 0, 0)>
module attributes {stable_mosaic.version = 14 : i64} {
  func.func @_degree_kernel(%arg0: i32, %arg1: i32, %arg2: memref<320000xi32, #tpu.memory_space<hbm>>, %arg3: memref<320000xi32, #tpu.memory_space<hbm>>, %arg4: memref<32x2x80x128xf32, #tpu.memory_space<hbm>>, %arg5: memref<10000xi32, #tpu.memory_space<vmem>>, %arg6: memref<10000xi32, #tpu.memory_space<vmem>>, %arg7: memref<80x128xf32, #tpu.memory_space<vmem>>, %arg8: memref<80x128xf32, #tpu.memory_space<vmem>>) attributes {dimension_semantics = [#tpu.dimension_semantics<core_parallel>, #tpu.dimension_semantics<subcore_parallel>], iteration_bounds = array<i64: 2, 16>, scalar_prefetch = 0 : i64, scratch_operands = 4 : i64, tpu.core_type = #tpu.core_type<sc_vector_subcore>, window_params = [{transform_indices = #map}, {transform_indices = #map}, {transform_indices = #map1}]} {
    %mul3A = arith.constant 16 : i32
    %mul3A_0 = arith.muli %arg0, %mul3A : i32
    %add3A = arith.addi %mul3A_0, %arg1 : i32
    %broadcast_in_dim3A = arith.constant 1.000000e+00 : f32
    %broadcast_in_dim3A_1 = vector.broadcast %broadcast_in_dim3A : f32 to vector<16xf32>
    %broadcast_in_dim3A_2 = arith.constant 0.000000e+00 : f32
    %broadcast_in_dim3A_3 = vector.broadcast %broadcast_in_dim3A_2 : f32 to vector<16xf32>
    %mul3A_4 = arith.constant 10000 : i32
    %mul3A_5 = arith.muli %add3A, %mul3A_4 : i32
    "tpu.region"() ({
      %run_scoped3A_22 = tpu.sem_alloc : memref<!tpu.dma_semaphore, #tpu.memory_space<semaphore_mem>>
      %dma_start3A = tpu.memref_slice %arg2[%mul3A_5] : memref<320000xi32, #tpu.memory_space<hbm>> -> memref<10000xi32, #tpu.memory_space<hbm>>
      %dma_start3A_23 = tpu.memref_slice %arg2[%mul3A_5] : memref<320000xi32, #tpu.memory_space<hbm>> -> memref<10000xi32, #tpu.memory_space<hbm>>
      tpu.enqueue_dma source(%dma_start3A_23 : memref<10000xi32, #tpu.memory_space<hbm>>) target(%arg5 : memref<10000xi32, #tpu.memory_space<vmem>>) target_semaphore(%run_scoped3A_22 : memref<!tpu.dma_semaphore, #tpu.memory_space<semaphore_mem>>)
      %dma_wait3A = tpu.memref_slice %arg2[%mul3A_5] : memref<320000xi32, #tpu.memory_space<hbm>> -> memref<10000xi32, #tpu.memory_space<hbm>>
      %dma_wait3A_24 = tpu.memref_slice %arg2[%mul3A_5] : memref<320000xi32, #tpu.memory_space<hbm>> -> memref<10000xi32, #tpu.memory_space<hbm>>
      tpu.wait_dma2 semaphore(%run_scoped3A_22 : memref<!tpu.dma_semaphore, #tpu.memory_space<semaphore_mem>>) src(%dma_wait3A_24 : memref<10000xi32, #tpu.memory_space<hbm>>) dst(%arg5 : memref<10000xi32, #tpu.memory_space<vmem>>)
      tpu.yield
    }) : () -> ()
    %mul3A_6 = arith.constant 10000 : i32
    %mul3A_7 = arith.muli %add3A, %mul3A_6 : i32
    "tpu.region"() ({
      %run_scoped3A_22 = tpu.sem_alloc : memref<!tpu.dma_semaphore, #tpu.memory_space<semaphore_mem>>
      %dma_start3A = tpu.memref_slice %arg3[%mul3A_7] : memref<320000xi32, #tpu.memory_space<hbm>> -> memref<10000xi32, #tpu.memory_space<hbm>>
      %dma_start3A_23 = tpu.memref_slice %arg3[%mul3A_7] : memref<320000xi32, #tpu.memory_space<hbm>> -> memref<10000xi32, #tpu.memory_space<hbm>>
      tpu.enqueue_dma source(%dma_start3A_23 : memref<10000xi32, #tpu.memory_space<hbm>>) target(%arg6 : memref<10000xi32, #tpu.memory_space<vmem>>) target_semaphore(%run_scoped3A_22 : memref<!tpu.dma_semaphore, #tpu.memory_space<semaphore_mem>>)
      %dma_wait3A = tpu.memref_slice %arg3[%mul3A_7] : memref<320000xi32, #tpu.memory_space<hbm>> -> memref<10000xi32, #tpu.memory_space<hbm>>
      %dma_wait3A_24 = tpu.memref_slice %arg3[%mul3A_7] : memref<320000xi32, #tpu.memory_space<hbm>> -> memref<10000xi32, #tpu.memory_space<hbm>>
      tpu.wait_dma2 semaphore(%run_scoped3A_22 : memref<!tpu.dma_semaphore, #tpu.memory_space<semaphore_mem>>) src(%dma_wait3A_24 : memref<10000xi32, #tpu.memory_space<hbm>>) dst(%arg6 : memref<10000xi32, #tpu.memory_space<vmem>>)
      tpu.yield
    }) : () -> ()
    %scan3A = arith.constant 0 : i32
    %scan3A_8 = arith.constant 0 : i32
    %scan3A_9 = arith.constant 640 : i32
    %scan3A_10 = arith.addi %scan3A_8, %scan3A_9 : i32
    %scan3A_11 = arith.constant 1 : i32
    %scan3A_12 = scf.for %scan3A_22 = %scan3A_8 to %scan3A_10 step %scan3A_11 iter_args(%scan3A_23 = %scan3A) -> (i32)  : i32 {
      %jit3A = arith.constant 8 : i32
      %div3A = arith.divsi %scan3A_22, %jit3A : i32
      %sign3A = arith.constant 0 : i32
      %sign3A_24 = arith.cmpi sgt, %scan3A_22, %sign3A : i32
      %sign3A_25 = arith.extui %sign3A_24 : i1 to i32
      %sign3A_26 = arith.constant 0 : i32
      %sign3A_27 = arith.cmpi slt, %scan3A_22, %sign3A_26 : i32
      %sign3A_28 = arith.extui %sign3A_27 : i1 to i32
      %sign3A_29 = arith.subi %sign3A_25, %sign3A_28 : i32
      %sign3A_30 = arith.constant 0 : i32
      %sign3A_31 = arith.cmpi sgt, %jit3A, %sign3A_30 : i32
      %sign3A_32 = arith.extui %sign3A_31 : i1 to i32
      %sign3A_33 = arith.constant 0 : i32
      %sign3A_34 = arith.cmpi slt, %jit3A, %sign3A_33 : i32
      %sign3A_35 = arith.extui %sign3A_34 : i1 to i32
      %sign3A_36 = arith.subi %sign3A_32, %sign3A_35 : i32
      %ne3A = arith.cmpi ne, %sign3A_29, %sign3A_36 : i32
      %rem3A = arith.remsi %scan3A_22, %jit3A : i32
      %ne3A_37 = arith.constant 0 : i32
      %ne3A_38 = arith.cmpi ne, %rem3A, %ne3A_37 : i32
      %and3A = arith.andi %ne3A, %ne3A_38 : i1
      %sub3A = arith.constant 1 : i32
      %sub3A_39 = arith.subi %div3A, %sub3A : i32
      %select_n3A = arith.select %and3A, %sub3A_39, %div3A : i32
      %jit3A_40 = arith.constant 8 : i32
      %eq3A = arith.constant 0 : i32
      %eq3A_41 = arith.cmpi eq, %jit3A_40, %eq3A : i32
      %jit3A_42 = arith.constant 1 : i32
      %select_n3A_43 = arith.select %eq3A_41, %jit3A_42, %jit3A_40 : i32
      %rem3A_44 = arith.remsi %scan3A_22, %select_n3A_43 : i32
      %ne3A_45 = arith.constant 0 : i32
      %ne3A_46 = arith.cmpi ne, %rem3A_44, %ne3A_45 : i32
      %lt3A = arith.constant 0 : i32
      %lt3A_47 = arith.cmpi slt, %rem3A_44, %lt3A : i32
      %lt3A_48 = arith.constant 0 : i32
      %lt3A_49 = arith.cmpi slt, %select_n3A_43, %lt3A_48 : i32
      %ne3A_50 = arith.xori %lt3A_47, %lt3A_49 : i1
      %and3A_51 = arith.andi %ne3A_50, %ne3A_46 : i1
      %add3A_52 = arith.addi %rem3A_44, %select_n3A_43 : i32
      %select_n3A_53 = arith.select %and3A_51, %add3A_52, %rem3A_44 : i32
      %mul3A_54 = arith.constant 16 : i32
      %mul3A_55 = arith.muli %select_n3A_53, %mul3A_54 : i32
      %swap3A = arith.index_cast %select_n3A : i32 to index
      %swap3A_56 = arith.index_cast %mul3A_55 : i32 to index
      %swap3A_57 = tpu.vector_load %arg7[%swap3A, %swap3A_56] {strides = array<i32>} : memref<80x128xf32, #tpu.memory_space<vmem>>, vector<16xf32>,
      tpu.vector_store %arg7[%swap3A, %swap3A_56], %broadcast_in_dim3A_3 {strides = array<i32>} : memref<80x128xf32, #tpu.memory_space<vmem>>, vector<16xf32>,
      %jit3A_58 = arith.constant 8 : i32
      %div3A_59 = arith.divsi %scan3A_22, %jit3A_58 : i32
      %sign3A_60 = arith.constant 0 : i32
      %sign3A_61 = arith.cmpi sgt, %scan3A_22, %sign3A_60 : i32
      %sign3A_62 = arith.extui %sign3A_61 : i1 to i32
      %sign3A_63 = arith.constant 0 : i32
      %sign3A_64 = arith.cmpi slt, %scan3A_22, %sign3A_63 : i32
      %sign3A_65 = arith.extui %sign3A_64 : i1 to i32
      %sign3A_66 = arith.subi %sign3A_62, %sign3A_65 : i32
      %sign3A_67 = arith.constant 0 : i32
      %sign3A_68 = arith.cmpi sgt, %jit3A_58, %sign3A_67 : i32
      %sign3A_69 = arith.extui %sign3A_68 : i1 to i32
      %sign3A_70 = arith.constant 0 : i32
      %sign3A_71 = arith.cmpi slt, %jit3A_58, %sign3A_70 : i32
      %sign3A_72 = arith.extui %sign3A_71 : i1 to i32
      %sign3A_73 = arith.subi %sign3A_69, %sign3A_72 : i32
      %ne3A_74 = arith.cmpi ne, %sign3A_66, %sign3A_73 : i32
      %rem3A_75 = arith.remsi %scan3A_22, %jit3A_58 : i32
      %ne3A_76 = arith.constant 0 : i32
      %ne3A_77 = arith.cmpi ne, %rem3A_75, %ne3A_76 : i32
      %and3A_78 = arith.andi %ne3A_74, %ne3A_77 : i1
      %sub3A_79 = arith.constant 1 : i32
      %sub3A_80 = arith.subi %div3A_59, %sub3A_79 : i32
      %select_n3A_81 = arith.select %and3A_78, %sub3A_80, %div3A_59 : i32
      %jit3A_82 = arith.constant 8 : i32
      %eq3A_83 = arith.constant 0 : i32
      %eq3A_84 = arith.cmpi eq, %jit3A_82, %eq3A_83 : i32
      %jit3A_85 = arith.constant 1 : i32
      %select_n3A_86 = arith.select %eq3A_84, %jit3A_85, %jit3A_82 : i32
      %rem3A_87 = arith.remsi %scan3A_22, %select_n3A_86 : i32
      %ne3A_88 = arith.constant 0 : i32
      %ne3A_89 = arith.cmpi ne, %rem3A_87, %ne3A_88 : i32
      %lt3A_90 = arith.constant 0 : i32
      %lt3A_91 = arith.cmpi slt, %rem3A_87, %lt3A_90 : i32
      %lt3A_92 = arith.constant 0 : i32
      %lt3A_93 = arith.cmpi slt, %select_n3A_86, %lt3A_92 : i32
      %ne3A_94 = arith.xori %lt3A_91, %lt3A_93 : i1
      %and3A_95 = arith.andi %ne3A_94, %ne3A_89 : i1
      %add3A_96 = arith.addi %rem3A_87, %select_n3A_86 : i32
      %select_n3A_97 = arith.select %and3A_95, %add3A_96, %rem3A_87 : i32
      %mul3A_98 = arith.constant 16 : i32
      %mul3A_99 = arith.muli %select_n3A_97, %mul3A_98 : i32
      %swap3A_100 = arith.index_cast %select_n3A_81 : i32 to index
      %swap3A_101 = arith.index_cast %mul3A_99 : i32 to index
      %swap3A_102 = tpu.vector_load %arg8[%swap3A_100, %swap3A_101] {strides = array<i32>} : memref<80x128xf32, #tpu.memory_space<vmem>>, vector<16xf32>,
      tpu.vector_store %arg8[%swap3A_100, %swap3A_101], %broadcast_in_dim3A_3 {strides = array<i32>} : memref<80x128xf32, #tpu.memory_space<vmem>>, vector<16xf32>,
      %scan3A_103 = arith.constant 0 : i32
      scf.yield %scan3A_103 : i32
    }
    %scan3A_13 = arith.constant 640 : i32
    %scan3A_14 = arith.constant 0 : i32
    %scan3A_15 = arith.constant 0 : i32
    %scan3A_16 = arith.constant 625 : i32
    %scan3A_17 = arith.addi %scan3A_15, %scan3A_16 : i32
    %scan3A_18 = arith.constant 1 : i32
    %scan3A_19 = scf.for %scan3A_22 = %scan3A_15 to %scan3A_17 step %scan3A_18 iter_args(%scan3A_23 = %scan3A_14) -> (i32)  : i32 {
      %mul3A_24 = arith.constant 16 : i32
      %mul3A_25 = arith.muli %scan3A_22, %mul3A_24 : i32
      %get3A = arith.index_cast %mul3A_25 : i32 to index
      %get3A_26 = tpu.vector_load %arg5[%get3A] {strides = array<i32>} : memref<10000xi32, #tpu.memory_space<vmem>>, vector<16xi32>,
      %mul3A_27 = arith.constant 16 : i32
      %mul3A_28 = arith.muli %scan3A_22, %mul3A_27 : i32
      %get3A_29 = arith.index_cast %mul3A_28 : i32 to index
      %get3A_30 = tpu.vector_load %arg6[%get3A_29] {strides = array<i32>} : memref<10000xi32, #tpu.memory_space<vmem>>, vector<16xi32>,
      %shift_right_arithmetic3A = arith.constant 7 : i32
      %shift_right_arithmetic3A_31 = vector.broadcast %shift_right_arithmetic3A : i32 to vector<16xi32>
      %shift_right_arithmetic3A_32 = arith.shrsi %get3A_26, %shift_right_arithmetic3A_31 : vector<16xi32>
      %and3A = arith.constant 127 : i32
      %and3A_33 = vector.broadcast %and3A : i32 to vector<16xi32>
      %and3A_34 = arith.andi %get3A_26, %and3A_33 : vector<16xi32>
      tpu.vector_store_idx %arg7[%shift_right_arithmetic3A_32, %and3A_34], %broadcast_in_dim3A_1 {add = true} : memref<80x128xf32, #tpu.memory_space<vmem>>[vector<16xi32>, vector<16xi32>], vector<16xf32>,
      %shift_right_arithmetic3A_35 = arith.constant 7 : i32
      %shift_right_arithmetic3A_36 = vector.broadcast %shift_right_arithmetic3A_35 : i32 to vector<16xi32>
      %shift_right_arithmetic3A_37 = arith.shrsi %get3A_30, %shift_right_arithmetic3A_36 : vector<16xi32>
      %and3A_38 = arith.constant 127 : i32
      %and3A_39 = vector.broadcast %and3A_38 : i32 to vector<16xi32>
      %and3A_40 = arith.andi %get3A_30, %and3A_39 : vector<16xi32>
      tpu.vector_store_idx %arg8[%shift_right_arithmetic3A_37, %and3A_40], %broadcast_in_dim3A_1 {add = true} : memref<80x128xf32, #tpu.memory_space<vmem>>[vector<16xi32>, vector<16xi32>], vector<16xf32>,
      %scan3A_41 = arith.constant 0 : i32
      scf.yield %scan3A_41 : i32
    }
    %scan3A_20 = arith.constant 625 : i32
    %run_scoped3A = arith.constant 0 : i32
    "tpu.region"() ({
      %run_scoped3A_22 = tpu.sem_alloc : memref<!tpu.dma_semaphore, #tpu.memory_space<semaphore_mem>>
      %dma_start3A = arith.constant 0 : i32
      %dma_start3A_23 = arith.constant 0 : i32
      %dma_start3A_24 = tpu.memref_slice %arg4[%add3A, %run_scoped3A, %dma_start3A, %dma_start3A_23] : memref<32x2x80x128xf32, #tpu.memory_space<hbm>> -> memref<1x1x80x128xf32, #tpu.memory_space<hbm>>
      %dma_start3A_25 = tpu.memref_squeeze %dma_start3A_24 : memref<1x1x80x128xf32, #tpu.memory_space<hbm>> -> memref<80x128xf32, #tpu.memory_space<hbm>>
      %dma_start3A_26 = arith.constant 0 : i32
      %dma_start3A_27 = arith.constant 0 : i32
      %dma_start3A_28 = tpu.memref_slice %arg4[%add3A, %run_scoped3A, %dma_start3A_26, %dma_start3A_27] : memref<32x2x80x128xf32, #tpu.memory_space<hbm>> -> memref<1x1x80x128xf32, #tpu.memory_space<hbm>>
      %dma_start3A_29 = tpu.memref_squeeze %dma_start3A_28 : memref<1x1x80x128xf32, #tpu.memory_space<hbm>> -> memref<80x128xf32, #tpu.memory_space<hbm>>
      tpu.enqueue_dma source(%arg7 : memref<80x128xf32, #tpu.memory_space<vmem>>) target(%dma_start3A_29 : memref<80x128xf32, #tpu.memory_space<hbm>>) target_semaphore(%run_scoped3A_22 : memref<!tpu.dma_semaphore, #tpu.memory_space<semaphore_mem>>)
      %dma_wait3A = arith.constant 0 : i32
      %dma_wait3A_30 = arith.constant 0 : i32
      %dma_wait3A_31 = tpu.memref_slice %arg4[%add3A, %run_scoped3A, %dma_wait3A, %dma_wait3A_30] : memref<32x2x80x128xf32, #tpu.memory_space<hbm>> -> memref<1x1x80x128xf32, #tpu.memory_space<hbm>>
      %dma_wait3A_32 = tpu.memref_squeeze %dma_wait3A_31 : memref<1x1x80x128xf32, #tpu.memory_space<hbm>> -> memref<80x128xf32, #tpu.memory_space<hbm>>
      %dma_wait3A_33 = arith.constant 0 : i32
      %dma_wait3A_34 = arith.constant 0 : i32
      %dma_wait3A_35 = tpu.memref_slice %arg4[%add3A, %run_scoped3A, %dma_wait3A_33, %dma_wait3A_34] : memref<32x2x80x128xf32, #tpu.memory_space<hbm>> -> memref<1x1x80x128xf32, #tpu.memory_space<hbm>>
      %dma_wait3A_36 = tpu.memref_squeeze %dma_wait3A_35 : memref<1x1x80x128xf32, #tpu.memory_space<hbm>> -> memref<80x128xf32, #tpu.memory_space<hbm>>
      tpu.wait_dma2 semaphore(%run_scoped3A_22 : memref<!tpu.dma_semaphore, #tpu.memory_space<semaphore_mem>>) src(%arg7 : memref<80x128xf32, #tpu.memory_space<vmem>>) dst(%dma_wait3A_36 : memref<80x128xf32, #tpu.memory_space<hbm>>)
      tpu.yield
    }) : () -> ()
    %run_scoped3A_21 = arith.constant 1 : i32
    "tpu.region"() ({
      %run_scoped3A_22 = tpu.sem_alloc : memref<!tpu.dma_semaphore, #tpu.memory_space<semaphore_mem>>
      %dma_start3A = arith.constant 0 : i32
      %dma_start3A_23 = arith.constant 0 : i32
      %dma_start3A_24 = tpu.memref_slice %arg4[%add3A, %run_scoped3A_21, %dma_start3A, %dma_start3A_23] : memref<32x2x80x128xf32, #tpu.memory_space<hbm>> -> memref<1x1x80x128xf32, #tpu.memory_space<hbm>>
      %dma_start3A_25 = tpu.memref_squeeze %dma_start3A_24 : memref<1x1x80x128xf32, #tpu.memory_space<hbm>> -> memref<80x128xf32, #tpu.memory_space<hbm>>
      %dma_start3A_26 = arith.constant 0 : i32
      %dma_start3A_27 = arith.constant 0 : i32
      %dma_start3A_28 = tpu.memref_slice %arg4[%add3A, %run_scoped3A_21, %dma_start3A_26, %dma_start3A_27] : memref<32x2x80x128xf32, #tpu.memory_space<hbm>> -> memref<1x1x80x128xf32, #tpu.memory_space<hbm>>
      %dma_start3A_29 = tpu.memref_squeeze %dma_start3A_28 : memref<1x1x80x128xf32, #tpu.memory_space<hbm>> -> memref<80x128xf32, #tpu.memory_space<hbm>>
      tpu.enqueue_dma source(%arg8 : memref<80x128xf32, #tpu.memory_space<vmem>>) target(%dma_start3A_29 : memref<80x128xf32, #tpu.memory_space<hbm>>) target_semaphore(%run_scoped3A_22 : memref<!tpu.dma_semaphore, #tpu.memory_space<semaphore_mem>>)
      %dma_wait3A = arith.constant 0 : i32
      %dma_wait3A_30 = arith.constant 0 : i32
      %dma_wait3A_31 = tpu.memref_slice %arg4[%add3A, %run_scoped3A_21, %dma_wait3A, %dma_wait3A_30] : memref<32x2x80x128xf32, #tpu.memory_space<hbm>> -> memref<1x1x80x128xf32, #tpu.memory_space<hbm>>
      %dma_wait3A_32 = tpu.memref_squeeze %dma_wait3A_31 : memref<1x1x80x128xf32, #tpu.memory_space<hbm>> -> memref<80x128xf32, #tpu.memory_space<hbm>>
      %dma_wait3A_33 = arith.constant 0 : i32
      %dma_wait3A_34 = arith.constant 0 : i32
      %dma_wait3A_35 = tpu.memref_slice %arg4[%add3A, %run_scoped3A_21, %dma_wait3A_33, %dma_wait3A_34] : memref<32x2x80x128xf32, #tpu.memory_space<hbm>> -> memref<1x1x80x128xf32, #tpu.memory_space<hbm>>
      %dma_wait3A_36 = tpu.memref_squeeze %dma_wait3A_35 : memref<1x1x80x128xf32, #tpu.memory_space<hbm>> -> memref<80x128xf32, #tpu.memory_space<hbm>>
      tpu.wait_dma2 semaphore(%run_scoped3A_22 : memref<!tpu.dma_semaphore, #tpu.memory_space<semaphore_mem>>) src(%arg8 : memref<80x128xf32, #tpu.memory_space<vmem>>) dst(%dma_wait3A_36 : memref<80x128xf32, #tpu.memory_space<hbm>>)
      tpu.yield
    }) : () -> ()
    return
  }
}

#map = affine_map<(d0, d1) -> (0, 0)>
#map1 = affine_map<(d0, d1) -> (0)>
#map2 = affine_map<(d0, d1) -> (0, 0, 0)>
module attributes {stable_mosaic.version = 14 : i64} {
  func.func @_spmm_kernel(%arg0: i32, %arg1: i32, %arg2: memref<10240x128xf32, #tpu.memory_space<hbm>>, %arg3: memref<320000xi32, #tpu.memory_space<hbm>>, %arg4: memref<32x128x80xi32, #tpu.memory_space<hbm>>, %arg5: memref<2x10240x128xf32, #tpu.memory_space<hbm>>, %arg6: memref<10000xi32, #tpu.memory_space<vmem>>, %arg7: memref<64x80xi32, #tpu.memory_space<vmem>>, %arg8: memref<80x128xf32, #tpu.memory_space<vmem>>, %arg9: memref<80x128xf32, #tpu.memory_space<vmem>>, %arg10: memref<80x128xf32, #tpu.memory_space<vmem>>, %arg11: memref<10112x128xf32, #tpu.memory_space<vmem_shared>>, %arg12: memref<!tpu.dma_semaphore, #tpu.memory_space<semaphore_mem>>, %arg13: memref<!tpu.dma_semaphore, #tpu.memory_space<semaphore_mem>>, %arg14: memref<!tpu.dma_semaphore, #tpu.memory_space<semaphore_mem>>, %arg15: memref<!tpu.dma_semaphore, #tpu.memory_space<semaphore_mem>>, %arg16: memref<!tpu.dma_semaphore, #tpu.memory_space<semaphore_mem>>, %arg17: memref<!tpu.dma_semaphore, #tpu.memory_space<semaphore_mem>>) attributes {dimension_semantics = [#tpu.dimension_semantics<core_parallel>, #tpu.dimension_semantics<subcore_parallel>], iteration_bounds = array<i64: 2, 16>, scalar_prefetch = 0 : i64, scratch_operands = 12 : i64, tpu.core_type = #tpu.core_type<sc_vector_subcore>, window_params = [{transform_indices = #map}, {transform_indices = #map1}, {transform_indices = #map2}, {transform_indices = #map2}]} {
    %mul3A = arith.constant 16 : i32
    %mul3A_0 = arith.muli %arg0, %mul3A : i32
    %add3A = arith.addi %mul3A_0, %arg1 : i32
    %broadcast_in_dim3A = arith.constant 0.000000e+00 : f32
    %broadcast_in_dim3A_1 = vector.broadcast %broadcast_in_dim3A : f32 to vector<16xf32>
    %mul3A_2 = arith.constant 10000 : i32
    %mul3A_3 = arith.muli %add3A, %mul3A_2 : i32
    "tpu.region"() ({
      %run_scoped3A = tpu.sem_alloc : memref<!tpu.dma_semaphore, #tpu.memory_space<semaphore_mem>>
      %dma_start3A_180 = tpu.memref_slice %arg3[%mul3A_3] : memref<320000xi32, #tpu.memory_space<hbm>> -> memref<10000xi32, #tpu.memory_space<hbm>>
      %dma_start3A_181 = tpu.memref_slice %arg3[%mul3A_3] : memref<320000xi32, #tpu.memory_space<hbm>> -> memref<10000xi32, #tpu.memory_space<hbm>>
      tpu.enqueue_dma source(%dma_start3A_181 : memref<10000xi32, #tpu.memory_space<hbm>>) target(%arg6 : memref<10000xi32, #tpu.memory_space<vmem>>) target_semaphore(%run_scoped3A : memref<!tpu.dma_semaphore, #tpu.memory_space<semaphore_mem>>)
      %dma_wait3A_182 = tpu.memref_slice %arg3[%mul3A_3] : memref<320000xi32, #tpu.memory_space<hbm>> -> memref<10000xi32, #tpu.memory_space<hbm>>
      %dma_wait3A_183 = tpu.memref_slice %arg3[%mul3A_3] : memref<320000xi32, #tpu.memory_space<hbm>> -> memref<10000xi32, #tpu.memory_space<hbm>>
      tpu.wait_dma2 semaphore(%run_scoped3A : memref<!tpu.dma_semaphore, #tpu.memory_space<semaphore_mem>>) src(%dma_wait3A_183 : memref<10000xi32, #tpu.memory_space<hbm>>) dst(%arg6 : memref<10000xi32, #tpu.memory_space<vmem>>)
      tpu.yield
    }) : () -> ()
    %dma_start3A = arith.constant 0 : i32
    %dma_start3A_4 = tpu.memref_slice %arg6[%dma_start3A] : memref<10000xi32, #tpu.memory_space<vmem>> -> memref<80xi32, #tpu.memory_space<vmem>>
    %dma_start3A_5 = arith.constant 0 : i32
    %dma_start3A_6 = arith.constant 0 : i32
    %dma_start3A_7 = tpu.memref_slice %arg2[%dma_start3A_5, %dma_start3A_6] : memref<10240x128xf32, #tpu.memory_space<hbm>> -> memref<10240x128xf32, #tpu.memory_space<hbm>>
    tpu.enqueue_indirect_dma source(%dma_start3A_7 : memref<10240x128xf32, #tpu.memory_space<hbm>>) target(%arg8 : memref<80x128xf32, #tpu.memory_space<vmem>>) offsets(%dma_start3A_4 : memref<80xi32, #tpu.memory_space<vmem>>) semaphore(%arg12 : memref<!tpu.dma_semaphore, #tpu.memory_space<semaphore_mem>>)
    %dma_start3A_8 = arith.constant 80 : i32
    %dma_start3A_9 = tpu.memref_slice %arg6[%dma_start3A_8] : memref<10000xi32, #tpu.memory_space<vmem>> -> memref<80xi32, #tpu.memory_space<vmem>>
    %dma_start3A_10 = arith.constant 0 : i32
    %dma_start3A_11 = arith.constant 0 : i32
    %dma_start3A_12 = tpu.memref_slice %arg2[%dma_start3A_10, %dma_start3A_11] : memref<10240x128xf32, #tpu.memory_space<hbm>> -> memref<10240x128xf32, #tpu.memory_space<hbm>>
    tpu.enqueue_indirect_dma source(%dma_start3A_12 : memref<10240x128xf32, #tpu.memory_space<hbm>>) target(%arg9 : memref<80x128xf32, #tpu.memory_space<vmem>>) offsets(%dma_start3A_9 : memref<80xi32, #tpu.memory_space<vmem>>) semaphore(%arg13 : memref<!tpu.dma_semaphore, #tpu.memory_space<semaphore_mem>>)
    "tpu.region"() ({
      %run_scoped3A = tpu.sem_alloc : memref<!tpu.dma_semaphore, #tpu.memory_space<semaphore_mem>>
      %dma_start3A_180 = arith.constant 0 : i32
      %dma_start3A_181 = arith.constant 0 : i32
      %dma_start3A_182 = tpu.memref_slice %arg4[%add3A, %dma_start3A_180, %dma_start3A_181] : memref<32x128x80xi32, #tpu.memory_space<hbm>> -> memref<1x64x80xi32, #tpu.memory_space<hbm>>
      %dma_start3A_183 = tpu.memref_squeeze %dma_start3A_182 : memref<1x64x80xi32, #tpu.memory_space<hbm>> -> memref<64x80xi32, #tpu.memory_space<hbm>>
      %dma_start3A_184 = arith.constant 0 : i32
      %dma_start3A_185 = arith.constant 0 : i32
      %dma_start3A_186 = tpu.memref_slice %arg4[%add3A, %dma_start3A_184, %dma_start3A_185] : memref<32x128x80xi32, #tpu.memory_space<hbm>> -> memref<1x64x80xi32, #tpu.memory_space<hbm>>
      %dma_start3A_187 = tpu.memref_squeeze %dma_start3A_186 : memref<1x64x80xi32, #tpu.memory_space<hbm>> -> memref<64x80xi32, #tpu.memory_space<hbm>>
      tpu.enqueue_dma source(%dma_start3A_187 : memref<64x80xi32, #tpu.memory_space<hbm>>) target(%arg7 : memref<64x80xi32, #tpu.memory_space<vmem>>) target_semaphore(%run_scoped3A : memref<!tpu.dma_semaphore, #tpu.memory_space<semaphore_mem>>)
      %dma_wait3A_188 = arith.constant 0 : i32
      %dma_wait3A_189 = arith.constant 0 : i32
      %dma_wait3A_190 = tpu.memref_slice %arg4[%add3A, %dma_wait3A_188, %dma_wait3A_189] : memref<32x128x80xi32, #tpu.memory_space<hbm>> -> memref<1x64x80xi32, #tpu.memory_space<hbm>>
      %dma_wait3A_191 = tpu.memref_squeeze %dma_wait3A_190 : memref<1x64x80xi32, #tpu.memory_space<hbm>> -> memref<64x80xi32, #tpu.memory_space<hbm>>
      %dma_wait3A_192 = arith.constant 0 : i32
      %dma_wait3A_193 = arith.constant 0 : i32
      %dma_wait3A_194 = tpu.memref_slice %arg4[%add3A, %dma_wait3A_192, %dma_wait3A_193] : memref<32x128x80xi32, #tpu.memory_space<hbm>> -> memref<1x64x80xi32, #tpu.memory_space<hbm>>
      %dma_wait3A_195 = tpu.memref_squeeze %dma_wait3A_194 : memref<1x64x80xi32, #tpu.memory_space<hbm>> -> memref<64x80xi32, #tpu.memory_space<hbm>>
      tpu.wait_dma2 semaphore(%run_scoped3A : memref<!tpu.dma_semaphore, #tpu.memory_space<semaphore_mem>>) src(%dma_wait3A_195 : memref<64x80xi32, #tpu.memory_space<hbm>>) dst(%arg7 : memref<64x80xi32, #tpu.memory_space<vmem>>)
      tpu.yield
    }) : () -> ()
    %scan3A = arith.constant 0 : i32
    %scan3A_13 = arith.constant 0 : i32
    %scan3A_14 = arith.constant 640 : i32
    %scan3A_15 = arith.addi %scan3A_13, %scan3A_14 : i32
    %scan3A_16 = arith.constant 1 : i32
    %scan3A_17 = scf.for %scan3A_180 = %scan3A_13 to %scan3A_15 step %scan3A_16 iter_args(%scan3A_181 = %scan3A) -> (i32)  : i32 {
      %jit3A = arith.constant 8 : i32
      %div3A = arith.divsi %scan3A_180, %jit3A : i32
      %sign3A = arith.constant 0 : i32
      %sign3A_182 = arith.cmpi sgt, %scan3A_180, %sign3A : i32
      %sign3A_183 = arith.extui %sign3A_182 : i1 to i32
      %sign3A_184 = arith.constant 0 : i32
      %sign3A_185 = arith.cmpi slt, %scan3A_180, %sign3A_184 : i32
      %sign3A_186 = arith.extui %sign3A_185 : i1 to i32
      %sign3A_187 = arith.subi %sign3A_183, %sign3A_186 : i32
      %sign3A_188 = arith.constant 0 : i32
      %sign3A_189 = arith.cmpi sgt, %jit3A, %sign3A_188 : i32
      %sign3A_190 = arith.extui %sign3A_189 : i1 to i32
      %sign3A_191 = arith.constant 0 : i32
      %sign3A_192 = arith.cmpi slt, %jit3A, %sign3A_191 : i32
      %sign3A_193 = arith.extui %sign3A_192 : i1 to i32
      %sign3A_194 = arith.subi %sign3A_190, %sign3A_193 : i32
      %ne3A = arith.cmpi ne, %sign3A_187, %sign3A_194 : i32
      %rem3A = arith.remsi %scan3A_180, %jit3A : i32
      %ne3A_195 = arith.constant 0 : i32
      %ne3A_196 = arith.cmpi ne, %rem3A, %ne3A_195 : i32
      %and3A = arith.andi %ne3A, %ne3A_196 : i1
      %sub3A = arith.constant 1 : i32
      %sub3A_197 = arith.subi %div3A, %sub3A : i32
      %select_n3A = arith.select %and3A, %sub3A_197, %div3A : i32
      %jit3A_198 = arith.constant 8 : i32
      %eq3A = arith.constant 0 : i32
      %eq3A_199 = arith.cmpi eq, %jit3A_198, %eq3A : i32
      %jit3A_200 = arith.constant 1 : i32
      %select_n3A_201 = arith.select %eq3A_199, %jit3A_200, %jit3A_198 : i32
      %rem3A_202 = arith.remsi %scan3A_180, %select_n3A_201 : i32
      %ne3A_203 = arith.constant 0 : i32
      %ne3A_204 = arith.cmpi ne, %rem3A_202, %ne3A_203 : i32
      %lt3A = arith.constant 0 : i32
      %lt3A_205 = arith.cmpi slt, %rem3A_202, %lt3A : i32
      %lt3A_206 = arith.constant 0 : i32
      %lt3A_207 = arith.cmpi slt, %select_n3A_201, %lt3A_206 : i32
      %ne3A_208 = arith.xori %lt3A_205, %lt3A_207 : i1
      %and3A_209 = arith.andi %ne3A_208, %ne3A_204 : i1
      %add3A_210 = arith.addi %rem3A_202, %select_n3A_201 : i32
      %select_n3A_211 = arith.select %and3A_209, %add3A_210, %rem3A_202 : i32
      %mul3A_212 = arith.constant 16 : i32
      %mul3A_213 = arith.muli %select_n3A_211, %mul3A_212 : i32
      %swap3A = arith.index_cast %select_n3A : i32 to index
      %swap3A_214 = arith.index_cast %mul3A_213 : i32 to index
      %swap3A_215 = tpu.vector_load %arg10[%swap3A, %swap3A_214] {strides = array<i32>} : memref<80x128xf32, #tpu.memory_space<vmem>>, vector<16xf32>,
      tpu.vector_store %arg10[%swap3A, %swap3A_214], %broadcast_in_dim3A_1 {strides = array<i32>} : memref<80x128xf32, #tpu.memory_space<vmem>>, vector<16xf32>,
      %scan3A_216 = arith.constant 0 : i32
      scf.yield %scan3A_216 : i32
    }
    %scan3A_18 = arith.constant 640 : i32
    %mul3A_19 = arith.constant 632 : i32
    %mul3A_20 = arith.muli %arg1, %mul3A_19 : i32
    %add3A_21 = arith.constant 0 : i32
    %add3A_22 = arith.addi %mul3A_20, %add3A_21 : i32
    "tpu.region"() ({
      %run_scoped3A = tpu.sem_alloc : memref<!tpu.dma_semaphore, #tpu.memory_space<semaphore_mem>>
      %dma_start3A_180 = arith.constant 0 : i32
      %dma_start3A_181 = tpu.memref_slice %arg11[%add3A_22, %dma_start3A_180] : memref<10112x128xf32, #tpu.memory_space<vmem_shared>> -> memref<80x128xf32, #tpu.memory_space<vmem_shared>>
      %dma_start3A_182 = arith.constant 0 : i32
      %dma_start3A_183 = tpu.memref_slice %arg11[%add3A_22, %dma_start3A_182] : memref<10112x128xf32, #tpu.memory_space<vmem_shared>> -> memref<80x128xf32, #tpu.memory_space<vmem_shared>>
      tpu.enqueue_dma source(%arg10 : memref<80x128xf32, #tpu.memory_space<vmem>>) target(%dma_start3A_183 : memref<80x128xf32, #tpu.memory_space<vmem_shared>>) target_semaphore(%run_scoped3A : memref<!tpu.dma_semaphore, #tpu.memory_space<semaphore_mem>>)
      %dma_wait3A_184 = arith.constant 0 : i32
      %dma_wait3A_185 = tpu.memref_slice %arg11[%add3A_22, %dma_wait3A_184] : memref<10112x128xf32, #tpu.memory_space<vmem_shared>> -> memref<80x128xf32, #tpu.memory_space<vmem_shared>>
      %dma_wait3A_186 = arith.constant 0 : i32
      %dma_wait3A_187 = tpu.memref_slice %arg11[%add3A_22, %dma_wait3A_186] : memref<10112x128xf32, #tpu.memory_space<vmem_shared>> -> memref<80x128xf32, #tpu.memory_space<vmem_shared>>
      tpu.wait_dma2 semaphore(%run_scoped3A : memref<!tpu.dma_semaphore, #tpu.memory_space<semaphore_mem>>) src(%arg10 : memref<80x128xf32, #tpu.memory_space<vmem>>) dst(%dma_wait3A_187 : memref<80x128xf32, #tpu.memory_space<vmem_shared>>)
      tpu.yield
    }) : () -> ()
    %add3A_23 = arith.constant 80 : i32
    %add3A_24 = arith.addi %mul3A_20, %add3A_23 : i32
    "tpu.region"() ({
      %run_scoped3A = tpu.sem_alloc : memref<!tpu.dma_semaphore, #tpu.memory_space<semaphore_mem>>
      %dma_start3A_180 = arith.constant 0 : i32
      %dma_start3A_181 = tpu.memref_slice %arg11[%add3A_24, %dma_start3A_180] : memref<10112x128xf32, #tpu.memory_space<vmem_shared>> -> memref<80x128xf32, #tpu.memory_space<vmem_shared>>
      %dma_start3A_182 = arith.constant 0 : i32
      %dma_start3A_183 = tpu.memref_slice %arg11[%add3A_24, %dma_start3A_182] : memref<10112x128xf32, #tpu.memory_space<vmem_shared>> -> memref<80x128xf32, #tpu.memory_space<vmem_shared>>
      tpu.enqueue_dma source(%arg10 : memref<80x128xf32, #tpu.memory_space<vmem>>) target(%dma_start3A_183 : memref<80x128xf32, #tpu.memory_space<vmem_shared>>) target_semaphore(%run_scoped3A : memref<!tpu.dma_semaphore, #tpu.memory_space<semaphore_mem>>)
      %dma_wait3A_184 = arith.constant 0 : i32
      %dma_wait3A_185 = tpu.memref_slice %arg11[%add3A_24, %dma_wait3A_184] : memref<10112x128xf32, #tpu.memory_space<vmem_shared>> -> memref<80x128xf32, #tpu.memory_space<vmem_shared>>
      %dma_wait3A_186 = arith.constant 0 : i32
      %dma_wait3A_187 = tpu.memref_slice %arg11[%add3A_24, %dma_wait3A_186] : memref<10112x128xf32, #tpu.memory_space<vmem_shared>> -> memref<80x128xf32, #tpu.memory_space<vmem_shared>>
      tpu.wait_dma2 semaphore(%run_scoped3A : memref<!tpu.dma_semaphore, #tpu.memory_space<semaphore_mem>>) src(%arg10 : memref<80x128xf32, #tpu.memory_space<vmem>>) dst(%dma_wait3A_187 : memref<80x128xf32, #tpu.memory_space<vmem_shared>>)
      tpu.yield
    }) : () -> ()
    %add3A_25 = arith.constant 160 : i32
    %add3A_26 = arith.addi %mul3A_20, %add3A_25 : i32
    "tpu.region"() ({
      %run_scoped3A = tpu.sem_alloc : memref<!tpu.dma_semaphore, #tpu.memory_space<semaphore_mem>>
      %dma_start3A_180 = arith.constant 0 : i32
      %dma_start3A_181 = tpu.memref_slice %arg11[%add3A_26, %dma_start3A_180] : memref<10112x128xf32, #tpu.memory_space<vmem_shared>> -> memref<80x128xf32, #tpu.memory_space<vmem_shared>>
      %dma_start3A_182 = arith.constant 0 : i32
      %dma_start3A_183 = tpu.memref_slice %arg11[%add3A_26, %dma_start3A_182] : memref<10112x128xf32, #tpu.memory_space<vmem_shared>> -> memref<80x128xf32, #tpu.memory_space<vmem_shared>>
      tpu.enqueue_dma source(%arg10 : memref<80x128xf32, #tpu.memory_space<vmem>>) target(%dma_start3A_183 : memref<80x128xf32, #tpu.memory_space<vmem_shared>>) target_semaphore(%run_scoped3A : memref<!tpu.dma_semaphore, #tpu.memory_space<semaphore_mem>>)
      %dma_wait3A_184 = arith.constant 0 : i32
      %dma_wait3A_185 = tpu.memref_slice %arg11[%add3A_26, %dma_wait3A_184] : memref<10112x128xf32, #tpu.memory_space<vmem_shared>> -> memref<80x128xf32, #tpu.memory_space<vmem_shared>>
      %dma_wait3A_186 = arith.constant 0 : i32
      %dma_wait3A_187 = tpu.memref_slice %arg11[%add3A_26, %dma_wait3A_186] : memref<10112x128xf32, #tpu.memory_space<vmem_shared>> -> memref<80x128xf32, #tpu.memory_space<vmem_shared>>
      tpu.wait_dma2 semaphore(%run_scoped3A : memref<!tpu.dma_semaphore, #tpu.memory_space<semaphore_mem>>) src(%arg10 : memref<80x128xf32, #tpu.memory_space<vmem>>) dst(%dma_wait3A_187 : memref<80x128xf32, #tpu.memory_space<vmem_shared>>)
      tpu.yield
    }) : () -> ()
    %add3A_27 = arith.constant 240 : i32
    %add3A_28 = arith.addi %mul3A_20, %add3A_27 : i32
    "tpu.region"() ({
      %run_scoped3A = tpu.sem_alloc : memref<!tpu.dma_semaphore, #tpu.memory_space<semaphore_mem>>
      %dma_start3A_180 = arith.constant 0 : i32
      %dma_start3A_181 = tpu.memref_slice %arg11[%add3A_28, %dma_start3A_180] : memref<10112x128xf32, #tpu.memory_space<vmem_shared>> -> memref<80x128xf32, #tpu.memory_space<vmem_shared>>
      %dma_start3A_182 = arith.constant 0 : i32
      %dma_start3A_183 = tpu.memref_slice %arg11[%add3A_28, %dma_start3A_182] : memref<10112x128xf32, #tpu.memory_space<vmem_shared>> -> memref<80x128xf32, #tpu.memory_space<vmem_shared>>
      tpu.enqueue_dma source(%arg10 : memref<80x128xf32, #tpu.memory_space<vmem>>) target(%dma_start3A_183 : memref<80x128xf32, #tpu.memory_space<vmem_shared>>) target_semaphore(%run_scoped3A : memref<!tpu.dma_semaphore, #tpu.memory_space<semaphore_mem>>)
      %dma_wait3A_184 = arith.constant 0 : i32
      %dma_wait3A_185 = tpu.memref_slice %arg11[%add3A_28, %dma_wait3A_184] : memref<10112x128xf32, #tpu.memory_space<vmem_shared>> -> memref<80x128xf32, #tpu.memory_space<vmem_shared>>
      %dma_wait3A_186 = arith.constant 0 : i32
      %dma_wait3A_187 = tpu.memref_slice %arg11[%add3A_28, %dma_wait3A_186] : memref<10112x128xf32, #tpu.memory_space<vmem_shared>> -> memref<80x128xf32, #tpu.memory_space<vmem_shared>>
      tpu.wait_dma2 semaphore(%run_scoped3A : memref<!tpu.dma_semaphore, #tpu.memory_space<semaphore_mem>>) src(%arg10 : memref<80x128xf32, #tpu.memory_space<vmem>>) dst(%dma_wait3A_187 : memref<80x128xf32, #tpu.memory_space<vmem_shared>>)
      tpu.yield
    }) : () -> ()
    %add3A_29 = arith.constant 320 : i32
    %add3A_30 = arith.addi %mul3A_20, %add3A_29 : i32
    "tpu.region"() ({
      %run_scoped3A = tpu.sem_alloc : memref<!tpu.dma_semaphore, #tpu.memory_space<semaphore_mem>>
      %dma_start3A_180 = arith.constant 0 : i32
      %dma_start3A_181 = tpu.memref_slice %arg11[%add3A_30, %dma_start3A_180] : memref<10112x128xf32, #tpu.memory_space<vmem_shared>> -> memref<80x128xf32, #tpu.memory_space<vmem_shared>>
      %dma_start3A_182 = arith.constant 0 : i32
      %dma_start3A_183 = tpu.memref_slice %arg11[%add3A_30, %dma_start3A_182] : memref<10112x128xf32, #tpu.memory_space<vmem_shared>> -> memref<80x128xf32, #tpu.memory_space<vmem_shared>>
      tpu.enqueue_dma source(%arg10 : memref<80x128xf32, #tpu.memory_space<vmem>>) target(%dma_start3A_183 : memref<80x128xf32, #tpu.memory_space<vmem_shared>>) target_semaphore(%run_scoped3A : memref<!tpu.dma_semaphore, #tpu.memory_space<semaphore_mem>>)
      %dma_wait3A_184 = arith.constant 0 : i32
      %dma_wait3A_185 = tpu.memref_slice %arg11[%add3A_30, %dma_wait3A_184] : memref<10112x128xf32, #tpu.memory_space<vmem_shared>> -> memref<80x128xf32, #tpu.memory_space<vmem_shared>>
      %dma_wait3A_186 = arith.constant 0 : i32
      %dma_wait3A_187 = tpu.memref_slice %arg11[%add3A_30, %dma_wait3A_186] : memref<10112x128xf32, #tpu.memory_space<vmem_shared>> -> memref<80x128xf32, #tpu.memory_space<vmem_shared>>
      tpu.wait_dma2 semaphore(%run_scoped3A : memref<!tpu.dma_semaphore, #tpu.memory_space<semaphore_mem>>) src(%arg10 : memref<80x128xf32, #tpu.memory_space<vmem>>) dst(%dma_wait3A_187 : memref<80x128xf32, #tpu.memory_space<vmem_shared>>)
      tpu.yield
    }) : () -> ()
    %add3A_31 = arith.constant 400 : i32
    %add3A_32 = arith.addi %mul3A_20, %add3A_31 : i32
    "tpu.region"() ({
      %run_scoped3A = tpu.sem_alloc : memref<!tpu.dma_semaphore, #tpu.memory_space<semaphore_mem>>
      %dma_start3A_180 = arith.constant 0 : i32
      %dma_start3A_181 = tpu.memref_slice %arg11[%add3A_32, %dma_start3A_180] : memref<10112x128xf32, #tpu.memory_space<vmem_shared>> -> memref<80x128xf32, #tpu.memory_space<vmem_shared>>
      %dma_start3A_182 = arith.constant 0 : i32
      %dma_start3A_183 = tpu.memref_slice %arg11[%add3A_32, %dma_start3A_182] : memref<10112x128xf32, #tpu.memory_space<vmem_shared>> -> memref<80x128xf32, #tpu.memory_space<vmem_shared>>
      tpu.enqueue_dma source(%arg10 : memref<80x128xf32, #tpu.memory_space<vmem>>) target(%dma_start3A_183 : memref<80x128xf32, #tpu.memory_space<vmem_shared>>) target_semaphore(%run_scoped3A : memref<!tpu.dma_semaphore, #tpu.memory_space<semaphore_mem>>)
      %dma_wait3A_184 = arith.constant 0 : i32
      %dma_wait3A_185 = tpu.memref_slice %arg11[%add3A_32, %dma_wait3A_184] : memref<10112x128xf32, #tpu.memory_space<vmem_shared>> -> memref<80x128xf32, #tpu.memory_space<vmem_shared>>
      %dma_wait3A_186 = arith.constant 0 : i32
      %dma_wait3A_187 = tpu.memref_slice %arg11[%add3A_32, %dma_wait3A_186] : memref<10112x128xf32, #tpu.memory_space<vmem_shared>> -> memref<80x128xf32, #tpu.memory_space<vmem_shared>>
      tpu.wait_dma2 semaphore(%run_scoped3A : memref<!tpu.dma_semaphore, #tpu.memory_space<semaphore_mem>>) src(%arg10 : memref<80x128xf32, #tpu.memory_space<vmem>>) dst(%dma_wait3A_187 : memref<80x128xf32, #tpu.memory_space<vmem_shared>>)
      tpu.yield
    }) : () -> ()
    %add3A_33 = arith.constant 480 : i32
    %add3A_34 = arith.addi %mul3A_20, %add3A_33 : i32
    "tpu.region"() ({
      %run_scoped3A = tpu.sem_alloc : memref<!tpu.dma_semaphore, #tpu.memory_space<semaphore_mem>>
      %dma_start3A_180 = arith.constant 0 : i32
      %dma_start3A_181 = tpu.memref_slice %arg11[%add3A_34, %dma_start3A_180] : memref<10112x128xf32, #tpu.memory_space<vmem_shared>> -> memref<80x128xf32, #tpu.memory_space<vmem_shared>>
      %dma_start3A_182 = arith.constant 0 : i32
      %dma_start3A_183 = tpu.memref_slice %arg11[%add3A_34, %dma_start3A_182] : memref<10112x128xf32, #tpu.memory_space<vmem_shared>> -> memref<80x128xf32, #tpu.memory_space<vmem_shared>>
      tpu.enqueue_dma source(%arg10 : memref<80x128xf32, #tpu.memory_space<vmem>>) target(%dma_start3A_183 : memref<80x128xf32, #tpu.memory_space<vmem_shared>>) target_semaphore(%run_scoped3A : memref<!tpu.dma_semaphore, #tpu.memory_space<semaphore_mem>>)
      %dma_wait3A_184 = arith.constant 0 : i32
      %dma_wait3A_185 = tpu.memref_slice %arg11[%add3A_34, %dma_wait3A_184] : memref<10112x128xf32, #tpu.memory_space<vmem_shared>> -> memref<80x128xf32, #tpu.memory_space<vmem_shared>>
      %dma_wait3A_186 = arith.constant 0 : i32
      %dma_wait3A_187 = tpu.memref_slice %arg11[%add3A_34, %dma_wait3A_186] : memref<10112x128xf32, #tpu.memory_space<vmem_shared>> -> memref<80x128xf32, #tpu.memory_space<vmem_shared>>
      tpu.wait_dma2 semaphore(%run_scoped3A : memref<!tpu.dma_semaphore, #tpu.memory_space<semaphore_mem>>) src(%arg10 : memref<80x128xf32, #tpu.memory_space<vmem>>) dst(%dma_wait3A_187 : memref<80x128xf32, #tpu.memory_space<vmem_shared>>)
      tpu.yield
    }) : () -> ()
    %add3A_35 = arith.constant 560 : i32
    %add3A_36 = arith.addi %mul3A_20, %add3A_35 : i32
    "tpu.region"() ({
      %run_scoped3A = tpu.sem_alloc : memref<!tpu.dma_semaphore, #tpu.memory_space<semaphore_mem>>
      %dma_start3A_180 = arith.constant 0 : i32
      %dma_start3A_181 = arith.constant 0 : i32
      %dma_start3A_182 = tpu.memref_slice %arg10[%dma_start3A_180, %dma_start3A_181] : memref<80x128xf32, #tpu.memory_space<vmem>> -> memref<72x128xf32, #tpu.memory_space<vmem>>
      %dma_start3A_183 = arith.constant 0 : i32
      %dma_start3A_184 = tpu.memref_slice %arg11[%add3A_36, %dma_start3A_183] : memref<10112x128xf32, #tpu.memory_space<vmem_shared>> -> memref<72x128xf32, #tpu.memory_space<vmem_shared>>
      %dma_start3A_185 = arith.constant 0 : i32
      %dma_start3A_186 = tpu.memref_slice %arg11[%add3A_36, %dma_start3A_185] : memref<10112x128xf32, #tpu.memory_space<vmem_shared>> -> memref<72x128xf32, #tpu.memory_space<vmem_shared>>
      %dma_start3A_187 = arith.constant 0 : i32
      %dma_start3A_188 = arith.constant 0 : i32
      %dma_start3A_189 = tpu.memref_slice %arg10[%dma_start3A_187, %dma_start3A_188] : memref<80x128xf32, #tpu.memory_space<vmem>> -> memref<72x128xf32, #tpu.memory_space<vmem>>
      tpu.enqueue_dma source(%dma_start3A_189 : memref<72x128xf32, #tpu.memory_space<vmem>>) target(%dma_start3A_186 : memref<72x128xf32, #tpu.memory_space<vmem_shared>>) target_semaphore(%run_scoped3A : memref<!tpu.dma_semaphore, #tpu.memory_space<semaphore_mem>>)
      %dma_wait3A_190 = arith.constant 0 : i32
      %dma_wait3A_191 = arith.constant 0 : i32
      %dma_wait3A_192 = tpu.memref_slice %arg10[%dma_wait3A_190, %dma_wait3A_191] : memref<80x128xf32, #tpu.memory_space<vmem>> -> memref<72x128xf32, #tpu.memory_space<vmem>>
      %dma_wait3A_193 = arith.constant 0 : i32
      %dma_wait3A_194 = tpu.memref_slice %arg11[%add3A_36, %dma_wait3A_193] : memref<10112x128xf32, #tpu.memory_space<vmem_shared>> -> memref<72x128xf32, #tpu.memory_space<vmem_shared>>
      %dma_wait3A_195 = arith.constant 0 : i32
      %dma_wait3A_196 = tpu.memref_slice %arg11[%add3A_36, %dma_wait3A_195] : memref<10112x128xf32, #tpu.memory_space<vmem_shared>> -> memref<72x128xf32, #tpu.memory_space<vmem_shared>>
      %dma_wait3A_197 = arith.constant 0 : i32
      %dma_wait3A_198 = arith.constant 0 : i32
      %dma_wait3A_199 = tpu.memref_slice %arg10[%dma_wait3A_197, %dma_wait3A_198] : memref<80x128xf32, #tpu.memory_space<vmem>> -> memref<72x128xf32, #tpu.memory_space<vmem>>
      tpu.wait_dma2 semaphore(%run_scoped3A : memref<!tpu.dma_semaphore, #tpu.memory_space<semaphore_mem>>) src(%dma_wait3A_199 : memref<72x128xf32, #tpu.memory_space<vmem>>) dst(%dma_wait3A_196 : memref<72x128xf32, #tpu.memory_space<vmem_shared>>)
      tpu.yield
    }) : () -> ()
    %barrier3A = arith.constant 0 : index
    tpu.barrier barrier_id(%barrier3A)
    %scan3A_37 = arith.constant 0 : i32
    %scan3A_38 = arith.constant 0 : i32
    %scan3A_39 = arith.constant 21 : i32
    %scan3A_40 = arith.addi %scan3A_38, %scan3A_39 : i32
    %scan3A_41 = arith.constant 1 : i32
    %scan3A_42 = scf.for %scan3A_180 = %scan3A_38 to %scan3A_40 step %scan3A_41 iter_args(%scan3A_181 = %scan3A_37) -> (i32)  : i32 {
      %mul3A_182 = arith.constant 3 : i32
      %mul3A_183 = arith.muli %mul3A_182, %scan3A_180 : i32
      %dma_wait3A_184 = arith.constant 0 : i32
      %dma_wait3A_185 = arith.constant 0 : i32
      %dma_wait3A_186 = tpu.memref_slice %arg2[%dma_wait3A_184, %dma_wait3A_185] : memref<10240x128xf32, #tpu.memory_space<hbm>> -> memref<80x128xf32, #tpu.memory_space<hbm>>
      %dma_wait3A_187 = arith.constant 0 : i32
      %dma_wait3A_188 = arith.constant 0 : i32
      %dma_wait3A_189 = tpu.memref_slice %arg2[%dma_wait3A_187, %dma_wait3A_188] : memref<10240x128xf32, #tpu.memory_space<hbm>> -> memref<80x128xf32, #tpu.memory_space<hbm>>
      tpu.wait_dma2 semaphore(%arg12 : memref<!tpu.dma_semaphore, #tpu.memory_space<semaphore_mem>>) src(%dma_wait3A_189 : memref<80x128xf32, #tpu.memory_space<hbm>>) dst(%arg8 : memref<80x128xf32, #tpu.memory_space<vmem>>)
      %dma_start3A_190 = arith.constant 0 : i32
      %dma_start3A_191 = tpu.memref_slice %arg7[%mul3A_183, %dma_start3A_190] : memref<64x80xi32, #tpu.memory_space<vmem>> -> memref<1x80xi32, #tpu.memory_space<vmem>>
      %dma_start3A_192 = tpu.memref_squeeze %dma_start3A_191 : memref<1x80xi32, #tpu.memory_space<vmem>> -> memref<80xi32, #tpu.memory_space<vmem>>
      %dma_start3A_193 = arith.constant 0 : i32
      %dma_start3A_194 = arith.constant 0 : i32
      %dma_start3A_195 = tpu.memref_slice %arg11[%dma_start3A_193, %dma_start3A_194] : memref<10112x128xf32, #tpu.memory_space<vmem_shared>> -> memref<10112x128xf32, #tpu.memory_space<vmem_shared>>
      tpu.enqueue_indirect_dma source(%arg8 : memref<80x128xf32, #tpu.memory_space<vmem>>) target(%dma_start3A_195 : memref<10112x128xf32, #tpu.memory_space<vmem_shared>>) offsets(%dma_start3A_192 : memref<80xi32, #tpu.memory_space<vmem>>) semaphore(%arg15 : memref<!tpu.dma_semaphore, #tpu.memory_space<semaphore_mem>>) {add = true}
      %ge3A = arith.constant 1 : i32
      %ge3A_196 = arith.cmpi sge, %mul3A_183, %ge3A : i32
      %convert_element_type3A = arith.extui %ge3A_196 : i1 to i32
      %cond3A = arith.constant 0 : i32
      %cond3A_197 = arith.cmpi ne, %convert_element_type3A, %cond3A : i32
      scf.if %cond3A_197 {
        %dma_wait3A_269 = arith.constant 0 : i32
        %dma_wait3A_270 = arith.constant 0 : i32
        %dma_wait3A_271 = tpu.memref_slice %arg7[%dma_wait3A_269, %dma_wait3A_270] : memref<64x80xi32, #tpu.memory_space<vmem>> -> memref<1x80xi32, #tpu.memory_space<vmem>>
        %dma_wait3A_272 = tpu.memref_squeeze %dma_wait3A_271 : memref<1x80xi32, #tpu.memory_space<vmem>> -> memref<80xi32, #tpu.memory_space<vmem>>
        %dma_wait3A_273 = arith.constant 0 : i32
        %dma_wait3A_274 = arith.constant 0 : i32
        %dma_wait3A_275 = tpu.memref_slice %arg11[%dma_wait3A_273, %dma_wait3A_274] : memref<10112x128xf32, #tpu.memory_space<vmem_shared>> -> memref<10112x128xf32, #tpu.memory_space<vmem_shared>>
        tpu.wait_indirect_dma semaphore(%arg17 : memref<!tpu.dma_semaphore, #tpu.memory_space<semaphore_mem>>) src(%arg10 : memref<80x128xf32, #tpu.memory_space<vmem>>) dst(%dma_wait3A_275 : memref<10112x128xf32, #tpu.memory_space<vmem_shared>>)
      } else {
      }
      %add3A_198 = arith.constant 2 : i32
      %add3A_199 = arith.addi %mul3A_183, %add3A_198 : i32
      %mul3A_200 = arith.constant 80 : i32
      %mul3A_201 = arith.muli %add3A_199, %mul3A_200 : i32
      %dma_start3A_202 = tpu.memref_slice %arg6[%mul3A_201] : memref<10000xi32, #tpu.memory_space<vmem>> -> memref<80xi32, #tpu.memory_space<vmem>>
      %dma_start3A_203 = arith.constant 0 : i32
      %dma_start3A_204 = arith.constant 0 : i32
      %dma_start3A_205 = tpu.memref_slice %arg2[%dma_start3A_203, %dma_start3A_204] : memref<10240x128xf32, #tpu.memory_space<hbm>> -> memref<10240x128xf32, #tpu.memory_space<hbm>>
      tpu.enqueue_indirect_dma source(%dma_start3A_205 : memref<10240x128xf32, #tpu.memory_space<hbm>>) target(%arg10 : memref<80x128xf32, #tpu.memory_space<vmem>>) offsets(%dma_start3A_202 : memref<80xi32, #tpu.memory_space<vmem>>) semaphore(%arg14 : memref<!tpu.dma_semaphore, #tpu.memory_space<semaphore_mem>>)
      %add3A_206 = arith.constant 1 : i32
      %add3A_207 = arith.addi %mul3A_183, %add3A_206 : i32
      %add3A_208 = arith.constant 1 : i32
      %add3A_209 = arith.addi %mul3A_183, %add3A_208 : i32
      %dma_wait3A_210 = arith.constant 0 : i32
      %dma_wait3A_211 = arith.constant 0 : i32
      %dma_wait3A_212 = tpu.memref_slice %arg2[%dma_wait3A_210, %dma_wait3A_211] : memref<10240x128xf32, #tpu.memory_space<hbm>> -> memref<80x128xf32, #tpu.memory_space<hbm>>
      %dma_wait3A_213 = arith.constant 0 : i32
      %dma_wait3A_214 = arith.constant 0 : i32
      %dma_wait3A_215 = tpu.memref_slice %arg2[%dma_wait3A_213, %dma_wait3A_214] : memref<10240x128xf32, #tpu.memory_space<hbm>> -> memref<80x128xf32, #tpu.memory_space<hbm>>
      tpu.wait_dma2 semaphore(%arg13 : memref<!tpu.dma_semaphore, #tpu.memory_space<semaphore_mem>>) src(%dma_wait3A_215 : memref<80x128xf32, #tpu.memory_space<hbm>>) dst(%arg9 : memref<80x128xf32, #tpu.memory_space<vmem>>)
      %dma_start3A_216 = arith.constant 0 : i32
      %dma_start3A_217 = tpu.memref_slice %arg7[%add3A_209, %dma_start3A_216] : memref<64x80xi32, #tpu.memory_space<vmem>> -> memref<1x80xi32, #tpu.memory_space<vmem>>
      %dma_start3A_218 = tpu.memref_squeeze %dma_start3A_217 : memref<1x80xi32, #tpu.memory_space<vmem>> -> memref<80xi32, #tpu.memory_space<vmem>>
      %dma_start3A_219 = arith.constant 0 : i32
      %dma_start3A_220 = arith.constant 0 : i32
      %dma_start3A_221 = tpu.memref_slice %arg11[%dma_start3A_219, %dma_start3A_220] : memref<10112x128xf32, #tpu.memory_space<vmem_shared>> -> memref<10112x128xf32, #tpu.memory_space<vmem_shared>>
      tpu.enqueue_indirect_dma source(%arg9 : memref<80x128xf32, #tpu.memory_space<vmem>>) target(%dma_start3A_221 : memref<10112x128xf32, #tpu.memory_space<vmem_shared>>) offsets(%dma_start3A_218 : memref<80xi32, #tpu.memory_space<vmem>>) semaphore(%arg16 : memref<!tpu.dma_semaphore, #tpu.memory_space<semaphore_mem>>) {add = true}
      %dma_wait3A_222 = arith.constant 0 : i32
      %dma_wait3A_223 = arith.constant 0 : i32
      %dma_wait3A_224 = tpu.memref_slice %arg7[%dma_wait3A_222, %dma_wait3A_223] : memref<64x80xi32, #tpu.memory_space<vmem>> -> memref<1x80xi32, #tpu.memory_space<vmem>>
      %dma_wait3A_225 = tpu.memref_squeeze %dma_wait3A_224 : memref<1x80xi32, #tpu.memory_space<vmem>> -> memref<80xi32, #tpu.memory_space<vmem>>
      %dma_wait3A_226 = arith.constant 0 : i32
      %dma_wait3A_227 = arith.constant 0 : i32
      %dma_wait3A_228 = tpu.memref_slice %arg11[%dma_wait3A_226, %dma_wait3A_227] : memref<10112x128xf32, #tpu.memory_space<vmem_shared>> -> memref<10112x128xf32, #tpu.memory_space<vmem_shared>>
      tpu.wait_indirect_dma semaphore(%arg15 : memref<!tpu.dma_semaphore, #tpu.memory_space<semaphore_mem>>) src(%arg8 : memref<80x128xf32, #tpu.memory_space<vmem>>) dst(%dma_wait3A_228 : memref<10112x128xf32, #tpu.memory_space<vmem_shared>>)
      %add3A_229 = arith.constant 2 : i32
      %add3A_230 = arith.addi %add3A_207, %add3A_229 : i32
      %mul3A_231 = arith.constant 80 : i32
      %mul3A_232 = arith.muli %add3A_230, %mul3A_231 : i32
      %dma_start3A_233 = tpu.memref_slice %arg6[%mul3A_232] : memref<10000xi32, #tpu.memory_space<vmem>> -> memref<80xi32, #tpu.memory_space<vmem>>
      %dma_start3A_234 = arith.constant 0 : i32
      %dma_start3A_235 = arith.constant 0 : i32
      %dma_start3A_236 = tpu.memref_slice %arg2[%dma_start3A_234, %dma_start3A_235] : memref<10240x128xf32, #tpu.memory_space<hbm>> -> memref<10240x128xf32, #tpu.memory_space<hbm>>
      tpu.enqueue_indirect_dma source(%dma_start3A_236 : memref<10240x128xf32, #tpu.memory_space<hbm>>) target(%arg8 : memref<80x128xf32, #tpu.memory_space<vmem>>) offsets(%dma_start3A_233 : memref<80xi32, #tpu.memory_space<vmem>>) semaphore(%arg12 : memref<!tpu.dma_semaphore, #tpu.memory_space<semaphore_mem>>)
      %add3A_237 = arith.constant 2 : i32
      %add3A_238 = arith.addi %mul3A_183, %add3A_237 : i32
      %add3A_239 = arith.constant 2 : i32
      %add3A_240 = arith.addi %mul3A_183, %add3A_239 : i32
      %dma_wait3A_241 = arith.constant 0 : i32
      %dma_wait3A_242 = arith.constant 0 : i32
      %dma_wait3A_243 = tpu.memref_slice %arg2[%dma_wait3A_241, %dma_wait3A_242] : memref<10240x128xf32, #tpu.memory_space<hbm>> -> memref<80x128xf32, #tpu.memory_space<hbm>>
      %dma_wait3A_244 = arith.constant 0 : i32
      %dma_wait3A_245 = arith.constant 0 : i32
      %dma_wait3A_246 = tpu.memref_slice %arg2[%dma_wait3A_244, %dma_wait3A_245] : memref<10240x128xf32, #tpu.memory_space<hbm>> -> memref<80x128xf32, #tpu.memory_space<hbm>>
      tpu.wait_dma2 semaphore(%arg14 : memref<!tpu.dma_semaphore, #tpu.memory_space<semaphore_mem>>) src(%dma_wait3A_246 : memref<80x128xf32, #tpu.memory_space<hbm>>) dst(%arg10 : memref<80x128xf32, #tpu.memory_space<vmem>>)
      %dma_start3A_247 = arith.constant 0 : i32
      %dma_start3A_248 = tpu.memref_slice %arg7[%add3A_240, %dma_start3A_247] : memref<64x80xi32, #tpu.memory_space<vmem>> -> memref<1x80xi32, #tpu.memory_space<vmem>>
      %dma_start3A_249 = tpu.memref_squeeze %dma_start3A_248 : memref<1x80xi32, #tpu.memory_space<vmem>> -> memref<80xi32, #tpu.memory_space<vmem>>
      %dma_start3A_250 = arith.constant 0 : i32
      %dma_start3A_251 = arith.constant 0 : i32
      %dma_start3A_252 = tpu.memref_slice %arg11[%dma_start3A_250, %dma_start3A_251] : memref<10112x128xf32, #tpu.memory_space<vmem_shared>> -> memref<10112x128xf32, #tpu.memory_space<vmem_shared>>
      tpu.enqueue_indirect_dma source(%arg10 : memref<80x128xf32, #tpu.memory_space<vmem>>) target(%dma_start3A_252 : memref<10112x128xf32, #tpu.memory_space<vmem_shared>>) offsets(%dma_start3A_249 : memref<80xi32, #tpu.memory_space<vmem>>) semaphore(%arg17 : memref<!tpu.dma_semaphore, #tpu.memory_space<semaphore_mem>>) {add = true}
      %dma_wait3A_253 = arith.constant 0 : i32
      %dma_wait3A_254 = arith.constant 0 : i32
      %dma_wait3A_255 = tpu.memref_slice %arg7[%dma_wait3A_253, %dma_wait3A_254] : memref<64x80xi32, #tpu.memory_space<vmem>> -> memref<1x80xi32, #tpu.memory_space<vmem>>
      %dma_wait3A_256 = tpu.memref_squeeze %dma_wait3A_255 : memref<1x80xi32, #tpu.memory_space<vmem>> -> memref<80xi32, #tpu.memory_space<vmem>>
      %dma_wait3A_257 = arith.constant 0 : i32
      %dma_wait3A_258 = arith.constant 0 : i32
      %dma_wait3A_259 = tpu.memref_slice %arg11[%dma_wait3A_257, %dma_wait3A_258] : memref<10112x128xf32, #tpu.memory_space<vmem_shared>> -> memref<10112x128xf32, #tpu.memory_space<vmem_shared>>
      tpu.wait_indirect_dma semaphore(%arg16 : memref<!tpu.dma_semaphore, #tpu.memory_space<semaphore_mem>>) src(%arg9 : memref<80x128xf32, #tpu.memory_space<vmem>>) dst(%dma_wait3A_259 : memref<10112x128xf32, #tpu.memory_space<vmem_shared>>)
      %add3A_260 = arith.constant 2 : i32
      %add3A_261 = arith.addi %add3A_238, %add3A_260 : i32
      %mul3A_262 = arith.constant 80 : i32
      %mul3A_263 = arith.muli %add3A_261, %mul3A_262 : i32
      %dma_start3A_264 = tpu.memref_slice %arg6[%mul3A_263] : memref<10000xi32, #tpu.memory_space<vmem>> -> memref<80xi32, #tpu.memory_space<vmem>>
      %dma_start3A_265 = arith.constant 0 : i32
      %dma_start3A_266 = arith.constant 0 : i32
      %dma_start3A_267 = tpu.memref_slice %arg2[%dma_start3A_265, %dma_start3A_266] : memref<10240x128xf32, #tpu.memory_space<hbm>> -> memref<10240x128xf32, #tpu.memory_space<hbm>>
      tpu.enqueue_indirect_dma source(%dma_start3A_267 : memref<10240x128xf32, #tpu.memory_space<hbm>>) target(%arg9 : memref<80x128xf32, #tpu.memory_space<vmem>>) offsets(%dma_start3A_264 : memref<80xi32, #tpu.memory_space<vmem>>) semaphore(%arg13 : memref<!tpu.dma_semaphore, #tpu.memory_space<semaphore_mem>>)
      %scan3A_268 = arith.constant 0 : i32
      scf.yield %scan3A_268 : i32
    }
    %scan3A_43 = arith.constant 21 : i32
    %dma_wait3A = arith.constant 0 : i32
    %dma_wait3A_44 = arith.constant 0 : i32
    %dma_wait3A_45 = tpu.memref_slice %arg2[%dma_wait3A, %dma_wait3A_44] : memref<10240x128xf32, #tpu.memory_space<hbm>> -> memref<80x128xf32, #tpu.memory_space<hbm>>
    %dma_wait3A_46 = arith.constant 0 : i32
    %dma_wait3A_47 = arith.constant 0 : i32
    %dma_wait3A_48 = tpu.memref_slice %arg2[%dma_wait3A_46, %dma_wait3A_47] : memref<10240x128xf32, #tpu.memory_space<hbm>> -> memref<80x128xf32, #tpu.memory_space<hbm>>
    tpu.wait_dma2 semaphore(%arg12 : memref<!tpu.dma_semaphore, #tpu.memory_space<semaphore_mem>>) src(%dma_wait3A_48 : memref<80x128xf32, #tpu.memory_space<hbm>>) dst(%arg8 : memref<80x128xf32, #tpu.memory_space<vmem>>)
    %dma_start3A_49 = arith.constant 63 : i32
    %dma_start3A_50 = arith.constant 0 : i32
    %dma_start3A_51 = tpu.memref_slice %arg7[%dma_start3A_49, %dma_start3A_50] : memref<64x80xi32, #tpu.memory_space<vmem>> -> memref<1x80xi32, #tpu.memory_space<vmem>>
    %dma_start3A_52 = tpu.memref_squeeze %dma_start3A_51 : memref<1x80xi32, #tpu.memory_space<vmem>> -> memref<80xi32, #tpu.memory_space<vmem>>
    %dma_start3A_53 = arith.constant 0 : i32
    %dma_start3A_54 = arith.constant 0 : i32
    %dma_start3A_55 = tpu.memref_slice %arg11[%dma_start3A_53, %dma_start3A_54] : memref<10112x128xf32, #tpu.memory_space<vmem_shared>> -> memref<10112x128xf32, #tpu.memory_space<vmem_shared>>
    tpu.enqueue_indirect_dma source(%arg8 : memref<80x128xf32, #tpu.memory_space<vmem>>) target(%dma_start3A_55 : memref<10112x128xf32, #tpu.memory_space<vmem_shared>>) offsets(%dma_start3A_52 : memref<80xi32, #tpu.memory_space<vmem>>) semaphore(%arg15 : memref<!tpu.dma_semaphore, #tpu.memory_space<semaphore_mem>>) {add = true}
    %dma_wait3A_56 = arith.constant 0 : i32
    %dma_wait3A_57 = arith.constant 0 : i32
    %dma_wait3A_58 = tpu.memref_slice %arg7[%dma_wait3A_56, %dma_wait3A_57] : memref<64x80xi32, #tpu.memory_space<vmem>> -> memref<1x80xi32, #tpu.memory_space<vmem>>
    %dma_wait3A_59 = tpu.memref_squeeze %dma_wait3A_58 : memref<1x80xi32, #tpu.memory_space<vmem>> -> memref<80xi32, #tpu.memory_space<vmem>>
    %dma_wait3A_60 = arith.constant 0 : i32
    %dma_wait3A_61 = arith.constant 0 : i32
    %dma_wait3A_62 = tpu.memref_slice %arg11[%dma_wait3A_60, %dma_wait3A_61] : memref<10112x128xf32, #tpu.memory_space<vmem_shared>> -> memref<10112x128xf32, #tpu.memory_space<vmem_shared>>
    tpu.wait_indirect_dma semaphore(%arg17 : memref<!tpu.dma_semaphore, #tpu.memory_space<semaphore_mem>>) src(%arg10 : memref<80x128xf32, #tpu.memory_space<vmem>>) dst(%dma_wait3A_62 : memref<10112x128xf32, #tpu.memory_space<vmem_shared>>)
    %dma_start3A_63 = arith.constant 5200 : i32
    %dma_start3A_64 = tpu.memref_slice %arg6[%dma_start3A_63] : memref<10000xi32, #tpu.memory_space<vmem>> -> memref<80xi32, #tpu.memory_space<vmem>>
    %dma_start3A_65 = arith.constant 0 : i32
    %dma_start3A_66 = arith.constant 0 : i32
    %dma_start3A_67 = tpu.memref_slice %arg2[%dma_start3A_65, %dma_start3A_66] : memref<10240x128xf32, #tpu.memory_space<hbm>> -> memref<10240x128xf32, #tpu.memory_space<hbm>>
    tpu.enqueue_indirect_dma source(%dma_start3A_67 : memref<10240x128xf32, #tpu.memory_space<hbm>>) target(%arg10 : memref<80x128xf32, #tpu.memory_space<vmem>>) offsets(%dma_start3A_64 : memref<80xi32, #tpu.memory_space<vmem>>) semaphore(%arg14 : memref<!tpu.dma_semaphore, #tpu.memory_space<semaphore_mem>>)
    %dma_wait3A_68 = arith.constant 0 : i32
    %dma_wait3A_69 = arith.constant 0 : i32
    %dma_wait3A_70 = tpu.memref_slice %arg7[%dma_wait3A_68, %dma_wait3A_69] : memref<64x80xi32, #tpu.memory_space<vmem>> -> memref<1x80xi32, #tpu.memory_space<vmem>>
    %dma_wait3A_71 = tpu.memref_squeeze %dma_wait3A_70 : memref<1x80xi32, #tpu.memory_space<vmem>> -> memref<80xi32, #tpu.memory_space<vmem>>
    %dma_wait3A_72 = arith.constant 0 : i32
    %dma_wait3A_73 = arith.constant 0 : i32
    %dma_wait3A_74 = tpu.memref_slice %arg11[%dma_wait3A_72, %dma_wait3A_73] : memref<10112x128xf32, #tpu.memory_space<vmem_shared>> -> memref<10112x128xf32, #tpu.memory_space<vmem_shared>>
    tpu.wait_indirect_dma semaphore(%arg15 : memref<!tpu.dma_semaphore, #tpu.memory_space<semaphore_mem>>) src(%arg8 : memref<80x128xf32, #tpu.memory_space<vmem>>) dst(%dma_wait3A_74 : memref<10112x128xf32, #tpu.memory_space<vmem_shared>>)
    "tpu.region"() ({
      %run_scoped3A = tpu.sem_alloc : memref<!tpu.dma_semaphore, #tpu.memory_space<semaphore_mem>>
      %dma_start3A_180 = arith.constant 64 : i32
      %dma_start3A_181 = arith.constant 0 : i32
      %dma_start3A_182 = tpu.memref_slice %arg4[%add3A, %dma_start3A_180, %dma_start3A_181] : memref<32x128x80xi32, #tpu.memory_space<hbm>> -> memref<1x64x80xi32, #tpu.memory_space<hbm>>
      %dma_start3A_183 = tpu.memref_squeeze %dma_start3A_182 : memref<1x64x80xi32, #tpu.memory_space<hbm>> -> memref<64x80xi32, #tpu.memory_space<hbm>>
      %dma_start3A_184 = arith.constant 64 : i32
      %dma_start3A_185 = arith.constant 0 : i32
      %dma_start3A_186 = tpu.memref_slice %arg4[%add3A, %dma_start3A_184, %dma_start3A_185] : memref<32x128x80xi32, #tpu.memory_space<hbm>> -> memref<1x64x80xi32, #tpu.memory_space<hbm>>
      %dma_start3A_187 = tpu.memref_squeeze %dma_start3A_186 : memref<1x64x80xi32, #tpu.memory_space<hbm>> -> memref<64x80xi32, #tpu.memory_space<hbm>>
      tpu.enqueue_dma source(%dma_start3A_187 : memref<64x80xi32, #tpu.memory_space<hbm>>) target(%arg7 : memref<64x80xi32, #tpu.memory_space<vmem>>) target_semaphore(%run_scoped3A : memref<!tpu.dma_semaphore, #tpu.memory_space<semaphore_mem>>)
      %dma_wait3A_188 = arith.constant 64 : i32
      %dma_wait3A_189 = arith.constant 0 : i32
      %dma_wait3A_190 = tpu.memref_slice %arg4[%add3A, %dma_wait3A_188, %dma_wait3A_189] : memref<32x128x80xi32, #tpu.memory_space<hbm>> -> memref<1x64x80xi32, #tpu.memory_space<hbm>>
      %dma_wait3A_191 = tpu.memref_squeeze %dma_wait3A_190 : memref<1x64x80xi32, #tpu.memory_space<hbm>> -> memref<64x80xi32, #tpu.memory_space<hbm>>
      %dma_wait3A_192 = arith.constant 64 : i32
      %dma_wait3A_193 = arith.constant 0 : i32
      %dma_wait3A_194 = tpu.memref_slice %arg4[%add3A, %dma_wait3A_192, %dma_wait3A_193] : memref<32x128x80xi32, #tpu.memory_space<hbm>> -> memref<1x64x80xi32, #tpu.memory_space<hbm>>
      %dma_wait3A_195 = tpu.memref_squeeze %dma_wait3A_194 : memref<1x64x80xi32, #tpu.memory_space<hbm>> -> memref<64x80xi32, #tpu.memory_space<hbm>>
      tpu.wait_dma2 semaphore(%run_scoped3A : memref<!tpu.dma_semaphore, #tpu.memory_space<semaphore_mem>>) src(%dma_wait3A_195 : memref<64x80xi32, #tpu.memory_space<hbm>>) dst(%arg7 : memref<64x80xi32, #tpu.memory_space<vmem>>)
      tpu.yield
    }) : () -> ()
    %scan3A_75 = arith.constant 0 : i32
    %scan3A_76 = arith.constant 0 : i32
    %scan3A_77 = arith.constant 19 : i32
    %scan3A_78 = arith.addi %scan3A_76, %scan3A_77 : i32
    %scan3A_79 = arith.constant 1 : i32
    %scan3A_80 = scf.for %scan3A_180 = %scan3A_76 to %scan3A_78 step %scan3A_79 iter_args(%scan3A_181 = %scan3A_75) -> (i32)  : i32 {
      %mul3A_182 = arith.constant 3 : i32
      %mul3A_183 = arith.muli %mul3A_182, %scan3A_180 : i32
      %add3A_184 = arith.constant 64 : i32
      %add3A_185 = arith.addi %add3A_184, %mul3A_183 : i32
      %sub3A = arith.constant 64 : i32
      %sub3A_186 = arith.subi %add3A_185, %sub3A : i32
      %dma_wait3A_187 = arith.constant 0 : i32
      %dma_wait3A_188 = arith.constant 0 : i32
      %dma_wait3A_189 = tpu.memref_slice %arg2[%dma_wait3A_187, %dma_wait3A_188] : memref<10240x128xf32, #tpu.memory_space<hbm>> -> memref<80x128xf32, #tpu.memory_space<hbm>>
      %dma_wait3A_190 = arith.constant 0 : i32
      %dma_wait3A_191 = arith.constant 0 : i32
      %dma_wait3A_192 = tpu.memref_slice %arg2[%dma_wait3A_190, %dma_wait3A_191] : memref<10240x128xf32, #tpu.memory_space<hbm>> -> memref<80x128xf32, #tpu.memory_space<hbm>>
      tpu.wait_dma2 semaphore(%arg13 : memref<!tpu.dma_semaphore, #tpu.memory_space<semaphore_mem>>) src(%dma_wait3A_192 : memref<80x128xf32, #tpu.memory_space<hbm>>) dst(%arg9 : memref<80x128xf32, #tpu.memory_space<vmem>>)
      %dma_start3A_193 = arith.constant 0 : i32
      %dma_start3A_194 = tpu.memref_slice %arg7[%sub3A_186, %dma_start3A_193] : memref<64x80xi32, #tpu.memory_space<vmem>> -> memref<1x80xi32, #tpu.memory_space<vmem>>
      %dma_start3A_195 = tpu.memref_squeeze %dma_start3A_194 : memref<1x80xi32, #tpu.memory_space<vmem>> -> memref<80xi32, #tpu.memory_space<vmem>>
      %dma_start3A_196 = arith.constant 0 : i32
      %dma_start3A_197 = arith.constant 0 : i32
      %dma_start3A_198 = tpu.memref_slice %arg11[%dma_start3A_196, %dma_start3A_197] : memref<10112x128xf32, #tpu.memory_space<vmem_shared>> -> memref<10112x128xf32, #tpu.memory_space<vmem_shared>>
      tpu.enqueue_indirect_dma source(%arg9 : memref<80x128xf32, #tpu.memory_space<vmem>>) target(%dma_start3A_198 : memref<10112x128xf32, #tpu.memory_space<vmem_shared>>) offsets(%dma_start3A_195 : memref<80xi32, #tpu.memory_space<vmem>>) semaphore(%arg16 : memref<!tpu.dma_semaphore, #tpu.memory_space<semaphore_mem>>) {add = true}
      %ge3A = arith.constant 65 : i32
      %ge3A_199 = arith.cmpi sge, %add3A_185, %ge3A : i32
      %convert_element_type3A = arith.extui %ge3A_199 : i1 to i32
      %cond3A = arith.constant 0 : i32
      %cond3A_200 = arith.cmpi ne, %convert_element_type3A, %cond3A : i32
      scf.if %cond3A_200 {
        %dma_wait3A_276 = arith.constant 0 : i32
        %dma_wait3A_277 = arith.constant 0 : i32
        %dma_wait3A_278 = tpu.memref_slice %arg7[%dma_wait3A_276, %dma_wait3A_277] : memref<64x80xi32, #tpu.memory_space<vmem>> -> memref<1x80xi32, #tpu.memory_space<vmem>>
        %dma_wait3A_279 = tpu.memref_squeeze %dma_wait3A_278 : memref<1x80xi32, #tpu.memory_space<vmem>> -> memref<80xi32, #tpu.memory_space<vmem>>
        %dma_wait3A_280 = arith.constant 0 : i32
        %dma_wait3A_281 = arith.constant 0 : i32
        %dma_wait3A_282 = tpu.memref_slice %arg11[%dma_wait3A_280, %dma_wait3A_281] : memref<10112x128xf32, #tpu.memory_space<vmem_shared>> -> memref<10112x128xf32, #tpu.memory_space<vmem_shared>>
        tpu.wait_indirect_dma semaphore(%arg15 : memref<!tpu.dma_semaphore, #tpu.memory_space<semaphore_mem>>) src(%arg8 : memref<80x128xf32, #tpu.memory_space<vmem>>) dst(%dma_wait3A_282 : memref<10112x128xf32, #tpu.memory_space<vmem_shared>>)
      } else {
      }
      %add3A_201 = arith.constant 2 : i32
      %add3A_202 = arith.addi %add3A_185, %add3A_201 : i32
      %mul3A_203 = arith.constant 80 : i32
      %mul3A_204 = arith.muli %add3A_202, %mul3A_203 : i32
      %dma_start3A_205 = tpu.memref_slice %arg6[%mul3A_204] : memref<10000xi32, #tpu.memory_space<vmem>> -> memref<80xi32, #tpu.memory_space<vmem>>
      %dma_start3A_206 = arith.constant 0 : i32
      %dma_start3A_207 = arith.constant 0 : i32
      %dma_start3A_208 = tpu.memref_slice %arg2[%dma_start3A_206, %dma_start3A_207] : memref<10240x128xf32, #tpu.memory_space<hbm>> -> memref<10240x128xf32, #tpu.memory_space<hbm>>
      tpu.enqueue_indirect_dma source(%dma_start3A_208 : memref<10240x128xf32, #tpu.memory_space<hbm>>) target(%arg8 : memref<80x128xf32, #tpu.memory_space<vmem>>) offsets(%dma_start3A_205 : memref<80xi32, #tpu.memory_space<vmem>>) semaphore(%arg12 : memref<!tpu.dma_semaphore, #tpu.memory_space<semaphore_mem>>)
      %add3A_209 = arith.constant 1 : i32
      %add3A_210 = arith.addi %add3A_185, %add3A_209 : i32
      %add3A_211 = arith.constant 1 : i32
      %add3A_212 = arith.addi %add3A_185, %add3A_211 : i32
      %sub3A_213 = arith.constant 64 : i32
      %sub3A_214 = arith.subi %add3A_212, %sub3A_213 : i32
      %dma_wait3A_215 = arith.constant 0 : i32
      %dma_wait3A_216 = arith.constant 0 : i32
      %dma_wait3A_217 = tpu.memref_slice %arg2[%dma_wait3A_215, %dma_wait3A_216] : memref<10240x128xf32, #tpu.memory_space<hbm>> -> memref<80x128xf32, #tpu.memory_space<hbm>>
      %dma_wait3A_218 = arith.constant 0 : i32
      %dma_wait3A_219 = arith.constant 0 : i32
      %dma_wait3A_220 = tpu.memref_slice %arg2[%dma_wait3A_218, %dma_wait3A_219] : memref<10240x128xf32, #tpu.memory_space<hbm>> -> memref<80x128xf32, #tpu.memory_space<hbm>>
      tpu.wait_dma2 semaphore(%arg14 : memref<!tpu.dma_semaphore, #tpu.memory_space<semaphore_mem>>) src(%dma_wait3A_220 : memref<80x128xf32, #tpu.memory_space<hbm>>) dst(%arg10 : memref<80x128xf32, #tpu.memory_space<vmem>>)
      %dma_start3A_221 = arith.constant 0 : i32
      %dma_start3A_222 = tpu.memref_slice %arg7[%sub3A_214, %dma_start3A_221] : memref<64x80xi32, #tpu.memory_space<vmem>> -> memref<1x80xi32, #tpu.memory_space<vmem>>
      %dma_start3A_223 = tpu.memref_squeeze %dma_start3A_222 : memref<1x80xi32, #tpu.memory_space<vmem>> -> memref<80xi32, #tpu.memory_space<vmem>>
      %dma_start3A_224 = arith.constant 0 : i32
      %dma_start3A_225 = arith.constant 0 : i32
      %dma_start3A_226 = tpu.memref_slice %arg11[%dma_start3A_224, %dma_start3A_225] : memref<10112x128xf32, #tpu.memory_space<vmem_shared>> -> memref<10112x128xf32, #tpu.memory_space<vmem_shared>>
      tpu.enqueue_indirect_dma source(%arg10 : memref<80x128xf32, #tpu.memory_space<vmem>>) target(%dma_start3A_226 : memref<10112x128xf32, #tpu.memory_space<vmem_shared>>) offsets(%dma_start3A_223 : memref<80xi32, #tpu.memory_space<vmem>>) semaphore(%arg17 : memref<!tpu.dma_semaphore, #tpu.memory_space<semaphore_mem>>) {add = true}
      %dma_wait3A_227 = arith.constant 0 : i32
      %dma_wait3A_228 = arith.constant 0 : i32
      %dma_wait3A_229 = tpu.memref_slice %arg7[%dma_wait3A_227, %dma_wait3A_228] : memref<64x80xi32, #tpu.memory_space<vmem>> -> memref<1x80xi32, #tpu.memory_space<vmem>>
      %dma_wait3A_230 = tpu.memref_squeeze %dma_wait3A_229 : memref<1x80xi32, #tpu.memory_space<vmem>> -> memref<80xi32, #tpu.memory_space<vmem>>
      %dma_wait3A_231 = arith.constant 0 : i32
      %dma_wait3A_232 = arith.constant 0 : i32
      %dma_wait3A_233 = tpu.memref_slice %arg11[%dma_wait3A_231, %dma_wait3A_232] : memref<10112x128xf32, #tpu.memory_space<vmem_shared>> -> memref<10112x128xf32, #tpu.memory_space<vmem_shared>>
      tpu.wait_indirect_dma semaphore(%arg16 : memref<!tpu.dma_semaphore, #tpu.memory_space<semaphore_mem>>) src(%arg9 : memref<80x128xf32, #tpu.memory_space<vmem>>) dst(%dma_wait3A_233 : memref<10112x128xf32, #tpu.memory_space<vmem_shared>>)
      %add3A_234 = arith.constant 2 : i32
      %add3A_235 = arith.addi %add3A_210, %add3A_234 : i32
      %mul3A_236 = arith.constant 80 : i32
      %mul3A_237 = arith.muli %add3A_235, %mul3A_236 : i32
      %dma_start3A_238 = tpu.memref_slice %arg6[%mul3A_237] : memref<10000xi32, #tpu.memory_space<vmem>> -> memref<80xi32, #tpu.memory_space<vmem>>
      %dma_start3A_239 = arith.constant 0 : i32
      %dma_start3A_240 = arith.constant 0 : i32
      %dma_start3A_241 = tpu.memref_slice %arg2[%dma_start3A_239, %dma_start3A_240] : memref<10240x128xf32, #tpu.memory_space<hbm>> -> memref<10240x128xf32, #tpu.memory_space<hbm>>
      tpu.enqueue_indirect_dma source(%dma_start3A_241 : memref<10240x128xf32, #tpu.memory_space<hbm>>) target(%arg9 : memref<80x128xf32, #tpu.memory_space<vmem>>) offsets(%dma_start3A_238 : memref<80xi32, #tpu.memory_space<vmem>>) semaphore(%arg13 : memref<!tpu.dma_semaphore, #tpu.memory_space<semaphore_mem>>)
      %add3A_242 = arith.constant 2 : i32
      %add3A_243 = arith.addi %add3A_185, %add3A_242 : i32
      %add3A_244 = arith.constant 2 : i32
      %add3A_245 = arith.addi %add3A_185, %add3A_244 : i32
      %sub3A_246 = arith.constant 64 : i32
      %sub3A_247 = arith.subi %add3A_245, %sub3A_246 : i32
      %dma_wait3A_248 = arith.constant 0 : i32
      %dma_wait3A_249 = arith.constant 0 : i32
      %dma_wait3A_250 = tpu.memref_slice %arg2[%dma_wait3A_248, %dma_wait3A_249] : memref<10240x128xf32, #tpu.memory_space<hbm>> -> memref<80x128xf32, #tpu.memory_space<hbm>>
      %dma_wait3A_251 = arith.constant 0 : i32
      %dma_wait3A_252 = arith.constant 0 : i32
      %dma_wait3A_253 = tpu.memref_slice %arg2[%dma_wait3A_251, %dma_wait3A_252] : memref<10240x128xf32, #tpu.memory_space<hbm>> -> memref<80x128xf32, #tpu.memory_space<hbm>>
      tpu.wait_dma2 semaphore(%arg12 : memref<!tpu.dma_semaphore, #tpu.memory_space<semaphore_mem>>) src(%dma_wait3A_253 : memref<80x128xf32, #tpu.memory_space<hbm>>) dst(%arg8 : memref<80x128xf32, #tpu.memory_space<vmem>>)
      %dma_start3A_254 = arith.constant 0 : i32
      %dma_start3A_255 = tpu.memref_slice %arg7[%sub3A_247, %dma_start3A_254] : memref<64x80xi32, #tpu.memory_space<vmem>> -> memref<1x80xi32, #tpu.memory_space<vmem>>
      %dma_start3A_256 = tpu.memref_squeeze %dma_start3A_255 : memref<1x80xi32, #tpu.memory_space<vmem>> -> memref<80xi32, #tpu.memory_space<vmem>>
      %dma_start3A_257 = arith.constant 0 : i32
      %dma_start3A_258 = arith.constant 0 : i32
      %dma_start3A_259 = tpu.memref_slice %arg11[%dma_start3A_257, %dma_start3A_258] : memref<10112x128xf32, #tpu.memory_space<vmem_shared>> -> memref<10112x128xf32, #tpu.memory_space<vmem_shared>>
      tpu.enqueue_indirect_dma source(%arg8 : memref<80x128xf32, #tpu.memory_space<vmem>>) target(%dma_start3A_259 : memref<10112x128xf32, #tpu.memory_space<vmem_shared>>) offsets(%dma_start3A_256 : memref<80xi32, #tpu.memory_space<vmem>>) semaphore(%arg15 : memref<!tpu.dma_semaphore, #tpu.memory_space<semaphore_mem>>) {add = true}
      %dma_wait3A_260 = arith.constant 0 : i32
      %dma_wait3A_261 = arith.constant 0 : i32
      %dma_wait3A_262 = tpu.memref_slice %arg7[%dma_wait3A_260, %dma_wait3A_261] : memref<64x80xi32, #tpu.memory_space<vmem>> -> memref<1x80xi32, #tpu.memory_space<vmem>>
      %dma_wait3A_263 = tpu.memref_squeeze %dma_wait3A_262 : memref<1x80xi32, #tpu.memory_space<vmem>> -> memref<80xi32, #tpu.memory_space<vmem>>
      %dma_wait3A_264 = arith.constant 0 : i32
      %dma_wait3A_265 = arith.constant 0 : i32
      %dma_wait3A_266 = tpu.memref_slice %arg11[%dma_wait3A_264, %dma_wait3A_265] : memref<10112x128xf32, #tpu.memory_space<vmem_shared>> -> memref<10112x128xf32, #tpu.memory_space<vmem_shared>>
      tpu.wait_indirect_dma semaphore(%arg17 : memref<!tpu.dma_semaphore, #tpu.memory_space<semaphore_mem>>) src(%arg10 : memref<80x128xf32, #tpu.memory_space<vmem>>) dst(%dma_wait3A_266 : memref<10112x128xf32, #tpu.memory_space<vmem_shared>>)
      %add3A_267 = arith.constant 2 : i32
      %add3A_268 = arith.addi %add3A_243, %add3A_267 : i32
      %mul3A_269 = arith.constant 80 : i32
      %mul3A_270 = arith.muli %add3A_268, %mul3A_269 : i32
      %dma_start3A_271 = tpu.memref_slice %arg6[%mul3A_270] : memref<10000xi32, #tpu.memory_space<vmem>> -> memref<80xi32, #tpu.memory_space<vmem>>
      %dma_start3A_272 = arith.constant 0 : i32
      %dma_start3A_273 = arith.constant 0 : i32
      %dma_start3A_274 = tpu.memref_slice %arg2[%dma_start3A_272, %dma_start3A_273] : memref<10240x128xf32, #tpu.memory_space<hbm>> -> memref<10240x128xf32, #tpu.memory_space<hbm>>
      tpu.enqueue_indirect_dma source(%dma_start3A_274 : memref<10240x128xf32, #tpu.memory_space<hbm>>) target(%arg10 : memref<80x128xf32, #tpu.memory_space<vmem>>) offsets(%dma_start3A_271 : memref<80xi32, #tpu.memory_space<vmem>>) semaphore(%arg14 : memref<!tpu.dma_semaphore, #tpu.memory_space<semaphore_mem>>)
      %scan3A_275 = arith.constant 0 : i32
      scf.yield %scan3A_275 : i32
    }
    %scan3A_81 = arith.constant 19 : i32
    %dma_wait3A_82 = arith.constant 0 : i32
    %dma_wait3A_83 = arith.constant 0 : i32
    %dma_wait3A_84 = tpu.memref_slice %arg2[%dma_wait3A_82, %dma_wait3A_83] : memref<10240x128xf32, #tpu.memory_space<hbm>> -> memref<80x128xf32, #tpu.memory_space<hbm>>
    %dma_wait3A_85 = arith.constant 0 : i32
    %dma_wait3A_86 = arith.constant 0 : i32
    %dma_wait3A_87 = tpu.memref_slice %arg2[%dma_wait3A_85, %dma_wait3A_86] : memref<10240x128xf32, #tpu.memory_space<hbm>> -> memref<80x128xf32, #tpu.memory_space<hbm>>
    tpu.wait_dma2 semaphore(%arg13 : memref<!tpu.dma_semaphore, #tpu.memory_space<semaphore_mem>>) src(%dma_wait3A_87 : memref<80x128xf32, #tpu.memory_space<hbm>>) dst(%arg9 : memref<80x128xf32, #tpu.memory_space<vmem>>)
    %dma_start3A_88 = arith.constant 57 : i32
    %dma_start3A_89 = arith.constant 0 : i32
    %dma_start3A_90 = tpu.memref_slice %arg7[%dma_start3A_88, %dma_start3A_89] : memref<64x80xi32, #tpu.memory_space<vmem>> -> memref<1x80xi32, #tpu.memory_space<vmem>>
    %dma_start3A_91 = tpu.memref_squeeze %dma_start3A_90 : memref<1x80xi32, #tpu.memory_space<vmem>> -> memref<80xi32, #tpu.memory_space<vmem>>
    %dma_start3A_92 = arith.constant 0 : i32
    %dma_start3A_93 = arith.constant 0 : i32
    %dma_start3A_94 = tpu.memref_slice %arg11[%dma_start3A_92, %dma_start3A_93] : memref<10112x128xf32, #tpu.memory_space<vmem_shared>> -> memref<10112x128xf32, #tpu.memory_space<vmem_shared>>
    tpu.enqueue_indirect_dma source(%arg9 : memref<80x128xf32, #tpu.memory_space<vmem>>) target(%dma_start3A_94 : memref<10112x128xf32, #tpu.memory_space<vmem_shared>>) offsets(%dma_start3A_91 : memref<80xi32, #tpu.memory_space<vmem>>) semaphore(%arg16 : memref<!tpu.dma_semaphore, #tpu.memory_space<semaphore_mem>>) {add = true}
    %dma_wait3A_95 = arith.constant 0 : i32
    %dma_wait3A_96 = arith.constant 0 : i32
    %dma_wait3A_97 = tpu.memref_slice %arg7[%dma_wait3A_95, %dma_wait3A_96] : memref<64x80xi32, #tpu.memory_space<vmem>> -> memref<1x80xi32, #tpu.memory_space<vmem>>
    %dma_wait3A_98 = tpu.memref_squeeze %dma_wait3A_97 : memref<1x80xi32, #tpu.memory_space<vmem>> -> memref<80xi32, #tpu.memory_space<vmem>>
    %dma_wait3A_99 = arith.constant 0 : i32
    %dma_wait3A_100 = arith.constant 0 : i32
    %dma_wait3A_101 = tpu.memref_slice %arg11[%dma_wait3A_99, %dma_wait3A_100] : memref<10112x128xf32, #tpu.memory_space<vmem_shared>> -> memref<10112x128xf32, #tpu.memory_space<vmem_shared>>
    tpu.wait_indirect_dma semaphore(%arg15 : memref<!tpu.dma_semaphore, #tpu.memory_space<semaphore_mem>>) src(%arg8 : memref<80x128xf32, #tpu.memory_space<vmem>>) dst(%dma_wait3A_101 : memref<10112x128xf32, #tpu.memory_space<vmem_shared>>)
    %dma_start3A_102 = arith.constant 9840 : i32
    %dma_start3A_103 = tpu.memref_slice %arg6[%dma_start3A_102] : memref<10000xi32, #tpu.memory_space<vmem>> -> memref<80xi32, #tpu.memory_space<vmem>>
    %dma_start3A_104 = arith.constant 0 : i32
    %dma_start3A_105 = arith.constant 0 : i32
    %dma_start3A_106 = tpu.memref_slice %arg2[%dma_start3A_104, %dma_start3A_105] : memref<10240x128xf32, #tpu.memory_space<hbm>> -> memref<10240x128xf32, #tpu.memory_space<hbm>>
    tpu.enqueue_indirect_dma source(%dma_start3A_106 : memref<10240x128xf32, #tpu.memory_space<hbm>>) target(%arg8 : memref<80x128xf32, #tpu.memory_space<vmem>>) offsets(%dma_start3A_103 : memref<80xi32, #tpu.memory_space<vmem>>) semaphore(%arg12 : memref<!tpu.dma_semaphore, #tpu.memory_space<semaphore_mem>>)
    %dma_wait3A_107 = arith.constant 0 : i32
    %dma_wait3A_108 = arith.constant 0 : i32
    %dma_wait3A_109 = tpu.memref_slice %arg2[%dma_wait3A_107, %dma_wait3A_108] : memref<10240x128xf32, #tpu.memory_space<hbm>> -> memref<80x128xf32, #tpu.memory_space<hbm>>
    %dma_wait3A_110 = arith.constant 0 : i32
    %dma_wait3A_111 = arith.constant 0 : i32
    %dma_wait3A_112 = tpu.memref_slice %arg2[%dma_wait3A_110, %dma_wait3A_111] : memref<10240x128xf32, #tpu.memory_space<hbm>> -> memref<80x128xf32, #tpu.memory_space<hbm>>
    tpu.wait_dma2 semaphore(%arg14 : memref<!tpu.dma_semaphore, #tpu.memory_space<semaphore_mem>>) src(%dma_wait3A_112 : memref<80x128xf32, #tpu.memory_space<hbm>>) dst(%arg10 : memref<80x128xf32, #tpu.memory_space<vmem>>)
    %dma_start3A_113 = arith.constant 58 : i32
    %dma_start3A_114 = arith.constant 0 : i32
    %dma_start3A_115 = tpu.memref_slice %arg7[%dma_start3A_113, %dma_start3A_114] : memref<64x80xi32, #tpu.memory_space<vmem>> -> memref<1x80xi32, #tpu.memory_space<vmem>>
    %dma_start3A_116 = tpu.memref_squeeze %dma_start3A_115 : memref<1x80xi32, #tpu.memory_space<vmem>> -> memref<80xi32, #tpu.memory_space<vmem>>
    %dma_start3A_117 = arith.constant 0 : i32
    %dma_start3A_118 = arith.constant 0 : i32
    %dma_start3A_119 = tpu.memref_slice %arg11[%dma_start3A_117, %dma_start3A_118] : memref<10112x128xf32, #tpu.memory_space<vmem_shared>> -> memref<10112x128xf32, #tpu.memory_space<vmem_shared>>
    tpu.enqueue_indirect_dma source(%arg10 : memref<80x128xf32, #tpu.memory_space<vmem>>) target(%dma_start3A_119 : memref<10112x128xf32, #tpu.memory_space<vmem_shared>>) offsets(%dma_start3A_116 : memref<80xi32, #tpu.memory_space<vmem>>) semaphore(%arg17 : memref<!tpu.dma_semaphore, #tpu.memory_space<semaphore_mem>>) {add = true}
    %dma_wait3A_120 = arith.constant 0 : i32
    %dma_wait3A_121 = arith.constant 0 : i32
    %dma_wait3A_122 = tpu.memref_slice %arg7[%dma_wait3A_120, %dma_wait3A_121] : memref<64x80xi32, #tpu.memory_space<vmem>> -> memref<1x80xi32, #tpu.memory_space<vmem>>
    %dma_wait3A_123 = tpu.memref_squeeze %dma_wait3A_122 : memref<1x80xi32, #tpu.memory_space<vmem>> -> memref<80xi32, #tpu.memory_space<vmem>>
    %dma_wait3A_124 = arith.constant 0 : i32
    %dma_wait3A_125 = arith.constant 0 : i32
    %dma_wait3A_126 = tpu.memref_slice %arg11[%dma_wait3A_124, %dma_wait3A_125] : memref<10112x128xf32, #tpu.memory_space<vmem_shared>> -> memref<10112x128xf32, #tpu.memory_space<vmem_shared>>
    tpu.wait_indirect_dma semaphore(%arg16 : memref<!tpu.dma_semaphore, #tpu.memory_space<semaphore_mem>>) src(%arg9 : memref<80x128xf32, #tpu.memory_space<vmem>>) dst(%dma_wait3A_126 : memref<10112x128xf32, #tpu.memory_space<vmem_shared>>)
    %dma_start3A_127 = arith.constant 9920 : i32
    %dma_start3A_128 = tpu.memref_slice %arg6[%dma_start3A_127] : memref<10000xi32, #tpu.memory_space<vmem>> -> memref<80xi32, #tpu.memory_space<vmem>>
    %dma_start3A_129 = arith.constant 0 : i32
    %dma_start3A_130 = arith.constant 0 : i32
    %dma_start3A_131 = tpu.memref_slice %arg2[%dma_start3A_129, %dma_start3A_130] : memref<10240x128xf32, #tpu.memory_space<hbm>> -> memref<10240x128xf32, #tpu.memory_space<hbm>>
    tpu.enqueue_indirect_dma source(%dma_start3A_131 : memref<10240x128xf32, #tpu.memory_space<hbm>>) target(%arg9 : memref<80x128xf32, #tpu.memory_space<vmem>>) offsets(%dma_start3A_128 : memref<80xi32, #tpu.memory_space<vmem>>) semaphore(%arg13 : memref<!tpu.dma_semaphore, #tpu.memory_space<semaphore_mem>>)
    %dma_wait3A_132 = arith.constant 0 : i32
    %dma_wait3A_133 = arith.constant 0 : i32
    %dma_wait3A_134 = tpu.memref_slice %arg2[%dma_wait3A_132, %dma_wait3A_133] : memref<10240x128xf32, #tpu.memory_space<hbm>> -> memref<80x128xf32, #tpu.memory_space<hbm>>
    %dma_wait3A_135 = arith.constant 0 : i32
    %dma_wait3A_136 = arith.constant 0 : i32
    %dma_wait3A_137 = tpu.memref_slice %arg2[%dma_wait3A_135, %dma_wait3A_136] : memref<10240x128xf32, #tpu.memory_space<hbm>> -> memref<80x128xf32, #tpu.memory_space<hbm>>
    tpu.wait_dma2 semaphore(%arg12 : memref<!tpu.dma_semaphore, #tpu.memory_space<semaphore_mem>>) src(%dma_wait3A_137 : memref<80x128xf32, #tpu.memory_space<hbm>>) dst(%arg8 : memref<80x128xf32, #tpu.memory_space<vmem>>)
    %dma_start3A_138 = arith.constant 59 : i32
    %dma_start3A_139 = arith.constant 0 : i32
    %dma_start3A_140 = tpu.memref_slice %arg7[%dma_start3A_138, %dma_start3A_139] : memref<64x80xi32, #tpu.memory_space<vmem>> -> memref<1x80xi32, #tpu.memory_space<vmem>>
    %dma_start3A_141 = tpu.memref_squeeze %dma_start3A_140 : memref<1x80xi32, #tpu.memory_space<vmem>> -> memref<80xi32, #tpu.memory_space<vmem>>
    %dma_start3A_142 = arith.constant 0 : i32
    %dma_start3A_143 = arith.constant 0 : i32
    %dma_start3A_144 = tpu.memref_slice %arg11[%dma_start3A_142, %dma_start3A_143] : memref<10112x128xf32, #tpu.memory_space<vmem_shared>> -> memref<10112x128xf32, #tpu.memory_space<vmem_shared>>
    tpu.enqueue_indirect_dma source(%arg8 : memref<80x128xf32, #tpu.memory_space<vmem>>) target(%dma_start3A_144 : memref<10112x128xf32, #tpu.memory_space<vmem_shared>>) offsets(%dma_start3A_141 : memref<80xi32, #tpu.memory_space<vmem>>) semaphore(%arg15 : memref<!tpu.dma_semaphore, #tpu.memory_space<semaphore_mem>>) {add = true}
    %dma_wait3A_145 = arith.constant 0 : i32
    %dma_wait3A_146 = arith.constant 0 : i32
    %dma_wait3A_147 = tpu.memref_slice %arg7[%dma_wait3A_145, %dma_wait3A_146] : memref<64x80xi32, #tpu.memory_space<vmem>> -> memref<1x80xi32, #tpu.memory_space<vmem>>
    %dma_wait3A_148 = tpu.memref_squeeze %dma_wait3A_147 : memref<1x80xi32, #tpu.memory_space<vmem>> -> memref<80xi32, #tpu.memory_space<vmem>>
    %dma_wait3A_149 = arith.constant 0 : i32
    %dma_wait3A_150 = arith.constant 0 : i32
    %dma_wait3A_151 = tpu.memref_slice %arg11[%dma_wait3A_149, %dma_wait3A_150] : memref<10112x128xf32, #tpu.memory_space<vmem_shared>> -> memref<10112x128xf32, #tpu.memory_space<vmem_shared>>
    tpu.wait_indirect_dma semaphore(%arg17 : memref<!tpu.dma_semaphore, #tpu.memory_space<semaphore_mem>>) src(%arg10 : memref<80x128xf32, #tpu.memory_space<vmem>>) dst(%dma_wait3A_151 : memref<10112x128xf32, #tpu.memory_space<vmem_shared>>)
    %dma_wait3A_152 = arith.constant 0 : i32
    %dma_wait3A_153 = arith.constant 0 : i32
    %dma_wait3A_154 = tpu.memref_slice %arg2[%dma_wait3A_152, %dma_wait3A_153] : memref<10240x128xf32, #tpu.memory_space<hbm>> -> memref<80x128xf32, #tpu.memory_space<hbm>>
    %dma_wait3A_155 = arith.constant 0 : i32
    %dma_wait3A_156 = arith.constant 0 : i32
    %dma_wait3A_157 = tpu.memref_slice %arg2[%dma_wait3A_155, %dma_wait3A_156] : memref<10240x128xf32, #tpu.memory_space<hbm>> -> memref<80x128xf32, #tpu.memory_space<hbm>>
    tpu.wait_dma2 semaphore(%arg13 : memref<!tpu.dma_semaphore, #tpu.memory_space<semaphore_mem>>) src(%dma_wait3A_157 : memref<80x128xf32, #tpu.memory_space<hbm>>) dst(%arg9 : memref<80x128xf32, #tpu.memory_space<vmem>>)
    %dma_start3A_158 = arith.constant 60 : i32
    %dma_start3A_159 = arith.constant 0 : i32
    %dma_start3A_160 = tpu.memref_slice %arg7[%dma_start3A_158, %dma_start3A_159] : memref<64x80xi32, #tpu.memory_space<vmem>> -> memref<1x80xi32, #tpu.memory_space<vmem>>
    %dma_start3A_161 = tpu.memref_squeeze %dma_start3A_160 : memref<1x80xi32, #tpu.memory_space<vmem>> -> memref<80xi32, #tpu.memory_space<vmem>>
    %dma_start3A_162 = arith.constant 0 : i32
    %dma_start3A_163 = arith.constant 0 : i32
    %dma_start3A_164 = tpu.memref_slice %arg11[%dma_start3A_162, %dma_start3A_163] : memref<10112x128xf32, #tpu.memory_space<vmem_shared>> -> memref<10112x128xf32, #tpu.memory_space<vmem_shared>>
    tpu.enqueue_indirect_dma source(%arg9 : memref<80x128xf32, #tpu.memory_space<vmem>>) target(%dma_start3A_164 : memref<10112x128xf32, #tpu.memory_space<vmem_shared>>) offsets(%dma_start3A_161 : memref<80xi32, #tpu.memory_space<vmem>>) semaphore(%arg16 : memref<!tpu.dma_semaphore, #tpu.memory_space<semaphore_mem>>) {add = true}
    %dma_wait3A_165 = arith.constant 0 : i32
    %dma_wait3A_166 = arith.constant 0 : i32
    %dma_wait3A_167 = tpu.memref_slice %arg7[%dma_wait3A_165, %dma_wait3A_166] : memref<64x80xi32, #tpu.memory_space<vmem>> -> memref<1x80xi32, #tpu.memory_space<vmem>>
    %dma_wait3A_168 = tpu.memref_squeeze %dma_wait3A_167 : memref<1x80xi32, #tpu.memory_space<vmem>> -> memref<80xi32, #tpu.memory_space<vmem>>
    %dma_wait3A_169 = arith.constant 0 : i32
    %dma_wait3A_170 = arith.constant 0 : i32
    %dma_wait3A_171 = tpu.memref_slice %arg11[%dma_wait3A_169, %dma_wait3A_170] : memref<10112x128xf32, #tpu.memory_space<vmem_shared>> -> memref<10112x128xf32, #tpu.memory_space<vmem_shared>>
    tpu.wait_indirect_dma semaphore(%arg15 : memref<!tpu.dma_semaphore, #tpu.memory_space<semaphore_mem>>) src(%arg8 : memref<80x128xf32, #tpu.memory_space<vmem>>) dst(%dma_wait3A_171 : memref<10112x128xf32, #tpu.memory_space<vmem_shared>>)
    %dma_wait3A_172 = arith.constant 0 : i32
    %dma_wait3A_173 = arith.constant 0 : i32
    %dma_wait3A_174 = tpu.memref_slice %arg7[%dma_wait3A_172, %dma_wait3A_173] : memref<64x80xi32, #tpu.memory_space<vmem>> -> memref<1x80xi32, #tpu.memory_space<vmem>>
    %dma_wait3A_175 = tpu.memref_squeeze %dma_wait3A_174 : memref<1x80xi32, #tpu.memory_space<vmem>> -> memref<80xi32, #tpu.memory_space<vmem>>
    %dma_wait3A_176 = arith.constant 0 : i32
    %dma_wait3A_177 = arith.constant 0 : i32
    %dma_wait3A_178 = tpu.memref_slice %arg11[%dma_wait3A_176, %dma_wait3A_177] : memref<10112x128xf32, #tpu.memory_space<vmem_shared>> -> memref<10112x128xf32, #tpu.memory_space<vmem_shared>>
    tpu.wait_indirect_dma semaphore(%arg16 : memref<!tpu.dma_semaphore, #tpu.memory_space<semaphore_mem>>) src(%arg9 : memref<80x128xf32, #tpu.memory_space<vmem>>) dst(%dma_wait3A_178 : memref<10112x128xf32, #tpu.memory_space<vmem_shared>>)
    %barrier3A_179 = arith.constant 0 : index
    tpu.barrier barrier_id(%barrier3A_179)
    "tpu.region"() ({
      %run_scoped3A = tpu.sem_alloc : memref<!tpu.dma_semaphore, #tpu.memory_space<semaphore_mem>>
      %dma_start3A_180 = arith.constant 0 : i32
      %dma_start3A_181 = tpu.memref_slice %arg5[%arg0, %mul3A_20, %dma_start3A_180] : memref<2x10240x128xf32, #tpu.memory_space<hbm>> -> memref<1x632x128xf32, #tpu.memory_space<hbm>>
      %dma_start3A_182 = tpu.memref_squeeze %dma_start3A_181 : memref<1x632x128xf32, #tpu.memory_space<hbm>> -> memref<632x128xf32, #tpu.memory_space<hbm>>
      %dma_start3A_183 = arith.constant 0 : i32
      %dma_start3A_184 = tpu.memref_slice %arg11[%mul3A_20, %dma_start3A_183] : memref<10112x128xf32, #tpu.memory_space<vmem_shared>> -> memref<632x128xf32, #tpu.memory_space<vmem_shared>>
      tpu.enqueue_dma source(%dma_start3A_184 : memref<632x128xf32, #tpu.memory_space<vmem_shared>>) target(%dma_start3A_182 : memref<632x128xf32, #tpu.memory_space<hbm>>) target_semaphore(%run_scoped3A : memref<!tpu.dma_semaphore, #tpu.memory_space<semaphore_mem>>)
      %dma_wait3A_185 = arith.constant 0 : i32
      %dma_wait3A_186 = tpu.memref_slice %arg5[%arg0, %mul3A_20, %dma_wait3A_185] : memref<2x10240x128xf32, #tpu.memory_space<hbm>> -> memref<1x632x128xf32, #tpu.memory_space<hbm>>
      %dma_wait3A_187 = tpu.memref_squeeze %dma_wait3A_186 : memref<1x632x128xf32, #tpu.memory_space<hbm>> -> memref<632x128xf32, #tpu.memory_space<hbm>>
      %dma_wait3A_188 = arith.constant 0 : i32
      %dma_wait3A_189 = tpu.memref_slice %arg11[%mul3A_20, %dma_wait3A_188] : memref<10112x128xf32, #tpu.memory_space<vmem_shared>> -> memref<632x128xf32, #tpu.memory_space<vmem_shared>>
      tpu.wait_dma2 semaphore(%run_scoped3A : memref<!tpu.dma_semaphore, #tpu.memory_space<semaphore_mem>>) src(%dma_wait3A_189 : memref<632x128xf32, #tpu.memory_space<vmem_shared>>) dst(%dma_wait3A_187 : memref<632x128xf32, #tpu.memory_space<hbm>>)
      tpu.yield
    }) : () -> ()
    return
  }
}

#map = affine_map<(d0, d1) -> (0, 0)>
#map1 = affine_map<(d0, d1) -> (0)>
#map2 = affine_map<(d0, d1) -> (0, 0, 0)>
module attributes {stable_mosaic.version = 14 : i64} {
  func.func @_spmm_kernel(%arg0: i32, %arg1: i32, %arg2: memref<10240x128xf32, #tpu.memory_space<hbm>>, %arg3: memref<320000xi32, #tpu.memory_space<hbm>>, %arg4: memref<32x128x80xi32, #tpu.memory_space<hbm>>, %arg5: memref<2x10240x128xf32, #tpu.memory_space<hbm>>, %arg6: memref<10000xi32, #tpu.memory_space<vmem>>, %arg7: memref<64x80xi32, #tpu.memory_space<vmem>>, %arg8: memref<80x128xf32, #tpu.memory_space<vmem>>, %arg9: memref<80x128xf32, #tpu.memory_space<vmem>>, %arg10: memref<80x128xf32, #tpu.memory_space<vmem>>, %arg11: memref<10112x128xf32, #tpu.memory_space<vmem_shared>>, %arg12: memref<!tpu.dma_semaphore, #tpu.memory_space<semaphore_mem>>, %arg13: memref<!tpu.dma_semaphore, #tpu.memory_space<semaphore_mem>>, %arg14: memref<!tpu.dma_semaphore, #tpu.memory_space<semaphore_mem>>, %arg15: memref<!tpu.dma_semaphore, #tpu.memory_space<semaphore_mem>>, %arg16: memref<!tpu.dma_semaphore, #tpu.memory_space<semaphore_mem>>, %arg17: memref<!tpu.dma_semaphore, #tpu.memory_space<semaphore_mem>>) attributes {dimension_semantics = [#tpu.dimension_semantics<core_parallel>, #tpu.dimension_semantics<subcore_parallel>], iteration_bounds = array<i64: 2, 16>, scalar_prefetch = 0 : i64, scratch_operands = 12 : i64, tpu.core_type = #tpu.core_type<sc_vector_subcore>, window_params = [{transform_indices = #map}, {transform_indices = #map1}, {transform_indices = #map2}, {transform_indices = #map2}]} {
    %mul3A = arith.constant 16 : i32
    %mul3A_0 = arith.muli %arg0, %mul3A : i32
    %add3A = arith.addi %mul3A_0, %arg1 : i32
    %broadcast_in_dim3A = arith.constant 0.000000e+00 : f32
    %broadcast_in_dim3A_1 = vector.broadcast %broadcast_in_dim3A : f32 to vector<16xf32>
    %mul3A_2 = arith.constant 10000 : i32
    %mul3A_3 = arith.muli %add3A, %mul3A_2 : i32
    "tpu.region"() ({
      %run_scoped3A = tpu.sem_alloc : memref<!tpu.dma_semaphore, #tpu.memory_space<semaphore_mem>>
      %dma_start3A_180 = tpu.memref_slice %arg3[%mul3A_3] : memref<320000xi32, #tpu.memory_space<hbm>> -> memref<10000xi32, #tpu.memory_space<hbm>>
      %dma_start3A_181 = tpu.memref_slice %arg3[%mul3A_3] : memref<320000xi32, #tpu.memory_space<hbm>> -> memref<10000xi32, #tpu.memory_space<hbm>>
      tpu.enqueue_dma source(%dma_start3A_181 : memref<10000xi32, #tpu.memory_space<hbm>>) target(%arg6 : memref<10000xi32, #tpu.memory_space<vmem>>) target_semaphore(%run_scoped3A : memref<!tpu.dma_semaphore, #tpu.memory_space<semaphore_mem>>)
      %dma_wait3A_182 = tpu.memref_slice %arg3[%mul3A_3] : memref<320000xi32, #tpu.memory_space<hbm>> -> memref<10000xi32, #tpu.memory_space<hbm>>
      %dma_wait3A_183 = tpu.memref_slice %arg3[%mul3A_3] : memref<320000xi32, #tpu.memory_space<hbm>> -> memref<10000xi32, #tpu.memory_space<hbm>>
      tpu.wait_dma2 semaphore(%run_scoped3A : memref<!tpu.dma_semaphore, #tpu.memory_space<semaphore_mem>>) src(%dma_wait3A_183 : memref<10000xi32, #tpu.memory_space<hbm>>) dst(%arg6 : memref<10000xi32, #tpu.memory_space<vmem>>)
      tpu.yield
    }) : () -> ()
    %dma_start3A = arith.constant 0 : i32
    %dma_start3A_4 = tpu.memref_slice %arg6[%dma_start3A] : memref<10000xi32, #tpu.memory_space<vmem>> -> memref<80xi32, #tpu.memory_space<vmem>>
    %dma_start3A_5 = arith.constant 0 : i32
    %dma_start3A_6 = arith.constant 0 : i32
    %dma_start3A_7 = tpu.memref_slice %arg2[%dma_start3A_5, %dma_start3A_6] : memref<10240x128xf32, #tpu.memory_space<hbm>> -> memref<10240x128xf32, #tpu.memory_space<hbm>>
    tpu.enqueue_indirect_dma source(%dma_start3A_7 : memref<10240x128xf32, #tpu.memory_space<hbm>>) target(%arg8 : memref<80x128xf32, #tpu.memory_space<vmem>>) offsets(%dma_start3A_4 : memref<80xi32, #tpu.memory_space<vmem>>) semaphore(%arg12 : memref<!tpu.dma_semaphore, #tpu.memory_space<semaphore_mem>>)
    %dma_start3A_8 = arith.constant 80 : i32
    %dma_start3A_9 = tpu.memref_slice %arg6[%dma_start3A_8] : memref<10000xi32, #tpu.memory_space<vmem>> -> memref<80xi32, #tpu.memory_space<vmem>>
    %dma_start3A_10 = arith.constant 0 : i32
    %dma_start3A_11 = arith.constant 0 : i32
    %dma_start3A_12 = tpu.memref_slice %arg2[%dma_start3A_10, %dma_start3A_11] : memref<10240x128xf32, #tpu.memory_space<hbm>> -> memref<10240x128xf32, #tpu.memory_space<hbm>>
    tpu.enqueue_indirect_dma source(%dma_start3A_12 : memref<10240x128xf32, #tpu.memory_space<hbm>>) target(%arg9 : memref<80x128xf32, #tpu.memory_space<vmem>>) offsets(%dma_start3A_9 : memref<80xi32, #tpu.memory_space<vmem>>) semaphore(%arg13 : memref<!tpu.dma_semaphore, #tpu.memory_space<semaphore_mem>>)
    "tpu.region"() ({
      %run_scoped3A = tpu.sem_alloc : memref<!tpu.dma_semaphore, #tpu.memory_space<semaphore_mem>>
      %dma_start3A_180 = arith.constant 0 : i32
      %dma_start3A_181 = arith.constant 0 : i32
      %dma_start3A_182 = tpu.memref_slice %arg4[%add3A, %dma_start3A_180, %dma_start3A_181] : memref<32x128x80xi32, #tpu.memory_space<hbm>> -> memref<1x64x80xi32, #tpu.memory_space<hbm>>
      %dma_start3A_183 = tpu.memref_squeeze %dma_start3A_182 : memref<1x64x80xi32, #tpu.memory_space<hbm>> -> memref<64x80xi32, #tpu.memory_space<hbm>>
      %dma_start3A_184 = arith.constant 0 : i32
      %dma_start3A_185 = arith.constant 0 : i32
      %dma_start3A_186 = tpu.memref_slice %arg4[%add3A, %dma_start3A_184, %dma_start3A_185] : memref<32x128x80xi32, #tpu.memory_space<hbm>> -> memref<1x64x80xi32, #tpu.memory_space<hbm>>
      %dma_start3A_187 = tpu.memref_squeeze %dma_start3A_186 : memref<1x64x80xi32, #tpu.memory_space<hbm>> -> memref<64x80xi32, #tpu.memory_space<hbm>>
      tpu.enqueue_dma source(%dma_start3A_187 : memref<64x80xi32, #tpu.memory_space<hbm>>) target(%arg7 : memref<64x80xi32, #tpu.memory_space<vmem>>) target_semaphore(%run_scoped3A : memref<!tpu.dma_semaphore, #tpu.memory_space<semaphore_mem>>)
      %dma_wait3A_188 = arith.constant 0 : i32
      %dma_wait3A_189 = arith.constant 0 : i32
      %dma_wait3A_190 = tpu.memref_slice %arg4[%add3A, %dma_wait3A_188, %dma_wait3A_189] : memref<32x128x80xi32, #tpu.memory_space<hbm>> -> memref<1x64x80xi32, #tpu.memory_space<hbm>>
      %dma_wait3A_191 = tpu.memref_squeeze %dma_wait3A_190 : memref<1x64x80xi32, #tpu.memory_space<hbm>> -> memref<64x80xi32, #tpu.memory_space<hbm>>
      %dma_wait3A_192 = arith.constant 0 : i32
      %dma_wait3A_193 = arith.constant 0 : i32
      %dma_wait3A_194 = tpu.memref_slice %arg4[%add3A, %dma_wait3A_192, %dma_wait3A_193] : memref<32x128x80xi32, #tpu.memory_space<hbm>> -> memref<1x64x80xi32, #tpu.memory_space<hbm>>
      %dma_wait3A_195 = tpu.memref_squeeze %dma_wait3A_194 : memref<1x64x80xi32, #tpu.memory_space<hbm>> -> memref<64x80xi32, #tpu.memory_space<hbm>>
      tpu.wait_dma2 semaphore(%run_scoped3A : memref<!tpu.dma_semaphore, #tpu.memory_space<semaphore_mem>>) src(%dma_wait3A_195 : memref<64x80xi32, #tpu.memory_space<hbm>>) dst(%arg7 : memref<64x80xi32, #tpu.memory_space<vmem>>)
      tpu.yield
    }) : () -> ()
    %scan3A = arith.constant 0 : i32
    %scan3A_13 = arith.constant 0 : i32
    %scan3A_14 = arith.constant 640 : i32
    %scan3A_15 = arith.addi %scan3A_13, %scan3A_14 : i32
    %scan3A_16 = arith.constant 1 : i32
    %scan3A_17 = scf.for %scan3A_180 = %scan3A_13 to %scan3A_15 step %scan3A_16 iter_args(%scan3A_181 = %scan3A) -> (i32)  : i32 {
      %jit3A = arith.constant 8 : i32
      %div3A = arith.divsi %scan3A_180, %jit3A : i32
      %sign3A = arith.constant 0 : i32
      %sign3A_182 = arith.cmpi sgt, %scan3A_180, %sign3A : i32
      %sign3A_183 = arith.extui %sign3A_182 : i1 to i32
      %sign3A_184 = arith.constant 0 : i32
      %sign3A_185 = arith.cmpi slt, %scan3A_180, %sign3A_184 : i32
      %sign3A_186 = arith.extui %sign3A_185 : i1 to i32
      %sign3A_187 = arith.subi %sign3A_183, %sign3A_186 : i32
      %sign3A_188 = arith.constant 0 : i32
      %sign3A_189 = arith.cmpi sgt, %jit3A, %sign3A_188 : i32
      %sign3A_190 = arith.extui %sign3A_189 : i1 to i32
      %sign3A_191 = arith.constant 0 : i32
      %sign3A_192 = arith.cmpi slt, %jit3A, %sign3A_191 : i32
      %sign3A_193 = arith.extui %sign3A_192 : i1 to i32
      %sign3A_194 = arith.subi %sign3A_190, %sign3A_193 : i32
      %ne3A = arith.cmpi ne, %sign3A_187, %sign3A_194 : i32
      %rem3A = arith.remsi %scan3A_180, %jit3A : i32
      %ne3A_195 = arith.constant 0 : i32
      %ne3A_196 = arith.cmpi ne, %rem3A, %ne3A_195 : i32
      %and3A = arith.andi %ne3A, %ne3A_196 : i1
      %sub3A = arith.constant 1 : i32
      %sub3A_197 = arith.subi %div3A, %sub3A : i32
      %select_n3A = arith.select %and3A, %sub3A_197, %div3A : i32
      %jit3A_198 = arith.constant 8 : i32
      %eq3A = arith.constant 0 : i32
      %eq3A_199 = arith.cmpi eq, %jit3A_198, %eq3A : i32
      %jit3A_200 = arith.constant 1 : i32
      %select_n3A_201 = arith.select %eq3A_199, %jit3A_200, %jit3A_198 : i32
      %rem3A_202 = arith.remsi %scan3A_180, %select_n3A_201 : i32
      %ne3A_203 = arith.constant 0 : i32
      %ne3A_204 = arith.cmpi ne, %rem3A_202, %ne3A_203 : i32
      %lt3A = arith.constant 0 : i32
      %lt3A_205 = arith.cmpi slt, %rem3A_202, %lt3A : i32
      %lt3A_206 = arith.constant 0 : i32
      %lt3A_207 = arith.cmpi slt, %select_n3A_201, %lt3A_206 : i32
      %ne3A_208 = arith.xori %lt3A_205, %lt3A_207 : i1
      %and3A_209 = arith.andi %ne3A_208, %ne3A_204 : i1
      %add3A_210 = arith.addi %rem3A_202, %select_n3A_201 : i32
      %select_n3A_211 = arith.select %and3A_209, %add3A_210, %rem3A_202 : i32
      %mul3A_212 = arith.constant 16 : i32
      %mul3A_213 = arith.muli %select_n3A_211, %mul3A_212 : i32
      %swap3A = arith.index_cast %select_n3A : i32 to index
      %swap3A_214 = arith.index_cast %mul3A_213 : i32 to index
      %swap3A_215 = tpu.vector_load %arg10[%swap3A, %swap3A_214] {strides = array<i32>} : memref<80x128xf32, #tpu.memory_space<vmem>>, vector<16xf32>,
      tpu.vector_store %arg10[%swap3A, %swap3A_214], %broadcast_in_dim3A_1 {strides = array<i32>} : memref<80x128xf32, #tpu.memory_space<vmem>>, vector<16xf32>,
      %scan3A_216 = arith.constant 0 : i32
      scf.yield %scan3A_216 : i32
    }
    %scan3A_18 = arith.constant 640 : i32
    %mul3A_19 = arith.constant 632 : i32
    %mul3A_20 = arith.muli %arg1, %mul3A_19 : i32
    %add3A_21 = arith.constant 0 : i32
    %add3A_22 = arith.addi %mul3A_20, %add3A_21 : i32
    "tpu.region"() ({
      %run_scoped3A = tpu.sem_alloc : memref<!tpu.dma_semaphore, #tpu.memory_space<semaphore_mem>>
      %dma_start3A_180 = arith.constant 0 : i32
      %dma_start3A_181 = tpu.memref_slice %arg11[%add3A_22, %dma_start3A_180] : memref<10112x128xf32, #tpu.memory_space<vmem_shared>> -> memref<80x128xf32, #tpu.memory_space<vmem_shared>>
      %dma_start3A_182 = arith.constant 0 : i32
      %dma_start3A_183 = tpu.memref_slice %arg11[%add3A_22, %dma_start3A_182] : memref<10112x128xf32, #tpu.memory_space<vmem_shared>> -> memref<80x128xf32, #tpu.memory_space<vmem_shared>>
      tpu.enqueue_dma source(%arg10 : memref<80x128xf32, #tpu.memory_space<vmem>>) target(%dma_start3A_183 : memref<80x128xf32, #tpu.memory_space<vmem_shared>>) target_semaphore(%run_scoped3A : memref<!tpu.dma_semaphore, #tpu.memory_space<semaphore_mem>>)
      %dma_wait3A_184 = arith.constant 0 : i32
      %dma_wait3A_185 = tpu.memref_slice %arg11[%add3A_22, %dma_wait3A_184] : memref<10112x128xf32, #tpu.memory_space<vmem_shared>> -> memref<80x128xf32, #tpu.memory_space<vmem_shared>>
      %dma_wait3A_186 = arith.constant 0 : i32
      %dma_wait3A_187 = tpu.memref_slice %arg11[%add3A_22, %dma_wait3A_186] : memref<10112x128xf32, #tpu.memory_space<vmem_shared>> -> memref<80x128xf32, #tpu.memory_space<vmem_shared>>
      tpu.wait_dma2 semaphore(%run_scoped3A : memref<!tpu.dma_semaphore, #tpu.memory_space<semaphore_mem>>) src(%arg10 : memref<80x128xf32, #tpu.memory_space<vmem>>) dst(%dma_wait3A_187 : memref<80x128xf32, #tpu.memory_space<vmem_shared>>)
      tpu.yield
    }) : () -> ()
    %add3A_23 = arith.constant 80 : i32
    %add3A_24 = arith.addi %mul3A_20, %add3A_23 : i32
    "tpu.region"() ({
      %run_scoped3A = tpu.sem_alloc : memref<!tpu.dma_semaphore, #tpu.memory_space<semaphore_mem>>
      %dma_start3A_180 = arith.constant 0 : i32
      %dma_start3A_181 = tpu.memref_slice %arg11[%add3A_24, %dma_start3A_180] : memref<10112x128xf32, #tpu.memory_space<vmem_shared>> -> memref<80x128xf32, #tpu.memory_space<vmem_shared>>
      %dma_start3A_182 = arith.constant 0 : i32
      %dma_start3A_183 = tpu.memref_slice %arg11[%add3A_24, %dma_start3A_182] : memref<10112x128xf32, #tpu.memory_space<vmem_shared>> -> memref<80x128xf32, #tpu.memory_space<vmem_shared>>
      tpu.enqueue_dma source(%arg10 : memref<80x128xf32, #tpu.memory_space<vmem>>) target(%dma_start3A_183 : memref<80x128xf32, #tpu.memory_space<vmem_shared>>) target_semaphore(%run_scoped3A : memref<!tpu.dma_semaphore, #tpu.memory_space<semaphore_mem>>)
      %dma_wait3A_184 = arith.constant 0 : i32
      %dma_wait3A_185 = tpu.memref_slice %arg11[%add3A_24, %dma_wait3A_184] : memref<10112x128xf32, #tpu.memory_space<vmem_shared>> -> memref<80x128xf32, #tpu.memory_space<vmem_shared>>
      %dma_wait3A_186 = arith.constant 0 : i32
      %dma_wait3A_187 = tpu.memref_slice %arg11[%add3A_24, %dma_wait3A_186] : memref<10112x128xf32, #tpu.memory_space<vmem_shared>> -> memref<80x128xf32, #tpu.memory_space<vmem_shared>>
      tpu.wait_dma2 semaphore(%run_scoped3A : memref<!tpu.dma_semaphore, #tpu.memory_space<semaphore_mem>>) src(%arg10 : memref<80x128xf32, #tpu.memory_space<vmem>>) dst(%dma_wait3A_187 : memref<80x128xf32, #tpu.memory_space<vmem_shared>>)
      tpu.yield
    }) : () -> ()
    %add3A_25 = arith.constant 160 : i32
    %add3A_26 = arith.addi %mul3A_20, %add3A_25 : i32
    "tpu.region"() ({
      %run_scoped3A = tpu.sem_alloc : memref<!tpu.dma_semaphore, #tpu.memory_space<semaphore_mem>>
      %dma_start3A_180 = arith.constant 0 : i32
      %dma_start3A_181 = tpu.memref_slice %arg11[%add3A_26, %dma_start3A_180] : memref<10112x128xf32, #tpu.memory_space<vmem_shared>> -> memref<80x128xf32, #tpu.memory_space<vmem_shared>>
      %dma_start3A_182 = arith.constant 0 : i32
      %dma_start3A_183 = tpu.memref_slice %arg11[%add3A_26, %dma_start3A_182] : memref<10112x128xf32, #tpu.memory_space<vmem_shared>> -> memref<80x128xf32, #tpu.memory_space<vmem_shared>>
      tpu.enqueue_dma source(%arg10 : memref<80x128xf32, #tpu.memory_space<vmem>>) target(%dma_start3A_183 : memref<80x128xf32, #tpu.memory_space<vmem_shared>>) target_semaphore(%run_scoped3A : memref<!tpu.dma_semaphore, #tpu.memory_space<semaphore_mem>>)
      %dma_wait3A_184 = arith.constant 0 : i32
      %dma_wait3A_185 = tpu.memref_slice %arg11[%add3A_26, %dma_wait3A_184] : memref<10112x128xf32, #tpu.memory_space<vmem_shared>> -> memref<80x128xf32, #tpu.memory_space<vmem_shared>>
      %dma_wait3A_186 = arith.constant 0 : i32
      %dma_wait3A_187 = tpu.memref_slice %arg11[%add3A_26, %dma_wait3A_186] : memref<10112x128xf32, #tpu.memory_space<vmem_shared>> -> memref<80x128xf32, #tpu.memory_space<vmem_shared>>
      tpu.wait_dma2 semaphore(%run_scoped3A : memref<!tpu.dma_semaphore, #tpu.memory_space<semaphore_mem>>) src(%arg10 : memref<80x128xf32, #tpu.memory_space<vmem>>) dst(%dma_wait3A_187 : memref<80x128xf32, #tpu.memory_space<vmem_shared>>)
      tpu.yield
    }) : () -> ()
    %add3A_27 = arith.constant 240 : i32
    %add3A_28 = arith.addi %mul3A_20, %add3A_27 : i32
    "tpu.region"() ({
      %run_scoped3A = tpu.sem_alloc : memref<!tpu.dma_semaphore, #tpu.memory_space<semaphore_mem>>
      %dma_start3A_180 = arith.constant 0 : i32
      %dma_start3A_181 = tpu.memref_slice %arg11[%add3A_28, %dma_start3A_180] : memref<10112x128xf32, #tpu.memory_space<vmem_shared>> -> memref<80x128xf32, #tpu.memory_space<vmem_shared>>
      %dma_start3A_182 = arith.constant 0 : i32
      %dma_start3A_183 = tpu.memref_slice %arg11[%add3A_28, %dma_start3A_182] : memref<10112x128xf32, #tpu.memory_space<vmem_shared>> -> memref<80x128xf32, #tpu.memory_space<vmem_shared>>
      tpu.enqueue_dma source(%arg10 : memref<80x128xf32, #tpu.memory_space<vmem>>) target(%dma_start3A_183 : memref<80x128xf32, #tpu.memory_space<vmem_shared>>) target_semaphore(%run_scoped3A : memref<!tpu.dma_semaphore, #tpu.memory_space<semaphore_mem>>)
      %dma_wait3A_184 = arith.constant 0 : i32
      %dma_wait3A_185 = tpu.memref_slice %arg11[%add3A_28, %dma_wait3A_184] : memref<10112x128xf32, #tpu.memory_space<vmem_shared>> -> memref<80x128xf32, #tpu.memory_space<vmem_shared>>
      %dma_wait3A_186 = arith.constant 0 : i32
      %dma_wait3A_187 = tpu.memref_slice %arg11[%add3A_28, %dma_wait3A_186] : memref<10112x128xf32, #tpu.memory_space<vmem_shared>> -> memref<80x128xf32, #tpu.memory_space<vmem_shared>>
      tpu.wait_dma2 semaphore(%run_scoped3A : memref<!tpu.dma_semaphore, #tpu.memory_space<semaphore_mem>>) src(%arg10 : memref<80x128xf32, #tpu.memory_space<vmem>>) dst(%dma_wait3A_187 : memref<80x128xf32, #tpu.memory_space<vmem_shared>>)
      tpu.yield
    }) : () -> ()
    %add3A_29 = arith.constant 320 : i32
    %add3A_30 = arith.addi %mul3A_20, %add3A_29 : i32
    "tpu.region"() ({
      %run_scoped3A = tpu.sem_alloc : memref<!tpu.dma_semaphore, #tpu.memory_space<semaphore_mem>>
      %dma_start3A_180 = arith.constant 0 : i32
      %dma_start3A_181 = tpu.memref_slice %arg11[%add3A_30, %dma_start3A_180] : memref<10112x128xf32, #tpu.memory_space<vmem_shared>> -> memref<80x128xf32, #tpu.memory_space<vmem_shared>>
      %dma_start3A_182 = arith.constant 0 : i32
      %dma_start3A_183 = tpu.memref_slice %arg11[%add3A_30, %dma_start3A_182] : memref<10112x128xf32, #tpu.memory_space<vmem_shared>> -> memref<80x128xf32, #tpu.memory_space<vmem_shared>>
      tpu.enqueue_dma source(%arg10 : memref<80x128xf32, #tpu.memory_space<vmem>>) target(%dma_start3A_183 : memref<80x128xf32, #tpu.memory_space<vmem_shared>>) target_semaphore(%run_scoped3A : memref<!tpu.dma_semaphore, #tpu.memory_space<semaphore_mem>>)
      %dma_wait3A_184 = arith.constant 0 : i32
      %dma_wait3A_185 = tpu.memref_slice %arg11[%add3A_30, %dma_wait3A_184] : memref<10112x128xf32, #tpu.memory_space<vmem_shared>> -> memref<80x128xf32, #tpu.memory_space<vmem_shared>>
      %dma_wait3A_186 = arith.constant 0 : i32
      %dma_wait3A_187 = tpu.memref_slice %arg11[%add3A_30, %dma_wait3A_186] : memref<10112x128xf32, #tpu.memory_space<vmem_shared>> -> memref<80x128xf32, #tpu.memory_space<vmem_shared>>
      tpu.wait_dma2 semaphore(%run_scoped3A : memref<!tpu.dma_semaphore, #tpu.memory_space<semaphore_mem>>) src(%arg10 : memref<80x128xf32, #tpu.memory_space<vmem>>) dst(%dma_wait3A_187 : memref<80x128xf32, #tpu.memory_space<vmem_shared>>)
      tpu.yield
    }) : () -> ()
    %add3A_31 = arith.constant 400 : i32
    %add3A_32 = arith.addi %mul3A_20, %add3A_31 : i32
    "tpu.region"() ({
      %run_scoped3A = tpu.sem_alloc : memref<!tpu.dma_semaphore, #tpu.memory_space<semaphore_mem>>
      %dma_start3A_180 = arith.constant 0 : i32
      %dma_start3A_181 = tpu.memref_slice %arg11[%add3A_32, %dma_start3A_180] : memref<10112x128xf32, #tpu.memory_space<vmem_shared>> -> memref<80x128xf32, #tpu.memory_space<vmem_shared>>
      %dma_start3A_182 = arith.constant 0 : i32
      %dma_start3A_183 = tpu.memref_slice %arg11[%add3A_32, %dma_start3A_182] : memref<10112x128xf32, #tpu.memory_space<vmem_shared>> -> memref<80x128xf32, #tpu.memory_space<vmem_shared>>
      tpu.enqueue_dma source(%arg10 : memref<80x128xf32, #tpu.memory_space<vmem>>) target(%dma_start3A_183 : memref<80x128xf32, #tpu.memory_space<vmem_shared>>) target_semaphore(%run_scoped3A : memref<!tpu.dma_semaphore, #tpu.memory_space<semaphore_mem>>)
      %dma_wait3A_184 = arith.constant 0 : i32
      %dma_wait3A_185 = tpu.memref_slice %arg11[%add3A_32, %dma_wait3A_184] : memref<10112x128xf32, #tpu.memory_space<vmem_shared>> -> memref<80x128xf32, #tpu.memory_space<vmem_shared>>
      %dma_wait3A_186 = arith.constant 0 : i32
      %dma_wait3A_187 = tpu.memref_slice %arg11[%add3A_32, %dma_wait3A_186] : memref<10112x128xf32, #tpu.memory_space<vmem_shared>> -> memref<80x128xf32, #tpu.memory_space<vmem_shared>>
      tpu.wait_dma2 semaphore(%run_scoped3A : memref<!tpu.dma_semaphore, #tpu.memory_space<semaphore_mem>>) src(%arg10 : memref<80x128xf32, #tpu.memory_space<vmem>>) dst(%dma_wait3A_187 : memref<80x128xf32, #tpu.memory_space<vmem_shared>>)
      tpu.yield
    }) : () -> ()
    %add3A_33 = arith.constant 480 : i32
    %add3A_34 = arith.addi %mul3A_20, %add3A_33 : i32
    "tpu.region"() ({
      %run_scoped3A = tpu.sem_alloc : memref<!tpu.dma_semaphore, #tpu.memory_space<semaphore_mem>>
      %dma_start3A_180 = arith.constant 0 : i32
      %dma_start3A_181 = tpu.memref_slice %arg11[%add3A_34, %dma_start3A_180] : memref<10112x128xf32, #tpu.memory_space<vmem_shared>> -> memref<80x128xf32, #tpu.memory_space<vmem_shared>>
      %dma_start3A_182 = arith.constant 0 : i32
      %dma_start3A_183 = tpu.memref_slice %arg11[%add3A_34, %dma_start3A_182] : memref<10112x128xf32, #tpu.memory_space<vmem_shared>> -> memref<80x128xf32, #tpu.memory_space<vmem_shared>>
      tpu.enqueue_dma source(%arg10 : memref<80x128xf32, #tpu.memory_space<vmem>>) target(%dma_start3A_183 : memref<80x128xf32, #tpu.memory_space<vmem_shared>>) target_semaphore(%run_scoped3A : memref<!tpu.dma_semaphore, #tpu.memory_space<semaphore_mem>>)
      %dma_wait3A_184 = arith.constant 0 : i32
      %dma_wait3A_185 = tpu.memref_slice %arg11[%add3A_34, %dma_wait3A_184] : memref<10112x128xf32, #tpu.memory_space<vmem_shared>> -> memref<80x128xf32, #tpu.memory_space<vmem_shared>>
      %dma_wait3A_186 = arith.constant 0 : i32
      %dma_wait3A_187 = tpu.memref_slice %arg11[%add3A_34, %dma_wait3A_186] : memref<10112x128xf32, #tpu.memory_space<vmem_shared>> -> memref<80x128xf32, #tpu.memory_space<vmem_shared>>
      tpu.wait_dma2 semaphore(%run_scoped3A : memref<!tpu.dma_semaphore, #tpu.memory_space<semaphore_mem>>) src(%arg10 : memref<80x128xf32, #tpu.memory_space<vmem>>) dst(%dma_wait3A_187 : memref<80x128xf32, #tpu.memory_space<vmem_shared>>)
      tpu.yield
    }) : () -> ()
    %add3A_35 = arith.constant 560 : i32
    %add3A_36 = arith.addi %mul3A_20, %add3A_35 : i32
    "tpu.region"() ({
      %run_scoped3A = tpu.sem_alloc : memref<!tpu.dma_semaphore, #tpu.memory_space<semaphore_mem>>
      %dma_start3A_180 = arith.constant 0 : i32
      %dma_start3A_181 = arith.constant 0 : i32
      %dma_start3A_182 = tpu.memref_slice %arg10[%dma_start3A_180, %dma_start3A_181] : memref<80x128xf32, #tpu.memory_space<vmem>> -> memref<72x128xf32, #tpu.memory_space<vmem>>
      %dma_start3A_183 = arith.constant 0 : i32
      %dma_start3A_184 = tpu.memref_slice %arg11[%add3A_36, %dma_start3A_183] : memref<10112x128xf32, #tpu.memory_space<vmem_shared>> -> memref<72x128xf32, #tpu.memory_space<vmem_shared>>
      %dma_start3A_185 = arith.constant 0 : i32
      %dma_start3A_186 = tpu.memref_slice %arg11[%add3A_36, %dma_start3A_185] : memref<10112x128xf32, #tpu.memory_space<vmem_shared>> -> memref<72x128xf32, #tpu.memory_space<vmem_shared>>
      %dma_start3A_187 = arith.constant 0 : i32
      %dma_start3A_188 = arith.constant 0 : i32
      %dma_start3A_189 = tpu.memref_slice %arg10[%dma_start3A_187, %dma_start3A_188] : memref<80x128xf32, #tpu.memory_space<vmem>> -> memref<72x128xf32, #tpu.memory_space<vmem>>
      tpu.enqueue_dma source(%dma_start3A_189 : memref<72x128xf32, #tpu.memory_space<vmem>>) target(%dma_start3A_186 : memref<72x128xf32, #tpu.memory_space<vmem_shared>>) target_semaphore(%run_scoped3A : memref<!tpu.dma_semaphore, #tpu.memory_space<semaphore_mem>>)
      %dma_wait3A_190 = arith.constant 0 : i32
      %dma_wait3A_191 = arith.constant 0 : i32
      %dma_wait3A_192 = tpu.memref_slice %arg10[%dma_wait3A_190, %dma_wait3A_191] : memref<80x128xf32, #tpu.memory_space<vmem>> -> memref<72x128xf32, #tpu.memory_space<vmem>>
      %dma_wait3A_193 = arith.constant 0 : i32
      %dma_wait3A_194 = tpu.memref_slice %arg11[%add3A_36, %dma_wait3A_193] : memref<10112x128xf32, #tpu.memory_space<vmem_shared>> -> memref<72x128xf32, #tpu.memory_space<vmem_shared>>
      %dma_wait3A_195 = arith.constant 0 : i32
      %dma_wait3A_196 = tpu.memref_slice %arg11[%add3A_36, %dma_wait3A_195] : memref<10112x128xf32, #tpu.memory_space<vmem_shared>> -> memref<72x128xf32, #tpu.memory_space<vmem_shared>>
      %dma_wait3A_197 = arith.constant 0 : i32
      %dma_wait3A_198 = arith.constant 0 : i32
      %dma_wait3A_199 = tpu.memref_slice %arg10[%dma_wait3A_197, %dma_wait3A_198] : memref<80x128xf32, #tpu.memory_space<vmem>> -> memref<72x128xf32, #tpu.memory_space<vmem>>
      tpu.wait_dma2 semaphore(%run_scoped3A : memref<!tpu.dma_semaphore, #tpu.memory_space<semaphore_mem>>) src(%dma_wait3A_199 : memref<72x128xf32, #tpu.memory_space<vmem>>) dst(%dma_wait3A_196 : memref<72x128xf32, #tpu.memory_space<vmem_shared>>)
      tpu.yield
    }) : () -> ()
    %barrier3A = arith.constant 0 : index
    tpu.barrier barrier_id(%barrier3A)
    %scan3A_37 = arith.constant 0 : i32
    %scan3A_38 = arith.constant 0 : i32
    %scan3A_39 = arith.constant 21 : i32
    %scan3A_40 = arith.addi %scan3A_38, %scan3A_39 : i32
    %scan3A_41 = arith.constant 1 : i32
    %scan3A_42 = scf.for %scan3A_180 = %scan3A_38 to %scan3A_40 step %scan3A_41 iter_args(%scan3A_181 = %scan3A_37) -> (i32)  : i32 {
      %mul3A_182 = arith.constant 3 : i32
      %mul3A_183 = arith.muli %mul3A_182, %scan3A_180 : i32
      %dma_wait3A_184 = arith.constant 0 : i32
      %dma_wait3A_185 = arith.constant 0 : i32
      %dma_wait3A_186 = tpu.memref_slice %arg2[%dma_wait3A_184, %dma_wait3A_185] : memref<10240x128xf32, #tpu.memory_space<hbm>> -> memref<80x128xf32, #tpu.memory_space<hbm>>
      %dma_wait3A_187 = arith.constant 0 : i32
      %dma_wait3A_188 = arith.constant 0 : i32
      %dma_wait3A_189 = tpu.memref_slice %arg2[%dma_wait3A_187, %dma_wait3A_188] : memref<10240x128xf32, #tpu.memory_space<hbm>> -> memref<80x128xf32, #tpu.memory_space<hbm>>
      tpu.wait_dma2 semaphore(%arg12 : memref<!tpu.dma_semaphore, #tpu.memory_space<semaphore_mem>>) src(%dma_wait3A_189 : memref<80x128xf32, #tpu.memory_space<hbm>>) dst(%arg8 : memref<80x128xf32, #tpu.memory_space<vmem>>)
      %dma_start3A_190 = arith.constant 0 : i32
      %dma_start3A_191 = tpu.memref_slice %arg7[%mul3A_183, %dma_start3A_190] : memref<64x80xi32, #tpu.memory_space<vmem>> -> memref<1x80xi32, #tpu.memory_space<vmem>>
      %dma_start3A_192 = tpu.memref_squeeze %dma_start3A_191 : memref<1x80xi32, #tpu.memory_space<vmem>> -> memref<80xi32, #tpu.memory_space<vmem>>
      %dma_start3A_193 = arith.constant 0 : i32
      %dma_start3A_194 = arith.constant 0 : i32
      %dma_start3A_195 = tpu.memref_slice %arg11[%dma_start3A_193, %dma_start3A_194] : memref<10112x128xf32, #tpu.memory_space<vmem_shared>> -> memref<10112x128xf32, #tpu.memory_space<vmem_shared>>
      tpu.enqueue_indirect_dma source(%arg8 : memref<80x128xf32, #tpu.memory_space<vmem>>) target(%dma_start3A_195 : memref<10112x128xf32, #tpu.memory_space<vmem_shared>>) offsets(%dma_start3A_192 : memref<80xi32, #tpu.memory_space<vmem>>) semaphore(%arg15 : memref<!tpu.dma_semaphore, #tpu.memory_space<semaphore_mem>>) {add = true}
      %ge3A = arith.constant 1 : i32
      %ge3A_196 = arith.cmpi sge, %mul3A_183, %ge3A : i32
      %convert_element_type3A = arith.extui %ge3A_196 : i1 to i32
      %cond3A = arith.constant 0 : i32
      %cond3A_197 = arith.cmpi ne, %convert_element_type3A, %cond3A : i32
      scf.if %cond3A_197 {
        %dma_wait3A_269 = arith.constant 0 : i32
        %dma_wait3A_270 = arith.constant 0 : i32
        %dma_wait3A_271 = tpu.memref_slice %arg7[%dma_wait3A_269, %dma_wait3A_270] : memref<64x80xi32, #tpu.memory_space<vmem>> -> memref<1x80xi32, #tpu.memory_space<vmem>>
        %dma_wait3A_272 = tpu.memref_squeeze %dma_wait3A_271 : memref<1x80xi32, #tpu.memory_space<vmem>> -> memref<80xi32, #tpu.memory_space<vmem>>
        %dma_wait3A_273 = arith.constant 0 : i32
        %dma_wait3A_274 = arith.constant 0 : i32
        %dma_wait3A_275 = tpu.memref_slice %arg11[%dma_wait3A_273, %dma_wait3A_274] : memref<10112x128xf32, #tpu.memory_space<vmem_shared>> -> memref<10112x128xf32, #tpu.memory_space<vmem_shared>>
        tpu.wait_indirect_dma semaphore(%arg17 : memref<!tpu.dma_semaphore, #tpu.memory_space<semaphore_mem>>) src(%arg10 : memref<80x128xf32, #tpu.memory_space<vmem>>) dst(%dma_wait3A_275 : memref<10112x128xf32, #tpu.memory_space<vmem_shared>>)
      } else {
      }
      %add3A_198 = arith.constant 2 : i32
      %add3A_199 = arith.addi %mul3A_183, %add3A_198 : i32
      %mul3A_200 = arith.constant 80 : i32
      %mul3A_201 = arith.muli %add3A_199, %mul3A_200 : i32
      %dma_start3A_202 = tpu.memref_slice %arg6[%mul3A_201] : memref<10000xi32, #tpu.memory_space<vmem>> -> memref<80xi32, #tpu.memory_space<vmem>>
      %dma_start3A_203 = arith.constant 0 : i32
      %dma_start3A_204 = arith.constant 0 : i32
      %dma_start3A_205 = tpu.memref_slice %arg2[%dma_start3A_203, %dma_start3A_204] : memref<10240x128xf32, #tpu.memory_space<hbm>> -> memref<10240x128xf32, #tpu.memory_space<hbm>>
      tpu.enqueue_indirect_dma source(%dma_start3A_205 : memref<10240x128xf32, #tpu.memory_space<hbm>>) target(%arg10 : memref<80x128xf32, #tpu.memory_space<vmem>>) offsets(%dma_start3A_202 : memref<80xi32, #tpu.memory_space<vmem>>) semaphore(%arg14 : memref<!tpu.dma_semaphore, #tpu.memory_space<semaphore_mem>>)
      %add3A_206 = arith.constant 1 : i32
      %add3A_207 = arith.addi %mul3A_183, %add3A_206 : i32
      %add3A_208 = arith.constant 1 : i32
      %add3A_209 = arith.addi %mul3A_183, %add3A_208 : i32
      %dma_wait3A_210 = arith.constant 0 : i32
      %dma_wait3A_211 = arith.constant 0 : i32
      %dma_wait3A_212 = tpu.memref_slice %arg2[%dma_wait3A_210, %dma_wait3A_211] : memref<10240x128xf32, #tpu.memory_space<hbm>> -> memref<80x128xf32, #tpu.memory_space<hbm>>
      %dma_wait3A_213 = arith.constant 0 : i32
      %dma_wait3A_214 = arith.constant 0 : i32
      %dma_wait3A_215 = tpu.memref_slice %arg2[%dma_wait3A_213, %dma_wait3A_214] : memref<10240x128xf32, #tpu.memory_space<hbm>> -> memref<80x128xf32, #tpu.memory_space<hbm>>
      tpu.wait_dma2 semaphore(%arg13 : memref<!tpu.dma_semaphore, #tpu.memory_space<semaphore_mem>>) src(%dma_wait3A_215 : memref<80x128xf32, #tpu.memory_space<hbm>>) dst(%arg9 : memref<80x128xf32, #tpu.memory_space<vmem>>)
      %dma_start3A_216 = arith.constant 0 : i32
      %dma_start3A_217 = tpu.memref_slice %arg7[%add3A_209, %dma_start3A_216] : memref<64x80xi32, #tpu.memory_space<vmem>> -> memref<1x80xi32, #tpu.memory_space<vmem>>
      %dma_start3A_218 = tpu.memref_squeeze %dma_start3A_217 : memref<1x80xi32, #tpu.memory_space<vmem>> -> memref<80xi32, #tpu.memory_space<vmem>>
      %dma_start3A_219 = arith.constant 0 : i32
      %dma_start3A_220 = arith.constant 0 : i32
      %dma_start3A_221 = tpu.memref_slice %arg11[%dma_start3A_219, %dma_start3A_220] : memref<10112x128xf32, #tpu.memory_space<vmem_shared>> -> memref<10112x128xf32, #tpu.memory_space<vmem_shared>>
      tpu.enqueue_indirect_dma source(%arg9 : memref<80x128xf32, #tpu.memory_space<vmem>>) target(%dma_start3A_221 : memref<10112x128xf32, #tpu.memory_space<vmem_shared>>) offsets(%dma_start3A_218 : memref<80xi32, #tpu.memory_space<vmem>>) semaphore(%arg16 : memref<!tpu.dma_semaphore, #tpu.memory_space<semaphore_mem>>) {add = true}
      %dma_wait3A_222 = arith.constant 0 : i32
      %dma_wait3A_223 = arith.constant 0 : i32
      %dma_wait3A_224 = tpu.memref_slice %arg7[%dma_wait3A_222, %dma_wait3A_223] : memref<64x80xi32, #tpu.memory_space<vmem>> -> memref<1x80xi32, #tpu.memory_space<vmem>>
      %dma_wait3A_225 = tpu.memref_squeeze %dma_wait3A_224 : memref<1x80xi32, #tpu.memory_space<vmem>> -> memref<80xi32, #tpu.memory_space<vmem>>
      %dma_wait3A_226 = arith.constant 0 : i32
      %dma_wait3A_227 = arith.constant 0 : i32
      %dma_wait3A_228 = tpu.memref_slice %arg11[%dma_wait3A_226, %dma_wait3A_227] : memref<10112x128xf32, #tpu.memory_space<vmem_shared>> -> memref<10112x128xf32, #tpu.memory_space<vmem_shared>>
      tpu.wait_indirect_dma semaphore(%arg15 : memref<!tpu.dma_semaphore, #tpu.memory_space<semaphore_mem>>) src(%arg8 : memref<80x128xf32, #tpu.memory_space<vmem>>) dst(%dma_wait3A_228 : memref<10112x128xf32, #tpu.memory_space<vmem_shared>>)
      %add3A_229 = arith.constant 2 : i32
      %add3A_230 = arith.addi %add3A_207, %add3A_229 : i32
      %mul3A_231 = arith.constant 80 : i32
      %mul3A_232 = arith.muli %add3A_230, %mul3A_231 : i32
      %dma_start3A_233 = tpu.memref_slice %arg6[%mul3A_232] : memref<10000xi32, #tpu.memory_space<vmem>> -> memref<80xi32, #tpu.memory_space<vmem>>
      %dma_start3A_234 = arith.constant 0 : i32
      %dma_start3A_235 = arith.constant 0 : i32
      %dma_start3A_236 = tpu.memref_slice %arg2[%dma_start3A_234, %dma_start3A_235] : memref<10240x128xf32, #tpu.memory_space<hbm>> -> memref<10240x128xf32, #tpu.memory_space<hbm>>
      tpu.enqueue_indirect_dma source(%dma_start3A_236 : memref<10240x128xf32, #tpu.memory_space<hbm>>) target(%arg8 : memref<80x128xf32, #tpu.memory_space<vmem>>) offsets(%dma_start3A_233 : memref<80xi32, #tpu.memory_space<vmem>>) semaphore(%arg12 : memref<!tpu.dma_semaphore, #tpu.memory_space<semaphore_mem>>)
      %add3A_237 = arith.constant 2 : i32
      %add3A_238 = arith.addi %mul3A_183, %add3A_237 : i32
      %add3A_239 = arith.constant 2 : i32
      %add3A_240 = arith.addi %mul3A_183, %add3A_239 : i32
      %dma_wait3A_241 = arith.constant 0 : i32
      %dma_wait3A_242 = arith.constant 0 : i32
      %dma_wait3A_243 = tpu.memref_slice %arg2[%dma_wait3A_241, %dma_wait3A_242] : memref<10240x128xf32, #tpu.memory_space<hbm>> -> memref<80x128xf32, #tpu.memory_space<hbm>>
      %dma_wait3A_244 = arith.constant 0 : i32
      %dma_wait3A_245 = arith.constant 0 : i32
      %dma_wait3A_246 = tpu.memref_slice %arg2[%dma_wait3A_244, %dma_wait3A_245] : memref<10240x128xf32, #tpu.memory_space<hbm>> -> memref<80x128xf32, #tpu.memory_space<hbm>>
      tpu.wait_dma2 semaphore(%arg14 : memref<!tpu.dma_semaphore, #tpu.memory_space<semaphore_mem>>) src(%dma_wait3A_246 : memref<80x128xf32, #tpu.memory_space<hbm>>) dst(%arg10 : memref<80x128xf32, #tpu.memory_space<vmem>>)
      %dma_start3A_247 = arith.constant 0 : i32
      %dma_start3A_248 = tpu.memref_slice %arg7[%add3A_240, %dma_start3A_247] : memref<64x80xi32, #tpu.memory_space<vmem>> -> memref<1x80xi32, #tpu.memory_space<vmem>>
      %dma_start3A_249 = tpu.memref_squeeze %dma_start3A_248 : memref<1x80xi32, #tpu.memory_space<vmem>> -> memref<80xi32, #tpu.memory_space<vmem>>
      %dma_start3A_250 = arith.constant 0 : i32
      %dma_start3A_251 = arith.constant 0 : i32
      %dma_start3A_252 = tpu.memref_slice %arg11[%dma_start3A_250, %dma_start3A_251] : memref<10112x128xf32, #tpu.memory_space<vmem_shared>> -> memref<10112x128xf32, #tpu.memory_space<vmem_shared>>
      tpu.enqueue_indirect_dma source(%arg10 : memref<80x128xf32, #tpu.memory_space<vmem>>) target(%dma_start3A_252 : memref<10112x128xf32, #tpu.memory_space<vmem_shared>>) offsets(%dma_start3A_249 : memref<80xi32, #tpu.memory_space<vmem>>) semaphore(%arg17 : memref<!tpu.dma_semaphore, #tpu.memory_space<semaphore_mem>>) {add = true}
      %dma_wait3A_253 = arith.constant 0 : i32
      %dma_wait3A_254 = arith.constant 0 : i32
      %dma_wait3A_255 = tpu.memref_slice %arg7[%dma_wait3A_253, %dma_wait3A_254] : memref<64x80xi32, #tpu.memory_space<vmem>> -> memref<1x80xi32, #tpu.memory_space<vmem>>
      %dma_wait3A_256 = tpu.memref_squeeze %dma_wait3A_255 : memref<1x80xi32, #tpu.memory_space<vmem>> -> memref<80xi32, #tpu.memory_space<vmem>>
      %dma_wait3A_257 = arith.constant 0 : i32
      %dma_wait3A_258 = arith.constant 0 : i32
      %dma_wait3A_259 = tpu.memref_slice %arg11[%dma_wait3A_257, %dma_wait3A_258] : memref<10112x128xf32, #tpu.memory_space<vmem_shared>> -> memref<10112x128xf32, #tpu.memory_space<vmem_shared>>
      tpu.wait_indirect_dma semaphore(%arg16 : memref<!tpu.dma_semaphore, #tpu.memory_space<semaphore_mem>>) src(%arg9 : memref<80x128xf32, #tpu.memory_space<vmem>>) dst(%dma_wait3A_259 : memref<10112x128xf32, #tpu.memory_space<vmem_shared>>)
      %add3A_260 = arith.constant 2 : i32
      %add3A_261 = arith.addi %add3A_238, %add3A_260 : i32
      %mul3A_262 = arith.constant 80 : i32
      %mul3A_263 = arith.muli %add3A_261, %mul3A_262 : i32
      %dma_start3A_264 = tpu.memref_slice %arg6[%mul3A_263] : memref<10000xi32, #tpu.memory_space<vmem>> -> memref<80xi32, #tpu.memory_space<vmem>>
      %dma_start3A_265 = arith.constant 0 : i32
      %dma_start3A_266 = arith.constant 0 : i32
      %dma_start3A_267 = tpu.memref_slice %arg2[%dma_start3A_265, %dma_start3A_266] : memref<10240x128xf32, #tpu.memory_space<hbm>> -> memref<10240x128xf32, #tpu.memory_space<hbm>>
      tpu.enqueue_indirect_dma source(%dma_start3A_267 : memref<10240x128xf32, #tpu.memory_space<hbm>>) target(%arg9 : memref<80x128xf32, #tpu.memory_space<vmem>>) offsets(%dma_start3A_264 : memref<80xi32, #tpu.memory_space<vmem>>) semaphore(%arg13 : memref<!tpu.dma_semaphore, #tpu.memory_space<semaphore_mem>>)
      %scan3A_268 = arith.constant 0 : i32
      scf.yield %scan3A_268 : i32
    }
    %scan3A_43 = arith.constant 21 : i32
    %dma_wait3A = arith.constant 0 : i32
    %dma_wait3A_44 = arith.constant 0 : i32
    %dma_wait3A_45 = tpu.memref_slice %arg2[%dma_wait3A, %dma_wait3A_44] : memref<10240x128xf32, #tpu.memory_space<hbm>> -> memref<80x128xf32, #tpu.memory_space<hbm>>
    %dma_wait3A_46 = arith.constant 0 : i32
    %dma_wait3A_47 = arith.constant 0 : i32
    %dma_wait3A_48 = tpu.memref_slice %arg2[%dma_wait3A_46, %dma_wait3A_47] : memref<10240x128xf32, #tpu.memory_space<hbm>> -> memref<80x128xf32, #tpu.memory_space<hbm>>
    tpu.wait_dma2 semaphore(%arg12 : memref<!tpu.dma_semaphore, #tpu.memory_space<semaphore_mem>>) src(%dma_wait3A_48 : memref<80x128xf32, #tpu.memory_space<hbm>>) dst(%arg8 : memref<80x128xf32, #tpu.memory_space<vmem>>)
    %dma_start3A_49 = arith.constant 63 : i32
    %dma_start3A_50 = arith.constant 0 : i32
    %dma_start3A_51 = tpu.memref_slice %arg7[%dma_start3A_49, %dma_start3A_50] : memref<64x80xi32, #tpu.memory_space<vmem>> -> memref<1x80xi32, #tpu.memory_space<vmem>>
    %dma_start3A_52 = tpu.memref_squeeze %dma_start3A_51 : memref<1x80xi32, #tpu.memory_space<vmem>> -> memref<80xi32, #tpu.memory_space<vmem>>
    %dma_start3A_53 = arith.constant 0 : i32
    %dma_start3A_54 = arith.constant 0 : i32
    %dma_start3A_55 = tpu.memref_slice %arg11[%dma_start3A_53, %dma_start3A_54] : memref<10112x128xf32, #tpu.memory_space<vmem_shared>> -> memref<10112x128xf32, #tpu.memory_space<vmem_shared>>
    tpu.enqueue_indirect_dma source(%arg8 : memref<80x128xf32, #tpu.memory_space<vmem>>) target(%dma_start3A_55 : memref<10112x128xf32, #tpu.memory_space<vmem_shared>>) offsets(%dma_start3A_52 : memref<80xi32, #tpu.memory_space<vmem>>) semaphore(%arg15 : memref<!tpu.dma_semaphore, #tpu.memory_space<semaphore_mem>>) {add = true}
    %dma_wait3A_56 = arith.constant 0 : i32
    %dma_wait3A_57 = arith.constant 0 : i32
    %dma_wait3A_58 = tpu.memref_slice %arg7[%dma_wait3A_56, %dma_wait3A_57] : memref<64x80xi32, #tpu.memory_space<vmem>> -> memref<1x80xi32, #tpu.memory_space<vmem>>
    %dma_wait3A_59 = tpu.memref_squeeze %dma_wait3A_58 : memref<1x80xi32, #tpu.memory_space<vmem>> -> memref<80xi32, #tpu.memory_space<vmem>>
    %dma_wait3A_60 = arith.constant 0 : i32
    %dma_wait3A_61 = arith.constant 0 : i32
    %dma_wait3A_62 = tpu.memref_slice %arg11[%dma_wait3A_60, %dma_wait3A_61] : memref<10112x128xf32, #tpu.memory_space<vmem_shared>> -> memref<10112x128xf32, #tpu.memory_space<vmem_shared>>
    tpu.wait_indirect_dma semaphore(%arg17 : memref<!tpu.dma_semaphore, #tpu.memory_space<semaphore_mem>>) src(%arg10 : memref<80x128xf32, #tpu.memory_space<vmem>>) dst(%dma_wait3A_62 : memref<10112x128xf32, #tpu.memory_space<vmem_shared>>)
    %dma_start3A_63 = arith.constant 5200 : i32
    %dma_start3A_64 = tpu.memref_slice %arg6[%dma_start3A_63] : memref<10000xi32, #tpu.memory_space<vmem>> -> memref<80xi32, #tpu.memory_space<vmem>>
    %dma_start3A_65 = arith.constant 0 : i32
    %dma_start3A_66 = arith.constant 0 : i32
    %dma_start3A_67 = tpu.memref_slice %arg2[%dma_start3A_65, %dma_start3A_66] : memref<10240x128xf32, #tpu.memory_space<hbm>> -> memref<10240x128xf32, #tpu.memory_space<hbm>>
    tpu.enqueue_indirect_dma source(%dma_start3A_67 : memref<10240x128xf32, #tpu.memory_space<hbm>>) target(%arg10 : memref<80x128xf32, #tpu.memory_space<vmem>>) offsets(%dma_start3A_64 : memref<80xi32, #tpu.memory_space<vmem>>) semaphore(%arg14 : memref<!tpu.dma_semaphore, #tpu.memory_space<semaphore_mem>>)
    %dma_wait3A_68 = arith.constant 0 : i32
    %dma_wait3A_69 = arith.constant 0 : i32
    %dma_wait3A_70 = tpu.memref_slice %arg7[%dma_wait3A_68, %dma_wait3A_69] : memref<64x80xi32, #tpu.memory_space<vmem>> -> memref<1x80xi32, #tpu.memory_space<vmem>>
    %dma_wait3A_71 = tpu.memref_squeeze %dma_wait3A_70 : memref<1x80xi32, #tpu.memory_space<vmem>> -> memref<80xi32, #tpu.memory_space<vmem>>
    %dma_wait3A_72 = arith.constant 0 : i32
    %dma_wait3A_73 = arith.constant 0 : i32
    %dma_wait3A_74 = tpu.memref_slice %arg11[%dma_wait3A_72, %dma_wait3A_73] : memref<10112x128xf32, #tpu.memory_space<vmem_shared>> -> memref<10112x128xf32, #tpu.memory_space<vmem_shared>>
    tpu.wait_indirect_dma semaphore(%arg15 : memref<!tpu.dma_semaphore, #tpu.memory_space<semaphore_mem>>) src(%arg8 : memref<80x128xf32, #tpu.memory_space<vmem>>) dst(%dma_wait3A_74 : memref<10112x128xf32, #tpu.memory_space<vmem_shared>>)
    "tpu.region"() ({
      %run_scoped3A = tpu.sem_alloc : memref<!tpu.dma_semaphore, #tpu.memory_space<semaphore_mem>>
      %dma_start3A_180 = arith.constant 64 : i32
      %dma_start3A_181 = arith.constant 0 : i32
      %dma_start3A_182 = tpu.memref_slice %arg4[%add3A, %dma_start3A_180, %dma_start3A_181] : memref<32x128x80xi32, #tpu.memory_space<hbm>> -> memref<1x64x80xi32, #tpu.memory_space<hbm>>
      %dma_start3A_183 = tpu.memref_squeeze %dma_start3A_182 : memref<1x64x80xi32, #tpu.memory_space<hbm>> -> memref<64x80xi32, #tpu.memory_space<hbm>>
      %dma_start3A_184 = arith.constant 64 : i32
      %dma_start3A_185 = arith.constant 0 : i32
      %dma_start3A_186 = tpu.memref_slice %arg4[%add3A, %dma_start3A_184, %dma_start3A_185] : memref<32x128x80xi32, #tpu.memory_space<hbm>> -> memref<1x64x80xi32, #tpu.memory_space<hbm>>
      %dma_start3A_187 = tpu.memref_squeeze %dma_start3A_186 : memref<1x64x80xi32, #tpu.memory_space<hbm>> -> memref<64x80xi32, #tpu.memory_space<hbm>>
      tpu.enqueue_dma source(%dma_start3A_187 : memref<64x80xi32, #tpu.memory_space<hbm>>) target(%arg7 : memref<64x80xi32, #tpu.memory_space<vmem>>) target_semaphore(%run_scoped3A : memref<!tpu.dma_semaphore, #tpu.memory_space<semaphore_mem>>)
      %dma_wait3A_188 = arith.constant 64 : i32
      %dma_wait3A_189 = arith.constant 0 : i32
      %dma_wait3A_190 = tpu.memref_slice %arg4[%add3A, %dma_wait3A_188, %dma_wait3A_189] : memref<32x128x80xi32, #tpu.memory_space<hbm>> -> memref<1x64x80xi32, #tpu.memory_space<hbm>>
      %dma_wait3A_191 = tpu.memref_squeeze %dma_wait3A_190 : memref<1x64x80xi32, #tpu.memory_space<hbm>> -> memref<64x80xi32, #tpu.memory_space<hbm>>
      %dma_wait3A_192 = arith.constant 64 : i32
      %dma_wait3A_193 = arith.constant 0 : i32
      %dma_wait3A_194 = tpu.memref_slice %arg4[%add3A, %dma_wait3A_192, %dma_wait3A_193] : memref<32x128x80xi32, #tpu.memory_space<hbm>> -> memref<1x64x80xi32, #tpu.memory_space<hbm>>
      %dma_wait3A_195 = tpu.memref_squeeze %dma_wait3A_194 : memref<1x64x80xi32, #tpu.memory_space<hbm>> -> memref<64x80xi32, #tpu.memory_space<hbm>>
      tpu.wait_dma2 semaphore(%run_scoped3A : memref<!tpu.dma_semaphore, #tpu.memory_space<semaphore_mem>>) src(%dma_wait3A_195 : memref<64x80xi32, #tpu.memory_space<hbm>>) dst(%arg7 : memref<64x80xi32, #tpu.memory_space<vmem>>)
      tpu.yield
    }) : () -> ()
    %scan3A_75 = arith.constant 0 : i32
    %scan3A_76 = arith.constant 0 : i32
    %scan3A_77 = arith.constant 19 : i32
    %scan3A_78 = arith.addi %scan3A_76, %scan3A_77 : i32
    %scan3A_79 = arith.constant 1 : i32
    %scan3A_80 = scf.for %scan3A_180 = %scan3A_76 to %scan3A_78 step %scan3A_79 iter_args(%scan3A_181 = %scan3A_75) -> (i32)  : i32 {
      %mul3A_182 = arith.constant 3 : i32
      %mul3A_183 = arith.muli %mul3A_182, %scan3A_180 : i32
      %add3A_184 = arith.constant 64 : i32
      %add3A_185 = arith.addi %add3A_184, %mul3A_183 : i32
      %sub3A = arith.constant 64 : i32
      %sub3A_186 = arith.subi %add3A_185, %sub3A : i32
      %dma_wait3A_187 = arith.constant 0 : i32
      %dma_wait3A_188 = arith.constant 0 : i32
      %dma_wait3A_189 = tpu.memref_slice %arg2[%dma_wait3A_187, %dma_wait3A_188] : memref<10240x128xf32, #tpu.memory_space<hbm>> -> memref<80x128xf32, #tpu.memory_space<hbm>>
      %dma_wait3A_190 = arith.constant 0 : i32
      %dma_wait3A_191 = arith.constant 0 : i32
      %dma_wait3A_192 = tpu.memref_slice %arg2[%dma_wait3A_190, %dma_wait3A_191] : memref<10240x128xf32, #tpu.memory_space<hbm>> -> memref<80x128xf32, #tpu.memory_space<hbm>>
      tpu.wait_dma2 semaphore(%arg13 : memref<!tpu.dma_semaphore, #tpu.memory_space<semaphore_mem>>) src(%dma_wait3A_192 : memref<80x128xf32, #tpu.memory_space<hbm>>) dst(%arg9 : memref<80x128xf32, #tpu.memory_space<vmem>>)
      %dma_start3A_193 = arith.constant 0 : i32
      %dma_start3A_194 = tpu.memref_slice %arg7[%sub3A_186, %dma_start3A_193] : memref<64x80xi32, #tpu.memory_space<vmem>> -> memref<1x80xi32, #tpu.memory_space<vmem>>
      %dma_start3A_195 = tpu.memref_squeeze %dma_start3A_194 : memref<1x80xi32, #tpu.memory_space<vmem>> -> memref<80xi32, #tpu.memory_space<vmem>>
      %dma_start3A_196 = arith.constant 0 : i32
      %dma_start3A_197 = arith.constant 0 : i32
      %dma_start3A_198 = tpu.memref_slice %arg11[%dma_start3A_196, %dma_start3A_197] : memref<10112x128xf32, #tpu.memory_space<vmem_shared>> -> memref<10112x128xf32, #tpu.memory_space<vmem_shared>>
      tpu.enqueue_indirect_dma source(%arg9 : memref<80x128xf32, #tpu.memory_space<vmem>>) target(%dma_start3A_198 : memref<10112x128xf32, #tpu.memory_space<vmem_shared>>) offsets(%dma_start3A_195 : memref<80xi32, #tpu.memory_space<vmem>>) semaphore(%arg16 : memref<!tpu.dma_semaphore, #tpu.memory_space<semaphore_mem>>) {add = true}
      %ge3A = arith.constant 65 : i32
      %ge3A_199 = arith.cmpi sge, %add3A_185, %ge3A : i32
      %convert_element_type3A = arith.extui %ge3A_199 : i1 to i32
      %cond3A = arith.constant 0 : i32
      %cond3A_200 = arith.cmpi ne, %convert_element_type3A, %cond3A : i32
      scf.if %cond3A_200 {
        %dma_wait3A_276 = arith.constant 0 : i32
        %dma_wait3A_277 = arith.constant 0 : i32
        %dma_wait3A_278 = tpu.memref_slice %arg7[%dma_wait3A_276, %dma_wait3A_277] : memref<64x80xi32, #tpu.memory_space<vmem>> -> memref<1x80xi32, #tpu.memory_space<vmem>>
        %dma_wait3A_279 = tpu.memref_squeeze %dma_wait3A_278 : memref<1x80xi32, #tpu.memory_space<vmem>> -> memref<80xi32, #tpu.memory_space<vmem>>
        %dma_wait3A_280 = arith.constant 0 : i32
        %dma_wait3A_281 = arith.constant 0 : i32
        %dma_wait3A_282 = tpu.memref_slice %arg11[%dma_wait3A_280, %dma_wait3A_281] : memref<10112x128xf32, #tpu.memory_space<vmem_shared>> -> memref<10112x128xf32, #tpu.memory_space<vmem_shared>>
        tpu.wait_indirect_dma semaphore(%arg15 : memref<!tpu.dma_semaphore, #tpu.memory_space<semaphore_mem>>) src(%arg8 : memref<80x128xf32, #tpu.memory_space<vmem>>) dst(%dma_wait3A_282 : memref<10112x128xf32, #tpu.memory_space<vmem_shared>>)
      } else {
      }
      %add3A_201 = arith.constant 2 : i32
      %add3A_202 = arith.addi %add3A_185, %add3A_201 : i32
      %mul3A_203 = arith.constant 80 : i32
      %mul3A_204 = arith.muli %add3A_202, %mul3A_203 : i32
      %dma_start3A_205 = tpu.memref_slice %arg6[%mul3A_204] : memref<10000xi32, #tpu.memory_space<vmem>> -> memref<80xi32, #tpu.memory_space<vmem>>
      %dma_start3A_206 = arith.constant 0 : i32
      %dma_start3A_207 = arith.constant 0 : i32
      %dma_start3A_208 = tpu.memref_slice %arg2[%dma_start3A_206, %dma_start3A_207] : memref<10240x128xf32, #tpu.memory_space<hbm>> -> memref<10240x128xf32, #tpu.memory_space<hbm>>
      tpu.enqueue_indirect_dma source(%dma_start3A_208 : memref<10240x128xf32, #tpu.memory_space<hbm>>) target(%arg8 : memref<80x128xf32, #tpu.memory_space<vmem>>) offsets(%dma_start3A_205 : memref<80xi32, #tpu.memory_space<vmem>>) semaphore(%arg12 : memref<!tpu.dma_semaphore, #tpu.memory_space<semaphore_mem>>)
      %add3A_209 = arith.constant 1 : i32
      %add3A_210 = arith.addi %add3A_185, %add3A_209 : i32
      %add3A_211 = arith.constant 1 : i32
      %add3A_212 = arith.addi %add3A_185, %add3A_211 : i32
      %sub3A_213 = arith.constant 64 : i32
      %sub3A_214 = arith.subi %add3A_212, %sub3A_213 : i32
      %dma_wait3A_215 = arith.constant 0 : i32
      %dma_wait3A_216 = arith.constant 0 : i32
      %dma_wait3A_217 = tpu.memref_slice %arg2[%dma_wait3A_215, %dma_wait3A_216] : memref<10240x128xf32, #tpu.memory_space<hbm>> -> memref<80x128xf32, #tpu.memory_space<hbm>>
      %dma_wait3A_218 = arith.constant 0 : i32
      %dma_wait3A_219 = arith.constant 0 : i32
      %dma_wait3A_220 = tpu.memref_slice %arg2[%dma_wait3A_218, %dma_wait3A_219] : memref<10240x128xf32, #tpu.memory_space<hbm>> -> memref<80x128xf32, #tpu.memory_space<hbm>>
      tpu.wait_dma2 semaphore(%arg14 : memref<!tpu.dma_semaphore, #tpu.memory_space<semaphore_mem>>) src(%dma_wait3A_220 : memref<80x128xf32, #tpu.memory_space<hbm>>) dst(%arg10 : memref<80x128xf32, #tpu.memory_space<vmem>>)
      %dma_start3A_221 = arith.constant 0 : i32
      %dma_start3A_222 = tpu.memref_slice %arg7[%sub3A_214, %dma_start3A_221] : memref<64x80xi32, #tpu.memory_space<vmem>> -> memref<1x80xi32, #tpu.memory_space<vmem>>
      %dma_start3A_223 = tpu.memref_squeeze %dma_start3A_222 : memref<1x80xi32, #tpu.memory_space<vmem>> -> memref<80xi32, #tpu.memory_space<vmem>>
      %dma_start3A_224 = arith.constant 0 : i32
      %dma_start3A_225 = arith.constant 0 : i32
      %dma_start3A_226 = tpu.memref_slice %arg11[%dma_start3A_224, %dma_start3A_225] : memref<10112x128xf32, #tpu.memory_space<vmem_shared>> -> memref<10112x128xf32, #tpu.memory_space<vmem_shared>>
      tpu.enqueue_indirect_dma source(%arg10 : memref<80x128xf32, #tpu.memory_space<vmem>>) target(%dma_start3A_226 : memref<10112x128xf32, #tpu.memory_space<vmem_shared>>) offsets(%dma_start3A_223 : memref<80xi32, #tpu.memory_space<vmem>>) semaphore(%arg17 : memref<!tpu.dma_semaphore, #tpu.memory_space<semaphore_mem>>) {add = true}
      %dma_wait3A_227 = arith.constant 0 : i32
      %dma_wait3A_228 = arith.constant 0 : i32
      %dma_wait3A_229 = tpu.memref_slice %arg7[%dma_wait3A_227, %dma_wait3A_228] : memref<64x80xi32, #tpu.memory_space<vmem>> -> memref<1x80xi32, #tpu.memory_space<vmem>>
      %dma_wait3A_230 = tpu.memref_squeeze %dma_wait3A_229 : memref<1x80xi32, #tpu.memory_space<vmem>> -> memref<80xi32, #tpu.memory_space<vmem>>
      %dma_wait3A_231 = arith.constant 0 : i32
      %dma_wait3A_232 = arith.constant 0 : i32
      %dma_wait3A_233 = tpu.memref_slice %arg11[%dma_wait3A_231, %dma_wait3A_232] : memref<10112x128xf32, #tpu.memory_space<vmem_shared>> -> memref<10112x128xf32, #tpu.memory_space<vmem_shared>>
      tpu.wait_indirect_dma semaphore(%arg16 : memref<!tpu.dma_semaphore, #tpu.memory_space<semaphore_mem>>) src(%arg9 : memref<80x128xf32, #tpu.memory_space<vmem>>) dst(%dma_wait3A_233 : memref<10112x128xf32, #tpu.memory_space<vmem_shared>>)
      %add3A_234 = arith.constant 2 : i32
      %add3A_235 = arith.addi %add3A_210, %add3A_234 : i32
      %mul3A_236 = arith.constant 80 : i32
      %mul3A_237 = arith.muli %add3A_235, %mul3A_236 : i32
      %dma_start3A_238 = tpu.memref_slice %arg6[%mul3A_237] : memref<10000xi32, #tpu.memory_space<vmem>> -> memref<80xi32, #tpu.memory_space<vmem>>
      %dma_start3A_239 = arith.constant 0 : i32
      %dma_start3A_240 = arith.constant 0 : i32
      %dma_start3A_241 = tpu.memref_slice %arg2[%dma_start3A_239, %dma_start3A_240] : memref<10240x128xf32, #tpu.memory_space<hbm>> -> memref<10240x128xf32, #tpu.memory_space<hbm>>
      tpu.enqueue_indirect_dma source(%dma_start3A_241 : memref<10240x128xf32, #tpu.memory_space<hbm>>) target(%arg9 : memref<80x128xf32, #tpu.memory_space<vmem>>) offsets(%dma_start3A_238 : memref<80xi32, #tpu.memory_space<vmem>>) semaphore(%arg13 : memref<!tpu.dma_semaphore, #tpu.memory_space<semaphore_mem>>)
      %add3A_242 = arith.constant 2 : i32
      %add3A_243 = arith.addi %add3A_185, %add3A_242 : i32
      %add3A_244 = arith.constant 2 : i32
      %add3A_245 = arith.addi %add3A_185, %add3A_244 : i32
      %sub3A_246 = arith.constant 64 : i32
      %sub3A_247 = arith.subi %add3A_245, %sub3A_246 : i32
      %dma_wait3A_248 = arith.constant 0 : i32
      %dma_wait3A_249 = arith.constant 0 : i32
      %dma_wait3A_250 = tpu.memref_slice %arg2[%dma_wait3A_248, %dma_wait3A_249] : memref<10240x128xf32, #tpu.memory_space<hbm>> -> memref<80x128xf32, #tpu.memory_space<hbm>>
      %dma_wait3A_251 = arith.constant 0 : i32
      %dma_wait3A_252 = arith.constant 0 : i32
      %dma_wait3A_253 = tpu.memref_slice %arg2[%dma_wait3A_251, %dma_wait3A_252] : memref<10240x128xf32, #tpu.memory_space<hbm>> -> memref<80x128xf32, #tpu.memory_space<hbm>>
      tpu.wait_dma2 semaphore(%arg12 : memref<!tpu.dma_semaphore, #tpu.memory_space<semaphore_mem>>) src(%dma_wait3A_253 : memref<80x128xf32, #tpu.memory_space<hbm>>) dst(%arg8 : memref<80x128xf32, #tpu.memory_space<vmem>>)
      %dma_start3A_254 = arith.constant 0 : i32
      %dma_start3A_255 = tpu.memref_slice %arg7[%sub3A_247, %dma_start3A_254] : memref<64x80xi32, #tpu.memory_space<vmem>> -> memref<1x80xi32, #tpu.memory_space<vmem>>
      %dma_start3A_256 = tpu.memref_squeeze %dma_start3A_255 : memref<1x80xi32, #tpu.memory_space<vmem>> -> memref<80xi32, #tpu.memory_space<vmem>>
      %dma_start3A_257 = arith.constant 0 : i32
      %dma_start3A_258 = arith.constant 0 : i32
      %dma_start3A_259 = tpu.memref_slice %arg11[%dma_start3A_257, %dma_start3A_258] : memref<10112x128xf32, #tpu.memory_space<vmem_shared>> -> memref<10112x128xf32, #tpu.memory_space<vmem_shared>>
      tpu.enqueue_indirect_dma source(%arg8 : memref<80x128xf32, #tpu.memory_space<vmem>>) target(%dma_start3A_259 : memref<10112x128xf32, #tpu.memory_space<vmem_shared>>) offsets(%dma_start3A_256 : memref<80xi32, #tpu.memory_space<vmem>>) semaphore(%arg15 : memref<!tpu.dma_semaphore, #tpu.memory_space<semaphore_mem>>) {add = true}
      %dma_wait3A_260 = arith.constant 0 : i32
      %dma_wait3A_261 = arith.constant 0 : i32
      %dma_wait3A_262 = tpu.memref_slice %arg7[%dma_wait3A_260, %dma_wait3A_261] : memref<64x80xi32, #tpu.memory_space<vmem>> -> memref<1x80xi32, #tpu.memory_space<vmem>>
      %dma_wait3A_263 = tpu.memref_squeeze %dma_wait3A_262 : memref<1x80xi32, #tpu.memory_space<vmem>> -> memref<80xi32, #tpu.memory_space<vmem>>
      %dma_wait3A_264 = arith.constant 0 : i32
      %dma_wait3A_265 = arith.constant 0 : i32
      %dma_wait3A_266 = tpu.memref_slice %arg11[%dma_wait3A_264, %dma_wait3A_265] : memref<10112x128xf32, #tpu.memory_space<vmem_shared>> -> memref<10112x128xf32, #tpu.memory_space<vmem_shared>>
      tpu.wait_indirect_dma semaphore(%arg17 : memref<!tpu.dma_semaphore, #tpu.memory_space<semaphore_mem>>) src(%arg10 : memref<80x128xf32, #tpu.memory_space<vmem>>) dst(%dma_wait3A_266 : memref<10112x128xf32, #tpu.memory_space<vmem_shared>>)
      %add3A_267 = arith.constant 2 : i32
      %add3A_268 = arith.addi %add3A_243, %add3A_267 : i32
      %mul3A_269 = arith.constant 80 : i32
      %mul3A_270 = arith.muli %add3A_268, %mul3A_269 : i32
      %dma_start3A_271 = tpu.memref_slice %arg6[%mul3A_270] : memref<10000xi32, #tpu.memory_space<vmem>> -> memref<80xi32, #tpu.memory_space<vmem>>
      %dma_start3A_272 = arith.constant 0 : i32
      %dma_start3A_273 = arith.constant 0 : i32
      %dma_start3A_274 = tpu.memref_slice %arg2[%dma_start3A_272, %dma_start3A_273] : memref<10240x128xf32, #tpu.memory_space<hbm>> -> memref<10240x128xf32, #tpu.memory_space<hbm>>
      tpu.enqueue_indirect_dma source(%dma_start3A_274 : memref<10240x128xf32, #tpu.memory_space<hbm>>) target(%arg10 : memref<80x128xf32, #tpu.memory_space<vmem>>) offsets(%dma_start3A_271 : memref<80xi32, #tpu.memory_space<vmem>>) semaphore(%arg14 : memref<!tpu.dma_semaphore, #tpu.memory_space<semaphore_mem>>)
      %scan3A_275 = arith.constant 0 : i32
      scf.yield %scan3A_275 : i32
    }
    %scan3A_81 = arith.constant 19 : i32
    %dma_wait3A_82 = arith.constant 0 : i32
    %dma_wait3A_83 = arith.constant 0 : i32
    %dma_wait3A_84 = tpu.memref_slice %arg2[%dma_wait3A_82, %dma_wait3A_83] : memref<10240x128xf32, #tpu.memory_space<hbm>> -> memref<80x128xf32, #tpu.memory_space<hbm>>
    %dma_wait3A_85 = arith.constant 0 : i32
    %dma_wait3A_86 = arith.constant 0 : i32
    %dma_wait3A_87 = tpu.memref_slice %arg2[%dma_wait3A_85, %dma_wait3A_86] : memref<10240x128xf32, #tpu.memory_space<hbm>> -> memref<80x128xf32, #tpu.memory_space<hbm>>
    tpu.wait_dma2 semaphore(%arg13 : memref<!tpu.dma_semaphore, #tpu.memory_space<semaphore_mem>>) src(%dma_wait3A_87 : memref<80x128xf32, #tpu.memory_space<hbm>>) dst(%arg9 : memref<80x128xf32, #tpu.memory_space<vmem>>)
    %dma_start3A_88 = arith.constant 57 : i32
    %dma_start3A_89 = arith.constant 0 : i32
    %dma_start3A_90 = tpu.memref_slice %arg7[%dma_start3A_88, %dma_start3A_89] : memref<64x80xi32, #tpu.memory_space<vmem>> -> memref<1x80xi32, #tpu.memory_space<vmem>>
    %dma_start3A_91 = tpu.memref_squeeze %dma_start3A_90 : memref<1x80xi32, #tpu.memory_space<vmem>> -> memref<80xi32, #tpu.memory_space<vmem>>
    %dma_start3A_92 = arith.constant 0 : i32
    %dma_start3A_93 = arith.constant 0 : i32
    %dma_start3A_94 = tpu.memref_slice %arg11[%dma_start3A_92, %dma_start3A_93] : memref<10112x128xf32, #tpu.memory_space<vmem_shared>> -> memref<10112x128xf32, #tpu.memory_space<vmem_shared>>
    tpu.enqueue_indirect_dma source(%arg9 : memref<80x128xf32, #tpu.memory_space<vmem>>) target(%dma_start3A_94 : memref<10112x128xf32, #tpu.memory_space<vmem_shared>>) offsets(%dma_start3A_91 : memref<80xi32, #tpu.memory_space<vmem>>) semaphore(%arg16 : memref<!tpu.dma_semaphore, #tpu.memory_space<semaphore_mem>>) {add = true}
    %dma_wait3A_95 = arith.constant 0 : i32
    %dma_wait3A_96 = arith.constant 0 : i32
    %dma_wait3A_97 = tpu.memref_slice %arg7[%dma_wait3A_95, %dma_wait3A_96] : memref<64x80xi32, #tpu.memory_space<vmem>> -> memref<1x80xi32, #tpu.memory_space<vmem>>
    %dma_wait3A_98 = tpu.memref_squeeze %dma_wait3A_97 : memref<1x80xi32, #tpu.memory_space<vmem>> -> memref<80xi32, #tpu.memory_space<vmem>>
    %dma_wait3A_99 = arith.constant 0 : i32
    %dma_wait3A_100 = arith.constant 0 : i32
    %dma_wait3A_101 = tpu.memref_slice %arg11[%dma_wait3A_99, %dma_wait3A_100] : memref<10112x128xf32, #tpu.memory_space<vmem_shared>> -> memref<10112x128xf32, #tpu.memory_space<vmem_shared>>
    tpu.wait_indirect_dma semaphore(%arg15 : memref<!tpu.dma_semaphore, #tpu.memory_space<semaphore_mem>>) src(%arg8 : memref<80x128xf32, #tpu.memory_space<vmem>>) dst(%dma_wait3A_101 : memref<10112x128xf32, #tpu.memory_space<vmem_shared>>)
    %dma_start3A_102 = arith.constant 9840 : i32
    %dma_start3A_103 = tpu.memref_slice %arg6[%dma_start3A_102] : memref<10000xi32, #tpu.memory_space<vmem>> -> memref<80xi32, #tpu.memory_space<vmem>>
    %dma_start3A_104 = arith.constant 0 : i32
    %dma_start3A_105 = arith.constant 0 : i32
    %dma_start3A_106 = tpu.memref_slice %arg2[%dma_start3A_104, %dma_start3A_105] : memref<10240x128xf32, #tpu.memory_space<hbm>> -> memref<10240x128xf32, #tpu.memory_space<hbm>>
    tpu.enqueue_indirect_dma source(%dma_start3A_106 : memref<10240x128xf32, #tpu.memory_space<hbm>>) target(%arg8 : memref<80x128xf32, #tpu.memory_space<vmem>>) offsets(%dma_start3A_103 : memref<80xi32, #tpu.memory_space<vmem>>) semaphore(%arg12 : memref<!tpu.dma_semaphore, #tpu.memory_space<semaphore_mem>>)
    %dma_wait3A_107 = arith.constant 0 : i32
    %dma_wait3A_108 = arith.constant 0 : i32
    %dma_wait3A_109 = tpu.memref_slice %arg2[%dma_wait3A_107, %dma_wait3A_108] : memref<10240x128xf32, #tpu.memory_space<hbm>> -> memref<80x128xf32, #tpu.memory_space<hbm>>
    %dma_wait3A_110 = arith.constant 0 : i32
    %dma_wait3A_111 = arith.constant 0 : i32
    %dma_wait3A_112 = tpu.memref_slice %arg2[%dma_wait3A_110, %dma_wait3A_111] : memref<10240x128xf32, #tpu.memory_space<hbm>> -> memref<80x128xf32, #tpu.memory_space<hbm>>
    tpu.wait_dma2 semaphore(%arg14 : memref<!tpu.dma_semaphore, #tpu.memory_space<semaphore_mem>>) src(%dma_wait3A_112 : memref<80x128xf32, #tpu.memory_space<hbm>>) dst(%arg10 : memref<80x128xf32, #tpu.memory_space<vmem>>)
    %dma_start3A_113 = arith.constant 58 : i32
    %dma_start3A_114 = arith.constant 0 : i32
    %dma_start3A_115 = tpu.memref_slice %arg7[%dma_start3A_113, %dma_start3A_114] : memref<64x80xi32, #tpu.memory_space<vmem>> -> memref<1x80xi32, #tpu.memory_space<vmem>>
    %dma_start3A_116 = tpu.memref_squeeze %dma_start3A_115 : memref<1x80xi32, #tpu.memory_space<vmem>> -> memref<80xi32, #tpu.memory_space<vmem>>
    %dma_start3A_117 = arith.constant 0 : i32
    %dma_start3A_118 = arith.constant 0 : i32
    %dma_start3A_119 = tpu.memref_slice %arg11[%dma_start3A_117, %dma_start3A_118] : memref<10112x128xf32, #tpu.memory_space<vmem_shared>> -> memref<10112x128xf32, #tpu.memory_space<vmem_shared>>
    tpu.enqueue_indirect_dma source(%arg10 : memref<80x128xf32, #tpu.memory_space<vmem>>) target(%dma_start3A_119 : memref<10112x128xf32, #tpu.memory_space<vmem_shared>>) offsets(%dma_start3A_116 : memref<80xi32, #tpu.memory_space<vmem>>) semaphore(%arg17 : memref<!tpu.dma_semaphore, #tpu.memory_space<semaphore_mem>>) {add = true}
    %dma_wait3A_120 = arith.constant 0 : i32
    %dma_wait3A_121 = arith.constant 0 : i32
    %dma_wait3A_122 = tpu.memref_slice %arg7[%dma_wait3A_120, %dma_wait3A_121] : memref<64x80xi32, #tpu.memory_space<vmem>> -> memref<1x80xi32, #tpu.memory_space<vmem>>
    %dma_wait3A_123 = tpu.memref_squeeze %dma_wait3A_122 : memref<1x80xi32, #tpu.memory_space<vmem>> -> memref<80xi32, #tpu.memory_space<vmem>>
    %dma_wait3A_124 = arith.constant 0 : i32
    %dma_wait3A_125 = arith.constant 0 : i32
    %dma_wait3A_126 = tpu.memref_slice %arg11[%dma_wait3A_124, %dma_wait3A_125] : memref<10112x128xf32, #tpu.memory_space<vmem_shared>> -> memref<10112x128xf32, #tpu.memory_space<vmem_shared>>
    tpu.wait_indirect_dma semaphore(%arg16 : memref<!tpu.dma_semaphore, #tpu.memory_space<semaphore_mem>>) src(%arg9 : memref<80x128xf32, #tpu.memory_space<vmem>>) dst(%dma_wait3A_126 : memref<10112x128xf32, #tpu.memory_space<vmem_shared>>)
    %dma_start3A_127 = arith.constant 9920 : i32
    %dma_start3A_128 = tpu.memref_slice %arg6[%dma_start3A_127] : memref<10000xi32, #tpu.memory_space<vmem>> -> memref<80xi32, #tpu.memory_space<vmem>>
    %dma_start3A_129 = arith.constant 0 : i32
    %dma_start3A_130 = arith.constant 0 : i32
    %dma_start3A_131 = tpu.memref_slice %arg2[%dma_start3A_129, %dma_start3A_130] : memref<10240x128xf32, #tpu.memory_space<hbm>> -> memref<10240x128xf32, #tpu.memory_space<hbm>>
    tpu.enqueue_indirect_dma source(%dma_start3A_131 : memref<10240x128xf32, #tpu.memory_space<hbm>>) target(%arg9 : memref<80x128xf32, #tpu.memory_space<vmem>>) offsets(%dma_start3A_128 : memref<80xi32, #tpu.memory_space<vmem>>) semaphore(%arg13 : memref<!tpu.dma_semaphore, #tpu.memory_space<semaphore_mem>>)
    %dma_wait3A_132 = arith.constant 0 : i32
    %dma_wait3A_133 = arith.constant 0 : i32
    %dma_wait3A_134 = tpu.memref_slice %arg2[%dma_wait3A_132, %dma_wait3A_133] : memref<10240x128xf32, #tpu.memory_space<hbm>> -> memref<80x128xf32, #tpu.memory_space<hbm>>
    %dma_wait3A_135 = arith.constant 0 : i32
    %dma_wait3A_136 = arith.constant 0 : i32
    %dma_wait3A_137 = tpu.memref_slice %arg2[%dma_wait3A_135, %dma_wait3A_136] : memref<10240x128xf32, #tpu.memory_space<hbm>> -> memref<80x128xf32, #tpu.memory_space<hbm>>
    tpu.wait_dma2 semaphore(%arg12 : memref<!tpu.dma_semaphore, #tpu.memory_space<semaphore_mem>>) src(%dma_wait3A_137 : memref<80x128xf32, #tpu.memory_space<hbm>>) dst(%arg8 : memref<80x128xf32, #tpu.memory_space<vmem>>)
    %dma_start3A_138 = arith.constant 59 : i32
    %dma_start3A_139 = arith.constant 0 : i32
    %dma_start3A_140 = tpu.memref_slice %arg7[%dma_start3A_138, %dma_start3A_139] : memref<64x80xi32, #tpu.memory_space<vmem>> -> memref<1x80xi32, #tpu.memory_space<vmem>>
    %dma_start3A_141 = tpu.memref_squeeze %dma_start3A_140 : memref<1x80xi32, #tpu.memory_space<vmem>> -> memref<80xi32, #tpu.memory_space<vmem>>
    %dma_start3A_142 = arith.constant 0 : i32
    %dma_start3A_143 = arith.constant 0 : i32
    %dma_start3A_144 = tpu.memref_slice %arg11[%dma_start3A_142, %dma_start3A_143] : memref<10112x128xf32, #tpu.memory_space<vmem_shared>> -> memref<10112x128xf32, #tpu.memory_space<vmem_shared>>
    tpu.enqueue_indirect_dma source(%arg8 : memref<80x128xf32, #tpu.memory_space<vmem>>) target(%dma_start3A_144 : memref<10112x128xf32, #tpu.memory_space<vmem_shared>>) offsets(%dma_start3A_141 : memref<80xi32, #tpu.memory_space<vmem>>) semaphore(%arg15 : memref<!tpu.dma_semaphore, #tpu.memory_space<semaphore_mem>>) {add = true}
    %dma_wait3A_145 = arith.constant 0 : i32
    %dma_wait3A_146 = arith.constant 0 : i32
    %dma_wait3A_147 = tpu.memref_slice %arg7[%dma_wait3A_145, %dma_wait3A_146] : memref<64x80xi32, #tpu.memory_space<vmem>> -> memref<1x80xi32, #tpu.memory_space<vmem>>
    %dma_wait3A_148 = tpu.memref_squeeze %dma_wait3A_147 : memref<1x80xi32, #tpu.memory_space<vmem>> -> memref<80xi32, #tpu.memory_space<vmem>>
    %dma_wait3A_149 = arith.constant 0 : i32
    %dma_wait3A_150 = arith.constant 0 : i32
    %dma_wait3A_151 = tpu.memref_slice %arg11[%dma_wait3A_149, %dma_wait3A_150] : memref<10112x128xf32, #tpu.memory_space<vmem_shared>> -> memref<10112x128xf32, #tpu.memory_space<vmem_shared>>
    tpu.wait_indirect_dma semaphore(%arg17 : memref<!tpu.dma_semaphore, #tpu.memory_space<semaphore_mem>>) src(%arg10 : memref<80x128xf32, #tpu.memory_space<vmem>>) dst(%dma_wait3A_151 : memref<10112x128xf32, #tpu.memory_space<vmem_shared>>)
    %dma_wait3A_152 = arith.constant 0 : i32
    %dma_wait3A_153 = arith.constant 0 : i32
    %dma_wait3A_154 = tpu.memref_slice %arg2[%dma_wait3A_152, %dma_wait3A_153] : memref<10240x128xf32, #tpu.memory_space<hbm>> -> memref<80x128xf32, #tpu.memory_space<hbm>>
    %dma_wait3A_155 = arith.constant 0 : i32
    %dma_wait3A_156 = arith.constant 0 : i32
    %dma_wait3A_157 = tpu.memref_slice %arg2[%dma_wait3A_155, %dma_wait3A_156] : memref<10240x128xf32, #tpu.memory_space<hbm>> -> memref<80x128xf32, #tpu.memory_space<hbm>>
    tpu.wait_dma2 semaphore(%arg13 : memref<!tpu.dma_semaphore, #tpu.memory_space<semaphore_mem>>) src(%dma_wait3A_157 : memref<80x128xf32, #tpu.memory_space<hbm>>) dst(%arg9 : memref<80x128xf32, #tpu.memory_space<vmem>>)
    %dma_start3A_158 = arith.constant 60 : i32
    %dma_start3A_159 = arith.constant 0 : i32
    %dma_start3A_160 = tpu.memref_slice %arg7[%dma_start3A_158, %dma_start3A_159] : memref<64x80xi32, #tpu.memory_space<vmem>> -> memref<1x80xi32, #tpu.memory_space<vmem>>
    %dma_start3A_161 = tpu.memref_squeeze %dma_start3A_160 : memref<1x80xi32, #tpu.memory_space<vmem>> -> memref<80xi32, #tpu.memory_space<vmem>>
    %dma_start3A_162 = arith.constant 0 : i32
    %dma_start3A_163 = arith.constant 0 : i32
    %dma_start3A_164 = tpu.memref_slice %arg11[%dma_start3A_162, %dma_start3A_163] : memref<10112x128xf32, #tpu.memory_space<vmem_shared>> -> memref<10112x128xf32, #tpu.memory_space<vmem_shared>>
    tpu.enqueue_indirect_dma source(%arg9 : memref<80x128xf32, #tpu.memory_space<vmem>>) target(%dma_start3A_164 : memref<10112x128xf32, #tpu.memory_space<vmem_shared>>) offsets(%dma_start3A_161 : memref<80xi32, #tpu.memory_space<vmem>>) semaphore(%arg16 : memref<!tpu.dma_semaphore, #tpu.memory_space<semaphore_mem>>) {add = true}
    %dma_wait3A_165 = arith.constant 0 : i32
    %dma_wait3A_166 = arith.constant 0 : i32
    %dma_wait3A_167 = tpu.memref_slice %arg7[%dma_wait3A_165, %dma_wait3A_166] : memref<64x80xi32, #tpu.memory_space<vmem>> -> memref<1x80xi32, #tpu.memory_space<vmem>>
    %dma_wait3A_168 = tpu.memref_squeeze %dma_wait3A_167 : memref<1x80xi32, #tpu.memory_space<vmem>> -> memref<80xi32, #tpu.memory_space<vmem>>
    %dma_wait3A_169 = arith.constant 0 : i32
    %dma_wait3A_170 = arith.constant 0 : i32
    %dma_wait3A_171 = tpu.memref_slice %arg11[%dma_wait3A_169, %dma_wait3A_170] : memref<10112x128xf32, #tpu.memory_space<vmem_shared>> -> memref<10112x128xf32, #tpu.memory_space<vmem_shared>>
    tpu.wait_indirect_dma semaphore(%arg15 : memref<!tpu.dma_semaphore, #tpu.memory_space<semaphore_mem>>) src(%arg8 : memref<80x128xf32, #tpu.memory_space<vmem>>) dst(%dma_wait3A_171 : memref<10112x128xf32, #tpu.memory_space<vmem_shared>>)
    %dma_wait3A_172 = arith.constant 0 : i32
    %dma_wait3A_173 = arith.constant 0 : i32
    %dma_wait3A_174 = tpu.memref_slice %arg7[%dma_wait3A_172, %dma_wait3A_173] : memref<64x80xi32, #tpu.memory_space<vmem>> -> memref<1x80xi32, #tpu.memory_space<vmem>>
    %dma_wait3A_175 = tpu.memref_squeeze %dma_wait3A_174 : memref<1x80xi32, #tpu.memory_space<vmem>> -> memref<80xi32, #tpu.memory_space<vmem>>
    %dma_wait3A_176 = arith.constant 0 : i32
    %dma_wait3A_177 = arith.constant 0 : i32
    %dma_wait3A_178 = tpu.memref_slice %arg11[%dma_wait3A_176, %dma_wait3A_177] : memref<10112x128xf32, #tpu.memory_space<vmem_shared>> -> memref<10112x128xf32, #tpu.memory_space<vmem_shared>>
    tpu.wait_indirect_dma semaphore(%arg16 : memref<!tpu.dma_semaphore, #tpu.memory_space<semaphore_mem>>) src(%arg9 : memref<80x128xf32, #tpu.memory_space<vmem>>) dst(%dma_wait3A_178 : memref<10112x128xf32, #tpu.memory_space<vmem_shared>>)
    %barrier3A_179 = arith.constant 0 : index
    tpu.barrier barrier_id(%barrier3A_179)
    "tpu.region"() ({
      %run_scoped3A = tpu.sem_alloc : memref<!tpu.dma_semaphore, #tpu.memory_space<semaphore_mem>>
      %dma_start3A_180 = arith.constant 0 : i32
      %dma_start3A_181 = tpu.memref_slice %arg5[%arg0, %mul3A_20, %dma_start3A_180] : memref<2x10240x128xf32, #tpu.memory_space<hbm>> -> memref<1x632x128xf32, #tpu.memory_space<hbm>>
      %dma_start3A_182 = tpu.memref_squeeze %dma_start3A_181 : memref<1x632x128xf32, #tpu.memory_space<hbm>> -> memref<632x128xf32, #tpu.memory_space<hbm>>
      %dma_start3A_183 = arith.constant 0 : i32
      %dma_start3A_184 = tpu.memref_slice %arg11[%mul3A_20, %dma_start3A_183] : memref<10112x128xf32, #tpu.memory_space<vmem_shared>> -> memref<632x128xf32, #tpu.memory_space<vmem_shared>>
      tpu.enqueue_dma source(%dma_start3A_184 : memref<632x128xf32, #tpu.memory_space<vmem_shared>>) target(%dma_start3A_182 : memref<632x128xf32, #tpu.memory_space<hbm>>) target_semaphore(%run_scoped3A : memref<!tpu.dma_semaphore, #tpu.memory_space<semaphore_mem>>)
      %dma_wait3A_185 = arith.constant 0 : i32
      %dma_wait3A_186 = tpu.memref_slice %arg5[%arg0, %mul3A_20, %dma_wait3A_185] : memref<2x10240x128xf32, #tpu.memory_space<hbm>> -> memref<1x632x128xf32, #tpu.memory_space<hbm>>
      %dma_wait3A_187 = tpu.memref_squeeze %dma_wait3A_186 : memref<1x632x128xf32, #tpu.memory_space<hbm>> -> memref<632x128xf32, #tpu.memory_space<hbm>>
      %dma_wait3A_188 = arith.constant 0 : i32
      %dma_wait3A_189 = tpu.memref_slice %arg11[%mul3A_20, %dma_wait3A_188] : memref<10112x128xf32, #tpu.memory_space<vmem_shared>> -> memref<632x128xf32, #tpu.memory_space<vmem_shared>>
      tpu.wait_dma2 semaphore(%run_scoped3A : memref<!tpu.dma_semaphore, #tpu.memory_space<semaphore_mem>>) src(%dma_wait3A_189 : memref<632x128xf32, #tpu.memory_space<vmem_shared>>) dst(%dma_wait3A_187 : memref<632x128xf32, #tpu.memory_space<hbm>>)
      tpu.yield
    }) : () -> ()
    return
  }
}

module attributes {stable_mosaic.version = 14 : i64} {
  func.func @_prep_body(%arg0: i32, %arg1: memref<32x2x1280xf32, #tpu.memory_space<vmem>>, %arg2: memref<1280x128xf32, #tpu.memory_space<vmem>>, %arg3: memref<1280x2xf32, #tpu.memory_space<vmem>>, %arg4: memref<1280x128xf32, #tpu.memory_space<vmem>>) attributes {dimension_semantics = [#tpu.dimension_semantics<arbitrary>], iteration_bounds = array<i64: 8>, scalar_prefetch = 0 : i64, scratch_operands = 0 : i64, tpu.core_type = #tpu.core_type<tc>, window_params = [{transform_indices = @transform_0, window_bounds = array<i64: 32, 2, 1280>}, {transform_indices = @transform_1, window_bounds = array<i64: 1280, 128>}, {transform_indices = @transform_2, window_bounds = array<i64: 1280, 2>}, {transform_indices = @transform_3, window_bounds = array<i64: 1280, 128>}]} {
    %get3A = arith.constant 0 : index
    %get3A_0 = arith.constant 0 : index
    %get3A_1 = arith.constant 0 : index
    %get3A_2 = vector.load %arg1[%get3A, %get3A_0, %get3A_1] : memref<32x2x1280xf32, #tpu.memory_space<vmem>>, vector<32x2x1280xf32>
    %reduce_sum3A = arith.constant dense<0.000000e+00> : vector<2x1280xf32>
    %reduce_sum3A_3 = vector.multi_reduction <add>, %get3A_2, %reduce_sum3A [0] : vector<32x2x1280xf32> to vector<2x1280xf32>
    %max3A = arith.constant 1.000000e+00 : f32
    %max3A_4 = vector.broadcast %max3A : f32 to vector<2x1280xf32>
    %max3A_5 = arith.maximumf %reduce_sum3A_3, %max3A_4 : vector<2x1280xf32>
    %rsqrt3A = math.rsqrt %max3A_5 : vector<2x1280xf32>
    %transpose3A = tpu.transpose %rsqrt3A, [1, 0] : vector<2x1280xf32> -> vector<1280x2xf32>
    %swap3A = arith.constant 0 : index
    %swap3A_6 = arith.constant 0 : index
    %swap3A_7 = vector.load %arg3[%swap3A, %swap3A_6] : memref<1280x2xf32, #tpu.memory_space<vmem>>, vector<1280x2xf32>
    tpu.vector_store %arg3[%swap3A, %swap3A_6], %transpose3A {strides = array<i32>} : memref<1280x2xf32, #tpu.memory_space<vmem>>, vector<1280x2xf32>,
    %get3A_8 = arith.constant 0 : index
    %get3A_9 = arith.constant 0 : index
    %get3A_10 = vector.load %arg2[%get3A_8, %get3A_9] : memref<1280x128xf32, #tpu.memory_space<vmem>>, vector<1280x128xf32>
    %slice3A = vector.extract_strided_slice %transpose3A {offsets = [0, 0], sizes = [1280, 1], strides = [1, 1]} : vector<1280x2xf32> to vector<1280x1xf32>
    %mul3A = vector.broadcast %slice3A : vector<1280x1xf32> to vector<1280x128xf32>
    %mul3A_11 = arith.mulf %get3A_10, %mul3A : vector<1280x128xf32>
    %swap3A_12 = arith.constant 0 : index
    %swap3A_13 = arith.constant 0 : index
    %swap3A_14 = vector.load %arg4[%swap3A_12, %swap3A_13] : memref<1280x128xf32, #tpu.memory_space<vmem>>, vector<1280x128xf32>
    tpu.vector_store %arg4[%swap3A_12, %swap3A_13], %mul3A_11 {strides = array<i32>} : memref<1280x128xf32, #tpu.memory_space<vmem>>, vector<1280x128xf32>,
    return
  }
  func.func @transform_0(%arg0: i32) -> (i32, i32, i32) {
    %c0_i32 = arith.constant 0 : i32
    %c0_i32_0 = arith.constant 0 : i32
    %c0_i32_1 = arith.constant 0 : i32
    return %c0_i32, %c0_i32_0, %arg0 : i32, i32, i32
  }
  func.func @transform_1(%arg0: i32) -> (i32, i32) {
    %c0_i32 = arith.constant 0 : i32
    %c0_i32_0 = arith.constant 0 : i32
    return %arg0, %c0_i32 : i32, i32
  }
  func.func @transform_2(%arg0: i32) -> (i32, i32) {
    %c0_i32 = arith.constant 0 : i32
    %c0_i32_0 = arith.constant 0 : i32
    return %arg0, %c0_i32 : i32, i32
  }
  func.func @transform_3(%arg0: i32) -> (i32, i32) {
    %c0_i32 = arith.constant 0 : i32
    %c0_i32_0 = arith.constant 0 : i32
    return %arg0, %c0_i32 : i32, i32
  }
}

module attributes {stable_mosaic.version = 14 : i64} {
  func.func @_layer_body(%arg0: i32, %arg1: memref<2x1280x128xf32, #tpu.memory_space<vmem>>, %arg2: memref<1280x2xf32, #tpu.memory_space<vmem>>, %arg3: memref<128x128xf32, #tpu.memory_space<vmem>>, %arg4: memref<1x128xf32, #tpu.memory_space<vmem>>, %arg5: memref<1280x128xf32, #tpu.memory_space<vmem>>) attributes {dimension_semantics = [#tpu.dimension_semantics<arbitrary>], iteration_bounds = array<i64: 8>, scalar_prefetch = 0 : i64, scratch_operands = 0 : i64, tpu.core_type = #tpu.core_type<tc>, window_params = [{transform_indices = @transform_0, window_bounds = array<i64: 2, 1280, 128>}, {transform_indices = @transform_1, window_bounds = array<i64: 1280, 2>}, {pipeline_mode = #tpu.pipeline_mode<synchronous>, transform_indices = @transform_2, window_bounds = array<i64: 128, 128>}, {pipeline_mode = #tpu.pipeline_mode<synchronous>, transform_indices = @transform_3, window_bounds = array<i64: 1, 128>}, {transform_indices = @transform_4, window_bounds = array<i64: 1280, 128>}]} {
    %get3A = arith.constant 0 : index
    %get3A_0 = arith.constant 0 : index
    %get3A_1 = arith.constant 0 : index
    %get3A_2 = vector.load %arg1[%get3A, %get3A_0, %get3A_1] : memref<2x1280x128xf32, #tpu.memory_space<vmem>>, vector<1x1280x128xf32>
    %get3A_3 = vector.shape_cast %get3A_2 : vector<1x1280x128xf32> to vector<1280x128xf32>
    %get3A_4 = arith.constant 1 : index
    %get3A_5 = arith.constant 0 : index
    %get3A_6 = arith.constant 0 : index
    %get3A_7 = vector.load %arg1[%get3A_4, %get3A_5, %get3A_6] : memref<2x1280x128xf32, #tpu.memory_space<vmem>>, vector<1x1280x128xf32>
    %get3A_8 = vector.shape_cast %get3A_7 : vector<1x1280x128xf32> to vector<1280x128xf32>
    %add3A = arith.addf %get3A_3, %get3A_8 : vector<1280x128xf32>
    %get3A_9 = arith.constant 0 : index
    %get3A_10 = arith.constant 1 : index
    %get3A_11 = vector.load %arg2[%get3A_9, %get3A_10] : memref<1280x2xf32, #tpu.memory_space<vmem>>, vector<1280x1xf32>
    %mul3A = vector.broadcast %get3A_11 : vector<1280x1xf32> to vector<1280x128xf32>
    %mul3A_12 = arith.mulf %add3A, %mul3A : vector<1280x128xf32>
    %get3A_13 = arith.constant 0 : index
    %get3A_14 = arith.constant 0 : index
    %get3A_15 = vector.load %arg3[%get3A_13, %get3A_14] : memref<128x128xf32, #tpu.memory_space<vmem>>, vector<128x128xf32>
    %dot_general3A = arith.constant dense<0.000000e+00> : vector<1280x128xf32>
    %dot_general3A_16 = tpu.matmul %mul3A_12, %get3A_15, %dot_general3A {dimension_numbers = #tpu.dot_dimension_numbers<[1], [0], [0], [1], [0, 0, 1, 1], [], []>, transpose_lhs_hint = false} : vector<1280x128xf32>, vector<128x128xf32>, vector<1280x128xf32> -> vector<1280x128xf32>
    %get3A_17 = arith.constant 0 : index
    %get3A_18 = arith.constant 0 : index
    %get3A_19 = vector.load %arg4[%get3A_17, %get3A_18] : memref<1x128xf32, #tpu.memory_space<vmem>>, vector<1x128xf32>
    %add3A_20 = vector.broadcast %get3A_19 : vector<1x128xf32> to vector<1280x128xf32>
    %add3A_21 = arith.addf %dot_general3A_16, %add3A_20 : vector<1280x128xf32>
    %custom_jvp_call3A = arith.constant 0.000000e+00 : f32
    %max3A = vector.broadcast %custom_jvp_call3A : f32 to vector<1280x128xf32>
    %max3A_22 = arith.maximumf %add3A_21, %max3A : vector<1280x128xf32>
    %sub3A = vector.broadcast %custom_jvp_call3A : f32 to vector<1280x128xf32>
    %sub3A_23 = arith.subf %add3A_21, %sub3A : vector<1280x128xf32>
    %ne3A = arith.cmpf one, %sub3A_23, %sub3A_23 : vector<1280x128xf32>
    %add3A_24 = vector.broadcast %custom_jvp_call3A : f32 to vector<1280x128xf32>
    %add3A_25 = arith.addf %add3A_21, %add3A_24 : vector<1280x128xf32>
    %abs3A = math.absf %sub3A_23 : vector<1280x128xf32>
    %neg3A = arith.constant 0.000000e+00 : f32
    %neg3A_26 = vector.broadcast %neg3A : f32 to vector<1280x128xf32>
    %neg3A_27 = arith.subf %neg3A_26, %abs3A : vector<1280x128xf32>
    %exp3A = math.exp %neg3A_27 : vector<1280x128xf32>
    %log1p3A = math.log1p %exp3A : vector<1280x128xf32>
    %add3A_28 = arith.addf %max3A_22, %log1p3A : vector<1280x128xf32>
    %select_n3A = arith.select %ne3A, %add3A_25, %add3A_28 : vector<1280x128xi1>, vector<1280x128xf32>
    %get3A_29 = arith.constant 0 : index
    %get3A_30 = arith.constant 0 : index
    %get3A_31 = vector.load %arg2[%get3A_29, %get3A_30] : memref<1280x2xf32, #tpu.memory_space<vmem>>, vector<1280x1xf32>
    %mul3A_32 = vector.broadcast %get3A_31 : vector<1280x1xf32> to vector<1280x128xf32>
    %mul3A_33 = arith.mulf %select_n3A, %mul3A_32 : vector<1280x128xf32>
    %swap3A = arith.constant 0 : index
    %swap3A_34 = arith.constant 0 : index
    %swap3A_35 = vector.load %arg5[%swap3A, %swap3A_34] : memref<1280x128xf32, #tpu.memory_space<vmem>>, vector<1280x128xf32>
    tpu.vector_store %arg5[%swap3A, %swap3A_34], %mul3A_33 {strides = array<i32>} : memref<1280x128xf32, #tpu.memory_space<vmem>>, vector<1280x128xf32>,
    return
  }
  func.func @transform_0(%arg0: i32) -> (i32, i32, i32) {
    %c0_i32 = arith.constant 0 : i32
    %c0_i32_0 = arith.constant 0 : i32
    %c0_i32_1 = arith.constant 0 : i32
    return %c0_i32, %arg0, %c0_i32_0 : i32, i32, i32
  }
  func.func @transform_1(%arg0: i32) -> (i32, i32) {
    %c0_i32 = arith.constant 0 : i32
    %c0_i32_0 = arith.constant 0 : i32
    return %arg0, %c0_i32 : i32, i32
  }
  func.func @transform_2(%arg0: i32) -> (i32, i32) {
    %c0_i32 = arith.constant 0 : i32
    %c0_i32_0 = arith.constant 0 : i32
    %c0_i32_1 = arith.constant 0 : i32
    return %c0_i32, %c0_i32_0 : i32, i32
  }
  func.func @transform_3(%arg0: i32) -> (i32, i32) {
    %c0_i32 = arith.constant 0 : i32
    %c0_i32_0 = arith.constant 0 : i32
    %c0_i32_1 = arith.constant 0 : i32
    return %c0_i32, %c0_i32_0 : i32, i32
  }
  func.func @transform_4(%arg0: i32) -> (i32, i32) {
    %c0_i32 = arith.constant 0 : i32
    %c0_i32_0 = arith.constant 0 : i32
    return %arg0, %c0_i32 : i32, i32
  }
}

module attributes {stable_mosaic.version = 14 : i64} {
  func.func @_layer_body(%arg0: i32, %arg1: memref<2x1280x128xf32, #tpu.memory_space<vmem>>, %arg2: memref<1280x2xf32, #tpu.memory_space<vmem>>, %arg3: memref<128x128xf32, #tpu.memory_space<vmem>>, %arg4: memref<1x128xf32, #tpu.memory_space<vmem>>, %arg5: memref<1280x128xf32, #tpu.memory_space<vmem>>) attributes {dimension_semantics = [#tpu.dimension_semantics<arbitrary>], iteration_bounds = array<i64: 8>, scalar_prefetch = 0 : i64, scratch_operands = 0 : i64, tpu.core_type = #tpu.core_type<tc>, window_params = [{transform_indices = @transform_0, window_bounds = array<i64: 2, 1280, 128>}, {transform_indices = @transform_1, window_bounds = array<i64: 1280, 2>}, {pipeline_mode = #tpu.pipeline_mode<synchronous>, transform_indices = @transform_2, window_bounds = array<i64: 128, 128>}, {pipeline_mode = #tpu.pipeline_mode<synchronous>, transform_indices = @transform_3, window_bounds = array<i64: 1, 128>}, {transform_indices = @transform_4, window_bounds = array<i64: 1280, 128>}]} {
    %get3A = arith.constant 0 : index
    %get3A_0 = arith.constant 0 : index
    %get3A_1 = arith.constant 0 : index
    %get3A_2 = vector.load %arg1[%get3A, %get3A_0, %get3A_1] : memref<2x1280x128xf32, #tpu.memory_space<vmem>>, vector<1x1280x128xf32>
    %get3A_3 = vector.shape_cast %get3A_2 : vector<1x1280x128xf32> to vector<1280x128xf32>
    %get3A_4 = arith.constant 1 : index
    %get3A_5 = arith.constant 0 : index
    %get3A_6 = arith.constant 0 : index
    %get3A_7 = vector.load %arg1[%get3A_4, %get3A_5, %get3A_6] : memref<2x1280x128xf32, #tpu.memory_space<vmem>>, vector<1x1280x128xf32>
    %get3A_8 = vector.shape_cast %get3A_7 : vector<1x1280x128xf32> to vector<1280x128xf32>
    %add3A = arith.addf %get3A_3, %get3A_8 : vector<1280x128xf32>
    %get3A_9 = arith.constant 0 : index
    %get3A_10 = arith.constant 1 : index
    %get3A_11 = vector.load %arg2[%get3A_9, %get3A_10] : memref<1280x2xf32, #tpu.memory_space<vmem>>, vector<1280x1xf32>
    %mul3A = vector.broadcast %get3A_11 : vector<1280x1xf32> to vector<1280x128xf32>
    %mul3A_12 = arith.mulf %add3A, %mul3A : vector<1280x128xf32>
    %get3A_13 = arith.constant 0 : index
    %get3A_14 = arith.constant 0 : index
    %get3A_15 = vector.load %arg3[%get3A_13, %get3A_14] : memref<128x128xf32, #tpu.memory_space<vmem>>, vector<128x128xf32>
    %dot_general3A = arith.constant dense<0.000000e+00> : vector<1280x128xf32>
    %dot_general3A_16 = tpu.matmul %mul3A_12, %get3A_15, %dot_general3A {dimension_numbers = #tpu.dot_dimension_numbers<[1], [0], [0], [1], [0, 0, 1, 1], [], []>, transpose_lhs_hint = false} : vector<1280x128xf32>, vector<128x128xf32>, vector<1280x128xf32> -> vector<1280x128xf32>
    %get3A_17 = arith.constant 0 : index
    %get3A_18 = arith.constant 0 : index
    %get3A_19 = vector.load %arg4[%get3A_17, %get3A_18] : memref<1x128xf32, #tpu.memory_space<vmem>>, vector<1x128xf32>
    %add3A_20 = vector.broadcast %get3A_19 : vector<1x128xf32> to vector<1280x128xf32>
    %add3A_21 = arith.addf %dot_general3A_16, %add3A_20 : vector<1280x128xf32>
    %custom_jvp_call3A = arith.constant 0.000000e+00 : f32
    %max3A = vector.broadcast %custom_jvp_call3A : f32 to vector<1280x128xf32>
    %max3A_22 = arith.maximumf %add3A_21, %max3A : vector<1280x128xf32>
    %sub3A = vector.broadcast %custom_jvp_call3A : f32 to vector<1280x128xf32>
    %sub3A_23 = arith.subf %add3A_21, %sub3A : vector<1280x128xf32>
    %ne3A = arith.cmpf one, %sub3A_23, %sub3A_23 : vector<1280x128xf32>
    %add3A_24 = vector.broadcast %custom_jvp_call3A : f32 to vector<1280x128xf32>
    %add3A_25 = arith.addf %add3A_21, %add3A_24 : vector<1280x128xf32>
    %abs3A = math.absf %sub3A_23 : vector<1280x128xf32>
    %neg3A = arith.constant 0.000000e+00 : f32
    %neg3A_26 = vector.broadcast %neg3A : f32 to vector<1280x128xf32>
    %neg3A_27 = arith.subf %neg3A_26, %abs3A : vector<1280x128xf32>
    %exp3A = math.exp %neg3A_27 : vector<1280x128xf32>
    %log1p3A = math.log1p %exp3A : vector<1280x128xf32>
    %add3A_28 = arith.addf %max3A_22, %log1p3A : vector<1280x128xf32>
    %select_n3A = arith.select %ne3A, %add3A_25, %add3A_28 : vector<1280x128xi1>, vector<1280x128xf32>
    %swap3A = arith.constant 0 : index
    %swap3A_29 = arith.constant 0 : index
    %swap3A_30 = vector.load %arg5[%swap3A, %swap3A_29] : memref<1280x128xf32, #tpu.memory_space<vmem>>, vector<1280x128xf32>
    tpu.vector_store %arg5[%swap3A, %swap3A_29], %select_n3A {strides = array<i32>} : memref<1280x128xf32, #tpu.memory_space<vmem>>, vector<1280x128xf32>,
    return
  }
  func.func @transform_0(%arg0: i32) -> (i32, i32, i32) {
    %c0_i32 = arith.constant 0 : i32
    %c0_i32_0 = arith.constant 0 : i32
    %c0_i32_1 = arith.constant 0 : i32
    return %c0_i32, %arg0, %c0_i32_0 : i32, i32, i32
  }
  func.func @transform_1(%arg0: i32) -> (i32, i32) {
    %c0_i32 = arith.constant 0 : i32
    %c0_i32_0 = arith.constant 0 : i32
    return %arg0, %c0_i32 : i32, i32
  }
  func.func @transform_2(%arg0: i32) -> (i32, i32) {
    %c0_i32 = arith.constant 0 : i32
    %c0_i32_0 = arith.constant 0 : i32
    %c0_i32_1 = arith.constant 0 : i32
    return %c0_i32, %c0_i32_0 : i32, i32
  }
  func.func @transform_3(%arg0: i32) -> (i32, i32) {
    %c0_i32 = arith.constant 0 : i32
    %c0_i32_0 = arith.constant 0 : i32
    %c0_i32_1 = arith.constant 0 : i32
    return %c0_i32, %c0_i32_0 : i32, i32
  }
  func.func @transform_4(%arg0: i32) -> (i32, i32) {
    %c0_i32 = arith.constant 0 : i32
    %c0_i32_0 = arith.constant 0 : i32
    return %arg0, %c0_i32 : i32, i32
  }
}

</mosaic_0001>

<sc_bundles>
// kernel: kernel.10.cloned.1.call-start
scs
__scs_entry_jumppad:
0x0: {  	(pc) =	sbr.rel $0x88, $3  }
0x1: {  	(tag) =	ssettag $0x0;
	lr =	simm.s32 $0x1  }
0x2: {  	[smem:$0x3F98] =	sst lr;
	_ =	strace $0xD0000000  }
0x3: {  	_ = 	snop  }
0x4: {  	_ = 	snop  }
0x5: {  	_ = 	snop  }
0x6: {  	_ = 	snop  }
0x7: {  	_ = 	snop  }
__scs_overlays_trampoline_lowered:
0x8: {  	[smem:$0x3FA7] =	sst s0  }
0x9: {  	[smem:$0x3FA8] =	sst s1  }
0xa: {  	[smem:$0x3FA9] =	sst s2  }
0xb: {  	[smem:$0x3FAA] =	sst s3  }
0xc: {  	[smem:$0x3FAB] =	sst s4  }
0xd: {  	[smem:$0x3FAC] =	sst s5  }
0xe: {  	[smem:$0x3FAD] =	sst s6  }
0xf: {  	[smem:$0x3FAE] =	sst s7  }
0x10: {  	[smem:$0x3FAF] =	sst s8  }
0x11: {  	[smem:$0x3FB0] =	sst s9;
	s0 =	simm.s32 @!p0 $0x0  }
0x12: {  	s1 =	sld [smem:$0x3F96];
	s0 =	simm.s32 @p0 $0x1  }
0x13: {  	[smem:$0x3FB1] =	sst s0;
	s0 =	simm.s32 @!p1 $0x0  }
0x14: {  	s2 =	sld [smem:$0x3F95];
	s0 =	simm.s32 @p1 $0x1  }
0x15: {  	[smem:$0x3FB2] =	sst s0;
	s0 =	simm.s32 @!p2 $0x0  }
0x16: {  	s3 =	sld [smem:$0x3FDB];
	s0 =	simm.s32 @p2 $0x1  }
0x17: {  	s4 =	simm.s32 $0x1BF5;
	[smem:$0x3FB4] =	sst s0  }
0x18: {  	s0 =	sld [smem:$0x3F97];
	_ =	swait.ge [sflag:s4], $0x0  }
0x19: {  	s7 =	sld [smem:$0x3F98]  }
0x1a: {  	s8 =	sadd.s32 $0xFFFFE003, lr  }
0x1b: {  	s9 =	sadd.s32 $0xFFFFFEF7, lr;
	s5 =	simm.s32 $0xFFFFFFFF;
	p2 =	slt.u32 s8, $0xFFFFF086  }
0x1c: {  	p1 =	slt.u32 s9, $0xF7A;
	s5 =	simm.s32 @!p2 $0x0  }
0x1d: {  	s5 =	simm.s32 @p1 $0x1;
	p0 =	seq.s32 s7, s2  }
0x1e: {  	s7 =	smul.u32 @!p0 $0xF7A, s2;
	p2 =	seq.s32 @!p0 s5, $0x0  }
0x1f: {  	s9 =	smul.u32 $0xF7A, s1;
	s8 =	simm.s32 @!p0 $0x1BF5;
	p2 =	por !p2, p0  }
0x20: {  	[sflag:s8] =	ssyncset.s32 @!p0 $0xFFFFF086;
	s6 =	sadd.s32 @!p0 s3, s7;
	s7 =	simm.s32 @!p0 $0x108  }
0x21: {  	s3 =	sadd.s32 s3, s9;
	s6 =	sadd.s32 @!p0 $0x88, s6;
	s7 =	simm.s32 @p2 $0x1082  }
0x22: {  	[simem:s7], [sflag:s8] =	dma.local @!p0 [hbm:s6], $0xF7A  }
0x23: {  	s9 =	sor.u32 $0xD0000000, s2;
	s6 =	simm.s32 $0x108;
	_ =	swait.ge @!p0 [sflag:s8], $0x0  }
0x24: {  	s3 =	sadd.s32 $0x88, s3;
	s6 =	simm.s32 @!p1 $0x1082;
	[sflag:s4] =	ssyncset.s32 $0xFFFFF086  }
0x25: {  	[simem:s6], [sflag:s4] =	dma.local [hbm:s3], $0xF7A  }
0x26: {  	[smem:$0x3F98] =	sst s1;
	(tag) =	ssettag s2;
	_ =	strace s9  }
0x27: {  	s1 =	sld [smem:$0x3FA8]  }
0x28: {  	s2 =	sld [smem:$0x3FA9]  }
0x29: {  	s4 =	sld [smem:$0x3FAB]  }
0x2a: {  	p0 =	seq.s32 s5, $0x0;
	s5 =	sld [smem:$0x3FAC]  }
0x2b: {  	s6 =	sld [smem:$0x3FAD]  }
0x2c: {  	s7 =	sld [smem:$0x3FAE]  }
0x2d: {  	s3 =	simm.s32 $0x108;
	s8 =	sld [smem:$0x3FAF]  }
0x2e: {  	s3 =	simm.s32 @!p0 $0x1082;
	s9 =	sld [smem:$0x3FB0]  }
0x2f: {  	lr =	sadd.s32 s0, s3;
	s0 =	sld [smem:$0x3FA7]  }
0x30: {  	s3 =	sld [smem:$0x3FAA]  }
0x31: {  	[smem:$0x3FB3] =	sst s10  }
0x32: {  	s10 =	sld [smem:$0x3FB1];
	_ =	sdelay $0x3  }
0x33: {  	p0 =	seq.s32 s10, $0x1;
	s10 =	sld [smem:$0x3FB3];
	_ =	sdelay $0x3  }
0x34: {  	[smem:$0x3FB3] =	sst s10  }
0x35: {  	s10 =	sld [smem:$0x3FB2];
	_ =	sdelay $0x3  }
0x36: {  	p1 =	seq.s32 s10, $0x1;
	s10 =	sld [smem:$0x3FB3];
	_ =	sdelay $0x3  }
0x37: {  	[smem:$0x3FB3] =	sst s10  }
0x38: {  	s10 =	sld [smem:$0x3FB4]  }
0x39: {  	_ = 	snop;
	(pc) =	sbr.ind lr, $3  }
0x3a: {  	_ = 	snop  }
0x3b: {  	_ = 	snop  }
0x3c: {  	p2 =	seq.s32 s10, $0x1;
	s10 =	sld [smem:$0x3FB3]  }
0x3d: {  	_ =	shalt  }
0x3e: {  	_ =	shalt  }
0x3f: {  	_ =	shalt  }
0x40: {  	_ =	shalt  }
0x41: {  	_ =	shalt  }
0x42: {  	_ =	shalt  }
0x43: {  	_ =	shalt  }
0x44: {  	_ =	shalt  }
0x45: {  	_ =	shalt  }
0x46: {  	_ =	shalt  }
0x47: {  	_ =	shalt  }
0x48: {  	_ =	shalt  }
0x49: {  	_ =	shalt  }
0x4a: {  	_ =	shalt  }
0x4b: {  	_ =	shalt  }
0x4c: {  	_ =	shalt  }
0x4d: {  	_ =	shalt  }
0x4e: {  	_ =	shalt  }
0x4f: {  	_ =	shalt  }
0x50: {  	_ =	shalt  }
0x51: {  	_ =	shalt  }
0x52: {  	_ =	shalt  }
0x53: {  	_ =	shalt  }
0x54: {  	_ =	shalt  }
0x55: {  	_ =	shalt  }
0x56: {  	_ =	shalt  }
0x57: {  	_ =	shalt  }
0x58: {  	_ =	shalt  }
0x59: {  	_ =	shalt  }
0x5a: {  	_ =	shalt  }
0x5b: {  	_ =	shalt  }
0x5c: {  	_ =	shalt  }
0x5d: {  	_ =	shalt  }
0x5e: {  	_ =	shalt  }
0x5f: {  	_ =	shalt  }
0x60: {  	_ =	shalt  }
0x61: {  	_ =	shalt  }
0x62: {  	_ =	shalt  }
0x63: {  	_ =	shalt  }
0x64: {  	_ =	shalt  }
0x65: {  	_ =	shalt  }
0x66: {  	_ =	shalt  }
0x67: {  	_ =	shalt  }
0x68: {  	_ =	shalt  }
0x69: {  	_ =	shalt  }
0x6a: {  	_ =	shalt  }
0x6b: {  	_ =	shalt  }
0x6c: {  	_ =	shalt  }
0x6d: {  	_ =	shalt  }
0x6e: {  	_ =	shalt  }
0x6f: {  	_ =	shalt  }
0x70: {  	_ =	shalt  }
0x71: {  	_ =	shalt  }
0x72: {  	_ =	shalt  }
0x73: {  	_ =	shalt  }
0x74: {  	_ =	shalt  }
0x75: {  	_ =	shalt  }
0x76: {  	_ =	shalt  }
0x77: {  	_ =	shalt  }
0x78: {  	_ =	shalt  }
0x79: {  	_ =	shalt  }
0x7a: {  	_ =	shalt  }
0x7b: {  	_ =	shalt  }
0x7c: {  	_ =	shalt  }
0x7d: {  	_ =	shalt  }
0x7e: {  	_ =	shalt  }
0x7f: {  	_ =	shalt  }
0x80: {  	_ =	shalt  }
0x81: {  	_ =	shalt  }
0x82: {  	_ =	shalt  }
0x83: {  	_ =	shalt  }
0x84: {  	_ =	shalt  }
0x85: {  	_ =	shalt  }
0x86: {  	_ =	shalt  }
0x87: {  	_ =	shalt  }
.Lfunc_end0:
.L_simem_size_0:
called_computation_lowered:
.L_overlay_start_0:
0x88: {  	s2 =	sld [smem:$0x3FD9]  }
0x89: {  	s3 =	sld [smem:$0x3FFE];
	_ =	sdelay $0x1  }
0x8a: {  	s1 =	srdreg.scid  }
0x8b: {  	s0 =	sand.u32 $0x1, s1  }
0x8c: {  	s17 =	sshll.u32 s0, $0xA;
	s2 =	sadd.s32 s3, s2  }
0x8d: {  	s2 =	sadd.s32 s2, s17  }
0x8e: {  	[smem:$0x3FBF] =	sst s2  }
0x8f: {  	_ = 	snop  }
0x90: {  	s2 =	sld [smem:$0x3FD0];
	(tm) =	ssettm $0x1  }
0x91: {  	s18 =	sld [smem:$0x3FFB];
	_ =	sdelay $0x3  }
0x92: {  	_ =	strace s18  }
0x93: {  	s3 =	sld [smem:$0x3FFC];
	_ =	sdelay $0x3  }
0x94: {  	_ =	strace s3  }
0x95: {  	s3 =	sld [smem:$0x3FFD];
	_ =	sdelay $0x3  }
0x96: {  	_ =	strace s3  }
0x97: {  	_ =	strace $0x8FFFFFFF  }
0x98: {  	s19 =	sld [smem:$0x3FDB];
	_ =	sdelay $0x1  }
0x99: {  	s4 =	simm.s32 $_scs_section_size  }
0x9a: {  	s5 =	simm.s32 $_size__tile_overlayer_lowered;
	s6 =	simm.s32 $_tile_overlayer_lowered  }
0x9b: {  	s22 =	simm.s32 $0x1BFF;
	s21 =	sshll.u32 s6, $0x1;
	s3 =	sadd.s32 s4, s19  }
0x9c: {  	s7 =	simm.s32 $0x0;
	s20 =	sshll.u32 s5, $0x1;
	s5 =	sadd.s32 s21, s3  }
0x9d: {  	[timem:s7], [sflag:s22] =	dma.local [hbm:s5], s20  }
0x9e: {  	_ =	swait.ge [sflag:s22], s20  }
0x9f: {  	s4 =	ssub.s32 $0x0, s20;
	[sflag:s22] =	ssyncset.done $0x0  }
0xa0: {  	[sflag:s22] =	ssyncadd.s32 s4;
	_ =	sdelay $0x1  }
0xa1: {  	s23 =	simm.s32 $0x1B8B  }
0xa2: {  	_ =	swait.ge [sflag:s23], $0x1  }
0xa3: {  	[sflag:s23] =	ssyncset.done $0x0  }
0xa4: {  	s25 =	simm.s32 $0x1B8E;
	s24 =	sld [smem:$0x3FFE];
	[sflag:s23] =	ssyncadd.s32 $0xFFFFFFFF  }
0xa5: {  	s26 =	simm.s32 $execute0_lowered;
	[smem:$0x3FD2] =	sst s25  }
0xa6: {  	s5 =	sshll.u32 s26, $0x1;
	_ =	strace $0x80000046;
	[dreg:$0x1] =	wrdreg $0xFFFFFFFF  }
0xa7: {  	s28 =	simm.s32 $_size_execute0_lowered;
	s3 =	sadd.s32 s3, s5;
	[dreg:$0x0] =	wrdreg $0x0  }
0xa8: {  	s5 =	sshll.u32 s28, $0x1;
	[dreg:$0x2] =	wrdreg s3  }
0xa9: {  	[dreg:$0x3] =	wrdreg s5  }
0xaa: {  	[dreg:$0x4] =	wrdreg $0xC0  }
0xab: {  	_ =	task [dreg:s7], $0x5FFFF  }
0xac: {  	[dreg:$0x1] =	wrdreg $0xFFFFFFFF  }
0xad: {  	[dreg:$0x0] =	wrdreg $0x60  }
0xae: {  	[dreg:$0x2] =	wrdreg s24  }
0xaf: {  	[dreg:$0x3] =	wrdreg s2  }
0xb0: {  	[dreg:$0x4] =	wrdreg $0x9  }
0xb1: {  	_ =	task.clear_ibuf [dreg:s7], $0x5FFFF;
	_ =	strace $0x90000046  }
0xb2: {  	s29 =	simm.s32 $0x9;
	_ =	strace $0x80000048  }
0xb3: {  	_ =	swait.ge [sflag:s29], $0x1  }
0xb4: {  	[sflag:s29] =	ssyncadd.s32 $0xFFFFFFFF  }
0xb5: {  	_ =	strace $0x90000048  }
0xb6: {  	_ =	sfence  }
0xb7: {  	s30 =	sld [smem:$0x0];
	_ =	sdelay $0x2  }
0xb8: {  	s31 =	sshll.u32 s1, $0xD;
	s1 =	sshrl.u32 s1, $0x2  }
0xb9: {  	s3 =	sand.u32 $0x4000, s31;
	s1 =	sadd.s32 s1, s30  }
0xba: {  	s0 =	sor.u32 s3, s0;
	s1 =	sshll.u32 s1, $0x11  }
0xbb: {  	s0 =	sor.u32 s1, s0  }
0xbc: {  	s0 =	sadd.s32 $0x8F2B, s0  }
0xbd: {  	[sflag:s0] =	ssyncadd.remote.s32 $0x1  }
0xbe: {  	_ =	sfence.sel $0xFFFF  }
0xbf: {  	[dreg:$0x0] =	wrdreg $0xFFFFFFFF;
	(pc) =	sbr.abs _section_cstart, $3  }
0xc0: {  	[dreg:$0x1] =	wrdreg $0xFFFFFFFF  }
0xc1: {  	_ =	task.clear_ibuf [dreg:s7], $0x2FFFF;
	_ =	strace $0x9FFFFFFF  }
0xc2: {  	(tm) =	ssettm $0x7FFFFFFF  }
0xc3: {  	_ =	shalt  }
tec
execute0_lowered:
.L_overlay_start_1:
0x0: {  	(tag) =	ssettag $0x1  }
0x1: {  	s0 =	srdreg.scid;
	s4 =	rddreg [dreg:$0x0]  }
0x2: {  	s5 =	rddreg [dreg:$0x1];
	s3 =	sand.u32 $0x1, s0  }
0x3: {  	s2 =	simm.s32 $0x0;
	s0 =	stileid.u32;
	s1 =	sshll.u32 s3, $0x4  }
0x4: {  	s9 =	simm.s32 $0x2780;
	s10 =	simm.s32 $0x4F00;
	s6 =	sor.u32 s0, s1  }
0x5: {  	s11 =	simm.s32 $0x7700;
	s12 =	simm.s32 $0x0;
	s7 =	smul.u32 $0x5000, s6  }
0x6: {  	[smem:$0x7FF] =	sst s2;
	s3 =	ssub.s32 $0x2, s3;
	s6 =	smul.u32 $0x4E2, s6  }
0x7: {  	s1 =	rddreg [dreg:$0x2];
	_ =	strace $0x80000047;
	s8 =	sshrl.u32 s3, $0x1  }
0x8: {  	s8 =	ssub.s32 s3, s8;
	s7 =	sshrl.u32 s7, $0x3;
	s6 =	sadd.s32 s6, s4  }
0x9: {  	s3 =	sadd.s32 s5, s7;
	s4 =	sadd.s32 $0xCC00, s6;
	s5 =	sadd.s32 $0x2E00, s6  }
0xa: {  	v0 =	vimm.f32 $0.0e+00;
	v1 =	vimm.f32 $1.000000000e+00;
	s7 =	smax.u32 s8, $0x1;
	s8 =	simm.s32 $0x1;
	s6 =	sadd.s32 $0x500, s3  }
.LBB2_1:
0xb: {  	[tilespmem:s2], [sflag:$0x1] =	stream.linear.gather [hbm4b:s4+s2], $0x2710, $0x38;
	[tilespmem:$0x9F00] =	vst v63  }
0xc: {  	_ =	swait.ge [sflag:s8], $0x2710  }
0xd: {  	[sflag:s8] =	ssyncset.done $0x0  }
0xe: {  	[sflag:s8] =	ssyncadd.s32 $0xFFFFD8F0  }
0xf: {  	[tilespmem:s9], [sflag:$0x1] =	stream.linear.gather [hbm4b:s5+s2], $0x2710, $0x38;
	[tilespmem:$0x9F00] =	vst v63  }
0x10: {  	_ =	swait.ge [sflag:s8], $0x2710  }
0x11: {  	[sflag:s8] =	ssyncset.done $0x0  }
0x12: {  	s13 =	simm.s32 $0x0;
	[sflag:s8] =	ssyncadd.s32 $0xFFFFD8F0  }
.LBB2_2:
0x13: {  	p0 =	sne.s32 s13, $0x9FC0  }
.Ltmp0:
0x14: {  	_ = 	snop;
	(pc) =	sbr.rel @p0 .LBB2_2-.Ltmp0, $4  }
0x15: {  	_ = 	snop  }
0x16: {  	s14 =	sshra.s32 s13, $0x2  }
0x17: {  	[tilespmem:s14+$0x4F00] =	vst v0  }
0x18: {  	s13 =	sadd.s32 $0x40, s13;
	[tilespmem:s14+$0x7700] =	vst v0  }
0x19: {  	s14 =	simm.s32 $0x0  }
0x1a: {  	s13 =	simm.s32 $0x40;
	v2 =	vld [tilespmem:s14+$0x0]  }
.LBB2_4:
0x1b: {  	p0 =	sne.s32 s13, $0x9C00;
	v3 =	vld [tilespmem:s14+$0x2780];
	_ =	sdelay $0x4  }
.Ltmp1:
0x1c: {  	(pc) =	sbr.rel @p0 .LBB2_4-.Ltmp1, $4  }
0x1d: {  	_ = 	snop  }
0x1e: {  	[tilespmem:v2+s10+$0x0] =	vst.idx.add.f32.msk $0xffff, v1  }
0x1f: {  	s14 =	sshra.s32 s13, $0x2;
	[tilespmem:v3+s11+$0x0] =	vst.idx.add.f32.msk $0xffff, v1  }
0x20: {  	s13 =	sadd.s32 $0x40, s13;
	v2 =	vld [tilespmem:s14+$0x0]  }
0x21: {  	_ = 	snop  }
0x22: {  	v3 =	vld [tilespmem:s14+$0x2780];
	_ =	sdelay $0x6  }
0x23: {  	[tilespmem:v2+s10+$0x0] =	vst.idx.add.f32.msk $0xffff, v1  }
0x24: {  	[tilespmem:v3+s11+$0x0] =	vst.idx.add.f32.msk $0xffff, v1  }
0x25: {  	[hbm4b:s3+s2] =	stream.linear.scatter [tilespmem:s10], [sflag:$0x1], $0x2800, $0x38;
	[tilespmem:$0x9F00] =	vst v63  }
0x26: {  	s12 =	sadd.s32 $0x1, s12;
	_ =	swait.ge [sflag:s8], $0x2800  }
0x27: {  	p0 =	sne.s32 s12, s7;
	[sflag:s8] =	ssyncset.done $0x0  }
.Ltmp2:
0x28: {  	[sflag:s8] =	ssyncadd.s32 $0xFFFFD800;
	(pc) =	sbr.rel @p0 .LBB2_1-.Ltmp2, $4  }
0x29: {  	[hbm4b:s6+s2] =	stream.linear.scatter [tilespmem:s11], [sflag:$0x1], $0x2800, $0x38;
	[tilespmem:$0x9F00] =	vst v63  }
0x2a: {  	_ =	swait.ge [sflag:s8], $0x2800  }
0x2b: {  	[sflag:s8] =	ssyncset.done $0x0  }
0x2c: {  	[sflag:s8] =	ssyncadd.s32 $0xFFFFD800  }
0x2d: {  	_ =	sfence.sel $0x180000  }
0x2e: {  	[bflag:$0x0] =	sbarrier.arrive $0xFFFF  }
0x2f: {  	p0 =	sne.s32 s0, $0x0;
	_ =	strace $0x90000047  }
0x30: {  	s0 =	sadd.s32 @!p0 $0x100000, s1;
	[bflag:$0x2] =	sbarrier.arrive $0xFFFF  }
0x31: {  	[sflag:s0] =	ssyncadd.tile.s32 @!p0 $0x1;
	_ =	shalt  }
.Lfunc_end2:
_tile_overlayer_lowered:
.L_overlay_start_2:
0x32: {  	(tag) =	ssettag $0x2  }
0x33: {  	s0 =	rddreg [dreg:$0x0];
	s2 =	stileid.u32  }
0x34: {  	s1 =	rddreg [dreg:$0x1];
	p0 =	sne.s32 s2, $0x0  }
0x35: {  	s3 =	rddreg [dreg:$0x2];
	[bflag:$0x3] =	sbarrier.arrive $0xFFFF;
	s2 =	simm.s32 @!p0 $0x1C01  }
0x36: {  	[timem:s3], [sflag:s2] =	dma.local @!p0 [hbm:s0], s1  }
0x37: {  	s0 =	simm.s32 @!p0 $0x1  }
0x38: {  	_ =	swait.ge @!p0 [sflag:s0], s1  }
0x39: {  	s1 =	ssub.s32 @!p0 $0x0, s1;
	[sflag:s0] =	ssyncset.done @!p0 $0x0  }
0x3a: {  	[sflag:s0] =	ssyncadd.s32 @!p0 s1  }
0x3b: {  	[bflag:$0x3] =	sbarrier.arrive $0xFFFF  }
0x3c: {  	_ =	shalt  }

// kernel: kernel.13.cloned.1.call-start
scs
__scs_entry_jumppad:
0x0: {  	(pc) =	sbr.rel $0x88, $3  }
0x1: {  	(tag) =	ssettag $0x0;
	lr =	simm.s32 $0x1  }
0x2: {  	[smem:$0x3F98] =	sst lr;
	_ =	strace $0xD0000000  }
0x3: {  	_ = 	snop  }
0x4: {  	_ = 	snop  }
0x5: {  	_ = 	snop  }
0x6: {  	_ = 	snop  }
0x7: {  	_ = 	snop  }
__scs_overlays_trampoline_lowered:
0x8: {  	[smem:$0x3FA7] =	sst s0  }
0x9: {  	[smem:$0x3FA8] =	sst s1  }
0xa: {  	[smem:$0x3FA9] =	sst s2  }
0xb: {  	[smem:$0x3FAA] =	sst s3  }
0xc: {  	[smem:$0x3FAB] =	sst s4  }
0xd: {  	[smem:$0x3FAC] =	sst s5  }
0xe: {  	[smem:$0x3FAD] =	sst s6  }
0xf: {  	[smem:$0x3FAE] =	sst s7  }
0x10: {  	[smem:$0x3FAF] =	sst s8  }
0x11: {  	[smem:$0x3FB0] =	sst s9;
	s0 =	simm.s32 @!p0 $0x0  }
0x12: {  	s1 =	sld [smem:$0x3F96];
	s0 =	simm.s32 @p0 $0x1  }
0x13: {  	[smem:$0x3FB1] =	sst s0;
	s0 =	simm.s32 @!p1 $0x0  }
0x14: {  	s2 =	sld [smem:$0x3F95];
	s0 =	simm.s32 @p1 $0x1  }
0x15: {  	[smem:$0x3FB2] =	sst s0;
	s0 =	simm.s32 @!p2 $0x0  }
0x16: {  	s3 =	sld [smem:$0x3FDB];
	s0 =	simm.s32 @p2 $0x1  }
0x17: {  	s4 =	simm.s32 $0x1BF5;
	[smem:$0x3FB4] =	sst s0  }
0x18: {  	s0 =	sld [smem:$0x3F97];
	_ =	swait.ge [sflag:s4], $0x0  }
0x19: {  	s7 =	sld [smem:$0x3F98]  }
0x1a: {  	s8 =	sadd.s32 $0xFFFFE003, lr  }
0x1b: {  	s9 =	sadd.s32 $0xFFFFFEF7, lr;
	s5 =	simm.s32 $0xFFFFFFFF;
	p2 =	slt.u32 s8, $0xFFFFF086  }
0x1c: {  	p1 =	slt.u32 s9, $0xF7A;
	s5 =	simm.s32 @!p2 $0x0  }
0x1d: {  	s5 =	simm.s32 @p1 $0x1;
	p0 =	seq.s32 s7, s2  }
0x1e: {  	s7 =	smul.u32 @!p0 $0xF7A, s2;
	p2 =	seq.s32 @!p0 s5, $0x0  }
0x1f: {  	s9 =	smul.u32 $0xF7A, s1;
	s8 =	simm.s32 @!p0 $0x1BF5;
	p2 =	por !p2, p0  }
0x20: {  	[sflag:s8] =	ssyncset.s32 @!p0 $0xFFFFF086;
	s6 =	sadd.s32 @!p0 s3, s7;
	s7 =	simm.s32 @!p0 $0x108  }
0x21: {  	s3 =	sadd.s32 s3, s9;
	s6 =	sadd.s32 @!p0 $0x88, s6;
	s7 =	simm.s32 @p2 $0x1082  }
0x22: {  	[simem:s7], [sflag:s8] =	dma.local @!p0 [hbm:s6], $0xF7A  }
0x23: {  	s9 =	sor.u32 $0xD0000000, s2;
	s6 =	simm.s32 $0x108;
	_ =	swait.ge @!p0 [sflag:s8], $0x0  }
0x24: {  	s3 =	sadd.s32 $0x88, s3;
	s6 =	simm.s32 @!p1 $0x1082;
	[sflag:s4] =	ssyncset.s32 $0xFFFFF086  }
0x25: {  	[simem:s6], [sflag:s4] =	dma.local [hbm:s3], $0xF7A  }
0x26: {  	[smem:$0x3F98] =	sst s1;
	(tag) =	ssettag s2;
	_ =	strace s9  }
0x27: {  	s1 =	sld [smem:$0x3FA8]  }
0x28: {  	s2 =	sld [smem:$0x3FA9]  }
0x29: {  	s4 =	sld [smem:$0x3FAB]  }
0x2a: {  	p0 =	seq.s32 s5, $0x0;
	s5 =	sld [smem:$0x3FAC]  }
0x2b: {  	s6 =	sld [smem:$0x3FAD]  }
0x2c: {  	s7 =	sld [smem:$0x3FAE]  }
0x2d: {  	s3 =	simm.s32 $0x108;
	s8 =	sld [smem:$0x3FAF]  }
0x2e: {  	s3 =	simm.s32 @!p0 $0x1082;
	s9 =	sld [smem:$0x3FB0]  }
0x2f: {  	lr =	sadd.s32 s0, s3;
	s0 =	sld [smem:$0x3FA7]  }
0x30: {  	s3 =	sld [smem:$0x3FAA]  }
0x31: {  	[smem:$0x3FB3] =	sst s10  }
0x32: {  	s10 =	sld [smem:$0x3FB1];
	_ =	sdelay $0x3  }
0x33: {  	p0 =	seq.s32 s10, $0x1;
	s10 =	sld [smem:$0x3FB3];
	_ =	sdelay $0x3  }
0x34: {  	[smem:$0x3FB3] =	sst s10  }
0x35: {  	s10 =	sld [smem:$0x3FB2];
	_ =	sdelay $0x3  }
0x36: {  	p1 =	seq.s32 s10, $0x1;
	s10 =	sld [smem:$0x3FB3];
	_ =	sdelay $0x3  }
0x37: {  	[smem:$0x3FB3] =	sst s10  }
0x38: {  	s10 =	sld [smem:$0x3FB4]  }
0x39: {  	_ = 	snop;
	(pc) =	sbr.ind lr, $3  }
0x3a: {  	_ = 	snop  }
0x3b: {  	_ = 	snop  }
0x3c: {  	p2 =	seq.s32 s10, $0x1;
	s10 =	sld [smem:$0x3FB3]  }
0x3d: {  	_ =	shalt  }
0x3e: {  	_ =	shalt  }
0x3f: {  	_ =	shalt  }
0x40: {  	_ =	shalt  }
0x41: {  	_ =	shalt  }
0x42: {  	_ =	shalt  }
0x43: {  	_ =	shalt  }
0x44: {  	_ =	shalt  }
0x45: {  	_ =	shalt  }
0x46: {  	_ =	shalt  }
0x47: {  	_ =	shalt  }
0x48: {  	_ =	shalt  }
0x49: {  	_ =	shalt  }
0x4a: {  	_ =	shalt  }
0x4b: {  	_ =	shalt  }
0x4c: {  	_ =	shalt  }
0x4d: {  	_ =	shalt  }
0x4e: {  	_ =	shalt  }
0x4f: {  	_ =	shalt  }
0x50: {  	_ =	shalt  }
0x51: {  	_ =	shalt  }
0x52: {  	_ =	shalt  }
0x53: {  	_ =	shalt  }
0x54: {  	_ =	shalt  }
0x55: {  	_ =	shalt  }
0x56: {  	_ =	shalt  }
0x57: {  	_ =	shalt  }
0x58: {  	_ =	shalt  }
0x59: {  	_ =	shalt  }
0x5a: {  	_ =	shalt  }
0x5b: {  	_ =	shalt  }
0x5c: {  	_ =	shalt  }
0x5d: {  	_ =	shalt  }
0x5e: {  	_ =	shalt  }
0x5f: {  	_ =	shalt  }
0x60: {  	_ =	shalt  }
0x61: {  	_ =	shalt  }
0x62: {  	_ =	shalt  }
0x63: {  	_ =	shalt  }
0x64: {  	_ =	shalt  }
0x65: {  	_ =	shalt  }
0x66: {  	_ =	shalt  }
0x67: {  	_ =	shalt  }
0x68: {  	_ =	shalt  }
0x69: {  	_ =	shalt  }
0x6a: {  	_ =	shalt  }
0x6b: {  	_ =	shalt  }
0x6c: {  	_ =	shalt  }
0x6d: {  	_ =	shalt  }
0x6e: {  	_ =	shalt  }
0x6f: {  	_ =	shalt  }
0x70: {  	_ =	shalt  }
0x71: {  	_ =	shalt  }
0x72: {  	_ =	shalt  }
0x73: {  	_ =	shalt  }
0x74: {  	_ =	shalt  }
0x75: {  	_ =	shalt  }
0x76: {  	_ =	shalt  }
0x77: {  	_ =	shalt  }
0x78: {  	_ =	shalt  }
0x79: {  	_ =	shalt  }
0x7a: {  	_ =	shalt  }
0x7b: {  	_ =	shalt  }
0x7c: {  	_ =	shalt  }
0x7d: {  	_ =	shalt  }
0x7e: {  	_ =	shalt  }
0x7f: {  	_ =	shalt  }
0x80: {  	_ =	shalt  }
0x81: {  	_ =	shalt  }
0x82: {  	_ =	shalt  }
0x83: {  	_ =	shalt  }
0x84: {  	_ =	shalt  }
0x85: {  	_ =	shalt  }
0x86: {  	_ =	shalt  }
0x87: {  	_ =	shalt  }
.Lfunc_end0:
.L_simem_size_0:
called_computation.1_lowered:
.L_overlay_start_0:
0x88: {  	s2 =	sld [smem:$0x3FD9]  }
0x89: {  	s3 =	sld [smem:$0x3FFE];
	_ =	sdelay $0x1  }
0x8a: {  	s1 =	srdreg.scid  }
0x8b: {  	s0 =	sand.u32 $0x1, s1  }
0x8c: {  	s16 =	sshll.u32 s0, $0xA;
	s2 =	sadd.s32 s3, s2  }
0x8d: {  	s2 =	sadd.s32 s2, s16  }
0x8e: {  	[smem:$0x3FBF] =	sst s2  }
0x8f: {  	_ = 	snop  }
0x90: {  	(tm) =	ssettm $0x1  }
0x91: {  	s17 =	sld [smem:$0x3FFB];
	_ =	sdelay $0x3  }
0x92: {  	_ =	strace s17  }
0x93: {  	s2 =	sld [smem:$0x3FFC];
	_ =	sdelay $0x3  }
0x94: {  	_ =	strace s2  }
0x95: {  	s2 =	sld [smem:$0x3FFD];
	_ =	sdelay $0x3  }
0x96: {  	_ =	strace s2  }
0x97: {  	_ =	strace $0x8FFFFFFF  }
0x98: {  	s18 =	sld [smem:$0x3FDB];
	_ =	sdelay $0x1  }
0x99: {  	s19 =	simm.s32 $_scs_section_size  }
0x9a: {  	s4 =	simm.s32 $_size__tile_overlayer_lowered;
	s5 =	simm.s32 $_tile_overlayer_lowered  }
0x9b: {  	s22 =	simm.s32 $0x1BFF;
	s21 =	sshll.u32 s5, $0x1;
	s2 =	sadd.s32 s19, s18  }
0x9c: {  	s6 =	simm.s32 $0x0;
	s20 =	sshll.u32 s4, $0x1;
	s4 =	sadd.s32 s21, s2  }
0x9d: {  	[timem:s6], [sflag:s22] =	dma.local [hbm:s4], s20  }
0x9e: {  	_ =	swait.ge [sflag:s22], s20  }
0x9f: {  	s3 =	ssub.s32 $0x0, s20;
	[sflag:s22] =	ssyncset.done $0x0  }
0xa0: {  	[sflag:s22] =	ssyncadd.s32 s3;
	_ =	sdelay $0x1  }
0xa1: {  	s23 =	simm.s32 $0x1B8B  }
0xa2: {  	_ =	swait.ge [sflag:s23], $0x1  }
0xa3: {  	[sflag:s23] =	ssyncset.done $0x0  }
0xa4: {  	s25 =	simm.s32 $0x1B8E;
	s24 =	sld [smem:$0x3FFE];
	[sflag:s23] =	ssyncadd.s32 $0xFFFFFFFF  }
0xa5: {  	s26 =	simm.s32 $execute0_lowered;
	[smem:$0x3FD2] =	sst s25  }
0xa6: {  	s4 =	sshll.u32 s26, $0x1;
	_ =	strace $0x80000049;
	[dreg:$0x1] =	wrdreg $0xFFFFFFFF  }
0xa7: {  	s28 =	simm.s32 $_size_execute0_lowered;
	s2 =	sadd.s32 s2, s4;
	[dreg:$0x0] =	wrdreg $0x0  }
0xa8: {  	s4 =	sshll.u32 s28, $0x1;
	[dreg:$0x2] =	wrdreg s2  }
0xa9: {  	[dreg:$0x3] =	wrdreg s4  }
0xaa: {  	[dreg:$0x4] =	wrdreg $0xC0  }
0xab: {  	_ =	task [dreg:s6], $0x5FFFF  }
0xac: {  	[dreg:$0x1] =	wrdreg $0xFFFFFFFF  }
0xad: {  	[dreg:$0x0] =	wrdreg $0x60  }
0xae: {  	[dreg:$0x2] =	wrdreg s24  }
0xaf: {  	[dreg:$0x3] =	wrdreg $0xBF800  }
0xb0: {  	[dreg:$0x4] =	wrdreg $0x9  }
0xb1: {  	_ =	task.clear_ibuf [dreg:s6], $0x5FFFF;
	_ =	strace $0x90000049  }
0xb2: {  	s29 =	simm.s32 $0x9;
	_ =	strace $0x8000004B  }
0xb3: {  	_ =	swait.ge [sflag:s29], $0x1  }
0xb4: {  	[sflag:s29] =	ssyncadd.s32 $0xFFFFFFFF  }
0xb5: {  	_ =	strace $0x9000004B  }
0xb6: {  	_ =	sfence  }
0xb7: {  	s30 =	sld [smem:$0x0];
	_ =	sdelay $0x2  }
0xb8: {  	s31 =	sshll.u32 s1, $0xD;
	s1 =	sshrl.u32 s1, $0x2  }
0xb9: {  	s3 =	sand.u32 $0x4000, s31;
	s1 =	sadd.s32 s1, s30  }
0xba: {  	s0 =	sor.u32 s3, s0;
	s1 =	sshll.u32 s1, $0x11  }
0xbb: {  	s0 =	sor.u32 s1, s0  }
0xbc: {  	s0 =	sadd.s32 $0x8F2B, s0  }
0xbd: {  	[sflag:s0] =	ssyncadd.remote.s32 $0x1  }
0xbe: {  	_ =	sfence.sel $0xFFFF  }
0xbf: {  	[dreg:$0x0] =	wrdreg $0xFFFFFFFF;
	(pc) =	sbr.abs _section_cstart, $3  }
0xc0: {  	[dreg:$0x1] =	wrdreg $0xFFFFFFFF  }
0xc1: {  	_ =	task.clear_ibuf [dreg:s6], $0x2FFFF;
	_ =	strace $0x9FFFFFFF  }
0xc2: {  	(tm) =	ssettm $0x7FFFFFFF  }
0xc3: {  	_ =	shalt  }
tec
execute0_lowered:
.L_overlay_start_1:
0x0: {  	(tag) =	ssettag $0x1  }
0x1: {  	s0 =	srdreg.scid  }
0x2: {  	s1 =	rddreg [dreg:$0x0];
	s9 =	stileid.u32  }
0x3: {  	s2 =	rddreg [dreg:$0x1];
	s18 =	simm.s32 $0x7;
	s19 =	simm.s32 $0x50  }
0x4: {  	s20 =	simm.s32 $0x4780;
	s28 =	simm.s32 $0x2800;
	s29 =	simm.s32 $0x4  }
0x5: {  	s31 =	simm.s32 $0x3;
	s30 =	simm.s32 $0x6;
	s8 =	smul.u32 $0x13C00, s9  }
0x6: {  	s0 =	sand.u32 $0x1, s0;
	s4 =	sadd.s32 $0x26A00, s1;
	s21 =	smul.u32 $0x4F000, s9  }
0x7: {  	s3 =	sshll.u32 s0, $0x4;
	s7 =	smul.u32 $0x140000, s0;
	s0 =	ssub.s32 $0x2, s0  }
0x8: {  	s5 =	sor.u32 s9, s3;
	s3 =	simm.s32 $0x0;
	s22 =	sshrl.u32 s0, $0x1  }
0x9: {  	s23 =	sshrl.u32 s21, $0x2;
	s21 =	simm.s32 $0x6F80;
	s6 =	smul.u32 $0x4E2, s5  }
0xa: {  	[smem:$0x7FF] =	sst s3;
	s5 =	sshll.u32 s5, $0xB;
	s7 =	sadd.s32 s8, s7  }
0xb: {  	s0 =	ssub.s32 s0, s22;
	s22 =	simm.s32 $0x2780;
	_ =	strace $0x8000004A  }
0xc: {  	s5 =	sadd.s32 s5, s1;
	s7 =	sshrl.u32 s7, $0x3;
	s17 =	smax.u32 s0, $0x1  }
0xd: {  	s0 =	simm.s32 $0x0;
	s6 =	sadd.s32 s6, s1;
	s1 =	sadd.s32 s7, s1  }
0xe: {  	s24 =	sadd.s32 $0x16A00, s5;
	s7 =	sadd.s32 s23, s2;
	s15 =	sadd.s32 $0x16E00, s5  }
0xf: {  	s23 =	simm.s32 $0x9780;
	s6 =	sadd.s32 $0xCC00, s6;
	[dreg:$0x4] =	wrdreg s24  }
0x10: {  	s25 =	sadd.s32 $0x2800, s7;
	s26 =	sadd.s32 $0x5000, s7;
	s10 =	sadd.s32 $0x7800, s7  }
0x11: {  	s11 =	sadd.s32 $0xA000, s7;
	s12 =	sadd.s32 $0xC800, s7;
	s13 =	sadd.s32 $0xF000, s7  }
0x12: {  	s14 =	sadd.s32 $0x11800, s7;
	s16 =	sadd.s32 $0x4EA00, s1;
	[dreg:$0x3] =	wrdreg s6  }
0x13: {  	s24 =	simm.s32 $0x1;
	s1 =	simm.s32 $0x2880;
	[dreg:$0x5] =	wrdreg s25  }
0x14: {  	v0 =	vimm.f32 $0.0e+00;
	[dreg:$0x6] =	wrdreg s26;
	s26 =	simm.s32 $0x2;
	s25 =	simm.s32 $0x5  }
.LBB2_1:
0x15: {  	s5 =	rddreg [dreg:$0x3]  }
0x16: {  	[tilespmem:s3], [sflag:$0x7] =	stream.linear.gather [hbm4b:s5+s3], $0x2710, $0x38;
	[tilespmem:$0x1FB80] =	vst v63  }
0x17: {  	_ =	swait.ge [sflag:s18], $0x2710  }
0x18: {  	[sflag:s18] =	ssyncset.done $0x0  }
0x19: {  	[sflag:s18] =	ssyncadd.s32 $0xFFFFD8F0  }
0x1a: {  	[tilespmem:s20], [sflag:$0x1] =	stream.indirect.gather [hbm4b:s4+s19], $0x80, s3, s19, $0xb8;
	[tilespmem:$0x1FB80] =	vst v63  }
0x1b: {  	_ = 	snop  }
0x1c: {  	[tilespmem:s21], [sflag:$0x2] =	stream.indirect.gather [hbm4b:s4+s19], $0x80, s19, s19, $0xb8;
	[tilespmem:$0x1FB80] =	vst v63  }
0x1d: {  	s8 =	rddreg [dreg:$0x4]  }
0x1e: {  	[tilespmem:s22], [sflag:$0x7] =	stream.linear.gather [hbm4b:s8+s3], $0x2000, $0x38;
	[tilespmem:$0x1FB80] =	vst v63  }
0x1f: {  	s9 =	sand.u32 $0xFE00, s3;
	s6 =	sand.u32 $0x70, s3;
	_ =	swait.ge [sflag:s18], $0x2000  }
0x20: {  	s5 =	simm.s32 $0x40;
	s8 =	sshrl.u32 s9, $0x2;
	[sflag:s18] =	ssyncset.done $0x0  }
0x21: {  	s8 =	sor.u32 s6, s8;
	s6 =	simm.s32 $0x0;
	[sflag:s18] =	ssyncadd.s32 $0xFFFFE000  }
.LBB2_2:
0x22: {  	p0 =	sne.s32 s5, $0x9FC0  }
0x23: {  	[tilespmem:s8+$0x9780] =	vst v0;
	s6 =	sadd.s32 $0x10, s6;
	s8 =	smov.u32 s5;
	s5 =	sadd.s32 $0x40, s5  }
.Ltmp0:
0x24: {  	(pc) =	sbr.rel @p0 .LBB2_2-.Ltmp0, $4  }
0x25: {  	_ = 	snop  }
0x26: {  	s8 =	sand.u32 $0xFE00, s8  }
0x27: {  	s9 =	sand.u32 $0x70, s6;
	s8 =	sshrl.u32 s8, $0x2  }
0x28: {  	s8 =	sor.u32 s9, s8  }
0x29: {  	[tilespmem:s8+$0x9780] =	vst v0  }
0x2a: {  	[spmem:s7] =	stream.linear.scatter [tilespmem:s23], [sflag:$0x7], $0x2800, $0x38;
	[tilespmem:$0x1FB80] =	vst v63  }
0x2b: {  	_ =	swait.ge [sflag:s18], $0x2800  }
0x2c: {  	[sflag:s18] =	ssyncset.done $0x0  }
0x2d: {  	s5 =	rddreg [dreg:$0x5];
	[sflag:s18] =	ssyncadd.s32 $0xFFFFD800  }
0x2e: {  	[spmem:s5] =	stream.linear.scatter [tilespmem:s23], [sflag:$0x7], $0x2800, $0x38;
	[tilespmem:$0x1FB80] =	vst v63  }
0x2f: {  	_ =	swait.ge [sflag:s18], $0x2800  }
0x30: {  	[sflag:s18] =	ssyncset.done $0x0  }
0x31: {  	s6 =	rddreg [dreg:$0x6];
	[sflag:s18] =	ssyncadd.s32 $0xFFFFD800  }
0x32: {  	[spmem:s6] =	stream.linear.scatter [tilespmem:s23], [sflag:$0x7], $0x2800, $0x38;
	[tilespmem:$0x1FB80] =	vst v63  }
0x33: {  	_ =	swait.ge [sflag:s18], $0x2800  }
0x34: {  	[sflag:s18] =	ssyncset.done $0x0  }
0x35: {  	[sflag:s18] =	ssyncadd.s32 $0xFFFFD800  }
0x36: {  	[spmem:s10] =	stream.linear.scatter [tilespmem:s23], [sflag:$0x7], $0x2800, $0x38;
	[tilespmem:$0x1FB80] =	vst v63  }
0x37: {  	_ =	swait.ge [sflag:s18], $0x2800  }
0x38: {  	[sflag:s18] =	ssyncset.done $0x0  }
0x39: {  	[sflag:s18] =	ssyncadd.s32 $0xFFFFD800  }
0x3a: {  	[spmem:s11] =	stream.linear.scatter [tilespmem:s23], [sflag:$0x7], $0x2800, $0x38;
	[tilespmem:$0x1FB80] =	vst v63  }
0x3b: {  	_ =	swait.ge [sflag:s18], $0x2800  }
0x3c: {  	[sflag:s18] =	ssyncset.done $0x0  }
0x3d: {  	[sflag:s18] =	ssyncadd.s32 $0xFFFFD800  }
0x3e: {  	[spmem:s12] =	stream.linear.scatter [tilespmem:s23], [sflag:$0x7], $0x2800, $0x38;
	[tilespmem:$0x1FB80] =	vst v63  }
0x3f: {  	_ =	swait.ge [sflag:s18], $0x2800  }
0x40: {  	[sflag:s18] =	ssyncset.done $0x0  }
0x41: {  	[sflag:s18] =	ssyncadd.s32 $0xFFFFD800  }
0x42: {  	[spmem:s13] =	stream.linear.scatter [tilespmem:s23], [sflag:$0x7], $0x2800, $0x38;
	[tilespmem:$0x1FB80] =	vst v63  }
0x43: {  	_ =	swait.ge [sflag:s18], $0x2800  }
0x44: {  	[sflag:s18] =	ssyncset.done $0x0  }
0x45: {  	[sflag:s18] =	ssyncadd.s32 $0xFFFFD800  }
0x46: {  	[spmem:s14] =	stream.linear.scatter [tilespmem:s23], [sflag:$0x7], $0x2400, $0x38;
	[tilespmem:$0x1FB80] =	vst v63  }
0x47: {  	_ =	swait.ge [sflag:s18], $0x2400  }
0x48: {  	[sflag:s18] =	ssyncset.done $0x0  }
0x49: {  	[sflag:s18] =	ssyncadd.s32 $0xFFFFDC00  }
0x4a: {  	[bflag:$0x0] =	sbarrier.arrive $0xFFFF  }
0x4b: {  	_ =	swait.ge [sflag:s24], $0x2800  }
0x4c: {  	[sflag:s24] =	ssyncset.done $0x0  }
0x4d: {  	[sflag:s24] =	ssyncadd.s32 $0xFFFFD800  }
0x4e: {  	[spmem:s2] =	stream.indirect.scatter.add.f32 [tilespmem:s20], [sflag:$0x4], $0x80, s22, s19, $0xb8;
	[tilespmem:$0x1FB80] =	vst v63  }
0x4f: {  	s8 =	simm.s32 $0xA0  }
0x50: {  	[tilespmem:s23], [sflag:$0x3] =	stream.indirect.gather [hbm4b:s4+s19], $0x80, s8, s19, $0xb8;
	[tilespmem:$0x1FB80] =	vst v63  }
0x51: {  	_ =	swait.ge [sflag:s26], $0x2800  }
0x52: {  	[sflag:s26] =	ssyncset.done $0x0  }
0x53: {  	[sflag:s26] =	ssyncadd.s32 $0xFFFFD800  }
0x54: {  	[spmem:s2] =	stream.indirect.scatter.add.f32 [tilespmem:s21], [sflag:$0x5], $0x80, s28, s19, $0xb8;
	[tilespmem:$0x1FB80] =	vst v63  }
0x55: {  	_ =	swait.ge [sflag:s29], $0x2800  }
0x56: {  	[sflag:s29] =	ssyncset.done $0x0  }
0x57: {  	s9 =	simm.s32 $0xF0;
	[sflag:s29] =	ssyncadd.s32 $0xFFFFD800  }
0x58: {  	[tilespmem:s20], [sflag:$0x1] =	stream.indirect.gather [hbm4b:s4+s19], $0x80, s9, s19, $0xb8;
	[tilespmem:$0x1FB80] =	vst v63  }
0x59: {  	_ =	swait.ge [sflag:s31], $0x2800  }
0x5a: {  	[sflag:s31] =	ssyncset.done $0x0  }
0x5b: {  	[sflag:s31] =	ssyncadd.s32 $0xFFFFD800  }
0x5c: {  	[spmem:s2] =	stream.indirect.scatter.add.f32 [tilespmem:s23], [sflag:$0x6], $0x80, s1, s19, $0xb8;
	[tilespmem:$0x1FB80] =	vst v63  }
0x5d: {  	_ =	swait.ge [sflag:s25], $0x2800  }
0x5e: {  	[sflag:s25] =	ssyncset.done $0x0  }
0x5f: {  	s6 =	simm.s32 $0x140;
	[sflag:s25] =	ssyncadd.s32 $0xFFFFD800  }
0x60: {  	[tilespmem:s21], [sflag:$0x2] =	stream.indirect.gather [hbm4b:s4+s19], $0x80, s6, s19, $0xb8;
	[tilespmem:$0x1FB80] =	vst v63  }
0x61: {  	_ =	swait.ge [sflag:s24], $0x2800  }
0x62: {  	[sflag:s24] =	ssyncset.done $0x0  }
0x63: {  	s8 =	simm.s32 $0x2900;
	[sflag:s24] =	ssyncadd.s32 $0xFFFFD800  }
0x64: {  	[spmem:s2] =	stream.indirect.scatter.add.f32 [tilespmem:s20], [sflag:$0x4], $0x80, s8, s19, $0xb8;
	[tilespmem:$0x1FB80] =	vst v63  }
0x65: {  	_ =	swait.ge [sflag:s30], $0x2800  }
0x66: {  	[sflag:s30] =	ssyncset.done $0x0  }
0x67: {  	s9 =	simm.s32 $0x190;
	[sflag:s30] =	ssyncadd.s32 $0xFFFFD800  }
0x68: {  	[tilespmem:s23], [sflag:$0x3] =	stream.indirect.gather [hbm4b:s4+s19], $0x80, s9, s19, $0xb8;
	[tilespmem:$0x1FB80] =	vst v63  }
0x69: {  	_ =	swait.ge [sflag:s26], $0x2800  }
0x6a: {  	[sflag:s26] =	ssyncset.done $0x0  }
0x6b: {  	s6 =	simm.s32 $0x2980;
	[sflag:s26] =	ssyncadd.s32 $0xFFFFD800  }
0x6c: {  	[spmem:s2] =	stream.indirect.scatter.add.f32 [tilespmem:s21], [sflag:$0x5], $0x80, s6, s19, $0xb8;
	[tilespmem:$0x1FB80] =	vst v63  }
0x6d: {  	_ =	swait.ge [sflag:s29], $0x2800  }
0x6e: {  	[sflag:s29] =	ssyncset.done $0x0  }
0x6f: {  	s8 =	simm.s32 $0x1E0;
	[sflag:s29] =	ssyncadd.s32 $0xFFFFD800  }
0x70: {  	[tilespmem:s20], [sflag:$0x1] =	stream.indirect.gather [hbm4b:s4+s19], $0x80, s8, s19, $0xb8;
	[tilespmem:$0x1FB80] =	vst v63  }
0x71: {  	_ =	swait.ge [sflag:s31], $0x2800  }
0x72: {  	[sflag:s31] =	ssyncset.done $0x0  }
0x73: {  	s9 =	simm.s32 $0x2A00;
	[sflag:s31] =	ssyncadd.s32 $0xFFFFD800  }
0x74: {  	[spmem:s2] =	stream.indirect.scatter.add.f32 [tilespmem:s23], [sflag:$0x6], $0x80, s9, s19, $0xb8;
	[tilespmem:$0x1FB80] =	vst v63  }
0x75: {  	_ =	swait.ge [sflag:s25], $0x2800  }
0x76: {  	s5 =	simm.s32 $0x3C0;
	[sflag:s25] =	ssyncset.done $0x0  }
0x77: {  	s6 =	simm.s32 $0x2B80;
	s8 =	simm.s32 $0x230;
	[sflag:s25] =	ssyncadd.s32 $0xFFFFD800  }
.LBB2_4:
0x78: {  	[tilespmem:s21], [sflag:$0x2] =	stream.indirect.gather [hbm4b:s4+s19], $0x80, s8, s19, $0xb8;
	[tilespmem:$0x1FB80] =	vst v63  }
0x79: {  	s8 =	smov.u32 s5  }
0x7a: {  	p0 =	sne.s32 s5, $0x4740;
	s5 =	sadd.s32 $0x3C0, s5;
	_ =	swait.ge [sflag:s24], $0x2800  }
0x7b: {  	[sflag:s24] =	ssyncset.done $0x0  }
0x7c: {  	s9 =	sadd.s32 $0xFFFFFF00, s6;
	[sflag:s24] =	ssyncadd.s32 $0xFFFFD800  }
0x7d: {  	[spmem:s2] =	stream.indirect.scatter.add.f32 [tilespmem:s20], [sflag:$0x4], $0x80, s9, s19, $0xb8;
	[tilespmem:$0x1FB80] =	vst v63  }
0x7e: {  	_ =	swait.ge [sflag:s30], $0x2800  }
0x7f: {  	s8 =	sshra.s32 s8, $0x2;
	[sflag:s30] =	ssyncset.done $0x0  }
0x80: {  	s9 =	sadd.s32 $0x190, s8;
	[sflag:s30] =	ssyncadd.s32 $0xFFFFD800  }
0x81: {  	[tilespmem:s23], [sflag:$0x3] =	stream.indirect.gather [hbm4b:s4+s19], $0x80, s9, s19, $0xb8;
	[tilespmem:$0x1FB80] =	vst v63  }
0x82: {  	_ =	swait.ge [sflag:s26], $0x2800  }
0x83: {  	[sflag:s26] =	ssyncset.done $0x0  }
0x84: {  	s9 =	sadd.s32 $0xFFFFFF80, s6;
	[sflag:s26] =	ssyncadd.s32 $0xFFFFD800  }
0x85: {  	[spmem:s2] =	stream.indirect.scatter.add.f32 [tilespmem:s21], [sflag:$0x5], $0x80, s9, s19, $0xb8;
	[tilespmem:$0x1FB80] =	vst v63  }
0x86: {  	_ =	swait.ge [sflag:s29], $0x2800  }
0x87: {  	[sflag:s29] =	ssyncset.done $0x0  }
0x88: {  	s9 =	sadd.s32 $0x1E0, s8;
	[sflag:s29] =	ssyncadd.s32 $0xFFFFD800  }
0x89: {  	[tilespmem:s20], [sflag:$0x1] =	stream.indirect.gather [hbm4b:s4+s19], $0x80, s9, s19, $0xb8;
	[tilespmem:$0x1FB80] =	vst v63  }
0x8a: {  	_ =	swait.ge [sflag:s31], $0x2800  }
0x8b: {  	[sflag:s31] =	ssyncset.done $0x0  }
.Ltmp1:
0x8c: {  	[sflag:s31] =	ssyncadd.s32 $0xFFFFD800;
	(pc) =	sbr.rel @p0 .LBB2_4-.Ltmp1, $4  }
0x8d: {  	[spmem:s2] =	stream.indirect.scatter.add.f32 [tilespmem:s23], [sflag:$0x6], $0x80, s6, s19, $0xb8;
	[tilespmem:$0x1FB80] =	vst v63  }
0x8e: {  	_ =	swait.ge [sflag:s25], $0x2800  }
0x8f: {  	[sflag:s25] =	ssyncset.done $0x0  }
0x90: {  	s8 =	sadd.s32 $0x230, s8;
	s6 =	sadd.s32 $0x180, s6;
	[sflag:s25] =	ssyncadd.s32 $0xFFFFD800  }
0x91: {  	[tilespmem:s21], [sflag:$0x2] =	stream.indirect.gather [hbm4b:s4+s19], $0x80, s8, s19, $0xb8;
	[tilespmem:$0x1FB80] =	vst v63  }
0x92: {  	_ =	swait.ge [sflag:s24], $0x2800  }
0x93: {  	[sflag:s24] =	ssyncset.done $0x0  }
0x94: {  	s5 =	simm.s32 $0x4700;
	[sflag:s24] =	ssyncadd.s32 $0xFFFFD800  }
0x95: {  	[spmem:s2] =	stream.indirect.scatter.add.f32 [tilespmem:s20], [sflag:$0x4], $0x80, s5, s19, $0xb8;
	[tilespmem:$0x1FB80] =	vst v63  }
0x96: {  	_ =	swait.ge [sflag:s30], $0x2800  }
0x97: {  	[sflag:s30] =	ssyncset.done $0x0  }
0x98: {  	s9 =	simm.s32 $0x1450;
	[sflag:s30] =	ssyncadd.s32 $0xFFFFD800  }
0x99: {  	[tilespmem:s23], [sflag:$0x3] =	stream.indirect.gather [hbm4b:s4+s19], $0x80, s9, s19, $0xb8;
	[tilespmem:$0x1FB80] =	vst v63  }
0x9a: {  	_ =	swait.ge [sflag:s29], $0x2800  }
0x9b: {  	[sflag:s29] =	ssyncset.done $0x0  }
0x9c: {  	s6 =	simm.s32 $0x0;
	[sflag:s29] =	ssyncadd.s32 $0xFFFFD800  }
0x9d: {  	[tilespmem:s22], [sflag:$0x7] =	stream.linear.gather [hbm4b:s15+s6], $0x2000, $0x38;
	[tilespmem:$0x1FB80] =	vst v63  }
0x9e: {  	_ =	swait.ge [sflag:s18], $0x2000  }
0x9f: {  	[sflag:s18] =	ssyncset.done $0x0  }
0xa0: {  	[sflag:s18] =	ssyncadd.s32 $0xFFFFE000  }
0xa1: {  	_ =	swait.ge [sflag:s26], $0x2800  }
0xa2: {  	[sflag:s26] =	ssyncset.done $0x0  }
0xa3: {  	[sflag:s26] =	ssyncadd.s32 $0xFFFFD800  }
0xa4: {  	[spmem:s2] =	stream.indirect.scatter.add.f32 [tilespmem:s21], [sflag:$0x5], $0x80, s22, s19, $0xb8;
	[tilespmem:$0x1FB80] =	vst v63  }
0xa5: {  	s8 =	simm.s32 $0x14A0  }
0xa6: {  	[tilespmem:s20], [sflag:$0x1] =	stream.indirect.gather [hbm4b:s4+s19], $0x80, s8, s19, $0xb8;
	[tilespmem:$0x1FB80] =	vst v63  }
0xa7: {  	_ =	swait.ge [sflag:s31], $0x2800  }
0xa8: {  	[sflag:s31] =	ssyncset.done $0x0  }
0xa9: {  	[sflag:s31] =	ssyncadd.s32 $0xFFFFD800  }
0xaa: {  	[spmem:s2] =	stream.indirect.scatter.add.f32 [tilespmem:s23], [sflag:$0x6], $0x80, s28, s19, $0xb8;
	[tilespmem:$0x1FB80] =	vst v63  }
0xab: {  	_ =	swait.ge [sflag:s25], $0x2800  }
0xac: {  	[sflag:s25] =	ssyncset.done $0x0  }
0xad: {  	s9 =	simm.s32 $0x14F0;
	[sflag:s25] =	ssyncadd.s32 $0xFFFFD800  }
0xae: {  	[tilespmem:s21], [sflag:$0x2] =	stream.indirect.gather [hbm4b:s4+s19], $0x80, s9, s19, $0xb8;
	[tilespmem:$0x1FB80] =	vst v63  }
0xaf: {  	_ =	swait.ge [sflag:s24], $0x2800  }
0xb0: {  	[sflag:s24] =	ssyncset.done $0x0  }
0xb1: {  	[sflag:s24] =	ssyncadd.s32 $0xFFFFD800  }
0xb2: {  	[spmem:s2] =	stream.indirect.scatter.add.f32 [tilespmem:s20], [sflag:$0x4], $0x80, s1, s19, $0xb8;
	[tilespmem:$0x1FB80] =	vst v63  }
0xb3: {  	_ =	swait.ge [sflag:s30], $0x2800  }
0xb4: {  	[sflag:s30] =	ssyncset.done $0x0  }
0xb5: {  	s6 =	simm.s32 $0x1540;
	[sflag:s30] =	ssyncadd.s32 $0xFFFFD800  }
0xb6: {  	[tilespmem:s23], [sflag:$0x3] =	stream.indirect.gather [hbm4b:s4+s19], $0x80, s6, s19, $0xb8;
	[tilespmem:$0x1FB80] =	vst v63  }
0xb7: {  	_ =	swait.ge [sflag:s26], $0x2800  }
0xb8: {  	[sflag:s26] =	ssyncset.done $0x0  }
0xb9: {  	s8 =	simm.s32 $0x2900;
	[sflag:s26] =	ssyncadd.s32 $0xFFFFD800  }
0xba: {  	[spmem:s2] =	stream.indirect.scatter.add.f32 [tilespmem:s21], [sflag:$0x5], $0x80, s8, s19, $0xb8;
	[tilespmem:$0x1FB80] =	vst v63  }
0xbb: {  	_ =	swait.ge [sflag:s29], $0x2800  }
0xbc: {  	[sflag:s29] =	ssyncset.done $0x0  }
0xbd: {  	s9 =	simm.s32 $0x1590;
	[sflag:s29] =	ssyncadd.s32 $0xFFFFD800  }
0xbe: {  	[tilespmem:s20], [sflag:$0x1] =	stream.indirect.gather [hbm4b:s4+s19], $0x80, s9, s19, $0xb8;
	[tilespmem:$0x1FB80] =	vst v63  }
0xbf: {  	_ =	swait.ge [sflag:s31], $0x2800  }
0xc0: {  	[sflag:s31] =	ssyncset.done $0x0  }
0xc1: {  	s6 =	simm.s32 $0x2980;
	[sflag:s31] =	ssyncadd.s32 $0xFFFFD800  }
0xc2: {  	[spmem:s2] =	stream.indirect.scatter.add.f32 [tilespmem:s23], [sflag:$0x6], $0x80, s6, s19, $0xb8;
	[tilespmem:$0x1FB80] =	vst v63  }
0xc3: {  	_ =	swait.ge [sflag:s25], $0x2800  }
0xc4: {  	[sflag:s25] =	ssyncset.done $0x0  }
0xc5: {  	s8 =	simm.s32 $0x15E0;
	[sflag:s25] =	ssyncadd.s32 $0xFFFFD800  }
0xc6: {  	[tilespmem:s21], [sflag:$0x2] =	stream.indirect.gather [hbm4b:s4+s19], $0x80, s8, s19, $0xb8;
	[tilespmem:$0x1FB80] =	vst v63  }
0xc7: {  	_ =	swait.ge [sflag:s24], $0x2800  }
0xc8: {  	[sflag:s24] =	ssyncset.done $0x0  }
0xc9: {  	s9 =	simm.s32 $0x2A00;
	[sflag:s24] =	ssyncadd.s32 $0xFFFFD800  }
0xca: {  	[spmem:s2] =	stream.indirect.scatter.add.f32 [tilespmem:s20], [sflag:$0x4], $0x80, s9, s19, $0xb8;
	[tilespmem:$0x1FB80] =	vst v63  }
0xcb: {  	_ =	swait.ge [sflag:s30], $0x2800  }
0xcc: {  	s5 =	simm.s32 $0x3C0;
	[sflag:s30] =	ssyncset.done $0x0  }
0xcd: {  	s6 =	simm.s32 $0x2B80;
	s8 =	simm.s32 $0x1630;
	[sflag:s30] =	ssyncadd.s32 $0xFFFFD800  }
.LBB2_6:
0xce: {  	[tilespmem:s23], [sflag:$0x3] =	stream.indirect.gather [hbm4b:s4+s19], $0x80, s8, s19, $0xb8;
	[tilespmem:$0x1FB80] =	vst v63  }
0xcf: {  	s8 =	smov.u32 s5  }
0xd0: {  	p0 =	sne.s32 s5, $0x3FC0;
	s5 =	sadd.s32 $0x3C0, s5;
	_ =	swait.ge [sflag:s26], $0x2800  }
0xd1: {  	[sflag:s26] =	ssyncset.done $0x0  }
0xd2: {  	s9 =	sadd.s32 $0xFFFFFF00, s6;
	[sflag:s26] =	ssyncadd.s32 $0xFFFFD800  }
0xd3: {  	[spmem:s2] =	stream.indirect.scatter.add.f32 [tilespmem:s21], [sflag:$0x5], $0x80, s9, s19, $0xb8;
	[tilespmem:$0x1FB80] =	vst v63  }
0xd4: {  	_ =	swait.ge [sflag:s29], $0x2800  }
0xd5: {  	s8 =	sshra.s32 s8, $0x2;
	[sflag:s29] =	ssyncset.done $0x0  }
0xd6: {  	s9 =	sadd.s32 $0x1590, s8;
	[sflag:s29] =	ssyncadd.s32 $0xFFFFD800  }
0xd7: {  	[tilespmem:s20], [sflag:$0x1] =	stream.indirect.gather [hbm4b:s4+s19], $0x80, s9, s19, $0xb8;
	[tilespmem:$0x1FB80] =	vst v63  }
0xd8: {  	_ =	swait.ge [sflag:s31], $0x2800  }
0xd9: {  	[sflag:s31] =	ssyncset.done $0x0  }
0xda: {  	s9 =	sadd.s32 $0xFFFFFF80, s6;
	[sflag:s31] =	ssyncadd.s32 $0xFFFFD800  }
0xdb: {  	[spmem:s2] =	stream.indirect.scatter.add.f32 [tilespmem:s23], [sflag:$0x6], $0x80, s9, s19, $0xb8;
	[tilespmem:$0x1FB80] =	vst v63  }
0xdc: {  	_ =	swait.ge [sflag:s25], $0x2800  }
0xdd: {  	[sflag:s25] =	ssyncset.done $0x0  }
0xde: {  	s9 =	sadd.s32 $0x15E0, s8;
	[sflag:s25] =	ssyncadd.s32 $0xFFFFD800  }
0xdf: {  	[tilespmem:s21], [sflag:$0x2] =	stream.indirect.gather [hbm4b:s4+s19], $0x80, s9, s19, $0xb8;
	[tilespmem:$0x1FB80] =	vst v63  }
0xe0: {  	_ =	swait.ge [sflag:s24], $0x2800  }
0xe1: {  	[sflag:s24] =	ssyncset.done $0x0  }
.Ltmp2:
0xe2: {  	[sflag:s24] =	ssyncadd.s32 $0xFFFFD800;
	(pc) =	sbr.rel @p0 .LBB2_6-.Ltmp2, $4  }
0xe3: {  	[spmem:s2] =	stream.indirect.scatter.add.f32 [tilespmem:s20], [sflag:$0x4], $0x80, s6, s19, $0xb8;
	[tilespmem:$0x1FB80] =	vst v63  }
0xe4: {  	_ =	swait.ge [sflag:s30], $0x2800  }
0xe5: {  	[sflag:s30] =	ssyncset.done $0x0  }
0xe6: {  	s8 =	sadd.s32 $0x1630, s8;
	s6 =	sadd.s32 $0x180, s6;
	[sflag:s30] =	ssyncadd.s32 $0xFFFFD800  }
0xe7: {  	[tilespmem:s23], [sflag:$0x3] =	stream.indirect.gather [hbm4b:s4+s19], $0x80, s8, s19, $0xb8;
	[tilespmem:$0x1FB80] =	vst v63  }
0xe8: {  	_ =	swait.ge [sflag:s26], $0x2800  }
0xe9: {  	[sflag:s26] =	ssyncset.done $0x0  }
0xea: {  	s5 =	simm.s32 $0x4400;
	[sflag:s26] =	ssyncadd.s32 $0xFFFFD800  }
0xeb: {  	[spmem:s2] =	stream.indirect.scatter.add.f32 [tilespmem:s21], [sflag:$0x5], $0x80, s5, s19, $0xb8;
	[tilespmem:$0x1FB80] =	vst v63  }
0xec: {  	_ =	swait.ge [sflag:s29], $0x2800  }
0xed: {  	[sflag:s29] =	ssyncset.done $0x0  }
0xee: {  	s6 =	simm.s32 $0x2670;
	[sflag:s29] =	ssyncadd.s32 $0xFFFFD800  }
0xef: {  	[tilespmem:s20], [sflag:$0x1] =	stream.indirect.gather [hbm4b:s4+s19], $0x80, s6, s19, $0xb8;
	[tilespmem:$0x1FB80] =	vst v63  }
0xf0: {  	_ =	swait.ge [sflag:s31], $0x2800  }
0xf1: {  	[sflag:s31] =	ssyncset.done $0x0  }
0xf2: {  	s8 =	simm.s32 $0x4480;
	[sflag:s31] =	ssyncadd.s32 $0xFFFFD800  }
0xf3: {  	[spmem:s2] =	stream.indirect.scatter.add.f32 [tilespmem:s23], [sflag:$0x6], $0x80, s8, s19, $0xb8;
	[tilespmem:$0x1FB80] =	vst v63  }
0xf4: {  	_ =	swait.ge [sflag:s25], $0x2800  }
0xf5: {  	[sflag:s25] =	ssyncset.done $0x0  }
0xf6: {  	s9 =	simm.s32 $0x26C0;
	[sflag:s25] =	ssyncadd.s32 $0xFFFFD800  }
0xf7: {  	[tilespmem:s21], [sflag:$0x2] =	stream.indirect.gather [hbm4b:s4+s19], $0x80, s9, s19, $0xb8;
	[tilespmem:$0x1FB80] =	vst v63  }
0xf8: {  	_ =	swait.ge [sflag:s24], $0x2800  }
0xf9: {  	[sflag:s24] =	ssyncset.done $0x0  }
0xfa: {  	s6 =	simm.s32 $0x4500;
	[sflag:s24] =	ssyncadd.s32 $0xFFFFD800  }
0xfb: {  	[spmem:s2] =	stream.indirect.scatter.add.f32 [tilespmem:s20], [sflag:$0x4], $0x80, s6, s19, $0xb8;
	[tilespmem:$0x1FB80] =	vst v63  }
0xfc: {  	_ =	swait.ge [sflag:s30], $0x2800  }
0xfd: {  	[sflag:s30] =	ssyncset.done $0x0  }
0xfe: {  	[sflag:s30] =	ssyncadd.s32 $0xFFFFD800  }
0xff: {  	_ =	swait.ge [sflag:s26], $0x2800  }
0x100: {  	[sflag:s26] =	ssyncset.done $0x0  }
0x101: {  	s8 =	simm.s32 $0x4580;
	[sflag:s26] =	ssyncadd.s32 $0xFFFFD800  }
0x102: {  	[spmem:s2] =	stream.indirect.scatter.add.f32 [tilespmem:s21], [sflag:$0x5], $0x80, s8, s19, $0xb8;
	[tilespmem:$0x1FB80] =	vst v63  }
0x103: {  	_ =	swait.ge [sflag:s29], $0x2800  }
0x104: {  	[sflag:s29] =	ssyncset.done $0x0  }
0x105: {  	[sflag:s29] =	ssyncadd.s32 $0xFFFFD800  }
0x106: {  	s9 =	stileid.u32;
	_ =	swait.ge [sflag:s25], $0x2800  }
0x107: {  	s0 =	sadd.s32 $0x1, s0;
	s5 =	sshll.u32 s9, $0x6;
	[sflag:s25] =	ssyncset.done $0x0  }
0x108: {  	p0 =	sne.s32 s0, s17;
	s5 =	sor.u32 $0x1C07, s5;
	[sflag:s25] =	ssyncadd.s32 $0xFFFFD800  }
.Ltmp3:
0x109: {  	s6 =	sshrl.u32 s7, $0x3;
	[bflag:$0x0] =	sbarrier.arrive $0xFFFF;
	(pc) =	sbr.rel @p0 .LBB2_1-.Ltmp3, $4  }
0x10a: {  	[hbm:s16], [sflag:s5] =	dma.local [spmem:s6], $0x2780  }
0x10b: {  	_ =	swait.ge [sflag:s18], $0x2780  }
0x10c: {  	[sflag:s18] =	ssyncset.done $0x0  }
0x10d: {  	[sflag:s18] =	ssyncadd.s32 $0xFFFFD880  }
0x10e: {  	_ =	sfence.sel $0x180000  }
0x10f: {  	[bflag:$0x0] =	sbarrier.arrive $0xFFFF  }
0x110: {  	_ =	strace $0x9000004A  }
0x111: {  	s0 =	stileid.u32;
	[bflag:$0x2] =	sbarrier.arrive $0xFFFF  }
0x112: {  	p0 =	sne.s32 s0, $0x0;
	s0 =	rddreg [dreg:$0x2]  }
0x113: {  	s0 =	sadd.s32 @!p0 $0x100000, s0  }
0x114: {  	[sflag:s0] =	ssyncadd.tile.s32 @!p0 $0x1;
	_ =	shalt  }
.Lfunc_end2:
_tile_overlayer_lowered:
.L_overlay_start_2:
0x115: {  	(tag) =	ssettag $0x2  }
0x116: {  	s0 =	rddreg [dreg:$0x0];
	s2 =	stileid.u32  }
0x117: {  	s1 =	rddreg [dreg:$0x1];
	p0 =	sne.s32 s2, $0x0  }
0x118: {  	s3 =	rddreg [dreg:$0x2];
	[bflag:$0x3] =	sbarrier.arrive $0xFFFF;
	s2 =	simm.s32 @!p0 $0x1C07  }
0x119: {  	[timem:s3], [sflag:s2] =	dma.local @!p0 [hbm:s0], s1  }
0x11a: {  	s0 =	simm.s32 @!p0 $0x7  }
0x11b: {  	_ =	swait.ge @!p0 [sflag:s0], s1  }
0x11c: {  	s1 =	ssub.s32 @!p0 $0x0, s1;
	[sflag:s0] =	ssyncset.done @!p0 $0x0  }
0x11d: {  	[sflag:s0] =	ssyncadd.s32 @!p0 s1  }
0x11e: {  	[bflag:$0x3] =	sbarrier.arrive $0xFFFF  }
0x11f: {  	_ =	shalt  }

// kernel: kernel.16.cloned.1.call-start
scs
__scs_entry_jumppad:
0x0: {  	(pc) =	sbr.rel $0x88, $3  }
0x1: {  	(tag) =	ssettag $0x0;
	lr =	simm.s32 $0x1  }
0x2: {  	[smem:$0x3F98] =	sst lr;
	_ =	strace $0xD0000000  }
0x3: {  	_ = 	snop  }
0x4: {  	_ = 	snop  }
0x5: {  	_ = 	snop  }
0x6: {  	_ = 	snop  }
0x7: {  	_ = 	snop  }
__scs_overlays_trampoline_lowered:
0x8: {  	[smem:$0x3FA7] =	sst s0  }
0x9: {  	[smem:$0x3FA8] =	sst s1  }
0xa: {  	[smem:$0x3FA9] =	sst s2  }
0xb: {  	[smem:$0x3FAA] =	sst s3  }
0xc: {  	[smem:$0x3FAB] =	sst s4  }
0xd: {  	[smem:$0x3FAC] =	sst s5  }
0xe: {  	[smem:$0x3FAD] =	sst s6  }
0xf: {  	[smem:$0x3FAE] =	sst s7  }
0x10: {  	[smem:$0x3FAF] =	sst s8  }
0x11: {  	[smem:$0x3FB0] =	sst s9;
	s0 =	simm.s32 @!p0 $0x0  }
0x12: {  	s1 =	sld [smem:$0x3F96];
	s0 =	simm.s32 @p0 $0x1  }
0x13: {  	[smem:$0x3FB1] =	sst s0;
	s0 =	simm.s32 @!p1 $0x0  }
0x14: {  	s2 =	sld [smem:$0x3F95];
	s0 =	simm.s32 @p1 $0x1  }
0x15: {  	[smem:$0x3FB2] =	sst s0;
	s0 =	simm.s32 @!p2 $0x0  }
0x16: {  	s3 =	sld [smem:$0x3FDB];
	s0 =	simm.s32 @p2 $0x1  }
0x17: {  	s4 =	simm.s32 $0x1BF5;
	[smem:$0x3FB4] =	sst s0  }
0x18: {  	s0 =	sld [smem:$0x3F97];
	_ =	swait.ge [sflag:s4], $0x0  }
0x19: {  	s7 =	sld [smem:$0x3F98]  }
0x1a: {  	s8 =	sadd.s32 $0xFFFFE003, lr  }
0x1b: {  	s9 =	sadd.s32 $0xFFFFFEF7, lr;
	s5 =	simm.s32 $0xFFFFFFFF;
	p2 =	slt.u32 s8, $0xFFFFF086  }
0x1c: {  	p1 =	slt.u32 s9, $0xF7A;
	s5 =	simm.s32 @!p2 $0x0  }
0x1d: {  	s5 =	simm.s32 @p1 $0x1;
	p0 =	seq.s32 s7, s2  }
0x1e: {  	s7 =	smul.u32 @!p0 $0xF7A, s2;
	p2 =	seq.s32 @!p0 s5, $0x0  }
0x1f: {  	s9 =	smul.u32 $0xF7A, s1;
	s8 =	simm.s32 @!p0 $0x1BF5;
	p2 =	por !p2, p0  }
0x20: {  	[sflag:s8] =	ssyncset.s32 @!p0 $0xFFFFF086;
	s6 =	sadd.s32 @!p0 s3, s7;
	s7 =	simm.s32 @!p0 $0x108  }
0x21: {  	s3 =	sadd.s32 s3, s9;
	s6 =	sadd.s32 @!p0 $0x88, s6;
	s7 =	simm.s32 @p2 $0x1082  }
0x22: {  	[simem:s7], [sflag:s8] =	dma.local @!p0 [hbm:s6], $0xF7A  }
0x23: {  	s9 =	sor.u32 $0xD0000000, s2;
	s6 =	simm.s32 $0x108;
	_ =	swait.ge @!p0 [sflag:s8], $0x0  }
0x24: {  	s3 =	sadd.s32 $0x88, s3;
	s6 =	simm.s32 @!p1 $0x1082;
	[sflag:s4] =	ssyncset.s32 $0xFFFFF086  }
0x25: {  	[simem:s6], [sflag:s4] =	dma.local [hbm:s3], $0xF7A  }
0x26: {  	[smem:$0x3F98] =	sst s1;
	(tag) =	ssettag s2;
	_ =	strace s9  }
0x27: {  	s1 =	sld [smem:$0x3FA8]  }
0x28: {  	s2 =	sld [smem:$0x3FA9]  }
0x29: {  	s4 =	sld [smem:$0x3FAB]  }
0x2a: {  	p0 =	seq.s32 s5, $0x0;
	s5 =	sld [smem:$0x3FAC]  }
0x2b: {  	s6 =	sld [smem:$0x3FAD]  }
0x2c: {  	s7 =	sld [smem:$0x3FAE]  }
0x2d: {  	s3 =	simm.s32 $0x108;
	s8 =	sld [smem:$0x3FAF]  }
0x2e: {  	s3 =	simm.s32 @!p0 $0x1082;
	s9 =	sld [smem:$0x3FB0]  }
0x2f: {  	lr =	sadd.s32 s0, s3;
	s0 =	sld [smem:$0x3FA7]  }
0x30: {  	s3 =	sld [smem:$0x3FAA]  }
0x31: {  	[smem:$0x3FB3] =	sst s10  }
0x32: {  	s10 =	sld [smem:$0x3FB1];
	_ =	sdelay $0x3  }
0x33: {  	p0 =	seq.s32 s10, $0x1;
	s10 =	sld [smem:$0x3FB3];
	_ =	sdelay $0x3  }
0x34: {  	[smem:$0x3FB3] =	sst s10  }
0x35: {  	s10 =	sld [smem:$0x3FB2];
	_ =	sdelay $0x3  }
0x36: {  	p1 =	seq.s32 s10, $0x1;
	s10 =	sld [smem:$0x3FB3];
	_ =	sdelay $0x3  }
0x37: {  	[smem:$0x3FB3] =	sst s10  }
0x38: {  	s10 =	sld [smem:$0x3FB4]  }
0x39: {  	_ = 	snop;
	(pc) =	sbr.ind lr, $3  }
0x3a: {  	_ = 	snop  }
0x3b: {  	_ = 	snop  }
0x3c: {  	p2 =	seq.s32 s10, $0x1;
	s10 =	sld [smem:$0x3FB3]  }
0x3d: {  	_ =	shalt  }
0x3e: {  	_ =	shalt  }
0x3f: {  	_ =	shalt  }
0x40: {  	_ =	shalt  }
0x41: {  	_ =	shalt  }
0x42: {  	_ =	shalt  }
0x43: {  	_ =	shalt  }
0x44: {  	_ =	shalt  }
0x45: {  	_ =	shalt  }
0x46: {  	_ =	shalt  }
0x47: {  	_ =	shalt  }
0x48: {  	_ =	shalt  }
0x49: {  	_ =	shalt  }
0x4a: {  	_ =	shalt  }
0x4b: {  	_ =	shalt  }
0x4c: {  	_ =	shalt  }
0x4d: {  	_ =	shalt  }
0x4e: {  	_ =	shalt  }
0x4f: {  	_ =	shalt  }
0x50: {  	_ =	shalt  }
0x51: {  	_ =	shalt  }
0x52: {  	_ =	shalt  }
0x53: {  	_ =	shalt  }
0x54: {  	_ =	shalt  }
0x55: {  	_ =	shalt  }
0x56: {  	_ =	shalt  }
0x57: {  	_ =	shalt  }
0x58: {  	_ =	shalt  }
0x59: {  	_ =	shalt  }
0x5a: {  	_ =	shalt  }
0x5b: {  	_ =	shalt  }
0x5c: {  	_ =	shalt  }
0x5d: {  	_ =	shalt  }
0x5e: {  	_ =	shalt  }
0x5f: {  	_ =	shalt  }
0x60: {  	_ =	shalt  }
0x61: {  	_ =	shalt  }
0x62: {  	_ =	shalt  }
0x63: {  	_ =	shalt  }
0x64: {  	_ =	shalt  }
0x65: {  	_ =	shalt  }
0x66: {  	_ =	shalt  }
0x67: {  	_ =	shalt  }
0x68: {  	_ =	shalt  }
0x69: {  	_ =	shalt  }
0x6a: {  	_ =	shalt  }
0x6b: {  	_ =	shalt  }
0x6c: {  	_ =	shalt  }
0x6d: {  	_ =	shalt  }
0x6e: {  	_ =	shalt  }
0x6f: {  	_ =	shalt  }
0x70: {  	_ =	shalt  }
0x71: {  	_ =	shalt  }
0x72: {  	_ =	shalt  }
0x73: {  	_ =	shalt  }
0x74: {  	_ =	shalt  }
0x75: {  	_ =	shalt  }
0x76: {  	_ =	shalt  }
0x77: {  	_ =	shalt  }
0x78: {  	_ =	shalt  }
0x79: {  	_ =	shalt  }
0x7a: {  	_ =	shalt  }
0x7b: {  	_ =	shalt  }
0x7c: {  	_ =	shalt  }
0x7d: {  	_ =	shalt  }
0x7e: {  	_ =	shalt  }
0x7f: {  	_ =	shalt  }
0x80: {  	_ =	shalt  }
0x81: {  	_ =	shalt  }
0x82: {  	_ =	shalt  }
0x83: {  	_ =	shalt  }
0x84: {  	_ =	shalt  }
0x85: {  	_ =	shalt  }
0x86: {  	_ =	shalt  }
0x87: {  	_ =	shalt  }
.Lfunc_end0:
.L_simem_size_0:
called_computation.2_lowered:
.L_overlay_start_0:
0x88: {  	s2 =	sld [smem:$0x3FD9]  }
0x89: {  	s3 =	sld [smem:$0x3FFE];
	_ =	sdelay $0x1  }
0x8a: {  	s1 =	srdreg.scid  }
0x8b: {  	s0 =	sand.u32 $0x1, s1  }
0x8c: {  	s16 =	sshll.u32 s0, $0xA;
	s2 =	sadd.s32 s3, s2  }
0x8d: {  	s2 =	sadd.s32 s2, s16  }
0x8e: {  	[smem:$0x3FBF] =	sst s2  }
0x8f: {  	_ = 	snop  }
0x90: {  	(tm) =	ssettm $0x1  }
0x91: {  	s17 =	sld [smem:$0x3FFB];
	_ =	sdelay $0x3  }
0x92: {  	_ =	strace s17  }
0x93: {  	s2 =	sld [smem:$0x3FFC];
	_ =	sdelay $0x3  }
0x94: {  	_ =	strace s2  }
0x95: {  	s2 =	sld [smem:$0x3FFD];
	_ =	sdelay $0x3  }
0x96: {  	_ =	strace s2  }
0x97: {  	_ =	strace $0x8FFFFFFF  }
0x98: {  	s18 =	sld [smem:$0x3FDB];
	_ =	sdelay $0x1  }
0x99: {  	s19 =	simm.s32 $_scs_section_size  }
0x9a: {  	s4 =	simm.s32 $_size__tile_overlayer_lowered;
	s5 =	simm.s32 $_tile_overlayer_lowered  }
0x9b: {  	s22 =	simm.s32 $0x1BFF;
	s21 =	sshll.u32 s5, $0x1;
	s2 =	sadd.s32 s19, s18  }
0x9c: {  	s6 =	simm.s32 $0x0;
	s20 =	sshll.u32 s4, $0x1;
	s4 =	sadd.s32 s21, s2  }
0x9d: {  	[timem:s6], [sflag:s22] =	dma.local [hbm:s4], s20  }
0x9e: {  	_ =	swait.ge [sflag:s22], s20  }
0x9f: {  	s3 =	ssub.s32 $0x0, s20;
	[sflag:s22] =	ssyncset.done $0x0  }
0xa0: {  	[sflag:s22] =	ssyncadd.s32 s3;
	_ =	sdelay $0x1  }
0xa1: {  	s23 =	simm.s32 $0x1B8B  }
0xa2: {  	_ =	swait.ge [sflag:s23], $0x1  }
0xa3: {  	[sflag:s23] =	ssyncset.done $0x0  }
0xa4: {  	s25 =	simm.s32 $0x1B8E;
	s24 =	sld [smem:$0x3FFE];
	[sflag:s23] =	ssyncadd.s32 $0xFFFFFFFF  }
0xa5: {  	s26 =	simm.s32 $execute0_lowered;
	[smem:$0x3FD2] =	sst s25  }
0xa6: {  	s4 =	sshll.u32 s26, $0x1;
	_ =	strace $0x8000004C;
	[dreg:$0x1] =	wrdreg $0xFFFFFFFF  }
0xa7: {  	s28 =	simm.s32 $_size_execute0_lowered;
	s2 =	sadd.s32 s2, s4;
	[dreg:$0x0] =	wrdreg $0x0  }
0xa8: {  	s4 =	sshll.u32 s28, $0x1;
	[dreg:$0x2] =	wrdreg s2  }
0xa9: {  	[dreg:$0x3] =	wrdreg s4  }
0xaa: {  	[dreg:$0x4] =	wrdreg $0xC0  }
0xab: {  	_ =	task [dreg:s6], $0x5FFFF  }
0xac: {  	[dreg:$0x1] =	wrdreg $0xFFFFFFFF  }
0xad: {  	[dreg:$0x0] =	wrdreg $0x60  }
0xae: {  	[dreg:$0x2] =	wrdreg s24  }
0xaf: {  	[dreg:$0x3] =	wrdreg $0xBF800  }
0xb0: {  	[dreg:$0x4] =	wrdreg $0x9  }
0xb1: {  	_ =	task.clear_ibuf [dreg:s6], $0x5FFFF;
	_ =	strace $0x9000004C  }
0xb2: {  	s29 =	simm.s32 $0x9;
	_ =	strace $0x8000004E  }
0xb3: {  	_ =	swait.ge [sflag:s29], $0x1  }
0xb4: {  	[sflag:s29] =	ssyncadd.s32 $0xFFFFFFFF  }
0xb5: {  	_ =	strace $0x9000004E  }
0xb6: {  	_ =	sfence  }
0xb7: {  	s30 =	sld [smem:$0x0];
	_ =	sdelay $0x2  }
0xb8: {  	s31 =	sshll.u32 s1, $0xD;
	s1 =	sshrl.u32 s1, $0x2  }
0xb9: {  	s3 =	sand.u32 $0x4000, s31;
	s1 =	sadd.s32 s1, s30  }
0xba: {  	s0 =	sor.u32 s3, s0;
	s1 =	sshll.u32 s1, $0x11  }
0xbb: {  	s0 =	sor.u32 s1, s0  }
0xbc: {  	s0 =	sadd.s32 $0x8F2B, s0  }
0xbd: {  	[sflag:s0] =	ssyncadd.remote.s32 $0x1  }
0xbe: {  	_ =	sfence.sel $0xFFFF  }
0xbf: {  	[dreg:$0x0] =	wrdreg $0xFFFFFFFF;
	(pc) =	sbr.abs _section_cstart, $3  }
0xc0: {  	[dreg:$0x1] =	wrdreg $0xFFFFFFFF  }
0xc1: {  	_ =	task.clear_ibuf [dreg:s6], $0x2FFFF;
	_ =	strace $0x9FFFFFFF  }
0xc2: {  	(tm) =	ssettm $0x7FFFFFFF  }
0xc3: {  	_ =	shalt  }
tec
execute0_lowered:
.L_overlay_start_1:
0x0: {  	(tag) =	ssettag $0x1  }
0x1: {  	s0 =	srdreg.scid  }
0x2: {  	s1 =	rddreg [dreg:$0x0];
	s9 =	stileid.u32  }
0x3: {  	s2 =	rddreg [dreg:$0x1];
	s18 =	simm.s32 $0x7;
	s19 =	simm.s32 $0x50  }
0x4: {  	s20 =	simm.s32 $0x4780;
	s28 =	simm.s32 $0x2800;
	s29 =	simm.s32 $0x4  }
0x5: {  	s31 =	simm.s32 $0x3;
	s30 =	simm.s32 $0x6;
	s8 =	smul.u32 $0x13C00, s9  }
0x6: {  	s0 =	sand.u32 $0x1, s0;
	s4 =	sadd.s32 $0x26A00, s1;
	s21 =	smul.u32 $0x4F000, s9  }
0x7: {  	s3 =	sshll.u32 s0, $0x4;
	s7 =	smul.u32 $0x140000, s0;
	s0 =	ssub.s32 $0x2, s0  }
0x8: {  	s5 =	sor.u32 s9, s3;
	s3 =	simm.s32 $0x0;
	s22 =	sshrl.u32 s0, $0x1  }
0x9: {  	s23 =	sshrl.u32 s21, $0x2;
	s21 =	simm.s32 $0x6F80;
	s6 =	smul.u32 $0x4E2, s5  }
0xa: {  	[smem:$0x7FF] =	sst s3;
	s5 =	sshll.u32 s5, $0xB;
	s7 =	sadd.s32 s8, s7  }
0xb: {  	s0 =	ssub.s32 s0, s22;
	s22 =	simm.s32 $0x2780;
	_ =	strace $0x8000004D  }
0xc: {  	s5 =	sadd.s32 s5, s1;
	s7 =	sshrl.u32 s7, $0x3;
	s17 =	smax.u32 s0, $0x1  }
0xd: {  	s0 =	simm.s32 $0x0;
	s6 =	sadd.s32 s6, s1;
	s1 =	sadd.s32 s7, s1  }
0xe: {  	s24 =	sadd.s32 $0x16A00, s5;
	s7 =	sadd.s32 s23, s2;
	s15 =	sadd.s32 $0x16E00, s5  }
0xf: {  	s23 =	simm.s32 $0x9780;
	s6 =	sadd.s32 $0xCC00, s6;
	[dreg:$0x4] =	wrdreg s24  }
0x10: {  	s25 =	sadd.s32 $0x2800, s7;
	s26 =	sadd.s32 $0x5000, s7;
	s10 =	sadd.s32 $0x7800, s7  }
0x11: {  	s11 =	sadd.s32 $0xA000, s7;
	s12 =	sadd.s32 $0xC800, s7;
	s13 =	sadd.s32 $0xF000, s7  }
0x12: {  	s14 =	sadd.s32 $0x11800, s7;
	s16 =	sadd.s32 $0x4EA00, s1;
	[dreg:$0x3] =	wrdreg s6  }
0x13: {  	s24 =	simm.s32 $0x1;
	s1 =	simm.s32 $0x2880;
	[dreg:$0x5] =	wrdreg s25  }
0x14: {  	v0 =	vimm.f32 $0.0e+00;
	[dreg:$0x6] =	wrdreg s26;
	s26 =	simm.s32 $0x2;
	s25 =	simm.s32 $0x5  }
.LBB2_1:
0x15: {  	s5 =	rddreg [dreg:$0x3]  }
0x16: {  	[tilespmem:s3], [sflag:$0x7] =	stream.linear.gather [hbm4b:s5+s3], $0x2710, $0x38;
	[tilespmem:$0x1FB80] =	vst v63  }
0x17: {  	_ =	swait.ge [sflag:s18], $0x2710  }
0x18: {  	[sflag:s18] =	ssyncset.done $0x0  }
0x19: {  	[sflag:s18] =	ssyncadd.s32 $0xFFFFD8F0  }
0x1a: {  	[tilespmem:s20], [sflag:$0x1] =	stream.indirect.gather [hbm4b:s4+s19], $0x80, s3, s19, $0xb8;
	[tilespmem:$0x1FB80] =	vst v63  }
0x1b: {  	_ = 	snop  }
0x1c: {  	[tilespmem:s21], [sflag:$0x2] =	stream.indirect.gather [hbm4b:s4+s19], $0x80, s19, s19, $0xb8;
	[tilespmem:$0x1FB80] =	vst v63  }
0x1d: {  	s8 =	rddreg [dreg:$0x4]  }
0x1e: {  	[tilespmem:s22], [sflag:$0x7] =	stream.linear.gather [hbm4b:s8+s3], $0x2000, $0x38;
	[tilespmem:$0x1FB80] =	vst v63  }
0x1f: {  	s9 =	sand.u32 $0xFE00, s3;
	s6 =	sand.u32 $0x70, s3;
	_ =	swait.ge [sflag:s18], $0x2000  }
0x20: {  	s5 =	simm.s32 $0x40;
	s8 =	sshrl.u32 s9, $0x2;
	[sflag:s18] =	ssyncset.done $0x0  }
0x21: {  	s8 =	sor.u32 s6, s8;
	s6 =	simm.s32 $0x0;
	[sflag:s18] =	ssyncadd.s32 $0xFFFFE000  }
.LBB2_2:
0x22: {  	p0 =	sne.s32 s5, $0x9FC0  }
0x23: {  	[tilespmem:s8+$0x9780] =	vst v0;
	s6 =	sadd.s32 $0x10, s6;
	s8 =	smov.u32 s5;
	s5 =	sadd.s32 $0x40, s5  }
.Ltmp0:
0x24: {  	(pc) =	sbr.rel @p0 .LBB2_2-.Ltmp0, $4  }
0x25: {  	_ = 	snop  }
0x26: {  	s8 =	sand.u32 $0xFE00, s8  }
0x27: {  	s9 =	sand.u32 $0x70, s6;
	s8 =	sshrl.u32 s8, $0x2  }
0x28: {  	s8 =	sor.u32 s9, s8  }
0x29: {  	[tilespmem:s8+$0x9780] =	vst v0  }
0x2a: {  	[spmem:s7] =	stream.linear.scatter [tilespmem:s23], [sflag:$0x7], $0x2800, $0x38;
	[tilespmem:$0x1FB80] =	vst v63  }
0x2b: {  	_ =	swait.ge [sflag:s18], $0x2800  }
0x2c: {  	[sflag:s18] =	ssyncset.done $0x0  }
0x2d: {  	s5 =	rddreg [dreg:$0x5];
	[sflag:s18] =	ssyncadd.s32 $0xFFFFD800  }
0x2e: {  	[spmem:s5] =	stream.linear.scatter [tilespmem:s23], [sflag:$0x7], $0x2800, $0x38;
	[tilespmem:$0x1FB80] =	vst v63  }
0x2f: {  	_ =	swait.ge [sflag:s18], $0x2800  }
0x30: {  	[sflag:s18] =	ssyncset.done $0x0  }
0x31: {  	s6 =	rddreg [dreg:$0x6];
	[sflag:s18] =	ssyncadd.s32 $0xFFFFD800  }
0x32: {  	[spmem:s6] =	stream.linear.scatter [tilespmem:s23], [sflag:$0x7], $0x2800, $0x38;
	[tilespmem:$0x1FB80] =	vst v63  }
0x33: {  	_ =	swait.ge [sflag:s18], $0x2800  }
0x34: {  	[sflag:s18] =	ssyncset.done $0x0  }
0x35: {  	[sflag:s18] =	ssyncadd.s32 $0xFFFFD800  }
0x36: {  	[spmem:s10] =	stream.linear.scatter [tilespmem:s23], [sflag:$0x7], $0x2800, $0x38;
	[tilespmem:$0x1FB80] =	vst v63  }
0x37: {  	_ =	swait.ge [sflag:s18], $0x2800  }
0x38: {  	[sflag:s18] =	ssyncset.done $0x0  }
0x39: {  	[sflag:s18] =	ssyncadd.s32 $0xFFFFD800  }
0x3a: {  	[spmem:s11] =	stream.linear.scatter [tilespmem:s23], [sflag:$0x7], $0x2800, $0x38;
	[tilespmem:$0x1FB80] =	vst v63  }
0x3b: {  	_ =	swait.ge [sflag:s18], $0x2800  }
0x3c: {  	[sflag:s18] =	ssyncset.done $0x0  }
0x3d: {  	[sflag:s18] =	ssyncadd.s32 $0xFFFFD800  }
0x3e: {  	[spmem:s12] =	stream.linear.scatter [tilespmem:s23], [sflag:$0x7], $0x2800, $0x38;
	[tilespmem:$0x1FB80] =	vst v63  }
0x3f: {  	_ =	swait.ge [sflag:s18], $0x2800  }
0x40: {  	[sflag:s18] =	ssyncset.done $0x0  }
0x41: {  	[sflag:s18] =	ssyncadd.s32 $0xFFFFD800  }
0x42: {  	[spmem:s13] =	stream.linear.scatter [tilespmem:s23], [sflag:$0x7], $0x2800, $0x38;
	[tilespmem:$0x1FB80] =	vst v63  }
0x43: {  	_ =	swait.ge [sflag:s18], $0x2800  }
0x44: {  	[sflag:s18] =	ssyncset.done $0x0  }
0x45: {  	[sflag:s18] =	ssyncadd.s32 $0xFFFFD800  }
0x46: {  	[spmem:s14] =	stream.linear.scatter [tilespmem:s23], [sflag:$0x7], $0x2400, $0x38;
	[tilespmem:$0x1FB80] =	vst v63  }
0x47: {  	_ =	swait.ge [sflag:s18], $0x2400  }
0x48: {  	[sflag:s18] =	ssyncset.done $0x0  }
0x49: {  	[sflag:s18] =	ssyncadd.s32 $0xFFFFDC00  }
0x4a: {  	[bflag:$0x0] =	sbarrier.arrive $0xFFFF  }
0x4b: {  	_ =	swait.ge [sflag:s24], $0x2800  }
0x4c: {  	[sflag:s24] =	ssyncset.done $0x0  }
0x4d: {  	[sflag:s24] =	ssyncadd.s32 $0xFFFFD800  }
0x4e: {  	[spmem:s2] =	stream.indirect.scatter.add.f32 [tilespmem:s20], [sflag:$0x4], $0x80, s22, s19, $0xb8;
	[tilespmem:$0x1FB80] =	vst v63  }
0x4f: {  	s8 =	simm.s32 $0xA0  }
0x50: {  	[tilespmem:s23], [sflag:$0x3] =	stream.indirect.gather [hbm4b:s4+s19], $0x80, s8, s19, $0xb8;
	[tilespmem:$0x1FB80] =	vst v63  }
0x51: {  	_ =	swait.ge [sflag:s26], $0x2800  }
0x52: {  	[sflag:s26] =	ssyncset.done $0x0  }
0x53: {  	[sflag:s26] =	ssyncadd.s32 $0xFFFFD800  }
0x54: {  	[spmem:s2] =	stream.indirect.scatter.add.f32 [tilespmem:s21], [sflag:$0x5], $0x80, s28, s19, $0xb8;
	[tilespmem:$0x1FB80] =	vst v63  }
0x55: {  	_ =	swait.ge [sflag:s29], $0x2800  }
0x56: {  	[sflag:s29] =	ssyncset.done $0x0  }
0x57: {  	s9 =	simm.s32 $0xF0;
	[sflag:s29] =	ssyncadd.s32 $0xFFFFD800  }
0x58: {  	[tilespmem:s20], [sflag:$0x1] =	stream.indirect.gather [hbm4b:s4+s19], $0x80, s9, s19, $0xb8;
	[tilespmem:$0x1FB80] =	vst v63  }
0x59: {  	_ =	swait.ge [sflag:s31], $0x2800  }
0x5a: {  	[sflag:s31] =	ssyncset.done $0x0  }
0x5b: {  	[sflag:s31] =	ssyncadd.s32 $0xFFFFD800  }
0x5c: {  	[spmem:s2] =	stream.indirect.scatter.add.f32 [tilespmem:s23], [sflag:$0x6], $0x80, s1, s19, $0xb8;
	[tilespmem:$0x1FB80] =	vst v63  }
0x5d: {  	_ =	swait.ge [sflag:s25], $0x2800  }
0x5e: {  	[sflag:s25] =	ssyncset.done $0x0  }
0x5f: {  	s6 =	simm.s32 $0x140;
	[sflag:s25] =	ssyncadd.s32 $0xFFFFD800  }
0x60: {  	[tilespmem:s21], [sflag:$0x2] =	stream.indirect.gather [hbm4b:s4+s19], $0x80, s6, s19, $0xb8;
	[tilespmem:$0x1FB80] =	vst v63  }
0x61: {  	_ =	swait.ge [sflag:s24], $0x2800  }
0x62: {  	[sflag:s24] =	ssyncset.done $0x0  }
0x63: {  	s8 =	simm.s32 $0x2900;
	[sflag:s24] =	ssyncadd.s32 $0xFFFFD800  }
0x64: {  	[spmem:s2] =	stream.indirect.scatter.add.f32 [tilespmem:s20], [sflag:$0x4], $0x80, s8, s19, $0xb8;
	[tilespmem:$0x1FB80] =	vst v63  }
0x65: {  	_ =	swait.ge [sflag:s30], $0x2800  }
0x66: {  	[sflag:s30] =	ssyncset.done $0x0  }
0x67: {  	s9 =	simm.s32 $0x190;
	[sflag:s30] =	ssyncadd.s32 $0xFFFFD800  }
0x68: {  	[tilespmem:s23], [sflag:$0x3] =	stream.indirect.gather [hbm4b:s4+s19], $0x80, s9, s19, $0xb8;
	[tilespmem:$0x1FB80] =	vst v63  }
0x69: {  	_ =	swait.ge [sflag:s26], $0x2800  }
0x6a: {  	[sflag:s26] =	ssyncset.done $0x0  }
0x6b: {  	s6 =	simm.s32 $0x2980;
	[sflag:s26] =	ssyncadd.s32 $0xFFFFD800  }
0x6c: {  	[spmem:s2] =	stream.indirect.scatter.add.f32 [tilespmem:s21], [sflag:$0x5], $0x80, s6, s19, $0xb8;
	[tilespmem:$0x1FB80] =	vst v63  }
0x6d: {  	_ =	swait.ge [sflag:s29], $0x2800  }
0x6e: {  	[sflag:s29] =	ssyncset.done $0x0  }
0x6f: {  	s8 =	simm.s32 $0x1E0;
	[sflag:s29] =	ssyncadd.s32 $0xFFFFD800  }
0x70: {  	[tilespmem:s20], [sflag:$0x1] =	stream.indirect.gather [hbm4b:s4+s19], $0x80, s8, s19, $0xb8;
	[tilespmem:$0x1FB80] =	vst v63  }
0x71: {  	_ =	swait.ge [sflag:s31], $0x2800  }
0x72: {  	[sflag:s31] =	ssyncset.done $0x0  }
0x73: {  	s9 =	simm.s32 $0x2A00;
	[sflag:s31] =	ssyncadd.s32 $0xFFFFD800  }
0x74: {  	[spmem:s2] =	stream.indirect.scatter.add.f32 [tilespmem:s23], [sflag:$0x6], $0x80, s9, s19, $0xb8;
	[tilespmem:$0x1FB80] =	vst v63  }
0x75: {  	_ =	swait.ge [sflag:s25], $0x2800  }
0x76: {  	s5 =	simm.s32 $0x3C0;
	[sflag:s25] =	ssyncset.done $0x0  }
0x77: {  	s6 =	simm.s32 $0x2B80;
	s8 =	simm.s32 $0x230;
	[sflag:s25] =	ssyncadd.s32 $0xFFFFD800  }
.LBB2_4:
0x78: {  	[tilespmem:s21], [sflag:$0x2] =	stream.indirect.gather [hbm4b:s4+s19], $0x80, s8, s19, $0xb8;
	[tilespmem:$0x1FB80] =	vst v63  }
0x79: {  	s8 =	smov.u32 s5  }
0x7a: {  	p0 =	sne.s32 s5, $0x4740;
	s5 =	sadd.s32 $0x3C0, s5;
	_ =	swait.ge [sflag:s24], $0x2800  }
0x7b: {  	[sflag:s24] =	ssyncset.done $0x0  }
0x7c: {  	s9 =	sadd.s32 $0xFFFFFF00, s6;
	[sflag:s24] =	ssyncadd.s32 $0xFFFFD800  }
0x7d: {  	[spmem:s2] =	stream.indirect.scatter.add.f32 [tilespmem:s20], [sflag:$0x4], $0x80, s9, s19, $0xb8;
	[tilespmem:$0x1FB80] =	vst v63  }
0x7e: {  	_ =	swait.ge [sflag:s30], $0x2800  }
0x7f: {  	s8 =	sshra.s32 s8, $0x2;
	[sflag:s30] =	ssyncset.done $0x0  }
0x80: {  	s9 =	sadd.s32 $0x190, s8;
	[sflag:s30] =	ssyncadd.s32 $0xFFFFD800  }
0x81: {  	[tilespmem:s23], [sflag:$0x3] =	stream.indirect.gather [hbm4b:s4+s19], $0x80, s9, s19, $0xb8;
	[tilespmem:$0x1FB80] =	vst v63  }
0x82: {  	_ =	swait.ge [sflag:s26], $0x2800  }
0x83: {  	[sflag:s26] =	ssyncset.done $0x0  }
0x84: {  	s9 =	sadd.s32 $0xFFFFFF80, s6;
	[sflag:s26] =	ssyncadd.s32 $0xFFFFD800  }
0x85: {  	[spmem:s2] =	stream.indirect.scatter.add.f32 [tilespmem:s21], [sflag:$0x5], $0x80, s9, s19, $0xb8;
	[tilespmem:$0x1FB80] =	vst v63  }
0x86: {  	_ =	swait.ge [sflag:s29], $0x2800  }
0x87: {  	[sflag:s29] =	ssyncset.done $0x0  }
0x88: {  	s9 =	sadd.s32 $0x1E0, s8;
	[sflag:s29] =	ssyncadd.s32 $0xFFFFD800  }
0x89: {  	[tilespmem:s20], [sflag:$0x1] =	stream.indirect.gather [hbm4b:s4+s19], $0x80, s9, s19, $0xb8;
	[tilespmem:$0x1FB80] =	vst v63  }
0x8a: {  	_ =	swait.ge [sflag:s31], $0x2800  }
0x8b: {  	[sflag:s31] =	ssyncset.done $0x0  }
.Ltmp1:
0x8c: {  	[sflag:s31] =	ssyncadd.s32 $0xFFFFD800;
	(pc) =	sbr.rel @p0 .LBB2_4-.Ltmp1, $4  }
0x8d: {  	[spmem:s2] =	stream.indirect.scatter.add.f32 [tilespmem:s23], [sflag:$0x6], $0x80, s6, s19, $0xb8;
	[tilespmem:$0x1FB80] =	vst v63  }
0x8e: {  	_ =	swait.ge [sflag:s25], $0x2800  }
0x8f: {  	[sflag:s25] =	ssyncset.done $0x0  }
0x90: {  	s8 =	sadd.s32 $0x230, s8;
	s6 =	sadd.s32 $0x180, s6;
	[sflag:s25] =	ssyncadd.s32 $0xFFFFD800  }
0x91: {  	[tilespmem:s21], [sflag:$0x2] =	stream.indirect.gather [hbm4b:s4+s19], $0x80, s8, s19, $0xb8;
	[tilespmem:$0x1FB80] =	vst v63  }
0x92: {  	_ =	swait.ge [sflag:s24], $0x2800  }
0x93: {  	[sflag:s24] =	ssyncset.done $0x0  }
0x94: {  	s5 =	simm.s32 $0x4700;
	[sflag:s24] =	ssyncadd.s32 $0xFFFFD800  }
0x95: {  	[spmem:s2] =	stream.indirect.scatter.add.f32 [tilespmem:s20], [sflag:$0x4], $0x80, s5, s19, $0xb8;
	[tilespmem:$0x1FB80] =	vst v63  }
0x96: {  	_ =	swait.ge [sflag:s30], $0x2800  }
0x97: {  	[sflag:s30] =	ssyncset.done $0x0  }
0x98: {  	s9 =	simm.s32 $0x1450;
	[sflag:s30] =	ssyncadd.s32 $0xFFFFD800  }
0x99: {  	[tilespmem:s23], [sflag:$0x3] =	stream.indirect.gather [hbm4b:s4+s19], $0x80, s9, s19, $0xb8;
	[tilespmem:$0x1FB80] =	vst v63  }
0x9a: {  	_ =	swait.ge [sflag:s29], $0x2800  }
0x9b: {  	[sflag:s29] =	ssyncset.done $0x0  }
0x9c: {  	s6 =	simm.s32 $0x0;
	[sflag:s29] =	ssyncadd.s32 $0xFFFFD800  }
0x9d: {  	[tilespmem:s22], [sflag:$0x7] =	stream.linear.gather [hbm4b:s15+s6], $0x2000, $0x38;
	[tilespmem:$0x1FB80] =	vst v63  }
0x9e: {  	_ =	swait.ge [sflag:s18], $0x2000  }
0x9f: {  	[sflag:s18] =	ssyncset.done $0x0  }
0xa0: {  	[sflag:s18] =	ssyncadd.s32 $0xFFFFE000  }
0xa1: {  	_ =	swait.ge [sflag:s26], $0x2800  }
0xa2: {  	[sflag:s26] =	ssyncset.done $0x0  }
0xa3: {  	[sflag:s26] =	ssyncadd.s32 $0xFFFFD800  }
0xa4: {  	[spmem:s2] =	stream.indirect.scatter.add.f32 [tilespmem:s21], [sflag:$0x5], $0x80, s22, s19, $0xb8;
	[tilespmem:$0x1FB80] =	vst v63  }
0xa5: {  	s8 =	simm.s32 $0x14A0  }
0xa6: {  	[tilespmem:s20], [sflag:$0x1] =	stream.indirect.gather [hbm4b:s4+s19], $0x80, s8, s19, $0xb8;
	[tilespmem:$0x1FB80] =	vst v63  }
0xa7: {  	_ =	swait.ge [sflag:s31], $0x2800  }
0xa8: {  	[sflag:s31] =	ssyncset.done $0x0  }
0xa9: {  	[sflag:s31] =	ssyncadd.s32 $0xFFFFD800  }
0xaa: {  	[spmem:s2] =	stream.indirect.scatter.add.f32 [tilespmem:s23], [sflag:$0x6], $0x80, s28, s19, $0xb8;
	[tilespmem:$0x1FB80] =	vst v63  }
0xab: {  	_ =	swait.ge [sflag:s25], $0x2800  }
0xac: {  	[sflag:s25] =	ssyncset.done $0x0  }
0xad: {  	s9 =	simm.s32 $0x14F0;
	[sflag:s25] =	ssyncadd.s32 $0xFFFFD800  }
0xae: {  	[tilespmem:s21], [sflag:$0x2] =	stream.indirect.gather [hbm4b:s4+s19], $0x80, s9, s19, $0xb8;
	[tilespmem:$0x1FB80] =	vst v63  }
0xaf: {  	_ =	swait.ge [sflag:s24], $0x2800  }
0xb0: {  	[sflag:s24] =	ssyncset.done $0x0  }
0xb1: {  	[sflag:s24] =	ssyncadd.s32 $0xFFFFD800  }
0xb2: {  	[spmem:s2] =	stream.indirect.scatter.add.f32 [tilespmem:s20], [sflag:$0x4], $0x80, s1, s19, $0xb8;
	[tilespmem:$0x1FB80] =	vst v63  }
0xb3: {  	_ =	swait.ge [sflag:s30], $0x2800  }
0xb4: {  	[sflag:s30] =	ssyncset.done $0x0  }
0xb5: {  	s6 =	simm.s32 $0x1540;
	[sflag:s30] =	ssyncadd.s32 $0xFFFFD800  }
0xb6: {  	[tilespmem:s23], [sflag:$0x3] =	stream.indirect.gather [hbm4b:s4+s19], $0x80, s6, s19, $0xb8;
	[tilespmem:$0x1FB80] =	vst v63  }
0xb7: {  	_ =	swait.ge [sflag:s26], $0x2800  }
0xb8: {  	[sflag:s26] =	ssyncset.done $0x0  }
0xb9: {  	s8 =	simm.s32 $0x2900;
	[sflag:s26] =	ssyncadd.s32 $0xFFFFD800  }
0xba: {  	[spmem:s2] =	stream.indirect.scatter.add.f32 [tilespmem:s21], [sflag:$0x5], $0x80, s8, s19, $0xb8;
	[tilespmem:$0x1FB80] =	vst v63  }
0xbb: {  	_ =	swait.ge [sflag:s29], $0x2800  }
0xbc: {  	[sflag:s29] =	ssyncset.done $0x0  }
0xbd: {  	s9 =	simm.s32 $0x1590;
	[sflag:s29] =	ssyncadd.s32 $0xFFFFD800  }
0xbe: {  	[tilespmem:s20], [sflag:$0x1] =	stream.indirect.gather [hbm4b:s4+s19], $0x80, s9, s19, $0xb8;
	[tilespmem:$0x1FB80] =	vst v63  }
0xbf: {  	_ =	swait.ge [sflag:s31], $0x2800  }
0xc0: {  	[sflag:s31] =	ssyncset.done $0x0  }
0xc1: {  	s6 =	simm.s32 $0x2980;
	[sflag:s31] =	ssyncadd.s32 $0xFFFFD800  }
0xc2: {  	[spmem:s2] =	stream.indirect.scatter.add.f32 [tilespmem:s23], [sflag:$0x6], $0x80, s6, s19, $0xb8;
	[tilespmem:$0x1FB80] =	vst v63  }
0xc3: {  	_ =	swait.ge [sflag:s25], $0x2800  }
0xc4: {  	[sflag:s25] =	ssyncset.done $0x0  }
0xc5: {  	s8 =	simm.s32 $0x15E0;
	[sflag:s25] =	ssyncadd.s32 $0xFFFFD800  }
0xc6: {  	[tilespmem:s21], [sflag:$0x2] =	stream.indirect.gather [hbm4b:s4+s19], $0x80, s8, s19, $0xb8;
	[tilespmem:$0x1FB80] =	vst v63  }
0xc7: {  	_ =	swait.ge [sflag:s24], $0x2800  }
0xc8: {  	[sflag:s24] =	ssyncset.done $0x0  }
0xc9: {  	s9 =	simm.s32 $0x2A00;
	[sflag:s24] =	ssyncadd.s32 $0xFFFFD800  }
0xca: {  	[spmem:s2] =	stream.indirect.scatter.add.f32 [tilespmem:s20], [sflag:$0x4], $0x80, s9, s19, $0xb8;
	[tilespmem:$0x1FB80] =	vst v63  }
0xcb: {  	_ =	swait.ge [sflag:s30], $0x2800  }
0xcc: {  	s5 =	simm.s32 $0x3C0;
	[sflag:s30] =	ssyncset.done $0x0  }
0xcd: {  	s6 =	simm.s32 $0x2B80;
	s8 =	simm.s32 $0x1630;
	[sflag:s30] =	ssyncadd.s32 $0xFFFFD800  }
.LBB2_6:
0xce: {  	[tilespmem:s23], [sflag:$0x3] =	stream.indirect.gather [hbm4b:s4+s19], $0x80, s8, s19, $0xb8;
	[tilespmem:$0x1FB80] =	vst v63  }
0xcf: {  	s8 =	smov.u32 s5  }
0xd0: {  	p0 =	sne.s32 s5, $0x3FC0;
	s5 =	sadd.s32 $0x3C0, s5;
	_ =	swait.ge [sflag:s26], $0x2800  }
0xd1: {  	[sflag:s26] =	ssyncset.done $0x0  }
0xd2: {  	s9 =	sadd.s32 $0xFFFFFF00, s6;
	[sflag:s26] =	ssyncadd.s32 $0xFFFFD800  }
0xd3: {  	[spmem:s2] =	stream.indirect.scatter.add.f32 [tilespmem:s21], [sflag:$0x5], $0x80, s9, s19, $0xb8;
	[tilespmem:$0x1FB80] =	vst v63  }
0xd4: {  	_ =	swait.ge [sflag:s29], $0x2800  }
0xd5: {  	s8 =	sshra.s32 s8, $0x2;
	[sflag:s29] =	ssyncset.done $0x0  }
0xd6: {  	s9 =	sadd.s32 $0x1590, s8;
	[sflag:s29] =	ssyncadd.s32 $0xFFFFD800  }
0xd7: {  	[tilespmem:s20], [sflag:$0x1] =	stream.indirect.gather [hbm4b:s4+s19], $0x80, s9, s19, $0xb8;
	[tilespmem:$0x1FB80] =	vst v63  }
0xd8: {  	_ =	swait.ge [sflag:s31], $0x2800  }
0xd9: {  	[sflag:s31] =	ssyncset.done $0x0  }
0xda: {  	s9 =	sadd.s32 $0xFFFFFF80, s6;
	[sflag:s31] =	ssyncadd.s32 $0xFFFFD800  }
0xdb: {  	[spmem:s2] =	stream.indirect.scatter.add.f32 [tilespmem:s23], [sflag:$0x6], $0x80, s9, s19, $0xb8;
	[tilespmem:$0x1FB80] =	vst v63  }
0xdc: {  	_ =	swait.ge [sflag:s25], $0x2800  }
0xdd: {  	[sflag:s25] =	ssyncset.done $0x0  }
0xde: {  	s9 =	sadd.s32 $0x15E0, s8;
	[sflag:s25] =	ssyncadd.s32 $0xFFFFD800  }
0xdf: {  	[tilespmem:s21], [sflag:$0x2] =	stream.indirect.gather [hbm4b:s4+s19], $0x80, s9, s19, $0xb8;
	[tilespmem:$0x1FB80] =	vst v63  }
0xe0: {  	_ =	swait.ge [sflag:s24], $0x2800  }
0xe1: {  	[sflag:s24] =	ssyncset.done $0x0  }
.Ltmp2:
0xe2: {  	[sflag:s24] =	ssyncadd.s32 $0xFFFFD800;
	(pc) =	sbr.rel @p0 .LBB2_6-.Ltmp2, $4  }
0xe3: {  	[spmem:s2] =	stream.indirect.scatter.add.f32 [tilespmem:s20], [sflag:$0x4], $0x80, s6, s19, $0xb8;
	[tilespmem:$0x1FB80] =	vst v63  }
0xe4: {  	_ =	swait.ge [sflag:s30], $0x2800  }
0xe5: {  	[sflag:s30] =	ssyncset.done $0x0  }
0xe6: {  	s8 =	sadd.s32 $0x1630, s8;
	s6 =	sadd.s32 $0x180, s6;
	[sflag:s30] =	ssyncadd.s32 $0xFFFFD800  }
0xe7: {  	[tilespmem:s23], [sflag:$0x3] =	stream.indirect.gather [hbm4b:s4+s19], $0x80, s8, s19, $0xb8;
	[tilespmem:$0x1FB80] =	vst v63  }
0xe8: {  	_ =	swait.ge [sflag:s26], $0x2800  }
0xe9: {  	[sflag:s26] =	ssyncset.done $0x0  }
0xea: {  	s5 =	simm.s32 $0x4400;
	[sflag:s26] =	ssyncadd.s32 $0xFFFFD800  }
0xeb: {  	[spmem:s2] =	stream.indirect.scatter.add.f32 [tilespmem:s21], [sflag:$0x5], $0x80, s5, s19, $0xb8;
	[tilespmem:$0x1FB80] =	vst v63  }
0xec: {  	_ =	swait.ge [sflag:s29], $0x2800  }
0xed: {  	[sflag:s29] =	ssyncset.done $0x0  }
0xee: {  	s6 =	simm.s32 $0x2670;
	[sflag:s29] =	ssyncadd.s32 $0xFFFFD800  }
0xef: {  	[tilespmem:s20], [sflag:$0x1] =	stream.indirect.gather [hbm4b:s4+s19], $0x80, s6, s19, $0xb8;
	[tilespmem:$0x1FB80] =	vst v63  }
0xf0: {  	_ =	swait.ge [sflag:s31], $0x2800  }
0xf1: {  	[sflag:s31] =	ssyncset.done $0x0  }
0xf2: {  	s8 =	simm.s32 $0x4480;
	[sflag:s31] =	ssyncadd.s32 $0xFFFFD800  }
0xf3: {  	[spmem:s2] =	stream.indirect.scatter.add.f32 [tilespmem:s23], [sflag:$0x6], $0x80, s8, s19, $0xb8;
	[tilespmem:$0x1FB80] =	vst v63  }
0xf4: {  	_ =	swait.ge [sflag:s25], $0x2800  }
0xf5: {  	[sflag:s25] =	ssyncset.done $0x0  }
0xf6: {  	s9 =	simm.s32 $0x26C0;
	[sflag:s25] =	ssyncadd.s32 $0xFFFFD800  }
0xf7: {  	[tilespmem:s21], [sflag:$0x2] =	stream.indirect.gather [hbm4b:s4+s19], $0x80, s9, s19, $0xb8;
	[tilespmem:$0x1FB80] =	vst v63  }
0xf8: {  	_ =	swait.ge [sflag:s24], $0x2800  }
0xf9: {  	[sflag:s24] =	ssyncset.done $0x0  }
0xfa: {  	s6 =	simm.s32 $0x4500;
	[sflag:s24] =	ssyncadd.s32 $0xFFFFD800  }
0xfb: {  	[spmem:s2] =	stream.indirect.scatter.add.f32 [tilespmem:s20], [sflag:$0x4], $0x80, s6, s19, $0xb8;
	[tilespmem:$0x1FB80] =	vst v63  }
0xfc: {  	_ =	swait.ge [sflag:s30], $0x2800  }
0xfd: {  	[sflag:s30] =	ssyncset.done $0x0  }
0xfe: {  	[sflag:s30] =	ssyncadd.s32 $0xFFFFD800  }
0xff: {  	_ =	swait.ge [sflag:s26], $0x2800  }
0x100: {  	[sflag:s26] =	ssyncset.done $0x0  }
0x101: {  	s8 =	simm.s32 $0x4580;
	[sflag:s26] =	ssyncadd.s32 $0xFFFFD800  }
0x102: {  	[spmem:s2] =	stream.indirect.scatter.add.f32 [tilespmem:s21], [sflag:$0x5], $0x80, s8, s19, $0xb8;
	[tilespmem:$0x1FB80] =	vst v63  }
0x103: {  	_ =	swait.ge [sflag:s29], $0x2800  }
0x104: {  	[sflag:s29] =	ssyncset.done $0x0  }
0x105: {  	[sflag:s29] =	ssyncadd.s32 $0xFFFFD800  }
0x106: {  	s9 =	stileid.u32;
	_ =	swait.ge [sflag:s25], $0x2800  }
0x107: {  	s0 =	sadd.s32 $0x1, s0;
	s5 =	sshll.u32 s9, $0x6;
	[sflag:s25] =	ssyncset.done $0x0  }
0x108: {  	p0 =	sne.s32 s0, s17;
	s5 =	sor.u32 $0x1C07, s5;
	[sflag:s25] =	ssyncadd.s32 $0xFFFFD800  }
.Ltmp3:
0x109: {  	s6 =	sshrl.u32 s7, $0x3;
	[bflag:$0x0] =	sbarrier.arrive $0xFFFF;
	(pc) =	sbr.rel @p0 .LBB2_1-.Ltmp3, $4  }
0x10a: {  	[hbm:s16], [sflag:s5] =	dma.local [spmem:s6], $0x2780  }
0x10b: {  	_ =	swait.ge [sflag:s18], $0x2780  }
0x10c: {  	[sflag:s18] =	ssyncset.done $0x0  }
0x10d: {  	[sflag:s18] =	ssyncadd.s32 $0xFFFFD880  }
0x10e: {  	_ =	sfence.sel $0x180000  }
0x10f: {  	[bflag:$0x0] =	sbarrier.arrive $0xFFFF  }
0x110: {  	_ =	strace $0x9000004D  }
0x111: {  	s0 =	stileid.u32;
	[bflag:$0x2] =	sbarrier.arrive $0xFFFF  }
0x112: {  	p0 =	sne.s32 s0, $0x0;
	s0 =	rddreg [dreg:$0x2]  }
0x113: {  	s0 =	sadd.s32 @!p0 $0x100000, s0  }
0x114: {  	[sflag:s0] =	ssyncadd.tile.s32 @!p0 $0x1;
	_ =	shalt  }
.Lfunc_end2:
_tile_overlayer_lowered:
.L_overlay_start_2:
0x115: {  	(tag) =	ssettag $0x2  }
0x116: {  	s0 =	rddreg [dreg:$0x0];
	s2 =	stileid.u32  }
0x117: {  	s1 =	rddreg [dreg:$0x1];
	p0 =	sne.s32 s2, $0x0  }
0x118: {  	s3 =	rddreg [dreg:$0x2];
	[bflag:$0x3] =	sbarrier.arrive $0xFFFF;
	s2 =	simm.s32 @!p0 $0x1C07  }
0x119: {  	[timem:s3], [sflag:s2] =	dma.local @!p0 [hbm:s0], s1  }
0x11a: {  	s0 =	simm.s32 @!p0 $0x7  }
0x11b: {  	_ =	swait.ge @!p0 [sflag:s0], s1  }
0x11c: {  	s1 =	ssub.s32 @!p0 $0x0, s1;
	[sflag:s0] =	ssyncset.done @!p0 $0x0  }
0x11d: {  	[sflag:s0] =	ssyncadd.s32 @!p0 s1  }
0x11e: {  	[bflag:$0x3] =	sbarrier.arrive $0xFFFF  }
0x11f: {  	_ =	shalt  }

// kernel: kernel.19.cloned.1.call-start
scs
__scs_entry_jumppad:
0x0: {  	(pc) =	sbr.rel $0x88, $3  }
0x1: {  	(tag) =	ssettag $0x0;
	lr =	simm.s32 $0x1  }
0x2: {  	[smem:$0x3F98] =	sst lr;
	_ =	strace $0xD0000000  }
0x3: {  	_ = 	snop  }
0x4: {  	_ = 	snop  }
0x5: {  	_ = 	snop  }
0x6: {  	_ = 	snop  }
0x7: {  	_ = 	snop  }
__scs_overlays_trampoline_lowered:
0x8: {  	[smem:$0x3FA7] =	sst s0  }
0x9: {  	[smem:$0x3FA8] =	sst s1  }
0xa: {  	[smem:$0x3FA9] =	sst s2  }
0xb: {  	[smem:$0x3FAA] =	sst s3  }
0xc: {  	[smem:$0x3FAB] =	sst s4  }
0xd: {  	[smem:$0x3FAC] =	sst s5  }
0xe: {  	[smem:$0x3FAD] =	sst s6  }
0xf: {  	[smem:$0x3FAE] =	sst s7  }
0x10: {  	[smem:$0x3FAF] =	sst s8  }
0x11: {  	[smem:$0x3FB0] =	sst s9;
	s0 =	simm.s32 @!p0 $0x0  }
0x12: {  	s1 =	sld [smem:$0x3F96];
	s0 =	simm.s32 @p0 $0x1  }
0x13: {  	[smem:$0x3FB1] =	sst s0;
	s0 =	simm.s32 @!p1 $0x0  }
0x14: {  	s2 =	sld [smem:$0x3F95];
	s0 =	simm.s32 @p1 $0x1  }
0x15: {  	[smem:$0x3FB2] =	sst s0;
	s0 =	simm.s32 @!p2 $0x0  }
0x16: {  	s3 =	sld [smem:$0x3FDB];
	s0 =	simm.s32 @p2 $0x1  }
0x17: {  	s4 =	simm.s32 $0x1BF5;
	[smem:$0x3FB4] =	sst s0  }
0x18: {  	s0 =	sld [smem:$0x3F97];
	_ =	swait.ge [sflag:s4], $0x0  }
0x19: {  	s7 =	sld [smem:$0x3F98]  }
0x1a: {  	s8 =	sadd.s32 $0xFFFFE003, lr  }
0x1b: {  	s9 =	sadd.s32 $0xFFFFFEF7, lr;
	s5 =	simm.s32 $0xFFFFFFFF;
	p2 =	slt.u32 s8, $0xFFFFF086  }
0x1c: {  	p1 =	slt.u32 s9, $0xF7A;
	s5 =	simm.s32 @!p2 $0x0  }
0x1d: {  	s5 =	simm.s32 @p1 $0x1;
	p0 =	seq.s32 s7, s2  }
0x1e: {  	s7 =	smul.u32 @!p0 $0xF7A, s2;
	p2 =	seq.s32 @!p0 s5, $0x0  }
0x1f: {  	s9 =	smul.u32 $0xF7A, s1;
	s8 =	simm.s32 @!p0 $0x1BF5;
	p2 =	por !p2, p0  }
0x20: {  	[sflag:s8] =	ssyncset.s32 @!p0 $0xFFFFF086;
	s6 =	sadd.s32 @!p0 s3, s7;
	s7 =	simm.s32 @!p0 $0x108  }
0x21: {  	s3 =	sadd.s32 s3, s9;
	s6 =	sadd.s32 @!p0 $0x88, s6;
	s7 =	simm.s32 @p2 $0x1082  }
0x22: {  	[simem:s7], [sflag:s8] =	dma.local @!p0 [hbm:s6], $0xF7A  }
0x23: {  	s9 =	sor.u32 $0xD0000000, s2;
	s6 =	simm.s32 $0x108;
	_ =	swait.ge @!p0 [sflag:s8], $0x0  }
0x24: {  	s3 =	sadd.s32 $0x88, s3;
	s6 =	simm.s32 @!p1 $0x1082;
	[sflag:s4] =	ssyncset.s32 $0xFFFFF086  }
0x25: {  	[simem:s6], [sflag:s4] =	dma.local [hbm:s3], $0xF7A  }
0x26: {  	[smem:$0x3F98] =	sst s1;
	(tag) =	ssettag s2;
	_ =	strace s9  }
0x27: {  	s1 =	sld [smem:$0x3FA8]  }
0x28: {  	s2 =	sld [smem:$0x3FA9]  }
0x29: {  	s4 =	sld [smem:$0x3FAB]  }
0x2a: {  	p0 =	seq.s32 s5, $0x0;
	s5 =	sld [smem:$0x3FAC]  }
0x2b: {  	s6 =	sld [smem:$0x3FAD]  }
0x2c: {  	s7 =	sld [smem:$0x3FAE]  }
0x2d: {  	s3 =	simm.s32 $0x108;
	s8 =	sld [smem:$0x3FAF]  }
0x2e: {  	s3 =	simm.s32 @!p0 $0x1082;
	s9 =	sld [smem:$0x3FB0]  }
0x2f: {  	lr =	sadd.s32 s0, s3;
	s0 =	sld [smem:$0x3FA7]  }
0x30: {  	s3 =	sld [smem:$0x3FAA]  }
0x31: {  	[smem:$0x3FB3] =	sst s10  }
0x32: {  	s10 =	sld [smem:$0x3FB1];
	_ =	sdelay $0x3  }
0x33: {  	p0 =	seq.s32 s10, $0x1;
	s10 =	sld [smem:$0x3FB3];
	_ =	sdelay $0x3  }
0x34: {  	[smem:$0x3FB3] =	sst s10  }
0x35: {  	s10 =	sld [smem:$0x3FB2];
	_ =	sdelay $0x3  }
0x36: {  	p1 =	seq.s32 s10, $0x1;
	s10 =	sld [smem:$0x3FB3];
	_ =	sdelay $0x3  }
0x37: {  	[smem:$0x3FB3] =	sst s10  }
0x38: {  	s10 =	sld [smem:$0x3FB4]  }
0x39: {  	_ = 	snop;
	(pc) =	sbr.ind lr, $3  }
0x3a: {  	_ = 	snop  }
0x3b: {  	_ = 	snop  }
0x3c: {  	p2 =	seq.s32 s10, $0x1;
	s10 =	sld [smem:$0x3FB3]  }
0x3d: {  	_ =	shalt  }
0x3e: {  	_ =	shalt  }
0x3f: {  	_ =	shalt  }
0x40: {  	_ =	shalt  }
0x41: {  	_ =	shalt  }
0x42: {  	_ =	shalt  }
0x43: {  	_ =	shalt  }
0x44: {  	_ =	shalt  }
0x45: {  	_ =	shalt  }
0x46: {  	_ =	shalt  }
0x47: {  	_ =	shalt  }
0x48: {  	_ =	shalt  }
0x49: {  	_ =	shalt  }
0x4a: {  	_ =	shalt  }
0x4b: {  	_ =	shalt  }
0x4c: {  	_ =	shalt  }
0x4d: {  	_ =	shalt  }
0x4e: {  	_ =	shalt  }
0x4f: {  	_ =	shalt  }
0x50: {  	_ =	shalt  }
0x51: {  	_ =	shalt  }
0x52: {  	_ =	shalt  }
0x53: {  	_ =	shalt  }
0x54: {  	_ =	shalt  }
0x55: {  	_ =	shalt  }
0x56: {  	_ =	shalt  }
0x57: {  	_ =	shalt  }
0x58: {  	_ =	shalt  }
0x59: {  	_ =	shalt  }
0x5a: {  	_ =	shalt  }
0x5b: {  	_ =	shalt  }
0x5c: {  	_ =	shalt  }
0x5d: {  	_ =	shalt  }
0x5e: {  	_ =	shalt  }
0x5f: {  	_ =	shalt  }
0x60: {  	_ =	shalt  }
0x61: {  	_ =	shalt  }
0x62: {  	_ =	shalt  }
0x63: {  	_ =	shalt  }
0x64: {  	_ =	shalt  }
0x65: {  	_ =	shalt  }
0x66: {  	_ =	shalt  }
0x67: {  	_ =	shalt  }
0x68: {  	_ =	shalt  }
0x69: {  	_ =	shalt  }
0x6a: {  	_ =	shalt  }
0x6b: {  	_ =	shalt  }
0x6c: {  	_ =	shalt  }
0x6d: {  	_ =	shalt  }
0x6e: {  	_ =	shalt  }
0x6f: {  	_ =	shalt  }
0x70: {  	_ =	shalt  }
0x71: {  	_ =	shalt  }
0x72: {  	_ =	shalt  }
0x73: {  	_ =	shalt  }
0x74: {  	_ =	shalt  }
0x75: {  	_ =	shalt  }
0x76: {  	_ =	shalt  }
0x77: {  	_ =	shalt  }
0x78: {  	_ =	shalt  }
0x79: {  	_ =	shalt  }
0x7a: {  	_ =	shalt  }
0x7b: {  	_ =	shalt  }
0x7c: {  	_ =	shalt  }
0x7d: {  	_ =	shalt  }
0x7e: {  	_ =	shalt  }
0x7f: {  	_ =	shalt  }
0x80: {  	_ =	shalt  }
0x81: {  	_ =	shalt  }
0x82: {  	_ =	shalt  }
0x83: {  	_ =	shalt  }
0x84: {  	_ =	shalt  }
0x85: {  	_ =	shalt  }
0x86: {  	_ =	shalt  }
0x87: {  	_ =	shalt  }
.Lfunc_end0:
.L_simem_size_0:
called_computation.3_lowered:
.L_overlay_start_0:
0x88: {  	s2 =	sld [smem:$0x3FD9]  }
0x89: {  	s3 =	sld [smem:$0x3FFE];
	_ =	sdelay $0x1  }
0x8a: {  	s1 =	srdreg.scid  }
0x8b: {  	s0 =	sand.u32 $0x1, s1  }
0x8c: {  	s16 =	sshll.u32 s0, $0xA;
	s2 =	sadd.s32 s3, s2  }
0x8d: {  	s2 =	sadd.s32 s2, s16  }
0x8e: {  	[smem:$0x3FBF] =	sst s2  }
0x8f: {  	_ = 	snop  }
0x90: {  	(tm) =	ssettm $0x1  }
0x91: {  	s17 =	sld [smem:$0x3FFB];
	_ =	sdelay $0x3  }
0x92: {  	_ =	strace s17  }
0x93: {  	s2 =	sld [smem:$0x3FFC];
	_ =	sdelay $0x3  }
0x94: {  	_ =	strace s2  }
0x95: {  	s2 =	sld [smem:$0x3FFD];
	_ =	sdelay $0x3  }
0x96: {  	_ =	strace s2  }
0x97: {  	_ =	strace $0x8FFFFFFF  }
0x98: {  	s18 =	sld [smem:$0x3FDB];
	_ =	sdelay $0x1  }
0x99: {  	s19 =	simm.s32 $_scs_section_size  }
0x9a: {  	s4 =	simm.s32 $_size__tile_overlayer_lowered;
	s5 =	simm.s32 $_tile_overlayer_lowered  }
0x9b: {  	s22 =	simm.s32 $0x1BFF;
	s21 =	sshll.u32 s5, $0x1;
	s2 =	sadd.s32 s19, s18  }
0x9c: {  	s6 =	simm.s32 $0x0;
	s20 =	sshll.u32 s4, $0x1;
	s4 =	sadd.s32 s21, s2  }
0x9d: {  	[timem:s6], [sflag:s22] =	dma.local [hbm:s4], s20  }
0x9e: {  	_ =	swait.ge [sflag:s22], s20  }
0x9f: {  	s3 =	ssub.s32 $0x0, s20;
	[sflag:s22] =	ssyncset.done $0x0  }
0xa0: {  	[sflag:s22] =	ssyncadd.s32 s3;
	_ =	sdelay $0x1  }
0xa1: {  	s23 =	simm.s32 $0x1B8B  }
0xa2: {  	_ =	swait.ge [sflag:s23], $0x1  }
0xa3: {  	[sflag:s23] =	ssyncset.done $0x0  }
0xa4: {  	s25 =	simm.s32 $0x1B8E;
	s24 =	sld [smem:$0x3FFE];
	[sflag:s23] =	ssyncadd.s32 $0xFFFFFFFF  }
0xa5: {  	s26 =	simm.s32 $execute0_lowered;
	[smem:$0x3FD2] =	sst s25  }
0xa6: {  	s4 =	sshll.u32 s26, $0x1;
	_ =	strace $0x8000004F;
	[dreg:$0x1] =	wrdreg $0xFFFFFFFF  }
0xa7: {  	s28 =	simm.s32 $_size_execute0_lowered;
	s2 =	sadd.s32 s2, s4;
	[dreg:$0x0] =	wrdreg $0x0  }
0xa8: {  	s4 =	sshll.u32 s28, $0x1;
	[dreg:$0x2] =	wrdreg s2  }
0xa9: {  	[dreg:$0x3] =	wrdreg s4  }
0xaa: {  	[dreg:$0x4] =	wrdreg $0xC0  }
0xab: {  	_ =	task [dreg:s6], $0x5FFFF  }
0xac: {  	[dreg:$0x1] =	wrdreg $0xFFFFFFFF  }
0xad: {  	[dreg:$0x0] =	wrdreg $0x60  }
0xae: {  	[dreg:$0x2] =	wrdreg s24  }
0xaf: {  	[dreg:$0x3] =	wrdreg $0xBF800  }
0xb0: {  	[dreg:$0x4] =	wrdreg $0x9  }
0xb1: {  	_ =	task.clear_ibuf [dreg:s6], $0x5FFFF;
	_ =	strace $0x9000004F  }
0xb2: {  	s29 =	simm.s32 $0x9;
	_ =	strace $0x80000051  }
0xb3: {  	_ =	swait.ge [sflag:s29], $0x1  }
0xb4: {  	[sflag:s29] =	ssyncadd.s32 $0xFFFFFFFF  }
0xb5: {  	_ =	strace $0x90000051  }
0xb6: {  	_ =	sfence  }
0xb7: {  	s30 =	sld [smem:$0x0];
	_ =	sdelay $0x2  }
0xb8: {  	s31 =	sshll.u32 s1, $0xD;
	s1 =	sshrl.u32 s1, $0x2  }
0xb9: {  	s3 =	sand.u32 $0x4000, s31;
	s1 =	sadd.s32 s1, s30  }
0xba: {  	s0 =	sor.u32 s3, s0;
	s1 =	sshll.u32 s1, $0x11  }
0xbb: {  	s0 =	sor.u32 s1, s0  }
0xbc: {  	s0 =	sadd.s32 $0x8F2B, s0  }
0xbd: {  	[sflag:s0] =	ssyncadd.remote.s32 $0x1  }
0xbe: {  	_ =	sfence.sel $0xFFFF  }
0xbf: {  	[dreg:$0x0] =	wrdreg $0xFFFFFFFF;
	(pc) =	sbr.abs _section_cstart, $3  }
0xc0: {  	[dreg:$0x1] =	wrdreg $0xFFFFFFFF  }
0xc1: {  	_ =	task.clear_ibuf [dreg:s6], $0x2FFFF;
	_ =	strace $0x9FFFFFFF  }
0xc2: {  	(tm) =	ssettm $0x7FFFFFFF  }
0xc3: {  	_ =	shalt  }
tec
execute0_lowered:
.L_overlay_start_1:
0x0: {  	(tag) =	ssettag $0x1  }
0x1: {  	s0 =	srdreg.scid  }
0x2: {  	s1 =	rddreg [dreg:$0x0];
	s9 =	stileid.u32  }
0x3: {  	s2 =	rddreg [dreg:$0x1];
	s18 =	simm.s32 $0x7;
	s19 =	simm.s32 $0x50  }
0x4: {  	s20 =	simm.s32 $0x4780;
	s28 =	simm.s32 $0x2800;
	s29 =	simm.s32 $0x4  }
0x5: {  	s31 =	simm.s32 $0x3;
	s30 =	simm.s32 $0x6;
	s8 =	smul.u32 $0x13C00, s9  }
0x6: {  	s0 =	sand.u32 $0x1, s0;
	s4 =	sadd.s32 $0x26A00, s1;
	s21 =	smul.u32 $0x4F000, s9  }
0x7: {  	s3 =	sshll.u32 s0, $0x4;
	s7 =	smul.u32 $0x140000, s0;
	s0 =	ssub.s32 $0x2, s0  }
0x8: {  	s5 =	sor.u32 s9, s3;
	s3 =	simm.s32 $0x0;
	s22 =	sshrl.u32 s0, $0x1  }
0x9: {  	s23 =	sshrl.u32 s21, $0x2;
	s21 =	simm.s32 $0x6F80;
	s6 =	smul.u32 $0x4E2, s5  }
0xa: {  	[smem:$0x7FF] =	sst s3;
	s5 =	sshll.u32 s5, $0xB;
	s7 =	sadd.s32 s8, s7  }
0xb: {  	s0 =	ssub.s32 s0, s22;
	s22 =	simm.s32 $0x2780;
	_ =	strace $0x80000050  }
0xc: {  	s5 =	sadd.s32 s5, s1;
	s7 =	sshrl.u32 s7, $0x3;
	s17 =	smax.u32 s0, $0x1  }
0xd: {  	s0 =	simm.s32 $0x0;
	s6 =	sadd.s32 s6, s1;
	s1 =	sadd.s32 s7, s1  }
0xe: {  	s24 =	sadd.s32 $0x16A00, s5;
	s7 =	sadd.s32 s23, s2;
	s15 =	sadd.s32 $0x16E00, s5  }
0xf: {  	s23 =	simm.s32 $0x9780;
	s6 =	sadd.s32 $0xCC00, s6;
	[dreg:$0x4] =	wrdreg s24  }
0x10: {  	s25 =	sadd.s32 $0x2800, s7;
	s26 =	sadd.s32 $0x5000, s7;
	s10 =	sadd.s32 $0x7800, s7  }
0x11: {  	s11 =	sadd.s32 $0xA000, s7;
	s12 =	sadd.s32 $0xC800, s7;
	s13 =	sadd.s32 $0xF000, s7  }
0x12: {  	s14 =	sadd.s32 $0x11800, s7;
	s16 =	sadd.s32 $0x4EA00, s1;
	[dreg:$0x3] =	wrdreg s6  }
0x13: {  	s24 =	simm.s32 $0x1;
	s1 =	simm.s32 $0x2880;
	[dreg:$0x5] =	wrdreg s25  }
0x14: {  	v0 =	vimm.f32 $0.0e+00;
	[dreg:$0x6] =	wrdreg s26;
	s26 =	simm.s32 $0x2;
	s25 =	simm.s32 $0x5  }
.LBB2_1:
0x15: {  	s5 =	rddreg [dreg:$0x3]  }
0x16: {  	[tilespmem:s3], [sflag:$0x7] =	stream.linear.gather [hbm4b:s5+s3], $0x2710, $0x38;
	[tilespmem:$0x1FB80] =	vst v63  }
0x17: {  	_ =	swait.ge [sflag:s18], $0x2710  }
0x18: {  	[sflag:s18] =	ssyncset.done $0x0  }
0x19: {  	[sflag:s18] =	ssyncadd.s32 $0xFFFFD8F0  }
0x1a: {  	[tilespmem:s20], [sflag:$0x1] =	stream.indirect.gather [hbm4b:s4+s19], $0x80, s3, s19, $0xb8;
	[tilespmem:$0x1FB80] =	vst v63  }
0x1b: {  	_ = 	snop  }
0x1c: {  	[tilespmem:s21], [sflag:$0x2] =	stream.indirect.gather [hbm4b:s4+s19], $0x80, s19, s19, $0xb8;
	[tilespmem:$0x1FB80] =	vst v63  }
0x1d: {  	s8 =	rddreg [dreg:$0x4]  }
0x1e: {  	[tilespmem:s22], [sflag:$0x7] =	stream.linear.gather [hbm4b:s8+s3], $0x2000, $0x38;
	[tilespmem:$0x1FB80] =	vst v63  }
0x1f: {  	s9 =	sand.u32 $0xFE00, s3;
	s6 =	sand.u32 $0x70, s3;
	_ =	swait.ge [sflag:s18], $0x2000  }
0x20: {  	s5 =	simm.s32 $0x40;
	s8 =	sshrl.u32 s9, $0x2;
	[sflag:s18] =	ssyncset.done $0x0  }
0x21: {  	s8 =	sor.u32 s6, s8;
	s6 =	simm.s32 $0x0;
	[sflag:s18] =	ssyncadd.s32 $0xFFFFE000  }
.LBB2_2:
0x22: {  	p0 =	sne.s32 s5, $0x9FC0  }
0x23: {  	[tilespmem:s8+$0x9780] =	vst v0;
	s6 =	sadd.s32 $0x10, s6;
	s8 =	smov.u32 s5;
	s5 =	sadd.s32 $0x40, s5  }
.Ltmp0:
0x24: {  	(pc) =	sbr.rel @p0 .LBB2_2-.Ltmp0, $4  }
0x25: {  	_ = 	snop  }
0x26: {  	s8 =	sand.u32 $0xFE00, s8  }
0x27: {  	s9 =	sand.u32 $0x70, s6;
	s8 =	sshrl.u32 s8, $0x2  }
0x28: {  	s8 =	sor.u32 s9, s8  }
0x29: {  	[tilespmem:s8+$0x9780] =	vst v0  }
0x2a: {  	[spmem:s7] =	stream.linear.scatter [tilespmem:s23], [sflag:$0x7], $0x2800, $0x38;
	[tilespmem:$0x1FB80] =	vst v63  }
0x2b: {  	_ =	swait.ge [sflag:s18], $0x2800  }
0x2c: {  	[sflag:s18] =	ssyncset.done $0x0  }
0x2d: {  	s5 =	rddreg [dreg:$0x5];
	[sflag:s18] =	ssyncadd.s32 $0xFFFFD800  }
0x2e: {  	[spmem:s5] =	stream.linear.scatter [tilespmem:s23], [sflag:$0x7], $0x2800, $0x38;
	[tilespmem:$0x1FB80] =	vst v63  }
0x2f: {  	_ =	swait.ge [sflag:s18], $0x2800  }
0x30: {  	[sflag:s18] =	ssyncset.done $0x0  }
0x31: {  	s6 =	rddreg [dreg:$0x6];
	[sflag:s18] =	ssyncadd.s32 $0xFFFFD800  }
0x32: {  	[spmem:s6] =	stream.linear.scatter [tilespmem:s23], [sflag:$0x7], $0x2800, $0x38;
	[tilespmem:$0x1FB80] =	vst v63  }
0x33: {  	_ =	swait.ge [sflag:s18], $0x2800  }
0x34: {  	[sflag:s18] =	ssyncset.done $0x0  }
0x35: {  	[sflag:s18] =	ssyncadd.s32 $0xFFFFD800  }
0x36: {  	[spmem:s10] =	stream.linear.scatter [tilespmem:s23], [sflag:$0x7], $0x2800, $0x38;
	[tilespmem:$0x1FB80] =	vst v63  }
0x37: {  	_ =	swait.ge [sflag:s18], $0x2800  }
0x38: {  	[sflag:s18] =	ssyncset.done $0x0  }
0x39: {  	[sflag:s18] =	ssyncadd.s32 $0xFFFFD800  }
0x3a: {  	[spmem:s11] =	stream.linear.scatter [tilespmem:s23], [sflag:$0x7], $0x2800, $0x38;
	[tilespmem:$0x1FB80] =	vst v63  }
0x3b: {  	_ =	swait.ge [sflag:s18], $0x2800  }
0x3c: {  	[sflag:s18] =	ssyncset.done $0x0  }
0x3d: {  	[sflag:s18] =	ssyncadd.s32 $0xFFFFD800  }
0x3e: {  	[spmem:s12] =	stream.linear.scatter [tilespmem:s23], [sflag:$0x7], $0x2800, $0x38;
	[tilespmem:$0x1FB80] =	vst v63  }
0x3f: {  	_ =	swait.ge [sflag:s18], $0x2800  }
0x40: {  	[sflag:s18] =	ssyncset.done $0x0  }
0x41: {  	[sflag:s18] =	ssyncadd.s32 $0xFFFFD800  }
0x42: {  	[spmem:s13] =	stream.linear.scatter [tilespmem:s23], [sflag:$0x7], $0x2800, $0x38;
	[tilespmem:$0x1FB80] =	vst v63  }
0x43: {  	_ =	swait.ge [sflag:s18], $0x2800  }
0x44: {  	[sflag:s18] =	ssyncset.done $0x0  }
0x45: {  	[sflag:s18] =	ssyncadd.s32 $0xFFFFD800  }
0x46: {  	[spmem:s14] =	stream.linear.scatter [tilespmem:s23], [sflag:$0x7], $0x2400, $0x38;
	[tilespmem:$0x1FB80] =	vst v63  }
0x47: {  	_ =	swait.ge [sflag:s18], $0x2400  }
0x48: {  	[sflag:s18] =	ssyncset.done $0x0  }
0x49: {  	[sflag:s18] =	ssyncadd.s32 $0xFFFFDC00  }
0x4a: {  	[bflag:$0x0] =	sbarrier.arrive $0xFFFF  }
0x4b: {  	_ =	swait.ge [sflag:s24], $0x2800  }
0x4c: {  	[sflag:s24] =	ssyncset.done $0x0  }
0x4d: {  	[sflag:s24] =	ssyncadd.s32 $0xFFFFD800  }
0x4e: {  	[spmem:s2] =	stream.indirect.scatter.add.f32 [tilespmem:s20], [sflag:$0x4], $0x80, s22, s19, $0xb8;
	[tilespmem:$0x1FB80] =	vst v63  }
0x4f: {  	s8 =	simm.s32 $0xA0  }
0x50: {  	[tilespmem:s23], [sflag:$0x3] =	stream.indirect.gather [hbm4b:s4+s19], $0x80, s8, s19, $0xb8;
	[tilespmem:$0x1FB80] =	vst v63  }
0x51: {  	_ =	swait.ge [sflag:s26], $0x2800  }
0x52: {  	[sflag:s26] =	ssyncset.done $0x0  }
0x53: {  	[sflag:s26] =	ssyncadd.s32 $0xFFFFD800  }
0x54: {  	[spmem:s2] =	stream.indirect.scatter.add.f32 [tilespmem:s21], [sflag:$0x5], $0x80, s28, s19, $0xb8;
	[tilespmem:$0x1FB80] =	vst v63  }
0x55: {  	_ =	swait.ge [sflag:s29], $0x2800  }
0x56: {  	[sflag:s29] =	ssyncset.done $0x0  }
0x57: {  	s9 =	simm.s32 $0xF0;
	[sflag:s29] =	ssyncadd.s32 $0xFFFFD800  }
0x58: {  	[tilespmem:s20], [sflag:$0x1] =	stream.indirect.gather [hbm4b:s4+s19], $0x80, s9, s19, $0xb8;
	[tilespmem:$0x1FB80] =	vst v63  }
0x59: {  	_ =	swait.ge [sflag:s31], $0x2800  }
0x5a: {  	[sflag:s31] =	ssyncset.done $0x0  }
0x5b: {  	[sflag:s31] =	ssyncadd.s32 $0xFFFFD800  }
0x5c: {  	[spmem:s2] =	stream.indirect.scatter.add.f32 [tilespmem:s23], [sflag:$0x6], $0x80, s1, s19, $0xb8;
	[tilespmem:$0x1FB80] =	vst v63  }
0x5d: {  	_ =	swait.ge [sflag:s25], $0x2800  }
0x5e: {  	[sflag:s25] =	ssyncset.done $0x0  }
0x5f: {  	s6 =	simm.s32 $0x140;
	[sflag:s25] =	ssyncadd.s32 $0xFFFFD800  }
0x60: {  	[tilespmem:s21], [sflag:$0x2] =	stream.indirect.gather [hbm4b:s4+s19], $0x80, s6, s19, $0xb8;
	[tilespmem:$0x1FB80] =	vst v63  }
0x61: {  	_ =	swait.ge [sflag:s24], $0x2800  }
0x62: {  	[sflag:s24] =	ssyncset.done $0x0  }
0x63: {  	s8 =	simm.s32 $0x2900;
	[sflag:s24] =	ssyncadd.s32 $0xFFFFD800  }
0x64: {  	[spmem:s2] =	stream.indirect.scatter.add.f32 [tilespmem:s20], [sflag:$0x4], $0x80, s8, s19, $0xb8;
	[tilespmem:$0x1FB80] =	vst v63  }
0x65: {  	_ =	swait.ge [sflag:s30], $0x2800  }
0x66: {  	[sflag:s30] =	ssyncset.done $0x0  }
0x67: {  	s9 =	simm.s32 $0x190;
	[sflag:s30] =	ssyncadd.s32 $0xFFFFD800  }
0x68: {  	[tilespmem:s23], [sflag:$0x3] =	stream.indirect.gather [hbm4b:s4+s19], $0x80, s9, s19, $0xb8;
	[tilespmem:$0x1FB80] =	vst v63  }
0x69: {  	_ =	swait.ge [sflag:s26], $0x2800  }
0x6a: {  	[sflag:s26] =	ssyncset.done $0x0  }
0x6b: {  	s6 =	simm.s32 $0x2980;
	[sflag:s26] =	ssyncadd.s32 $0xFFFFD800  }
0x6c: {  	[spmem:s2] =	stream.indirect.scatter.add.f32 [tilespmem:s21], [sflag:$0x5], $0x80, s6, s19, $0xb8;
	[tilespmem:$0x1FB80] =	vst v63  }
0x6d: {  	_ =	swait.ge [sflag:s29], $0x2800  }
0x6e: {  	[sflag:s29] =	ssyncset.done $0x0  }
0x6f: {  	s8 =	simm.s32 $0x1E0;
	[sflag:s29] =	ssyncadd.s32 $0xFFFFD800  }
0x70: {  	[tilespmem:s20], [sflag:$0x1] =	stream.indirect.gather [hbm4b:s4+s19], $0x80, s8, s19, $0xb8;
	[tilespmem:$0x1FB80] =	vst v63  }
0x71: {  	_ =	swait.ge [sflag:s31], $0x2800  }
0x72: {  	[sflag:s31] =	ssyncset.done $0x0  }
0x73: {  	s9 =	simm.s32 $0x2A00;
	[sflag:s31] =	ssyncadd.s32 $0xFFFFD800  }
0x74: {  	[spmem:s2] =	stream.indirect.scatter.add.f32 [tilespmem:s23], [sflag:$0x6], $0x80, s9, s19, $0xb8;
	[tilespmem:$0x1FB80] =	vst v63  }
0x75: {  	_ =	swait.ge [sflag:s25], $0x2800  }
0x76: {  	s5 =	simm.s32 $0x3C0;
	[sflag:s25] =	ssyncset.done $0x0  }
0x77: {  	s6 =	simm.s32 $0x2B80;
	s8 =	simm.s32 $0x230;
	[sflag:s25] =	ssyncadd.s32 $0xFFFFD800  }
.LBB2_4:
0x78: {  	[tilespmem:s21], [sflag:$0x2] =	stream.indirect.gather [hbm4b:s4+s19], $0x80, s8, s19, $0xb8;
	[tilespmem:$0x1FB80] =	vst v63  }
0x79: {  	s8 =	smov.u32 s5  }
0x7a: {  	p0 =	sne.s32 s5, $0x4740;
	s5 =	sadd.s32 $0x3C0, s5;
	_ =	swait.ge [sflag:s24], $0x2800  }
0x7b: {  	[sflag:s24] =	ssyncset.done $0x0  }
0x7c: {  	s9 =	sadd.s32 $0xFFFFFF00, s6;
	[sflag:s24] =	ssyncadd.s32 $0xFFFFD800  }
0x7d: {  	[spmem:s2] =	stream.indirect.scatter.add.f32 [tilespmem:s20], [sflag:$0x4], $0x80, s9, s19, $0xb8;
	[tilespmem:$0x1FB80] =	vst v63  }
0x7e: {  	_ =	swait.ge [sflag:s30], $0x2800  }
0x7f: {  	s8 =	sshra.s32 s8, $0x2;
	[sflag:s30] =	ssyncset.done $0x0  }
0x80: {  	s9 =	sadd.s32 $0x190, s8;
	[sflag:s30] =	ssyncadd.s32 $0xFFFFD800  }
0x81: {  	[tilespmem:s23], [sflag:$0x3] =	stream.indirect.gather [hbm4b:s4+s19], $0x80, s9, s19, $0xb8;
	[tilespmem:$0x1FB80] =	vst v63  }
0x82: {  	_ =	swait.ge [sflag:s26], $0x2800  }
0x83: {  	[sflag:s26] =	ssyncset.done $0x0  }
0x84: {  	s9 =	sadd.s32 $0xFFFFFF80, s6;
	[sflag:s26] =	ssyncadd.s32 $0xFFFFD800  }
0x85: {  	[spmem:s2] =	stream.indirect.scatter.add.f32 [tilespmem:s21], [sflag:$0x5], $0x80, s9, s19, $0xb8;
	[tilespmem:$0x1FB80] =	vst v63  }
0x86: {  	_ =	swait.ge [sflag:s29], $0x2800  }
0x87: {  	[sflag:s29] =	ssyncset.done $0x0  }
0x88: {  	s9 =	sadd.s32 $0x1E0, s8;
	[sflag:s29] =	ssyncadd.s32 $0xFFFFD800  }
0x89: {  	[tilespmem:s20], [sflag:$0x1] =	stream.indirect.gather [hbm4b:s4+s19], $0x80, s9, s19, $0xb8;
	[tilespmem:$0x1FB80] =	vst v63  }
0x8a: {  	_ =	swait.ge [sflag:s31], $0x2800  }
0x8b: {  	[sflag:s31] =	ssyncset.done $0x0  }
.Ltmp1:
0x8c: {  	[sflag:s31] =	ssyncadd.s32 $0xFFFFD800;
	(pc) =	sbr.rel @p0 .LBB2_4-.Ltmp1, $4  }
0x8d: {  	[spmem:s2] =	stream.indirect.scatter.add.f32 [tilespmem:s23], [sflag:$0x6], $0x80, s6, s19, $0xb8;
	[tilespmem:$0x1FB80] =	vst v63  }
0x8e: {  	_ =	swait.ge [sflag:s25], $0x2800  }
0x8f: {  	[sflag:s25] =	ssyncset.done $0x0  }
0x90: {  	s8 =	sadd.s32 $0x230, s8;
	s6 =	sadd.s32 $0x180, s6;
	[sflag:s25] =	ssyncadd.s32 $0xFFFFD800  }
0x91: {  	[tilespmem:s21], [sflag:$0x2] =	stream.indirect.gather [hbm4b:s4+s19], $0x80, s8, s19, $0xb8;
	[tilespmem:$0x1FB80] =	vst v63  }
0x92: {  	_ =	swait.ge [sflag:s24], $0x2800  }
0x93: {  	[sflag:s24] =	ssyncset.done $0x0  }
0x94: {  	s5 =	simm.s32 $0x4700;
	[sflag:s24] =	ssyncadd.s32 $0xFFFFD800  }
0x95: {  	[spmem:s2] =	stream.indirect.scatter.add.f32 [tilespmem:s20], [sflag:$0x4], $0x80, s5, s19, $0xb8;
	[tilespmem:$0x1FB80] =	vst v63  }
0x96: {  	_ =	swait.ge [sflag:s30], $0x2800  }
0x97: {  	[sflag:s30] =	ssyncset.done $0x0  }
0x98: {  	s9 =	simm.s32 $0x1450;
	[sflag:s30] =	ssyncadd.s32 $0xFFFFD800  }
0x99: {  	[tilespmem:s23], [sflag:$0x3] =	stream.indirect.gather [hbm4b:s4+s19], $0x80, s9, s19, $0xb8;
	[tilespmem:$0x1FB80] =	vst v63  }
0x9a: {  	_ =	swait.ge [sflag:s29], $0x2800  }
0x9b: {  	[sflag:s29] =	ssyncset.done $0x0  }
0x9c: {  	s6 =	simm.s32 $0x0;
	[sflag:s29] =	ssyncadd.s32 $0xFFFFD800  }
0x9d: {  	[tilespmem:s22], [sflag:$0x7] =	stream.linear.gather [hbm4b:s15+s6], $0x2000, $0x38;
	[tilespmem:$0x1FB80] =	vst v63  }
0x9e: {  	_ =	swait.ge [sflag:s18], $0x2000  }
0x9f: {  	[sflag:s18] =	ssyncset.done $0x0  }
0xa0: {  	[sflag:s18] =	ssyncadd.s32 $0xFFFFE000  }
0xa1: {  	_ =	swait.ge [sflag:s26], $0x2800  }
0xa2: {  	[sflag:s26] =	ssyncset.done $0x0  }
0xa3: {  	[sflag:s26] =	ssyncadd.s32 $0xFFFFD800  }
0xa4: {  	[spmem:s2] =	stream.indirect.scatter.add.f32 [tilespmem:s21], [sflag:$0x5], $0x80, s22, s19, $0xb8;
	[tilespmem:$0x1FB80] =	vst v63  }
0xa5: {  	s8 =	simm.s32 $0x14A0  }
0xa6: {  	[tilespmem:s20], [sflag:$0x1] =	stream.indirect.gather [hbm4b:s4+s19], $0x80, s8, s19, $0xb8;
	[tilespmem:$0x1FB80] =	vst v63  }
0xa7: {  	_ =	swait.ge [sflag:s31], $0x2800  }
0xa8: {  	[sflag:s31] =	ssyncset.done $0x0  }
0xa9: {  	[sflag:s31] =	ssyncadd.s32 $0xFFFFD800  }
0xaa: {  	[spmem:s2] =	stream.indirect.scatter.add.f32 [tilespmem:s23], [sflag:$0x6], $0x80, s28, s19, $0xb8;
	[tilespmem:$0x1FB80] =	vst v63  }
0xab: {  	_ =	swait.ge [sflag:s25], $0x2800  }
0xac: {  	[sflag:s25] =	ssyncset.done $0x0  }
0xad: {  	s9 =	simm.s32 $0x14F0;
	[sflag:s25] =	ssyncadd.s32 $0xFFFFD800  }
0xae: {  	[tilespmem:s21], [sflag:$0x2] =	stream.indirect.gather [hbm4b:s4+s19], $0x80, s9, s19, $0xb8;
	[tilespmem:$0x1FB80] =	vst v63  }
0xaf: {  	_ =	swait.ge [sflag:s24], $0x2800  }
0xb0: {  	[sflag:s24] =	ssyncset.done $0x0  }
0xb1: {  	[sflag:s24] =	ssyncadd.s32 $0xFFFFD800  }
0xb2: {  	[spmem:s2] =	stream.indirect.scatter.add.f32 [tilespmem:s20], [sflag:$0x4], $0x80, s1, s19, $0xb8;
	[tilespmem:$0x1FB80] =	vst v63  }
0xb3: {  	_ =	swait.ge [sflag:s30], $0x2800  }
0xb4: {  	[sflag:s30] =	ssyncset.done $0x0  }
0xb5: {  	s6 =	simm.s32 $0x1540;
	[sflag:s30] =	ssyncadd.s32 $0xFFFFD800  }
0xb6: {  	[tilespmem:s23], [sflag:$0x3] =	stream.indirect.gather [hbm4b:s4+s19], $0x80, s6, s19, $0xb8;
	[tilespmem:$0x1FB80] =	vst v63  }
0xb7: {  	_ =	swait.ge [sflag:s26], $0x2800  }
0xb8: {  	[sflag:s26] =	ssyncset.done $0x0  }
0xb9: {  	s8 =	simm.s32 $0x2900;
	[sflag:s26] =	ssyncadd.s32 $0xFFFFD800  }
0xba: {  	[spmem:s2] =	stream.indirect.scatter.add.f32 [tilespmem:s21], [sflag:$0x5], $0x80, s8, s19, $0xb8;
	[tilespmem:$0x1FB80] =	vst v63  }
0xbb: {  	_ =	swait.ge [sflag:s29], $0x2800  }
0xbc: {  	[sflag:s29] =	ssyncset.done $0x0  }
0xbd: {  	s9 =	simm.s32 $0x1590;
	[sflag:s29] =	ssyncadd.s32 $0xFFFFD800  }
0xbe: {  	[tilespmem:s20], [sflag:$0x1] =	stream.indirect.gather [hbm4b:s4+s19], $0x80, s9, s19, $0xb8;
	[tilespmem:$0x1FB80] =	vst v63  }
0xbf: {  	_ =	swait.ge [sflag:s31], $0x2800  }
0xc0: {  	[sflag:s31] =	ssyncset.done $0x0  }
0xc1: {  	s6 =	simm.s32 $0x2980;
	[sflag:s31] =	ssyncadd.s32 $0xFFFFD800  }
0xc2: {  	[spmem:s2] =	stream.indirect.scatter.add.f32 [tilespmem:s23], [sflag:$0x6], $0x80, s6, s19, $0xb8;
	[tilespmem:$0x1FB80] =	vst v63  }
0xc3: {  	_ =	swait.ge [sflag:s25], $0x2800  }
0xc4: {  	[sflag:s25] =	ssyncset.done $0x0  }
0xc5: {  	s8 =	simm.s32 $0x15E0;
	[sflag:s25] =	ssyncadd.s32 $0xFFFFD800  }
0xc6: {  	[tilespmem:s21], [sflag:$0x2] =	stream.indirect.gather [hbm4b:s4+s19], $0x80, s8, s19, $0xb8;
	[tilespmem:$0x1FB80] =	vst v63  }
0xc7: {  	_ =	swait.ge [sflag:s24], $0x2800  }
0xc8: {  	[sflag:s24] =	ssyncset.done $0x0  }
0xc9: {  	s9 =	simm.s32 $0x2A00;
	[sflag:s24] =	ssyncadd.s32 $0xFFFFD800  }
0xca: {  	[spmem:s2] =	stream.indirect.scatter.add.f32 [tilespmem:s20], [sflag:$0x4], $0x80, s9, s19, $0xb8;
	[tilespmem:$0x1FB80] =	vst v63  }
0xcb: {  	_ =	swait.ge [sflag:s30], $0x2800  }
0xcc: {  	s5 =	simm.s32 $0x3C0;
	[sflag:s30] =	ssyncset.done $0x0  }
0xcd: {  	s6 =	simm.s32 $0x2B80;
	s8 =	simm.s32 $0x1630;
	[sflag:s30] =	ssyncadd.s32 $0xFFFFD800  }
.LBB2_6:
0xce: {  	[tilespmem:s23], [sflag:$0x3] =	stream.indirect.gather [hbm4b:s4+s19], $0x80, s8, s19, $0xb8;
	[tilespmem:$0x1FB80] =	vst v63  }
0xcf: {  	s8 =	smov.u32 s5  }
0xd0: {  	p0 =	sne.s32 s5, $0x3FC0;
	s5 =	sadd.s32 $0x3C0, s5;
	_ =	swait.ge [sflag:s26], $0x2800  }
0xd1: {  	[sflag:s26] =	ssyncset.done $0x0  }
0xd2: {  	s9 =	sadd.s32 $0xFFFFFF00, s6;
	[sflag:s26] =	ssyncadd.s32 $0xFFFFD800  }
0xd3: {  	[spmem:s2] =	stream.indirect.scatter.add.f32 [tilespmem:s21], [sflag:$0x5], $0x80, s9, s19, $0xb8;
	[tilespmem:$0x1FB80] =	vst v63  }
0xd4: {  	_ =	swait.ge [sflag:s29], $0x2800  }
0xd5: {  	s8 =	sshra.s32 s8, $0x2;
	[sflag:s29] =	ssyncset.done $0x0  }
0xd6: {  	s9 =	sadd.s32 $0x1590, s8;
	[sflag:s29] =	ssyncadd.s32 $0xFFFFD800  }
0xd7: {  	[tilespmem:s20], [sflag:$0x1] =	stream.indirect.gather [hbm4b:s4+s19], $0x80, s9, s19, $0xb8;
	[tilespmem:$0x1FB80] =	vst v63  }
0xd8: {  	_ =	swait.ge [sflag:s31], $0x2800  }
0xd9: {  	[sflag:s31] =	ssyncset.done $0x0  }
0xda: {  	s9 =	sadd.s32 $0xFFFFFF80, s6;
	[sflag:s31] =	ssyncadd.s32 $0xFFFFD800  }
0xdb: {  	[spmem:s2] =	stream.indirect.scatter.add.f32 [tilespmem:s23], [sflag:$0x6], $0x80, s9, s19, $0xb8;
	[tilespmem:$0x1FB80] =	vst v63  }
0xdc: {  	_ =	swait.ge [sflag:s25], $0x2800  }
0xdd: {  	[sflag:s25] =	ssyncset.done $0x0  }
0xde: {  	s9 =	sadd.s32 $0x15E0, s8;
	[sflag:s25] =	ssyncadd.s32 $0xFFFFD800  }
0xdf: {  	[tilespmem:s21], [sflag:$0x2] =	stream.indirect.gather [hbm4b:s4+s19], $0x80, s9, s19, $0xb8;
	[tilespmem:$0x1FB80] =	vst v63  }
0xe0: {  	_ =	swait.ge [sflag:s24], $0x2800  }
0xe1: {  	[sflag:s24] =	ssyncset.done $0x0  }
.Ltmp2:
0xe2: {  	[sflag:s24] =	ssyncadd.s32 $0xFFFFD800;
	(pc) =	sbr.rel @p0 .LBB2_6-.Ltmp2, $4  }
0xe3: {  	[spmem:s2] =	stream.indirect.scatter.add.f32 [tilespmem:s20], [sflag:$0x4], $0x80, s6, s19, $0xb8;
	[tilespmem:$0x1FB80] =	vst v63  }
0xe4: {  	_ =	swait.ge [sflag:s30], $0x2800  }
0xe5: {  	[sflag:s30] =	ssyncset.done $0x0  }
0xe6: {  	s8 =	sadd.s32 $0x1630, s8;
	s6 =	sadd.s32 $0x180, s6;
	[sflag:s30] =	ssyncadd.s32 $0xFFFFD800  }
0xe7: {  	[tilespmem:s23], [sflag:$0x3] =	stream.indirect.gather [hbm4b:s4+s19], $0x80, s8, s19, $0xb8;
	[tilespmem:$0x1FB80] =	vst v63  }
0xe8: {  	_ =	swait.ge [sflag:s26], $0x2800  }
0xe9: {  	[sflag:s26] =	ssyncset.done $0x0  }
0xea: {  	s5 =	simm.s32 $0x4400;
	[sflag:s26] =	ssyncadd.s32 $0xFFFFD800  }
0xeb: {  	[spmem:s2] =	stream.indirect.scatter.add.f32 [tilespmem:s21], [sflag:$0x5], $0x80, s5, s19, $0xb8;
	[tilespmem:$0x1FB80] =	vst v63  }
0xec: {  	_ =	swait.ge [sflag:s29], $0x2800  }
0xed: {  	[sflag:s29] =	ssyncset.done $0x0  }
0xee: {  	s6 =	simm.s32 $0x2670;
	[sflag:s29] =	ssyncadd.s32 $0xFFFFD800  }
0xef: {  	[tilespmem:s20], [sflag:$0x1] =	stream.indirect.gather [hbm4b:s4+s19], $0x80, s6, s19, $0xb8;
	[tilespmem:$0x1FB80] =	vst v63  }
0xf0: {  	_ =	swait.ge [sflag:s31], $0x2800  }
0xf1: {  	[sflag:s31] =	ssyncset.done $0x0  }
0xf2: {  	s8 =	simm.s32 $0x4480;
	[sflag:s31] =	ssyncadd.s32 $0xFFFFD800  }
0xf3: {  	[spmem:s2] =	stream.indirect.scatter.add.f32 [tilespmem:s23], [sflag:$0x6], $0x80, s8, s19, $0xb8;
	[tilespmem:$0x1FB80] =	vst v63  }
0xf4: {  	_ =	swait.ge [sflag:s25], $0x2800  }
0xf5: {  	[sflag:s25] =	ssyncset.done $0x0  }
0xf6: {  	s9 =	simm.s32 $0x26C0;
	[sflag:s25] =	ssyncadd.s32 $0xFFFFD800  }
0xf7: {  	[tilespmem:s21], [sflag:$0x2] =	stream.indirect.gather [hbm4b:s4+s19], $0x80, s9, s19, $0xb8;
	[tilespmem:$0x1FB80] =	vst v63  }
0xf8: {  	_ =	swait.ge [sflag:s24], $0x2800  }
0xf9: {  	[sflag:s24] =	ssyncset.done $0x0  }
0xfa: {  	s6 =	simm.s32 $0x4500;
	[sflag:s24] =	ssyncadd.s32 $0xFFFFD800  }
0xfb: {  	[spmem:s2] =	stream.indirect.scatter.add.f32 [tilespmem:s20], [sflag:$0x4], $0x80, s6, s19, $0xb8;
	[tilespmem:$0x1FB80] =	vst v63  }
0xfc: {  	_ =	swait.ge [sflag:s30], $0x2800  }
0xfd: {  	[sflag:s30] =	ssyncset.done $0x0  }
0xfe: {  	[sflag:s30] =	ssyncadd.s32 $0xFFFFD800  }
0xff: {  	_ =	swait.ge [sflag:s26], $0x2800  }
0x100: {  	[sflag:s26] =	ssyncset.done $0x0  }
0x101: {  	s8 =	simm.s32 $0x4580;
	[sflag:s26] =	ssyncadd.s32 $0xFFFFD800  }
0x102: {  	[spmem:s2] =	stream.indirect.scatter.add.f32 [tilespmem:s21], [sflag:$0x5], $0x80, s8, s19, $0xb8;
	[tilespmem:$0x1FB80] =	vst v63  }
0x103: {  	_ =	swait.ge [sflag:s29], $0x2800  }
0x104: {  	[sflag:s29] =	ssyncset.done $0x0  }
0x105: {  	[sflag:s29] =	ssyncadd.s32 $0xFFFFD800  }
0x106: {  	s9 =	stileid.u32;
	_ =	swait.ge [sflag:s25], $0x2800  }
0x107: {  	s0 =	sadd.s32 $0x1, s0;
	s5 =	sshll.u32 s9, $0x6;
	[sflag:s25] =	ssyncset.done $0x0  }
0x108: {  	p0 =	sne.s32 s0, s17;
	s5 =	sor.u32 $0x1C07, s5;
	[sflag:s25] =	ssyncadd.s32 $0xFFFFD800  }
.Ltmp3:
0x109: {  	s6 =	sshrl.u32 s7, $0x3;
	[bflag:$0x0] =	sbarrier.arrive $0xFFFF;
	(pc) =	sbr.rel @p0 .LBB2_1-.Ltmp3, $4  }
0x10a: {  	[hbm:s16], [sflag:s5] =	dma.local [spmem:s6], $0x2780  }
0x10b: {  	_ =	swait.ge [sflag:s18], $0x2780  }
0x10c: {  	[sflag:s18] =	ssyncset.done $0x0  }
0x10d: {  	[sflag:s18] =	ssyncadd.s32 $0xFFFFD880  }
0x10e: {  	_ =	sfence.sel $0x180000  }
0x10f: {  	[bflag:$0x0] =	sbarrier.arrive $0xFFFF  }
0x110: {  	_ =	strace $0x90000050  }
0x111: {  	s0 =	stileid.u32;
	[bflag:$0x2] =	sbarrier.arrive $0xFFFF  }
0x112: {  	p0 =	sne.s32 s0, $0x0;
	s0 =	rddreg [dreg:$0x2]  }
0x113: {  	s0 =	sadd.s32 @!p0 $0x100000, s0  }
0x114: {  	[sflag:s0] =	ssyncadd.tile.s32 @!p0 $0x1;
	_ =	shalt  }
.Lfunc_end2:
_tile_overlayer_lowered:
.L_overlay_start_2:
0x115: {  	(tag) =	ssettag $0x2  }
0x116: {  	s0 =	rddreg [dreg:$0x0];
	s2 =	stileid.u32  }
0x117: {  	s1 =	rddreg [dreg:$0x1];
	p0 =	sne.s32 s2, $0x0  }
0x118: {  	s3 =	rddreg [dreg:$0x2];
	[bflag:$0x3] =	sbarrier.arrive $0xFFFF;
	s2 =	simm.s32 @!p0 $0x1C07  }
0x119: {  	[timem:s3], [sflag:s2] =	dma.local @!p0 [hbm:s0], s1  }
0x11a: {  	s0 =	simm.s32 @!p0 $0x7  }
0x11b: {  	_ =	swait.ge @!p0 [sflag:s0], s1  }
0x11c: {  	s1 =	ssub.s32 @!p0 $0x0, s1;
	[sflag:s0] =	ssyncset.done @!p0 $0x0  }
0x11d: {  	[sflag:s0] =	ssyncadd.s32 @!p0 s1  }
0x11e: {  	[bflag:$0x3] =	sbarrier.arrive $0xFFFF  }
0x11f: {  	_ =	shalt  }

</sc_bundles>
